<compile_context>
chip_gen: v7x
topology: tpu7x:2x2x1
jax: 0.10.2.dev20260603
libtpu: 0.0.44.dev20260713+nightly
codegen_flags: <defaults>
</compile_context>

<pallas_src>
import functools

import jax
import jax.numpy as jnp
from jax import lax
from jax.experimental import pallas as pl
from jax.experimental.pallas import tpu as pltpu
from jax.experimental.pallas import tpu_sc as plsc

_D = 64
_RESP = 8192
_PI = 128
_NC = 2
_NS = 16
_NW = _NC * _NS
_RPW = _RESP // _NW
_SLOTS = 12
_GRP = _SLOTS // 3
_NGRP = -(-_RPW // _GRP)
_OFFS_PAD = 80
_FRESH = 2048
_PWORKERS = 8
_PPW = _PI // _PWORKERS


def _partials_kernel():
    mesh = plsc.VectorSubcoreMesh(core_axis_name="c", subcore_axis_name="s")

    @functools.partial(
        pl.kernel,
        mesh=mesh,
        out_type=jax.ShapeDtypeStruct((_NW + _PWORKERS, _D), jnp.float32),
        compiler_params=pltpu.CompilerParams(use_tc_tiling_on_sc=True,
                                             needs_layout_passes=False),
        scratch_types=[
            pltpu.VMEM((_RPW,), jnp.int32),
            pltpu.VMEM((_RPW,), jnp.int32),
            pltpu.VMEM((_OFFS_PAD,), jnp.int32),
            pltpu.VMEM((_NW,), jnp.int32),
            pltpu.VMEM((_SLOTS, _D, 128), jnp.float32),
            pltpu.VMEM((_PPW,), jnp.int32),
            pltpu.VMEM((_D, 256), jnp.float32),
            pltpu.VMEM((1, _D), jnp.float32),
            pltpu.SemaphoreType.DMA,
            pltpu.SemaphoreType.DMA,
            pltpu.SemaphoreType.DMA,
            pltpu.SemaphoreType.DMA,
        ],
    )
    def k(resp_hbm, slot_hbm, offs_hbm, ncnt_hbm,
          pids_hbm, tokt_hbm, pembt_hbm, out_hbm,
          idx_v, slot_v, offs_v, ncnt_v, arena, pidx_v, ptab_v, stage_v,
          sem0, sem1, sem2, sem_p):
        wid = lax.axis_index("s") * _NC + lax.axis_index("c")
        iota = lax.iota(jnp.int32, 16)
        zero_i = jnp.zeros((16,), jnp.int32)
        sems = (sem0, sem1, sem2)

        pltpu.sync_copy(resp_hbm.at[pl.ds(wid * _RPW, _RPW)], idx_v)
        pltpu.sync_copy(slot_hbm.at[pl.ds(wid * _RPW, _RPW)], slot_v)
        pltpu.sync_copy(offs_hbm.at[pl.ds(wid * _OFFS_PAD, _OFFS_PAD)],
                        offs_v)
        pltpu.sync_copy(ncnt_hbm, ncnt_v)

        def sca(ref, i):
            v = ref[pl.ds((i // 16) * 16, 16)]
            return jnp.max(jnp.where(iota == (i % 16), v, zero_i))

        n = sca(ncnt_v, wid)

        @pl.when(wid < _PWORKERS)
        def _():
            pltpu.sync_copy(pids_hbm.at[pl.ds(wid * _PPW, _PPW)], pidx_v)
            pltpu.async_copy(pembt_hbm, ptab_v, sem_p)

        def fire_range(i_lo, i_hi, third):
            def fb(i, c):
                s = sca(slot_v, i)

                @pl.when(s >= _FRESH)
                def _():
                    blk = sca(idx_v, i) >> 7
                    base = pl.multiple_of(blk * 128, 128)
                    pltpu.async_copy(tokt_hbm.at[:, pl.ds(base, 128)],
                                     arena.at[(s >> 7) & 15], sems[third])
                return c

            lax.fori_loop(i_lo, i_hi, fb, 0)

        def drain_one(third):
            pltpu.make_async_copy(tokt_hbm.at[:, pl.ds(0, 128)],
                                  arena.at[0], sems[third]).wait()

        def off(g):
            return sca(offs_v, g)

        fire_range(off(0), off(1), 0)
        fire_range(off(1), off(2), 1)
        fire_range(off(2), off(3), 2)

        def extract(i, acc):
            a0, a1, a2, a3 = acc
            s = sca(slot_v, i)
            lane = jnp.full((16,), s & 127, jnp.int32)
            slot = jnp.full((16,), (s >> 7) & 15, jnp.int32)
            a0 = a0 + plsc.load_gather(arena, [slot, iota, lane])
            a1 = a1 + plsc.load_gather(arena, [slot, iota + 16, lane])
            a2 = a2 + plsc.load_gather(arena, [slot, iota + 32, lane])
            a3 = a3 + plsc.load_gather(arena, [slot, iota + 48, lane])
            return (a0, a1, a2, a3)

        def body(b, acc):
            for third in range(3):
                g = 3 * b + third
                for kk in range(_GRP):
                    j = g * _GRP + kk

                    @pl.when(j < n)
                    def _(third=third):
                        drain_one(third)
                acc = lax.fori_loop(off(g), off(g + 1), extract, acc)
                fire_range(off(g + 3), off(g + 4), third)
            return acc

        zero = jnp.zeros((16,), jnp.float32)
        acc = lax.fori_loop(0, (_NGRP + 2 + 2) // 3, body,
                            (zero, zero, zero, zero))
        stage_v[0, pl.ds(0, 16)] = acc[0]
        stage_v[0, pl.ds(16, 16)] = acc[1]
        stage_v[0, pl.ds(32, 16)] = acc[2]
        stage_v[0, pl.ds(48, 16)] = acc[3]
        pltpu.sync_copy(stage_v, out_hbm.at[pl.ds(wid, 1)])

        @pl.when(wid < _PWORKERS)
        def _():
            pltpu.make_async_copy(pembt_hbm, ptab_v, sem_p).wait()
            pv = pidx_v[...]
            b0, b1, b2, b3 = zero, zero, zero, zero
            for j in range(_PPW):
                lane = jnp.full(
                    (16,), jnp.max(jnp.where(iota == j, pv, zero_i)),
                    jnp.int32)
                b0 = b0 + plsc.load_gather(ptab_v, [iota, lane])
                b1 = b1 + plsc.load_gather(ptab_v, [iota + 16, lane])
                b2 = b2 + plsc.load_gather(ptab_v, [iota + 32, lane])
                b3 = b3 + plsc.load_gather(ptab_v, [iota + 48, lane])
            stage_v[0, pl.ds(0, 16)] = b0
            stage_v[0, pl.ds(16, 16)] = b1
            stage_v[0, pl.ds(32, 16)] = b2
            stage_v[0, pl.ds(48, 16)] = b3
            pltpu.sync_copy(stage_v, out_hbm.at[pl.ds(_NW + wid, 1)])

    return k


def _finish_kernel(partials_ref, o_ref):
    p = partials_ref[...]
    resp = jnp.sum(p[0:_NW], axis=0) / float(_RESP)
    pi = jnp.sum(p[_NW:], axis=0) / float(_PI)
    eps = 1e-8
    num = jnp.sum(pi * resp)
    denom = (jnp.maximum(jnp.sqrt(jnp.sum(pi * pi)), eps)
             * jnp.maximum(jnp.sqrt(jnp.sum(resp * resp)), eps))
    o_ref[...] = jnp.full((1, 1), num / denom, jnp.float32)


def _prep(ids):
    ids = jnp.sort(ids.astype(jnp.int32))
    ids2 = ids.reshape(_NW, _RPW)
    blocks = ids2 >> 7
    is_new = jnp.concatenate(
        [jnp.ones((_NW, 1), jnp.int32),
         (blocks[:, 1:] != blocks[:, :-1]).astype(jnp.int32)], axis=1)
    seq = jnp.cumsum(is_new, axis=1) - 1
    ncnt = seq[:, -1] + 1
    lanes = ids2 & 127
    slots = (lanes | ((seq % _SLOTS) << 7)
             | (is_new * _FRESH)).astype(jnp.int32)
    goals = _GRP * jnp.arange(_OFFS_PAD, dtype=jnp.int32)
    offs = jnp.sum(seq[:, None, :] < goals[None, :, None], axis=2,
                   dtype=jnp.int32)
    return ids, slots.reshape(-1), offs.reshape(-1), ncnt.astype(jnp.int32)


def kernel(principle_ids, prompt_tokens, response_tokens, token_embed,
           principle_embed):
    del prompt_tokens
    ids, slots, offs, ncnt = _prep(response_tokens)
    partials = _partials_kernel()(
        ids, slots, offs, ncnt,
        principle_ids.astype(jnp.int32),
        token_embed.T, principle_embed.T)
    r = pl.pallas_call(
        _finish_kernel,
        out_shape=jax.ShapeDtypeStruct((1, 1), jnp.float32),
    )(partials)
    return r[0, 0]

# --- scband reference (transcript-rebuilt; emitter-appended) ---
"""Pipeline reference for scband-principle-conditioned-rm-65687229825537 (READ-ONLY COPY).

The authoritative reference and input builder live on the scoring server;
editing this copy changes nothing except your own understanding.
"""

import jax, jax.numpy as jnp
import numpy as np

_VOCAB = 1000000
_EMBED_DIM = 64
_PRINCIPLE_VOCAB = 256


def setup_inputs(seed: int = 0) -> dict:
    key = jax.random.key(seed)
    k1, k2, k3, k4, k5 = jax.random.split(key, 5)
    # principle string is hashed char-by-char to ids < principle_vocab_size;
    # we materialize those hashed ids directly as an int tensor.
    principle_ids = jax.random.randint(k1, (128,), 0, _PRINCIPLE_VOCAB)
    prompt_tokens = jax.random.randint(k2, (2048,), 0, _VOCAB)
    response_tokens = jax.random.randint(k3, (8192,), 0, _VOCAB)
    token_embed = jax.random.normal(k4, (_VOCAB, _EMBED_DIM), dtype=jnp.float32)
    principle_embed = jax.random.normal(k5, (_PRINCIPLE_VOCAB, _EMBED_DIM), dtype=jnp.float32)
    return {
        "principle_ids": principle_ids,
        "prompt_tokens": prompt_tokens,
        "response_tokens": response_tokens,
        "token_embed": token_embed,
        "principle_embed": principle_embed,
    }


def reference(principle_ids, prompt_tokens, response_tokens, token_embed, principle_embed):
    # _mean_embed(principle_ids, principle_embed)
    pi_emb = jnp.take(principle_embed, principle_ids, axis=0).mean(axis=0)
    # _mean_embed(response_tokens, token_embed)  (prompt_tokens unused in score)
    resp_emb = jnp.take(token_embed, response_tokens, axis=0).mean(axis=0)
    # F.cosine_similarity with eps=1e-8: each norm clamped to eps
    eps = 1e-8
    num = jnp.sum(pi_emb * resp_emb)
    denom = jnp.maximum(jnp.linalg.norm(pi_emb), eps) * jnp.maximum(jnp.linalg.norm(resp_emb), eps)
    r = num / denom
    return r

if __name__ == "__main__":
    import jax
    _d = setup_inputs()
    print(jax.jit(kernel)(*tuple(_d.values())))

</pallas_src>

<mosaic_0001>
#map = affine_map<(d0, d1) -> (0)>
#map1 = affine_map<(d0, d1) -> (0, 0)>
module attributes {stable_mosaic.version = 14 : i64} {
  func.func @k(%arg0: i32, %arg1: i32, %arg2: memref<8192xi32, #tpu.memory_space<hbm>>, %arg3: memref<8192xi32, #tpu.memory_space<hbm>>, %arg4: memref<2560xi32, #tpu.memory_space<hbm>>, %arg5: memref<32xi32, #tpu.memory_space<hbm>>, %arg6: memref<128xi32, #tpu.memory_space<hbm>>, %arg7: memref<64x1000000xf32, #tpu.memory_space<hbm>>, %arg8: memref<64x256xf32, #tpu.memory_space<hbm>>, %arg9: memref<40x64xf32, #tpu.memory_space<hbm>>, %arg10: memref<256xi32, #tpu.memory_space<vmem>>, %arg11: memref<256xi32, #tpu.memory_space<vmem>>, %arg12: memref<80xi32, #tpu.memory_space<vmem>>, %arg13: memref<32xi32, #tpu.memory_space<vmem>>, %arg14: memref<12x64x128xf32, #tpu.memory_space<vmem>>, %arg15: memref<16xi32, #tpu.memory_space<vmem>>, %arg16: memref<64x256xf32, #tpu.memory_space<vmem>>, %arg17: memref<1x64xf32, #tpu.memory_space<vmem>>, %arg18: memref<!tpu.dma_semaphore, #tpu.memory_space<semaphore_mem>>, %arg19: memref<!tpu.dma_semaphore, #tpu.memory_space<semaphore_mem>>, %arg20: memref<!tpu.dma_semaphore, #tpu.memory_space<semaphore_mem>>, %arg21: memref<!tpu.dma_semaphore, #tpu.memory_space<semaphore_mem>>) attributes {dimension_semantics = [#tpu.dimension_semantics<core_parallel>, #tpu.dimension_semantics<subcore_parallel>], iteration_bounds = array<i64: 2, 16>, scalar_prefetch = 0 : i64, scratch_operands = 12 : i64, tpu.core_type = #tpu.core_type<sc_vector_subcore>, window_params = [{transform_indices = #map}, {transform_indices = #map}, {transform_indices = #map}, {transform_indices = #map}, {transform_indices = #map}, {transform_indices = #map1}, {transform_indices = #map1}, {transform_indices = #map1}]} {
    %mul3A = arith.constant 2 : i32
    %mul3A_0 = arith.muli %arg1, %mul3A : i32
    %add3A = arith.addi %mul3A_0, %arg0 : i32
    %iota3A = tpu.iota {dimensions = array<i32: 0>} : vector<16xi32>
    %broadcast_in_dim3A = arith.constant 0 : i32
    %broadcast_in_dim3A_1 = vector.broadcast %broadcast_in_dim3A : i32 to vector<16xi32>
    %mul3A_2 = arith.constant 256 : i32
    %mul3A_3 = arith.muli %add3A, %mul3A_2 : i32
    "tpu.region"() ({
      %run_scoped3A = tpu.sem_alloc : memref<!tpu.dma_semaphore, #tpu.memory_space<semaphore_mem>>
      %dma_start3A = tpu.memref_slice %arg2[%mul3A_3] : memref<8192xi32, #tpu.memory_space<hbm>> -> memref<256xi32, #tpu.memory_space<hbm>>
      %dma_start3A_191 = tpu.memref_slice %arg2[%mul3A_3] : memref<8192xi32, #tpu.memory_space<hbm>> -> memref<256xi32, #tpu.memory_space<hbm>>
      tpu.enqueue_dma source(%dma_start3A_191 : memref<256xi32, #tpu.memory_space<hbm>>) target(%arg10 : memref<256xi32, #tpu.memory_space<vmem>>) target_semaphore(%run_scoped3A : memref<!tpu.dma_semaphore, #tpu.memory_space<semaphore_mem>>)
      %dma_wait3A = tpu.memref_slice %arg2[%mul3A_3] : memref<8192xi32, #tpu.memory_space<hbm>> -> memref<256xi32, #tpu.memory_space<hbm>>
      %dma_wait3A_192 = tpu.memref_slice %arg2[%mul3A_3] : memref<8192xi32, #tpu.memory_space<hbm>> -> memref<256xi32, #tpu.memory_space<hbm>>
      tpu.wait_dma2 semaphore(%run_scoped3A : memref<!tpu.dma_semaphore, #tpu.memory_space<semaphore_mem>>) src(%dma_wait3A_192 : memref<256xi32, #tpu.memory_space<hbm>>) dst(%arg10 : memref<256xi32, #tpu.memory_space<vmem>>)
      tpu.yield
    }) : () -> ()
    %mul3A_4 = arith.constant 256 : i32
    %mul3A_5 = arith.muli %add3A, %mul3A_4 : i32
    "tpu.region"() ({
      %run_scoped3A = tpu.sem_alloc : memref<!tpu.dma_semaphore, #tpu.memory_space<semaphore_mem>>
      %dma_start3A = tpu.memref_slice %arg3[%mul3A_5] : memref<8192xi32, #tpu.memory_space<hbm>> -> memref<256xi32, #tpu.memory_space<hbm>>
      %dma_start3A_191 = tpu.memref_slice %arg3[%mul3A_5] : memref<8192xi32, #tpu.memory_space<hbm>> -> memref<256xi32, #tpu.memory_space<hbm>>
      tpu.enqueue_dma source(%dma_start3A_191 : memref<256xi32, #tpu.memory_space<hbm>>) target(%arg11 : memref<256xi32, #tpu.memory_space<vmem>>) target_semaphore(%run_scoped3A : memref<!tpu.dma_semaphore, #tpu.memory_space<semaphore_mem>>)
      %dma_wait3A = tpu.memref_slice %arg3[%mul3A_5] : memref<8192xi32, #tpu.memory_space<hbm>> -> memref<256xi32, #tpu.memory_space<hbm>>
      %dma_wait3A_192 = tpu.memref_slice %arg3[%mul3A_5] : memref<8192xi32, #tpu.memory_space<hbm>> -> memref<256xi32, #tpu.memory_space<hbm>>
      tpu.wait_dma2 semaphore(%run_scoped3A : memref<!tpu.dma_semaphore, #tpu.memory_space<semaphore_mem>>) src(%dma_wait3A_192 : memref<256xi32, #tpu.memory_space<hbm>>) dst(%arg11 : memref<256xi32, #tpu.memory_space<vmem>>)
      tpu.yield
    }) : () -> ()
    %mul3A_6 = arith.constant 80 : i32
    %mul3A_7 = arith.muli %add3A, %mul3A_6 : i32
    "tpu.region"() ({
      %run_scoped3A = tpu.sem_alloc : memref<!tpu.dma_semaphore, #tpu.memory_space<semaphore_mem>>
      %dma_start3A = tpu.memref_slice %arg4[%mul3A_7] : memref<2560xi32, #tpu.memory_space<hbm>> -> memref<80xi32, #tpu.memory_space<hbm>>
      %dma_start3A_191 = tpu.memref_slice %arg4[%mul3A_7] : memref<2560xi32, #tpu.memory_space<hbm>> -> memref<80xi32, #tpu.memory_space<hbm>>
      tpu.enqueue_dma source(%dma_start3A_191 : memref<80xi32, #tpu.memory_space<hbm>>) target(%arg12 : memref<80xi32, #tpu.memory_space<vmem>>) target_semaphore(%run_scoped3A : memref<!tpu.dma_semaphore, #tpu.memory_space<semaphore_mem>>)
      %dma_wait3A = tpu.memref_slice %arg4[%mul3A_7] : memref<2560xi32, #tpu.memory_space<hbm>> -> memref<80xi32, #tpu.memory_space<hbm>>
      %dma_wait3A_192 = tpu.memref_slice %arg4[%mul3A_7] : memref<2560xi32, #tpu.memory_space<hbm>> -> memref<80xi32, #tpu.memory_space<hbm>>
      tpu.wait_dma2 semaphore(%run_scoped3A : memref<!tpu.dma_semaphore, #tpu.memory_space<semaphore_mem>>) src(%dma_wait3A_192 : memref<80xi32, #tpu.memory_space<hbm>>) dst(%arg12 : memref<80xi32, #tpu.memory_space<vmem>>)
      tpu.yield
    }) : () -> ()
    "tpu.region"() ({
      %run_scoped3A = tpu.sem_alloc : memref<!tpu.dma_semaphore, #tpu.memory_space<semaphore_mem>>
      tpu.enqueue_dma source(%arg5 : memref<32xi32, #tpu.memory_space<hbm>>) target(%arg13 : memref<32xi32, #tpu.memory_space<vmem>>) target_semaphore(%run_scoped3A : memref<!tpu.dma_semaphore, #tpu.memory_space<semaphore_mem>>)
      tpu.wait_dma2 semaphore(%run_scoped3A : memref<!tpu.dma_semaphore, #tpu.memory_space<semaphore_mem>>) src(%arg5 : memref<32xi32, #tpu.memory_space<hbm>>) dst(%arg13 : memref<32xi32, #tpu.memory_space<vmem>>)
      tpu.yield
    }) : () -> ()
    %jit3A = arith.constant 16 : i32
    %div3A = arith.divsi %add3A, %jit3A : i32
    %sign3A = arith.constant 0 : i32
    %sign3A_8 = arith.cmpi sgt, %add3A, %sign3A : i32
    %sign3A_9 = arith.extui %sign3A_8 : i1 to i32
    %sign3A_10 = arith.constant 0 : i32
    %sign3A_11 = arith.cmpi slt, %add3A, %sign3A_10 : i32
    %sign3A_12 = arith.extui %sign3A_11 : i1 to i32
    %sign3A_13 = arith.subi %sign3A_9, %sign3A_12 : i32
    %sign3A_14 = arith.constant 0 : i32
    %sign3A_15 = arith.cmpi sgt, %jit3A, %sign3A_14 : i32
    %sign3A_16 = arith.extui %sign3A_15 : i1 to i32
    %sign3A_17 = arith.constant 0 : i32
    %sign3A_18 = arith.cmpi slt, %jit3A, %sign3A_17 : i32
    %sign3A_19 = arith.extui %sign3A_18 : i1 to i32
    %sign3A_20 = arith.subi %sign3A_16, %sign3A_19 : i32
    %ne3A = arith.cmpi ne, %sign3A_13, %sign3A_20 : i32
    %rem3A = arith.remsi %add3A, %jit3A : i32
    %ne3A_21 = arith.constant 0 : i32
    %ne3A_22 = arith.cmpi ne, %rem3A, %ne3A_21 : i32
    %and3A = arith.andi %ne3A, %ne3A_22 : i1
    %sub3A = arith.constant 1 : i32
    %sub3A_23 = arith.subi %div3A, %sub3A : i32
    %select_n3A = arith.select %and3A, %sub3A_23, %div3A : i32
    %mul3A_24 = arith.constant 16 : i32
    %mul3A_25 = arith.muli %select_n3A, %mul3A_24 : i32
    %get3A = arith.index_cast %mul3A_25 : i32 to index
    %get3A_26 = tpu.vector_load %arg13[%get3A] {strides = array<i32>} : memref<32xi32, #tpu.memory_space<vmem>>, vector<16xi32>,
    %jit3A_27 = arith.constant 16 : i32
    %eq3A = arith.constant 0 : i32
    %eq3A_28 = arith.cmpi eq, %jit3A_27, %eq3A : i32
    %jit3A_29 = arith.constant 1 : i32
    %select_n3A_30 = arith.select %eq3A_28, %jit3A_29, %jit3A_27 : i32
    %rem3A_31 = arith.remsi %add3A, %select_n3A_30 : i32
    %ne3A_32 = arith.constant 0 : i32
    %ne3A_33 = arith.cmpi ne, %rem3A_31, %ne3A_32 : i32
    %lt3A = arith.constant 0 : i32
    %lt3A_34 = arith.cmpi slt, %rem3A_31, %lt3A : i32
    %lt3A_35 = arith.constant 0 : i32
    %lt3A_36 = arith.cmpi slt, %select_n3A_30, %lt3A_35 : i32
    %ne3A_37 = arith.xori %lt3A_34, %lt3A_36 : i1
    %and3A_38 = arith.andi %ne3A_37, %ne3A_33 : i1
    %add3A_39 = arith.addi %rem3A_31, %select_n3A_30 : i32
    %select_n3A_40 = arith.select %and3A_38, %add3A_39, %rem3A_31 : i32
    %eq3A_41 = vector.broadcast %select_n3A_40 : i32 to vector<16xi32>
    %eq3A_42 = arith.cmpi eq, %iota3A, %eq3A_41 : vector<16xi32>
    %select_n3A_43 = arith.select %eq3A_42, %get3A_26, %broadcast_in_dim3A_1 : vector<16xi1>, vector<16xi32>
    %reduce_max3A = arith.constant true
    %reduce_max3A_44 = vector.broadcast %reduce_max3A : i1 to vector<16xi1>
    %reduce_max3A_45 = arith.constant -2147483648 : i32
    %reduce_max3A_46 = vector.broadcast %reduce_max3A_45 : i32 to vector<16xi32>
    %reduce_max3A_47 = arith.xori %select_n3A_43, %reduce_max3A_46 : vector<16xi32>
    %reduce_max3A_48 = tpu.scan <max>, %reduce_max3A_47 masked %reduce_max3A_44 : vector<16xi32>, vector<16xi1> -> vector<16xi32>
    %reduce_max3A_49 = arith.xori %reduce_max3A_48, %reduce_max3A_46 : vector<16xi32>
    %reduce_max3A_50 = vector.extract %reduce_max3A_49[15] : i32 from vector<16xi32>
    %lt3A_51 = arith.constant 8 : i32
    %lt3A_52 = arith.cmpi slt, %add3A, %lt3A_51 : i32
    %convert_element_type3A = arith.extui %lt3A_52 : i1 to i32
    %cond3A = arith.constant 0 : i32
    %cond3A_53 = arith.cmpi ne, %convert_element_type3A, %cond3A : i32
    scf.if %cond3A_53 {
      %mul3A_191 = arith.constant 16 : i32
      %mul3A_192 = arith.muli %add3A, %mul3A_191 : i32
      "tpu.region"() ({
        %run_scoped3A = tpu.sem_alloc : memref<!tpu.dma_semaphore, #tpu.memory_space<semaphore_mem>>
        %dma_start3A = tpu.memref_slice %arg6[%mul3A_192] : memref<128xi32, #tpu.memory_space<hbm>> -> memref<16xi32, #tpu.memory_space<hbm>>
        %dma_start3A_193 = tpu.memref_slice %arg6[%mul3A_192] : memref<128xi32, #tpu.memory_space<hbm>> -> memref<16xi32, #tpu.memory_space<hbm>>
        tpu.enqueue_dma source(%dma_start3A_193 : memref<16xi32, #tpu.memory_space<hbm>>) target(%arg15 : memref<16xi32, #tpu.memory_space<vmem>>) target_semaphore(%run_scoped3A : memref<!tpu.dma_semaphore, #tpu.memory_space<semaphore_mem>>)
        %dma_wait3A = tpu.memref_slice %arg6[%mul3A_192] : memref<128xi32, #tpu.memory_space<hbm>> -> memref<16xi32, #tpu.memory_space<hbm>>
        %dma_wait3A_194 = tpu.memref_slice %arg6[%mul3A_192] : memref<128xi32, #tpu.memory_space<hbm>> -> memref<16xi32, #tpu.memory_space<hbm>>
        tpu.wait_dma2 semaphore(%run_scoped3A : memref<!tpu.dma_semaphore, #tpu.memory_space<semaphore_mem>>) src(%dma_wait3A_194 : memref<16xi32, #tpu.memory_space<hbm>>) dst(%arg15 : memref<16xi32, #tpu.memory_space<vmem>>)
        tpu.yield
      }) : () -> ()
      tpu.enqueue_dma source(%arg8 : memref<64x256xf32, #tpu.memory_space<hbm>>) target(%arg16 : memref<64x256xf32, #tpu.memory_space<vmem>>) target_semaphore(%arg21 : memref<!tpu.dma_semaphore, #tpu.memory_space<semaphore_mem>>)
    } else {
    }
    %get3A_54 = arith.constant 0 : index
    %get3A_55 = tpu.vector_load %arg12[%get3A_54] {strides = array<i32>} : memref<80xi32, #tpu.memory_space<vmem>>, vector<16xi32>,
    %eq3A_56 = arith.constant 0 : i32
    %eq3A_57 = vector.broadcast %eq3A_56 : i32 to vector<16xi32>
    %eq3A_58 = arith.cmpi eq, %iota3A, %eq3A_57 : vector<16xi32>
    %select_n3A_59 = arith.select %eq3A_58, %get3A_55, %broadcast_in_dim3A_1 : vector<16xi1>, vector<16xi32>
    %reduce_max3A_60 = arith.constant true
    %reduce_max3A_61 = vector.broadcast %reduce_max3A_60 : i1 to vector<16xi1>
    %reduce_max3A_62 = arith.constant -2147483648 : i32
    %reduce_max3A_63 = vector.broadcast %reduce_max3A_62 : i32 to vector<16xi32>
    %reduce_max3A_64 = arith.xori %select_n3A_59, %reduce_max3A_63 : vector<16xi32>
    %reduce_max3A_65 = tpu.scan <max>, %reduce_max3A_64 masked %reduce_max3A_61 : vector<16xi32>, vector<16xi1> -> vector<16xi32>
    %reduce_max3A_66 = arith.xori %reduce_max3A_65, %reduce_max3A_63 : vector<16xi32>
    %reduce_max3A_67 = vector.extract %reduce_max3A_66[15] : i32 from vector<16xi32>
    %get3A_68 = arith.constant 0 : index
    %get3A_69 = tpu.vector_load %arg12[%get3A_68] {strides = array<i32>} : memref<80xi32, #tpu.memory_space<vmem>>, vector<16xi32>,
    %eq3A_70 = arith.constant 1 : i32
    %eq3A_71 = vector.broadcast %eq3A_70 : i32 to vector<16xi32>
    %eq3A_72 = arith.cmpi eq, %iota3A, %eq3A_71 : vector<16xi32>
    %select_n3A_73 = arith.select %eq3A_72, %get3A_69, %broadcast_in_dim3A_1 : vector<16xi1>, vector<16xi32>
    %reduce_max3A_74 = arith.constant true
    %reduce_max3A_75 = vector.broadcast %reduce_max3A_74 : i1 to vector<16xi1>
    %reduce_max3A_76 = arith.constant -2147483648 : i32
    %reduce_max3A_77 = vector.broadcast %reduce_max3A_76 : i32 to vector<16xi32>
    %reduce_max3A_78 = arith.xori %select_n3A_73, %reduce_max3A_77 : vector<16xi32>
    %reduce_max3A_79 = tpu.scan <max>, %reduce_max3A_78 masked %reduce_max3A_75 : vector<16xi32>, vector<16xi1> -> vector<16xi32>
    %reduce_max3A_80 = arith.xori %reduce_max3A_79, %reduce_max3A_77 : vector<16xi32>
    %reduce_max3A_81 = vector.extract %reduce_max3A_80[15] : i32 from vector<16xi32>
    %while3A = arith.constant 0 : i32
    %while3A_82 = arith.subi %reduce_max3A_81, %reduce_max3A_67 : i32
    %while3A_83 = arith.addi %reduce_max3A_67, %while3A_82 : i32
    %while3A_84 = arith.constant 1 : i32
    %while3A_85 = arith.divsi %while3A_82, %while3A_84 : i32
    %while3A_86 = arith.muli %while3A_85, %while3A_84 : i32
    %while3A_87 = arith.addi %reduce_max3A_67, %while3A_86 : i32
    %while3A_88 = arith.constant 1 : i32
    scf.for %while3A_191 = %reduce_max3A_67 to %while3A_87 step %while3A_88  : i32 {
      %jit3A_192 = arith.constant 16 : i32
      %div3A_193 = arith.divsi %while3A_191, %jit3A_192 : i32
      %sign3A_194 = arith.constant 0 : i32
      %sign3A_195 = arith.cmpi sgt, %while3A_191, %sign3A_194 : i32
      %sign3A_196 = arith.extui %sign3A_195 : i1 to i32
      %sign3A_197 = arith.constant 0 : i32
      %sign3A_198 = arith.cmpi slt, %while3A_191, %sign3A_197 : i32
      %sign3A_199 = arith.extui %sign3A_198 : i1 to i32
      %sign3A_200 = arith.subi %sign3A_196, %sign3A_199 : i32
      %sign3A_201 = arith.constant 0 : i32
      %sign3A_202 = arith.cmpi sgt, %jit3A_192, %sign3A_201 : i32
      %sign3A_203 = arith.extui %sign3A_202 : i1 to i32
      %sign3A_204 = arith.constant 0 : i32
      %sign3A_205 = arith.cmpi slt, %jit3A_192, %sign3A_204 : i32
      %sign3A_206 = arith.extui %sign3A_205 : i1 to i32
      %sign3A_207 = arith.subi %sign3A_203, %sign3A_206 : i32
      %ne3A_208 = arith.cmpi ne, %sign3A_200, %sign3A_207 : i32
      %rem3A_209 = arith.remsi %while3A_191, %jit3A_192 : i32
      %ne3A_210 = arith.constant 0 : i32
      %ne3A_211 = arith.cmpi ne, %rem3A_209, %ne3A_210 : i32
      %and3A_212 = arith.andi %ne3A_208, %ne3A_211 : i1
      %sub3A_213 = arith.constant 1 : i32
      %sub3A_214 = arith.subi %div3A_193, %sub3A_213 : i32
      %select_n3A_215 = arith.select %and3A_212, %sub3A_214, %div3A_193 : i32
      %mul3A_216 = arith.constant 16 : i32
      %mul3A_217 = arith.muli %select_n3A_215, %mul3A_216 : i32
      %get3A_218 = arith.index_cast %mul3A_217 : i32 to index
      %get3A_219 = tpu.vector_load %arg11[%get3A_218] {strides = array<i32>} : memref<256xi32, #tpu.memory_space<vmem>>, vector<16xi32>,
      %jit3A_220 = arith.constant 16 : i32
      %eq3A_221 = arith.constant 0 : i32
      %eq3A_222 = arith.cmpi eq, %jit3A_220, %eq3A_221 : i32
      %jit3A_223 = arith.constant 1 : i32
      %select_n3A_224 = arith.select %eq3A_222, %jit3A_223, %jit3A_220 : i32
      %rem3A_225 = arith.remsi %while3A_191, %select_n3A_224 : i32
      %ne3A_226 = arith.constant 0 : i32
      %ne3A_227 = arith.cmpi ne, %rem3A_225, %ne3A_226 : i32
      %lt3A_228 = arith.constant 0 : i32
      %lt3A_229 = arith.cmpi slt, %rem3A_225, %lt3A_228 : i32
      %lt3A_230 = arith.constant 0 : i32
      %lt3A_231 = arith.cmpi slt, %select_n3A_224, %lt3A_230 : i32
      %ne3A_232 = arith.xori %lt3A_229, %lt3A_231 : i1
      %and3A_233 = arith.andi %ne3A_232, %ne3A_227 : i1
      %add3A_234 = arith.addi %rem3A_225, %select_n3A_224 : i32
      %select_n3A_235 = arith.select %and3A_233, %add3A_234, %rem3A_225 : i32
      %eq3A_236 = vector.broadcast %select_n3A_235 : i32 to vector<16xi32>
      %eq3A_237 = arith.cmpi eq, %iota3A, %eq3A_236 : vector<16xi32>
      %select_n3A_238 = arith.select %eq3A_237, %get3A_219, %broadcast_in_dim3A_1 : vector<16xi1>, vector<16xi32>
      %reduce_max3A_239 = arith.constant true
      %reduce_max3A_240 = vector.broadcast %reduce_max3A_239 : i1 to vector<16xi1>
      %reduce_max3A_241 = arith.constant -2147483648 : i32
      %reduce_max3A_242 = vector.broadcast %reduce_max3A_241 : i32 to vector<16xi32>
      %reduce_max3A_243 = arith.xori %select_n3A_238, %reduce_max3A_242 : vector<16xi32>
      %reduce_max3A_244 = tpu.scan <max>, %reduce_max3A_243 masked %reduce_max3A_240 : vector<16xi32>, vector<16xi1> -> vector<16xi32>
      %reduce_max3A_245 = arith.xori %reduce_max3A_244, %reduce_max3A_242 : vector<16xi32>
      %reduce_max3A_246 = vector.extract %reduce_max3A_245[15] : i32 from vector<16xi32>
      %ge3A = arith.constant 2048 : i32
      %ge3A_247 = arith.cmpi sge, %reduce_max3A_246, %ge3A : i32
      %convert_element_type3A_248 = arith.extui %ge3A_247 : i1 to i32
      %cond3A_249 = arith.constant 0 : i32
      %cond3A_250 = arith.cmpi ne, %convert_element_type3A_248, %cond3A_249 : i32
      scf.if %cond3A_250 {
        %jit3A_251 = arith.constant 16 : i32
        %div3A_252 = arith.divsi %while3A_191, %jit3A_251 : i32
        %sign3A_253 = arith.constant 0 : i32
        %sign3A_254 = arith.cmpi sgt, %while3A_191, %sign3A_253 : i32
        %sign3A_255 = arith.extui %sign3A_254 : i1 to i32
        %sign3A_256 = arith.constant 0 : i32
        %sign3A_257 = arith.cmpi slt, %while3A_191, %sign3A_256 : i32
        %sign3A_258 = arith.extui %sign3A_257 : i1 to i32
        %sign3A_259 = arith.subi %sign3A_255, %sign3A_258 : i32
        %sign3A_260 = arith.constant 0 : i32
        %sign3A_261 = arith.cmpi sgt, %jit3A_251, %sign3A_260 : i32
        %sign3A_262 = arith.extui %sign3A_261 : i1 to i32
        %sign3A_263 = arith.constant 0 : i32
        %sign3A_264 = arith.cmpi slt, %jit3A_251, %sign3A_263 : i32
        %sign3A_265 = arith.extui %sign3A_264 : i1 to i32
        %sign3A_266 = arith.subi %sign3A_262, %sign3A_265 : i32
        %ne3A_267 = arith.cmpi ne, %sign3A_259, %sign3A_266 : i32
        %rem3A_268 = arith.remsi %while3A_191, %jit3A_251 : i32
        %ne3A_269 = arith.constant 0 : i32
        %ne3A_270 = arith.cmpi ne, %rem3A_268, %ne3A_269 : i32
        %and3A_271 = arith.andi %ne3A_267, %ne3A_270 : i1
        %sub3A_272 = arith.constant 1 : i32
        %sub3A_273 = arith.subi %div3A_252, %sub3A_272 : i32
        %select_n3A_274 = arith.select %and3A_271, %sub3A_273, %div3A_252 : i32
        %mul3A_275 = arith.constant 16 : i32
        %mul3A_276 = arith.muli %select_n3A_274, %mul3A_275 : i32
        %get3A_277 = arith.index_cast %mul3A_276 : i32 to index
        %get3A_278 = tpu.vector_load %arg10[%get3A_277] {strides = array<i32>} : memref<256xi32, #tpu.memory_space<vmem>>, vector<16xi32>,
        %jit3A_279 = arith.constant 16 : i32
        %eq3A_280 = arith.constant 0 : i32
        %eq3A_281 = arith.cmpi eq, %jit3A_279, %eq3A_280 : i32
        %jit3A_282 = arith.constant 1 : i32
        %select_n3A_283 = arith.select %eq3A_281, %jit3A_282, %jit3A_279 : i32
        %rem3A_284 = arith.remsi %while3A_191, %select_n3A_283 : i32
        %ne3A_285 = arith.constant 0 : i32
        %ne3A_286 = arith.cmpi ne, %rem3A_284, %ne3A_285 : i32
        %lt3A_287 = arith.constant 0 : i32
        %lt3A_288 = arith.cmpi slt, %rem3A_284, %lt3A_287 : i32
        %lt3A_289 = arith.constant 0 : i32
        %lt3A_290 = arith.cmpi slt, %select_n3A_283, %lt3A_289 : i32
        %ne3A_291 = arith.xori %lt3A_288, %lt3A_290 : i1
        %and3A_292 = arith.andi %ne3A_291, %ne3A_286 : i1
        %add3A_293 = arith.addi %rem3A_284, %select_n3A_283 : i32
        %select_n3A_294 = arith.select %and3A_292, %add3A_293, %rem3A_284 : i32
        %eq3A_295 = vector.broadcast %select_n3A_294 : i32 to vector<16xi32>
        %eq3A_296 = arith.cmpi eq, %iota3A, %eq3A_295 : vector<16xi32>
        %select_n3A_297 = arith.select %eq3A_296, %get3A_278, %broadcast_in_dim3A_1 : vector<16xi1>, vector<16xi32>
        %reduce_max3A_298 = arith.constant true
        %reduce_max3A_299 = vector.broadcast %reduce_max3A_298 : i1 to vector<16xi1>
        %reduce_max3A_300 = arith.constant -2147483648 : i32
        %reduce_max3A_301 = vector.broadcast %reduce_max3A_300 : i32 to vector<16xi32>
        %reduce_max3A_302 = arith.xori %select_n3A_297, %reduce_max3A_301 : vector<16xi32>
        %reduce_max3A_303 = tpu.scan <max>, %reduce_max3A_302 masked %reduce_max3A_299 : vector<16xi32>, vector<16xi1> -> vector<16xi32>
        %reduce_max3A_304 = arith.xori %reduce_max3A_303, %reduce_max3A_301 : vector<16xi32>
        %reduce_max3A_305 = vector.extract %reduce_max3A_304[15] : i32 from vector<16xi32>
        %shift_right_arithmetic3A = arith.constant 7 : i32
        %shift_right_arithmetic3A_306 = arith.shrsi %reduce_max3A_305, %shift_right_arithmetic3A : i32
        %mul3A_307 = arith.constant 128 : i32
        %mul3A_308 = arith.muli %shift_right_arithmetic3A_306, %mul3A_307 : i32
        %multiple_of3A = tpu.assume_multiple %mul3A_308, 128 : i32
        %shift_right_arithmetic3A_309 = arith.constant 7 : i32
        %shift_right_arithmetic3A_310 = arith.shrsi %reduce_max3A_246, %shift_right_arithmetic3A_309 : i32
        %and3A_311 = arith.constant 15 : i32
        %and3A_312 = arith.andi %shift_right_arithmetic3A_310, %and3A_311 : i32
        %dma_start3A = arith.constant 0 : i32
        %dma_start3A_313 = arith.constant 0 : i32
        %dma_start3A_314 = tpu.memref_slice %arg14[%and3A_312, %dma_start3A, %dma_start3A_313] : memref<12x64x128xf32, #tpu.memory_space<vmem>> -> memref<1x64x128xf32, #tpu.memory_space<vmem>>
        %dma_start3A_315 = tpu.memref_squeeze %dma_start3A_314 : memref<1x64x128xf32, #tpu.memory_space<vmem>> -> memref<64x128xf32, #tpu.memory_space<vmem>>
        %dma_start3A_316 = arith.constant 0 : i32
        %dma_start3A_317 = tpu.memref_slice %arg7[%dma_start3A_316, %multiple_of3A] : memref<64x1000000xf32, #tpu.memory_space<hbm>> -> memref<64x128xf32, #tpu.memory_space<hbm>>
        %dma_start3A_318 = arith.constant 0 : i32
        %dma_start3A_319 = arith.constant 0 : i32
        %dma_start3A_320 = tpu.memref_slice %arg14[%and3A_312, %dma_start3A_318, %dma_start3A_319] : memref<12x64x128xf32, #tpu.memory_space<vmem>> -> memref<1x64x128xf32, #tpu.memory_space<vmem>>
        %dma_start3A_321 = tpu.memref_squeeze %dma_start3A_320 : memref<1x64x128xf32, #tpu.memory_space<vmem>> -> memref<64x128xf32, #tpu.memory_space<vmem>>
        %dma_start3A_322 = arith.constant 0 : i32
        %dma_start3A_323 = tpu.memref_slice %arg7[%dma_start3A_322, %multiple_of3A] : memref<64x1000000xf32, #tpu.memory_space<hbm>> -> memref<64x128xf32, #tpu.memory_space<hbm>>
        tpu.enqueue_dma source(%dma_start3A_323 : memref<64x128xf32, #tpu.memory_space<hbm>>) target(%dma_start3A_321 : memref<64x128xf32, #tpu.memory_space<vmem>>) target_semaphore(%arg18 : memref<!tpu.dma_semaphore, #tpu.memory_space<semaphore_mem>>)
      } else {
      }
    }
    %while3A_89 = arith.constant 1 : i32
    scf.for %while3A_191 = %while3A_87 to %while3A_83 step %while3A_89  : i32 {
      %jit3A_192 = arith.constant 16 : i32
      %div3A_193 = arith.divsi %while3A_191, %jit3A_192 : i32
      %sign3A_194 = arith.constant 0 : i32
      %sign3A_195 = arith.cmpi sgt, %while3A_191, %sign3A_194 : i32
      %sign3A_196 = arith.extui %sign3A_195 : i1 to i32
      %sign3A_197 = arith.constant 0 : i32
      %sign3A_198 = arith.cmpi slt, %while3A_191, %sign3A_197 : i32
      %sign3A_199 = arith.extui %sign3A_198 : i1 to i32
      %sign3A_200 = arith.subi %sign3A_196, %sign3A_199 : i32
      %sign3A_201 = arith.constant 0 : i32
      %sign3A_202 = arith.cmpi sgt, %jit3A_192, %sign3A_201 : i32
      %sign3A_203 = arith.extui %sign3A_202 : i1 to i32
      %sign3A_204 = arith.constant 0 : i32
      %sign3A_205 = arith.cmpi slt, %jit3A_192, %sign3A_204 : i32
      %sign3A_206 = arith.extui %sign3A_205 : i1 to i32
      %sign3A_207 = arith.subi %sign3A_203, %sign3A_206 : i32
      %ne3A_208 = arith.cmpi ne, %sign3A_200, %sign3A_207 : i32
      %rem3A_209 = arith.remsi %while3A_191, %jit3A_192 : i32
      %ne3A_210 = arith.constant 0 : i32
      %ne3A_211 = arith.cmpi ne, %rem3A_209, %ne3A_210 : i32
      %and3A_212 = arith.andi %ne3A_208, %ne3A_211 : i1
      %sub3A_213 = arith.constant 1 : i32
      %sub3A_214 = arith.subi %div3A_193, %sub3A_213 : i32
      %select_n3A_215 = arith.select %and3A_212, %sub3A_214, %div3A_193 : i32
      %mul3A_216 = arith.constant 16 : i32
      %mul3A_217 = arith.muli %select_n3A_215, %mul3A_216 : i32
      %get3A_218 = arith.index_cast %mul3A_217 : i32 to index
      %get3A_219 = tpu.vector_load %arg11[%get3A_218] {strides = array<i32>} : memref<256xi32, #tpu.memory_space<vmem>>, vector<16xi32>,
      %jit3A_220 = arith.constant 16 : i32
      %eq3A_221 = arith.constant 0 : i32
      %eq3A_222 = arith.cmpi eq, %jit3A_220, %eq3A_221 : i32
      %jit3A_223 = arith.constant 1 : i32
      %select_n3A_224 = arith.select %eq3A_222, %jit3A_223, %jit3A_220 : i32
      %rem3A_225 = arith.remsi %while3A_191, %select_n3A_224 : i32
      %ne3A_226 = arith.constant 0 : i32
      %ne3A_227 = arith.cmpi ne, %rem3A_225, %ne3A_226 : i32
      %lt3A_228 = arith.constant 0 : i32
      %lt3A_229 = arith.cmpi slt, %rem3A_225, %lt3A_228 : i32
      %lt3A_230 = arith.constant 0 : i32
      %lt3A_231 = arith.cmpi slt, %select_n3A_224, %lt3A_230 : i32
      %ne3A_232 = arith.xori %lt3A_229, %lt3A_231 : i1
      %and3A_233 = arith.andi %ne3A_232, %ne3A_227 : i1
      %add3A_234 = arith.addi %rem3A_225, %select_n3A_224 : i32
      %select_n3A_235 = arith.select %and3A_233, %add3A_234, %rem3A_225 : i32
      %eq3A_236 = vector.broadcast %select_n3A_235 : i32 to vector<16xi32>
      %eq3A_237 = arith.cmpi eq, %iota3A, %eq3A_236 : vector<16xi32>
      %select_n3A_238 = arith.select %eq3A_237, %get3A_219, %broadcast_in_dim3A_1 : vector<16xi1>, vector<16xi32>
      %reduce_max3A_239 = arith.constant true
      %reduce_max3A_240 = vector.broadcast %reduce_max3A_239 : i1 to vector<16xi1>
      %reduce_max3A_241 = arith.constant -2147483648 : i32
      %reduce_max3A_242 = vector.broadcast %reduce_max3A_241 : i32 to vector<16xi32>
      %reduce_max3A_243 = arith.xori %select_n3A_238, %reduce_max3A_242 : vector<16xi32>
      %reduce_max3A_244 = tpu.scan <max>, %reduce_max3A_243 masked %reduce_max3A_240 : vector<16xi32>, vector<16xi1> -> vector<16xi32>
      %reduce_max3A_245 = arith.xori %reduce_max3A_244, %reduce_max3A_242 : vector<16xi32>
      %reduce_max3A_246 = vector.extract %reduce_max3A_245[15] : i32 from vector<16xi32>
      %ge3A = arith.constant 2048 : i32
      %ge3A_247 = arith.cmpi sge, %reduce_max3A_246, %ge3A : i32
      %convert_element_type3A_248 = arith.extui %ge3A_247 : i1 to i32
      %cond3A_249 = arith.constant 0 : i32
      %cond3A_250 = arith.cmpi ne, %convert_element_type3A_248, %cond3A_249 : i32
      scf.if %cond3A_250 {
        %jit3A_251 = arith.constant 16 : i32
        %div3A_252 = arith.divsi %while3A_191, %jit3A_251 : i32
        %sign3A_253 = arith.constant 0 : i32
        %sign3A_254 = arith.cmpi sgt, %while3A_191, %sign3A_253 : i32
        %sign3A_255 = arith.extui %sign3A_254 : i1 to i32
        %sign3A_256 = arith.constant 0 : i32
        %sign3A_257 = arith.cmpi slt, %while3A_191, %sign3A_256 : i32
        %sign3A_258 = arith.extui %sign3A_257 : i1 to i32
        %sign3A_259 = arith.subi %sign3A_255, %sign3A_258 : i32
        %sign3A_260 = arith.constant 0 : i32
        %sign3A_261 = arith.cmpi sgt, %jit3A_251, %sign3A_260 : i32
        %sign3A_262 = arith.extui %sign3A_261 : i1 to i32
        %sign3A_263 = arith.constant 0 : i32
        %sign3A_264 = arith.cmpi slt, %jit3A_251, %sign3A_263 : i32
        %sign3A_265 = arith.extui %sign3A_264 : i1 to i32
        %sign3A_266 = arith.subi %sign3A_262, %sign3A_265 : i32
        %ne3A_267 = arith.cmpi ne, %sign3A_259, %sign3A_266 : i32
        %rem3A_268 = arith.remsi %while3A_191, %jit3A_251 : i32
        %ne3A_269 = arith.constant 0 : i32
        %ne3A_270 = arith.cmpi ne, %rem3A_268, %ne3A_269 : i32
        %and3A_271 = arith.andi %ne3A_267, %ne3A_270 : i1
        %sub3A_272 = arith.constant 1 : i32
        %sub3A_273 = arith.subi %div3A_252, %sub3A_272 : i32
        %select_n3A_274 = arith.select %and3A_271, %sub3A_273, %div3A_252 : i32
        %mul3A_275 = arith.constant 16 : i32
        %mul3A_276 = arith.muli %select_n3A_274, %mul3A_275 : i32
        %get3A_277 = arith.index_cast %mul3A_276 : i32 to index
        %get3A_278 = tpu.vector_load %arg10[%get3A_277] {strides = array<i32>} : memref<256xi32, #tpu.memory_space<vmem>>, vector<16xi32>,
        %jit3A_279 = arith.constant 16 : i32
        %eq3A_280 = arith.constant 0 : i32
        %eq3A_281 = arith.cmpi eq, %jit3A_279, %eq3A_280 : i32
        %jit3A_282 = arith.constant 1 : i32
        %select_n3A_283 = arith.select %eq3A_281, %jit3A_282, %jit3A_279 : i32
        %rem3A_284 = arith.remsi %while3A_191, %select_n3A_283 : i32
        %ne3A_285 = arith.constant 0 : i32
        %ne3A_286 = arith.cmpi ne, %rem3A_284, %ne3A_285 : i32
        %lt3A_287 = arith.constant 0 : i32
        %lt3A_288 = arith.cmpi slt, %rem3A_284, %lt3A_287 : i32
        %lt3A_289 = arith.constant 0 : i32
        %lt3A_290 = arith.cmpi slt, %select_n3A_283, %lt3A_289 : i32
        %ne3A_291 = arith.xori %lt3A_288, %lt3A_290 : i1
        %and3A_292 = arith.andi %ne3A_291, %ne3A_286 : i1
        %add3A_293 = arith.addi %rem3A_284, %select_n3A_283 : i32
        %select_n3A_294 = arith.select %and3A_292, %add3A_293, %rem3A_284 : i32
        %eq3A_295 = vector.broadcast %select_n3A_294 : i32 to vector<16xi32>
        %eq3A_296 = arith.cmpi eq, %iota3A, %eq3A_295 : vector<16xi32>
        %select_n3A_297 = arith.select %eq3A_296, %get3A_278, %broadcast_in_dim3A_1 : vector<16xi1>, vector<16xi32>
        %reduce_max3A_298 = arith.constant true
        %reduce_max3A_299 = vector.broadcast %reduce_max3A_298 : i1 to vector<16xi1>
        %reduce_max3A_300 = arith.constant -2147483648 : i32
        %reduce_max3A_301 = vector.broadcast %reduce_max3A_300 : i32 to vector<16xi32>
        %reduce_max3A_302 = arith.xori %select_n3A_297, %reduce_max3A_301 : vector<16xi32>
        %reduce_max3A_303 = tpu.scan <max>, %reduce_max3A_302 masked %reduce_max3A_299 : vector<16xi32>, vector<16xi1> -> vector<16xi32>
        %reduce_max3A_304 = arith.xori %reduce_max3A_303, %reduce_max3A_301 : vector<16xi32>
        %reduce_max3A_305 = vector.extract %reduce_max3A_304[15] : i32 from vector<16xi32>
        %shift_right_arithmetic3A = arith.constant 7 : i32
        %shift_right_arithmetic3A_306 = arith.shrsi %reduce_max3A_305, %shift_right_arithmetic3A : i32
        %mul3A_307 = arith.constant 128 : i32
        %mul3A_308 = arith.muli %shift_right_arithmetic3A_306, %mul3A_307 : i32
        %multiple_of3A = tpu.assume_multiple %mul3A_308, 128 : i32
        %shift_right_arithmetic3A_309 = arith.constant 7 : i32
        %shift_right_arithmetic3A_310 = arith.shrsi %reduce_max3A_246, %shift_right_arithmetic3A_309 : i32
        %and3A_311 = arith.constant 15 : i32
        %and3A_312 = arith.andi %shift_right_arithmetic3A_310, %and3A_311 : i32
        %dma_start3A = arith.constant 0 : i32
        %dma_start3A_313 = arith.constant 0 : i32
        %dma_start3A_314 = tpu.memref_slice %arg14[%and3A_312, %dma_start3A, %dma_start3A_313] : memref<12x64x128xf32, #tpu.memory_space<vmem>> -> memref<1x64x128xf32, #tpu.memory_space<vmem>>
        %dma_start3A_315 = tpu.memref_squeeze %dma_start3A_314 : memref<1x64x128xf32, #tpu.memory_space<vmem>> -> memref<64x128xf32, #tpu.memory_space<vmem>>
        %dma_start3A_316 = arith.constant 0 : i32
        %dma_start3A_317 = tpu.memref_slice %arg7[%dma_start3A_316, %multiple_of3A] : memref<64x1000000xf32, #tpu.memory_space<hbm>> -> memref<64x128xf32, #tpu.memory_space<hbm>>
        %dma_start3A_318 = arith.constant 0 : i32
        %dma_start3A_319 = arith.constant 0 : i32
        %dma_start3A_320 = tpu.memref_slice %arg14[%and3A_312, %dma_start3A_318, %dma_start3A_319] : memref<12x64x128xf32, #tpu.memory_space<vmem>> -> memref<1x64x128xf32, #tpu.memory_space<vmem>>
        %dma_start3A_321 = tpu.memref_squeeze %dma_start3A_320 : memref<1x64x128xf32, #tpu.memory_space<vmem>> -> memref<64x128xf32, #tpu.memory_space<vmem>>
        %dma_start3A_322 = arith.constant 0 : i32
        %dma_start3A_323 = tpu.memref_slice %arg7[%dma_start3A_322, %multiple_of3A] : memref<64x1000000xf32, #tpu.memory_space<hbm>> -> memref<64x128xf32, #tpu.memory_space<hbm>>
        tpu.enqueue_dma source(%dma_start3A_323 : memref<64x128xf32, #tpu.memory_space<hbm>>) target(%dma_start3A_321 : memref<64x128xf32, #tpu.memory_space<vmem>>) target_semaphore(%arg18 : memref<!tpu.dma_semaphore, #tpu.memory_space<semaphore_mem>>)
      } else {
      }
    }
    %get3A_90 = arith.constant 0 : index
    %get3A_91 = tpu.vector_load %arg12[%get3A_90] {strides = array<i32>} : memref<80xi32, #tpu.memory_space<vmem>>, vector<16xi32>,
    %eq3A_92 = arith.constant 1 : i32
    %eq3A_93 = vector.broadcast %eq3A_92 : i32 to vector<16xi32>
    %eq3A_94 = arith.cmpi eq, %iota3A, %eq3A_93 : vector<16xi32>
    %select_n3A_95 = arith.select %eq3A_94, %get3A_91, %broadcast_in_dim3A_1 : vector<16xi1>, vector<16xi32>
    %reduce_max3A_96 = arith.constant true
    %reduce_max3A_97 = vector.broadcast %reduce_max3A_96 : i1 to vector<16xi1>
    %reduce_max3A_98 = arith.constant -2147483648 : i32
    %reduce_max3A_99 = vector.broadcast %reduce_max3A_98 : i32 to vector<16xi32>
    %reduce_max3A_100 = arith.xori %select_n3A_95, %reduce_max3A_99 : vector<16xi32>
    %reduce_max3A_101 = tpu.scan <max>, %reduce_max3A_100 masked %reduce_max3A_97 : vector<16xi32>, vector<16xi1> -> vector<16xi32>
    %reduce_max3A_102 = arith.xori %reduce_max3A_101, %reduce_max3A_99 : vector<16xi32>
    %reduce_max3A_103 = vector.extract %reduce_max3A_102[15] : i32 from vector<16xi32>
    %get3A_104 = arith.constant 0 : index
    %get3A_105 = tpu.vector_load %arg12[%get3A_104] {strides = array<i32>} : memref<80xi32, #tpu.memory_space<vmem>>, vector<16xi32>,
    %eq3A_106 = arith.constant 2 : i32
    %eq3A_107 = vector.broadcast %eq3A_106 : i32 to vector<16xi32>
    %eq3A_108 = arith.cmpi eq, %iota3A, %eq3A_107 : vector<16xi32>
    %select_n3A_109 = arith.select %eq3A_108, %get3A_105, %broadcast_in_dim3A_1 : vector<16xi1>, vector<16xi32>
    %reduce_max3A_110 = arith.constant true
    %reduce_max3A_111 = vector.broadcast %reduce_max3A_110 : i1 to vector<16xi1>
    %reduce_max3A_112 = arith.constant -2147483648 : i32
    %reduce_max3A_113 = vector.broadcast %reduce_max3A_112 : i32 to vector<16xi32>
    %reduce_max3A_114 = arith.xori %select_n3A_109, %reduce_max3A_113 : vector<16xi32>
    %reduce_max3A_115 = tpu.scan <max>, %reduce_max3A_114 masked %reduce_max3A_111 : vector<16xi32>, vector<16xi1> -> vector<16xi32>
    %reduce_max3A_116 = arith.xori %reduce_max3A_115, %reduce_max3A_113 : vector<16xi32>
    %reduce_max3A_117 = vector.extract %reduce_max3A_116[15] : i32 from vector<16xi32>
    %while3A_118 = arith.constant 0 : i32
    %while3A_119 = arith.subi %reduce_max3A_117, %reduce_max3A_103 : i32
    %while3A_120 = arith.addi %reduce_max3A_103, %while3A_119 : i32
    %while3A_121 = arith.constant 1 : i32
    %while3A_122 = arith.divsi %while3A_119, %while3A_121 : i32
    %while3A_123 = arith.muli %while3A_122, %while3A_121 : i32
    %while3A_124 = arith.addi %reduce_max3A_103, %while3A_123 : i32
    %while3A_125 = arith.constant 1 : i32
    scf.for %while3A_191 = %reduce_max3A_103 to %while3A_124 step %while3A_125  : i32 {
      %jit3A_192 = arith.constant 16 : i32
      %div3A_193 = arith.divsi %while3A_191, %jit3A_192 : i32
      %sign3A_194 = arith.constant 0 : i32
      %sign3A_195 = arith.cmpi sgt, %while3A_191, %sign3A_194 : i32
      %sign3A_196 = arith.extui %sign3A_195 : i1 to i32
      %sign3A_197 = arith.constant 0 : i32
      %sign3A_198 = arith.cmpi slt, %while3A_191, %sign3A_197 : i32
      %sign3A_199 = arith.extui %sign3A_198 : i1 to i32
      %sign3A_200 = arith.subi %sign3A_196, %sign3A_199 : i32
      %sign3A_201 = arith.constant 0 : i32
      %sign3A_202 = arith.cmpi sgt, %jit3A_192, %sign3A_201 : i32
      %sign3A_203 = arith.extui %sign3A_202 : i1 to i32
      %sign3A_204 = arith.constant 0 : i32
      %sign3A_205 = arith.cmpi slt, %jit3A_192, %sign3A_204 : i32
      %sign3A_206 = arith.extui %sign3A_205 : i1 to i32
      %sign3A_207 = arith.subi %sign3A_203, %sign3A_206 : i32
      %ne3A_208 = arith.cmpi ne, %sign3A_200, %sign3A_207 : i32
      %rem3A_209 = arith.remsi %while3A_191, %jit3A_192 : i32
      %ne3A_210 = arith.constant 0 : i32
      %ne3A_211 = arith.cmpi ne, %rem3A_209, %ne3A_210 : i32
      %and3A_212 = arith.andi %ne3A_208, %ne3A_211 : i1
      %sub3A_213 = arith.constant 1 : i32
      %sub3A_214 = arith.subi %div3A_193, %sub3A_213 : i32
      %select_n3A_215 = arith.select %and3A_212, %sub3A_214, %div3A_193 : i32
      %mul3A_216 = arith.constant 16 : i32
      %mul3A_217 = arith.muli %select_n3A_215, %mul3A_216 : i32
      %get3A_218 = arith.index_cast %mul3A_217 : i32 to index
      %get3A_219 = tpu.vector_load %arg11[%get3A_218] {strides = array<i32>} : memref<256xi32, #tpu.memory_space<vmem>>, vector<16xi32>,
      %jit3A_220 = arith.constant 16 : i32
      %eq3A_221 = arith.constant 0 : i32
      %eq3A_222 = arith.cmpi eq, %jit3A_220, %eq3A_221 : i32
      %jit3A_223 = arith.constant 1 : i32
      %select_n3A_224 = arith.select %eq3A_222, %jit3A_223, %jit3A_220 : i32
      %rem3A_225 = arith.remsi %while3A_191, %select_n3A_224 : i32
      %ne3A_226 = arith.constant 0 : i32
      %ne3A_227 = arith.cmpi ne, %rem3A_225, %ne3A_226 : i32
      %lt3A_228 = arith.constant 0 : i32
      %lt3A_229 = arith.cmpi slt, %rem3A_225, %lt3A_228 : i32
      %lt3A_230 = arith.constant 0 : i32
      %lt3A_231 = arith.cmpi slt, %select_n3A_224, %lt3A_230 : i32
      %ne3A_232 = arith.xori %lt3A_229, %lt3A_231 : i1
      %and3A_233 = arith.andi %ne3A_232, %ne3A_227 : i1
      %add3A_234 = arith.addi %rem3A_225, %select_n3A_224 : i32
      %select_n3A_235 = arith.select %and3A_233, %add3A_234, %rem3A_225 : i32
      %eq3A_236 = vector.broadcast %select_n3A_235 : i32 to vector<16xi32>
      %eq3A_237 = arith.cmpi eq, %iota3A, %eq3A_236 : vector<16xi32>
      %select_n3A_238 = arith.select %eq3A_237, %get3A_219, %broadcast_in_dim3A_1 : vector<16xi1>, vector<16xi32>
      %reduce_max3A_239 = arith.constant true
      %reduce_max3A_240 = vector.broadcast %reduce_max3A_239 : i1 to vector<16xi1>
      %reduce_max3A_241 = arith.constant -2147483648 : i32
      %reduce_max3A_242 = vector.broadcast %reduce_max3A_241 : i32 to vector<16xi32>
      %reduce_max3A_243 = arith.xori %select_n3A_238, %reduce_max3A_242 : vector<16xi32>
      %reduce_max3A_244 = tpu.scan <max>, %reduce_max3A_243 masked %reduce_max3A_240 : vector<16xi32>, vector<16xi1> -> vector<16xi32>
      %reduce_max3A_245 = arith.xori %reduce_max3A_244, %reduce_max3A_242 : vector<16xi32>
      %reduce_max3A_246 = vector.extract %reduce_max3A_245[15] : i32 from vector<16xi32>
      %ge3A = arith.constant 2048 : i32
      %ge3A_247 = arith.cmpi sge, %reduce_max3A_246, %ge3A : i32
      %convert_element_type3A_248 = arith.extui %ge3A_247 : i1 to i32
      %cond3A_249 = arith.constant 0 : i32
      %cond3A_250 = arith.cmpi ne, %convert_element_type3A_248, %cond3A_249 : i32
      scf.if %cond3A_250 {
        %jit3A_251 = arith.constant 16 : i32
        %div3A_252 = arith.divsi %while3A_191, %jit3A_251 : i32
        %sign3A_253 = arith.constant 0 : i32
        %sign3A_254 = arith.cmpi sgt, %while3A_191, %sign3A_253 : i32
        %sign3A_255 = arith.extui %sign3A_254 : i1 to i32
        %sign3A_256 = arith.constant 0 : i32
        %sign3A_257 = arith.cmpi slt, %while3A_191, %sign3A_256 : i32
        %sign3A_258 = arith.extui %sign3A_257 : i1 to i32
        %sign3A_259 = arith.subi %sign3A_255, %sign3A_258 : i32
        %sign3A_260 = arith.constant 0 : i32
        %sign3A_261 = arith.cmpi sgt, %jit3A_251, %sign3A_260 : i32
        %sign3A_262 = arith.extui %sign3A_261 : i1 to i32
        %sign3A_263 = arith.constant 0 : i32
        %sign3A_264 = arith.cmpi slt, %jit3A_251, %sign3A_263 : i32
        %sign3A_265 = arith.extui %sign3A_264 : i1 to i32
        %sign3A_266 = arith.subi %sign3A_262, %sign3A_265 : i32
        %ne3A_267 = arith.cmpi ne, %sign3A_259, %sign3A_266 : i32
        %rem3A_268 = arith.remsi %while3A_191, %jit3A_251 : i32
        %ne3A_269 = arith.constant 0 : i32
        %ne3A_270 = arith.cmpi ne, %rem3A_268, %ne3A_269 : i32
        %and3A_271 = arith.andi %ne3A_267, %ne3A_270 : i1
        %sub3A_272 = arith.constant 1 : i32
        %sub3A_273 = arith.subi %div3A_252, %sub3A_272 : i32
        %select_n3A_274 = arith.select %and3A_271, %sub3A_273, %div3A_252 : i32
        %mul3A_275 = arith.constant 16 : i32
        %mul3A_276 = arith.muli %select_n3A_274, %mul3A_275 : i32
        %get3A_277 = arith.index_cast %mul3A_276 : i32 to index
        %get3A_278 = tpu.vector_load %arg10[%get3A_277] {strides = array<i32>} : memref<256xi32, #tpu.memory_space<vmem>>, vector<16xi32>,
        %jit3A_279 = arith.constant 16 : i32
        %eq3A_280 = arith.constant 0 : i32
        %eq3A_281 = arith.cmpi eq, %jit3A_279, %eq3A_280 : i32
        %jit3A_282 = arith.constant 1 : i32
        %select_n3A_283 = arith.select %eq3A_281, %jit3A_282, %jit3A_279 : i32
        %rem3A_284 = arith.remsi %while3A_191, %select_n3A_283 : i32
        %ne3A_285 = arith.constant 0 : i32
        %ne3A_286 = arith.cmpi ne, %rem3A_284, %ne3A_285 : i32
        %lt3A_287 = arith.constant 0 : i32
        %lt3A_288 = arith.cmpi slt, %rem3A_284, %lt3A_287 : i32
        %lt3A_289 = arith.constant 0 : i32
        %lt3A_290 = arith.cmpi slt, %select_n3A_283, %lt3A_289 : i32
        %ne3A_291 = arith.xori %lt3A_288, %lt3A_290 : i1
        %and3A_292 = arith.andi %ne3A_291, %ne3A_286 : i1
        %add3A_293 = arith.addi %rem3A_284, %select_n3A_283 : i32
        %select_n3A_294 = arith.select %and3A_292, %add3A_293, %rem3A_284 : i32
        %eq3A_295 = vector.broadcast %select_n3A_294 : i32 to vector<16xi32>
        %eq3A_296 = arith.cmpi eq, %iota3A, %eq3A_295 : vector<16xi32>
        %select_n3A_297 = arith.select %eq3A_296, %get3A_278, %broadcast_in_dim3A_1 : vector<16xi1>, vector<16xi32>
        %reduce_max3A_298 = arith.constant true
        %reduce_max3A_299 = vector.broadcast %reduce_max3A_298 : i1 to vector<16xi1>
        %reduce_max3A_300 = arith.constant -2147483648 : i32
        %reduce_max3A_301 = vector.broadcast %reduce_max3A_300 : i32 to vector<16xi32>
        %reduce_max3A_302 = arith.xori %select_n3A_297, %reduce_max3A_301 : vector<16xi32>
        %reduce_max3A_303 = tpu.scan <max>, %reduce_max3A_302 masked %reduce_max3A_299 : vector<16xi32>, vector<16xi1> -> vector<16xi32>
        %reduce_max3A_304 = arith.xori %reduce_max3A_303, %reduce_max3A_301 : vector<16xi32>
        %reduce_max3A_305 = vector.extract %reduce_max3A_304[15] : i32 from vector<16xi32>
        %shift_right_arithmetic3A = arith.constant 7 : i32
        %shift_right_arithmetic3A_306 = arith.shrsi %reduce_max3A_305, %shift_right_arithmetic3A : i32
        %mul3A_307 = arith.constant 128 : i32
        %mul3A_308 = arith.muli %shift_right_arithmetic3A_306, %mul3A_307 : i32
        %multiple_of3A = tpu.assume_multiple %mul3A_308, 128 : i32
        %shift_right_arithmetic3A_309 = arith.constant 7 : i32
        %shift_right_arithmetic3A_310 = arith.shrsi %reduce_max3A_246, %shift_right_arithmetic3A_309 : i32
        %and3A_311 = arith.constant 15 : i32
        %and3A_312 = arith.andi %shift_right_arithmetic3A_310, %and3A_311 : i32
        %dma_start3A = arith.constant 0 : i32
        %dma_start3A_313 = arith.constant 0 : i32
        %dma_start3A_314 = tpu.memref_slice %arg14[%and3A_312, %dma_start3A, %dma_start3A_313] : memref<12x64x128xf32, #tpu.memory_space<vmem>> -> memref<1x64x128xf32, #tpu.memory_space<vmem>>
        %dma_start3A_315 = tpu.memref_squeeze %dma_start3A_314 : memref<1x64x128xf32, #tpu.memory_space<vmem>> -> memref<64x128xf32, #tpu.memory_space<vmem>>
        %dma_start3A_316 = arith.constant 0 : i32
        %dma_start3A_317 = tpu.memref_slice %arg7[%dma_start3A_316, %multiple_of3A] : memref<64x1000000xf32, #tpu.memory_space<hbm>> -> memref<64x128xf32, #tpu.memory_space<hbm>>
        %dma_start3A_318 = arith.constant 0 : i32
        %dma_start3A_319 = arith.constant 0 : i32
        %dma_start3A_320 = tpu.memref_slice %arg14[%and3A_312, %dma_start3A_318, %dma_start3A_319] : memref<12x64x128xf32, #tpu.memory_space<vmem>> -> memref<1x64x128xf32, #tpu.memory_space<vmem>>
        %dma_start3A_321 = tpu.memref_squeeze %dma_start3A_320 : memref<1x64x128xf32, #tpu.memory_space<vmem>> -> memref<64x128xf32, #tpu.memory_space<vmem>>
        %dma_start3A_322 = arith.constant 0 : i32
        %dma_start3A_323 = tpu.memref_slice %arg7[%dma_start3A_322, %multiple_of3A] : memref<64x1000000xf32, #tpu.memory_space<hbm>> -> memref<64x128xf32, #tpu.memory_space<hbm>>
        tpu.enqueue_dma source(%dma_start3A_323 : memref<64x128xf32, #tpu.memory_space<hbm>>) target(%dma_start3A_321 : memref<64x128xf32, #tpu.memory_space<vmem>>) target_semaphore(%arg19 : memref<!tpu.dma_semaphore, #tpu.memory_space<semaphore_mem>>)
      } else {
      }
    }
    %while3A_126 = arith.constant 1 : i32
    scf.for %while3A_191 = %while3A_124 to %while3A_120 step %while3A_126  : i32 {
      %jit3A_192 = arith.constant 16 : i32
      %div3A_193 = arith.divsi %while3A_191, %jit3A_192 : i32
      %sign3A_194 = arith.constant 0 : i32
      %sign3A_195 = arith.cmpi sgt, %while3A_191, %sign3A_194 : i32
      %sign3A_196 = arith.extui %sign3A_195 : i1 to i32
      %sign3A_197 = arith.constant 0 : i32
      %sign3A_198 = arith.cmpi slt, %while3A_191, %sign3A_197 : i32
      %sign3A_199 = arith.extui %sign3A_198 : i1 to i32
      %sign3A_200 = arith.subi %sign3A_196, %sign3A_199 : i32
      %sign3A_201 = arith.constant 0 : i32
      %sign3A_202 = arith.cmpi sgt, %jit3A_192, %sign3A_201 : i32
      %sign3A_203 = arith.extui %sign3A_202 : i1 to i32
      %sign3A_204 = arith.constant 0 : i32
      %sign3A_205 = arith.cmpi slt, %jit3A_192, %sign3A_204 : i32
      %sign3A_206 = arith.extui %sign3A_205 : i1 to i32
      %sign3A_207 = arith.subi %sign3A_203, %sign3A_206 : i32
      %ne3A_208 = arith.cmpi ne, %sign3A_200, %sign3A_207 : i32
      %rem3A_209 = arith.remsi %while3A_191, %jit3A_192 : i32
      %ne3A_210 = arith.constant 0 : i32
      %ne3A_211 = arith.cmpi ne, %rem3A_209, %ne3A_210 : i32
      %and3A_212 = arith.andi %ne3A_208, %ne3A_211 : i1
      %sub3A_213 = arith.constant 1 : i32
      %sub3A_214 = arith.subi %div3A_193, %sub3A_213 : i32
      %select_n3A_215 = arith.select %and3A_212, %sub3A_214, %div3A_193 : i32
      %mul3A_216 = arith.constant 16 : i32
      %mul3A_217 = arith.muli %select_n3A_215, %mul3A_216 : i32
      %get3A_218 = arith.index_cast %mul3A_217 : i32 to index
      %get3A_219 = tpu.vector_load %arg11[%get3A_218] {strides = array<i32>} : memref<256xi32, #tpu.memory_space<vmem>>, vector<16xi32>,
      %jit3A_220 = arith.constant 16 : i32
      %eq3A_221 = arith.constant 0 : i32
      %eq3A_222 = arith.cmpi eq, %jit3A_220, %eq3A_221 : i32
      %jit3A_223 = arith.constant 1 : i32
      %select_n3A_224 = arith.select %eq3A_222, %jit3A_223, %jit3A_220 : i32
      %rem3A_225 = arith.remsi %while3A_191, %select_n3A_224 : i32
      %ne3A_226 = arith.constant 0 : i32
      %ne3A_227 = arith.cmpi ne, %rem3A_225, %ne3A_226 : i32
      %lt3A_228 = arith.constant 0 : i32
      %lt3A_229 = arith.cmpi slt, %rem3A_225, %lt3A_228 : i32
      %lt3A_230 = arith.constant 0 : i32
      %lt3A_231 = arith.cmpi slt, %select_n3A_224, %lt3A_230 : i32
      %ne3A_232 = arith.xori %lt3A_229, %lt3A_231 : i1
      %and3A_233 = arith.andi %ne3A_232, %ne3A_227 : i1
      %add3A_234 = arith.addi %rem3A_225, %select_n3A_224 : i32
      %select_n3A_235 = arith.select %and3A_233, %add3A_234, %rem3A_225 : i32
      %eq3A_236 = vector.broadcast %select_n3A_235 : i32 to vector<16xi32>
      %eq3A_237 = arith.cmpi eq, %iota3A, %eq3A_236 : vector<16xi32>
      %select_n3A_238 = arith.select %eq3A_237, %get3A_219, %broadcast_in_dim3A_1 : vector<16xi1>, vector<16xi32>
      %reduce_max3A_239 = arith.constant true
      %reduce_max3A_240 = vector.broadcast %reduce_max3A_239 : i1 to vector<16xi1>
      %reduce_max3A_241 = arith.constant -2147483648 : i32
      %reduce_max3A_242 = vector.broadcast %reduce_max3A_241 : i32 to vector<16xi32>
      %reduce_max3A_243 = arith.xori %select_n3A_238, %reduce_max3A_242 : vector<16xi32>
      %reduce_max3A_244 = tpu.scan <max>, %reduce_max3A_243 masked %reduce_max3A_240 : vector<16xi32>, vector<16xi1> -> vector<16xi32>
      %reduce_max3A_245 = arith.xori %reduce_max3A_244, %reduce_max3A_242 : vector<16xi32>
      %reduce_max3A_246 = vector.extract %reduce_max3A_245[15] : i32 from vector<16xi32>
      %ge3A = arith.constant 2048 : i32
      %ge3A_247 = arith.cmpi sge, %reduce_max3A_246, %ge3A : i32
      %convert_element_type3A_248 = arith.extui %ge3A_247 : i1 to i32
      %cond3A_249 = arith.constant 0 : i32
      %cond3A_250 = arith.cmpi ne, %convert_element_type3A_248, %cond3A_249 : i32
      scf.if %cond3A_250 {
        %jit3A_251 = arith.constant 16 : i32
        %div3A_252 = arith.divsi %while3A_191, %jit3A_251 : i32
        %sign3A_253 = arith.constant 0 : i32
        %sign3A_254 = arith.cmpi sgt, %while3A_191, %sign3A_253 : i32
        %sign3A_255 = arith.extui %sign3A_254 : i1 to i32
        %sign3A_256 = arith.constant 0 : i32
        %sign3A_257 = arith.cmpi slt, %while3A_191, %sign3A_256 : i32
        %sign3A_258 = arith.extui %sign3A_257 : i1 to i32
        %sign3A_259 = arith.subi %sign3A_255, %sign3A_258 : i32
        %sign3A_260 = arith.constant 0 : i32
        %sign3A_261 = arith.cmpi sgt, %jit3A_251, %sign3A_260 : i32
        %sign3A_262 = arith.extui %sign3A_261 : i1 to i32
        %sign3A_263 = arith.constant 0 : i32
        %sign3A_264 = arith.cmpi slt, %jit3A_251, %sign3A_263 : i32
        %sign3A_265 = arith.extui %sign3A_264 : i1 to i32
        %sign3A_266 = arith.subi %sign3A_262, %sign3A_265 : i32
        %ne3A_267 = arith.cmpi ne, %sign3A_259, %sign3A_266 : i32
        %rem3A_268 = arith.remsi %while3A_191, %jit3A_251 : i32
        %ne3A_269 = arith.constant 0 : i32
        %ne3A_270 = arith.cmpi ne, %rem3A_268, %ne3A_269 : i32
        %and3A_271 = arith.andi %ne3A_267, %ne3A_270 : i1
        %sub3A_272 = arith.constant 1 : i32
        %sub3A_273 = arith.subi %div3A_252, %sub3A_272 : i32
        %select_n3A_274 = arith.select %and3A_271, %sub3A_273, %div3A_252 : i32
        %mul3A_275 = arith.constant 16 : i32
        %mul3A_276 = arith.muli %select_n3A_274, %mul3A_275 : i32
        %get3A_277 = arith.index_cast %mul3A_276 : i32 to index
        %get3A_278 = tpu.vector_load %arg10[%get3A_277] {strides = array<i32>} : memref<256xi32, #tpu.memory_space<vmem>>, vector<16xi32>,
        %jit3A_279 = arith.constant 16 : i32
        %eq3A_280 = arith.constant 0 : i32
        %eq3A_281 = arith.cmpi eq, %jit3A_279, %eq3A_280 : i32
        %jit3A_282 = arith.constant 1 : i32
        %select_n3A_283 = arith.select %eq3A_281, %jit3A_282, %jit3A_279 : i32
        %rem3A_284 = arith.remsi %while3A_191, %select_n3A_283 : i32
        %ne3A_285 = arith.constant 0 : i32
        %ne3A_286 = arith.cmpi ne, %rem3A_284, %ne3A_285 : i32
        %lt3A_287 = arith.constant 0 : i32
        %lt3A_288 = arith.cmpi slt, %rem3A_284, %lt3A_287 : i32
        %lt3A_289 = arith.constant 0 : i32
        %lt3A_290 = arith.cmpi slt, %select_n3A_283, %lt3A_289 : i32
        %ne3A_291 = arith.xori %lt3A_288, %lt3A_290 : i1
        %and3A_292 = arith.andi %ne3A_291, %ne3A_286 : i1
        %add3A_293 = arith.addi %rem3A_284, %select_n3A_283 : i32
        %select_n3A_294 = arith.select %and3A_292, %add3A_293, %rem3A_284 : i32
        %eq3A_295 = vector.broadcast %select_n3A_294 : i32 to vector<16xi32>
        %eq3A_296 = arith.cmpi eq, %iota3A, %eq3A_295 : vector<16xi32>
        %select_n3A_297 = arith.select %eq3A_296, %get3A_278, %broadcast_in_dim3A_1 : vector<16xi1>, vector<16xi32>
        %reduce_max3A_298 = arith.constant true
        %reduce_max3A_299 = vector.broadcast %reduce_max3A_298 : i1 to vector<16xi1>
        %reduce_max3A_300 = arith.constant -2147483648 : i32
        %reduce_max3A_301 = vector.broadcast %reduce_max3A_300 : i32 to vector<16xi32>
        %reduce_max3A_302 = arith.xori %select_n3A_297, %reduce_max3A_301 : vector<16xi32>
        %reduce_max3A_303 = tpu.scan <max>, %reduce_max3A_302 masked %reduce_max3A_299 : vector<16xi32>, vector<16xi1> -> vector<16xi32>
        %reduce_max3A_304 = arith.xori %reduce_max3A_303, %reduce_max3A_301 : vector<16xi32>
        %reduce_max3A_305 = vector.extract %reduce_max3A_304[15] : i32 from vector<16xi32>
        %shift_right_arithmetic3A = arith.constant 7 : i32
        %shift_right_arithmetic3A_306 = arith.shrsi %reduce_max3A_305, %shift_right_arithmetic3A : i32
        %mul3A_307 = arith.constant 128 : i32
        %mul3A_308 = arith.muli %shift_right_arithmetic3A_306, %mul3A_307 : i32
        %multiple_of3A = tpu.assume_multiple %mul3A_308, 128 : i32
        %shift_right_arithmetic3A_309 = arith.constant 7 : i32
        %shift_right_arithmetic3A_310 = arith.shrsi %reduce_max3A_246, %shift_right_arithmetic3A_309 : i32
        %and3A_311 = arith.constant 15 : i32
        %and3A_312 = arith.andi %shift_right_arithmetic3A_310, %and3A_311 : i32
        %dma_start3A = arith.constant 0 : i32
        %dma_start3A_313 = arith.constant 0 : i32
        %dma_start3A_314 = tpu.memref_slice %arg14[%and3A_312, %dma_start3A, %dma_start3A_313] : memref<12x64x128xf32, #tpu.memory_space<vmem>> -> memref<1x64x128xf32, #tpu.memory_space<vmem>>
        %dma_start3A_315 = tpu.memref_squeeze %dma_start3A_314 : memref<1x64x128xf32, #tpu.memory_space<vmem>> -> memref<64x128xf32, #tpu.memory_space<vmem>>
        %dma_start3A_316 = arith.constant 0 : i32
        %dma_start3A_317 = tpu.memref_slice %arg7[%dma_start3A_316, %multiple_of3A] : memref<64x1000000xf32, #tpu.memory_space<hbm>> -> memref<64x128xf32, #tpu.memory_space<hbm>>
        %dma_start3A_318 = arith.constant 0 : i32
        %dma_start3A_319 = arith.constant 0 : i32
        %dma_start3A_320 = tpu.memref_slice %arg14[%and3A_312, %dma_start3A_318, %dma_start3A_319] : memref<12x64x128xf32, #tpu.memory_space<vmem>> -> memref<1x64x128xf32, #tpu.memory_space<vmem>>
        %dma_start3A_321 = tpu.memref_squeeze %dma_start3A_320 : memref<1x64x128xf32, #tpu.memory_space<vmem>> -> memref<64x128xf32, #tpu.memory_space<vmem>>
        %dma_start3A_322 = arith.constant 0 : i32
        %dma_start3A_323 = tpu.memref_slice %arg7[%dma_start3A_322, %multiple_of3A] : memref<64x1000000xf32, #tpu.memory_space<hbm>> -> memref<64x128xf32, #tpu.memory_space<hbm>>
        tpu.enqueue_dma source(%dma_start3A_323 : memref<64x128xf32, #tpu.memory_space<hbm>>) target(%dma_start3A_321 : memref<64x128xf32, #tpu.memory_space<vmem>>) target_semaphore(%arg19 : memref<!tpu.dma_semaphore, #tpu.memory_space<semaphore_mem>>)
      } else {
      }
    }
    %get3A_127 = arith.constant 0 : index
    %get3A_128 = tpu.vector_load %arg12[%get3A_127] {strides = array<i32>} : memref<80xi32, #tpu.memory_space<vmem>>, vector<16xi32>,
    %eq3A_129 = arith.constant 2 : i32
    %eq3A_130 = vector.broadcast %eq3A_129 : i32 to vector<16xi32>
    %eq3A_131 = arith.cmpi eq, %iota3A, %eq3A_130 : vector<16xi32>
    %select_n3A_132 = arith.select %eq3A_131, %get3A_128, %broadcast_in_dim3A_1 : vector<16xi1>, vector<16xi32>
    %reduce_max3A_133 = arith.constant true
    %reduce_max3A_134 = vector.broadcast %reduce_max3A_133 : i1 to vector<16xi1>
    %reduce_max3A_135 = arith.constant -2147483648 : i32
    %reduce_max3A_136 = vector.broadcast %reduce_max3A_135 : i32 to vector<16xi32>
    %reduce_max3A_137 = arith.xori %select_n3A_132, %reduce_max3A_136 : vector<16xi32>
    %reduce_max3A_138 = tpu.scan <max>, %reduce_max3A_137 masked %reduce_max3A_134 : vector<16xi32>, vector<16xi1> -> vector<16xi32>
    %reduce_max3A_139 = arith.xori %reduce_max3A_138, %reduce_max3A_136 : vector<16xi32>
    %reduce_max3A_140 = vector.extract %reduce_max3A_139[15] : i32 from vector<16xi32>
    %get3A_141 = arith.constant 0 : index
    %get3A_142 = tpu.vector_load %arg12[%get3A_141] {strides = array<i32>} : memref<80xi32, #tpu.memory_space<vmem>>, vector<16xi32>,
    %eq3A_143 = arith.constant 3 : i32
    %eq3A_144 = vector.broadcast %eq3A_143 : i32 to vector<16xi32>
    %eq3A_145 = arith.cmpi eq, %iota3A, %eq3A_144 : vector<16xi32>
    %select_n3A_146 = arith.select %eq3A_145, %get3A_142, %broadcast_in_dim3A_1 : vector<16xi1>, vector<16xi32>
    %reduce_max3A_147 = arith.constant true
    %reduce_max3A_148 = vector.broadcast %reduce_max3A_147 : i1 to vector<16xi1>
    %reduce_max3A_149 = arith.constant -2147483648 : i32
    %reduce_max3A_150 = vector.broadcast %reduce_max3A_149 : i32 to vector<16xi32>
    %reduce_max3A_151 = arith.xori %select_n3A_146, %reduce_max3A_150 : vector<16xi32>
    %reduce_max3A_152 = tpu.scan <max>, %reduce_max3A_151 masked %reduce_max3A_148 : vector<16xi32>, vector<16xi1> -> vector<16xi32>
    %reduce_max3A_153 = arith.xori %reduce_max3A_152, %reduce_max3A_150 : vector<16xi32>
    %reduce_max3A_154 = vector.extract %reduce_max3A_153[15] : i32 from vector<16xi32>
    %while3A_155 = arith.constant 0 : i32
    %while3A_156 = arith.subi %reduce_max3A_154, %reduce_max3A_140 : i32
    %while3A_157 = arith.addi %reduce_max3A_140, %while3A_156 : i32
    %while3A_158 = arith.constant 1 : i32
    %while3A_159 = arith.divsi %while3A_156, %while3A_158 : i32
    %while3A_160 = arith.muli %while3A_159, %while3A_158 : i32
    %while3A_161 = arith.addi %reduce_max3A_140, %while3A_160 : i32
    %while3A_162 = arith.constant 1 : i32
    scf.for %while3A_191 = %reduce_max3A_140 to %while3A_161 step %while3A_162  : i32 {
      %jit3A_192 = arith.constant 16 : i32
      %div3A_193 = arith.divsi %while3A_191, %jit3A_192 : i32
      %sign3A_194 = arith.constant 0 : i32
      %sign3A_195 = arith.cmpi sgt, %while3A_191, %sign3A_194 : i32
      %sign3A_196 = arith.extui %sign3A_195 : i1 to i32
      %sign3A_197 = arith.constant 0 : i32
      %sign3A_198 = arith.cmpi slt, %while3A_191, %sign3A_197 : i32
      %sign3A_199 = arith.extui %sign3A_198 : i1 to i32
      %sign3A_200 = arith.subi %sign3A_196, %sign3A_199 : i32
      %sign3A_201 = arith.constant 0 : i32
      %sign3A_202 = arith.cmpi sgt, %jit3A_192, %sign3A_201 : i32
      %sign3A_203 = arith.extui %sign3A_202 : i1 to i32
      %sign3A_204 = arith.constant 0 : i32
      %sign3A_205 = arith.cmpi slt, %jit3A_192, %sign3A_204 : i32
      %sign3A_206 = arith.extui %sign3A_205 : i1 to i32
      %sign3A_207 = arith.subi %sign3A_203, %sign3A_206 : i32
      %ne3A_208 = arith.cmpi ne, %sign3A_200, %sign3A_207 : i32
      %rem3A_209 = arith.remsi %while3A_191, %jit3A_192 : i32
      %ne3A_210 = arith.constant 0 : i32
      %ne3A_211 = arith.cmpi ne, %rem3A_209, %ne3A_210 : i32
      %and3A_212 = arith.andi %ne3A_208, %ne3A_211 : i1
      %sub3A_213 = arith.constant 1 : i32
      %sub3A_214 = arith.subi %div3A_193, %sub3A_213 : i32
      %select_n3A_215 = arith.select %and3A_212, %sub3A_214, %div3A_193 : i32
      %mul3A_216 = arith.constant 16 : i32
      %mul3A_217 = arith.muli %select_n3A_215, %mul3A_216 : i32
      %get3A_218 = arith.index_cast %mul3A_217 : i32 to index
      %get3A_219 = tpu.vector_load %arg11[%get3A_218] {strides = array<i32>} : memref<256xi32, #tpu.memory_space<vmem>>, vector<16xi32>,
      %jit3A_220 = arith.constant 16 : i32
      %eq3A_221 = arith.constant 0 : i32
      %eq3A_222 = arith.cmpi eq, %jit3A_220, %eq3A_221 : i32
      %jit3A_223 = arith.constant 1 : i32
      %select_n3A_224 = arith.select %eq3A_222, %jit3A_223, %jit3A_220 : i32
      %rem3A_225 = arith.remsi %while3A_191, %select_n3A_224 : i32
      %ne3A_226 = arith.constant 0 : i32
      %ne3A_227 = arith.cmpi ne, %rem3A_225, %ne3A_226 : i32
      %lt3A_228 = arith.constant 0 : i32
      %lt3A_229 = arith.cmpi slt, %rem3A_225, %lt3A_228 : i32
      %lt3A_230 = arith.constant 0 : i32
      %lt3A_231 = arith.cmpi slt, %select_n3A_224, %lt3A_230 : i32
      %ne3A_232 = arith.xori %lt3A_229, %lt3A_231 : i1
      %and3A_233 = arith.andi %ne3A_232, %ne3A_227 : i1
      %add3A_234 = arith.addi %rem3A_225, %select_n3A_224 : i32
      %select_n3A_235 = arith.select %and3A_233, %add3A_234, %rem3A_225 : i32
      %eq3A_236 = vector.broadcast %select_n3A_235 : i32 to vector<16xi32>
      %eq3A_237 = arith.cmpi eq, %iota3A, %eq3A_236 : vector<16xi32>
      %select_n3A_238 = arith.select %eq3A_237, %get3A_219, %broadcast_in_dim3A_1 : vector<16xi1>, vector<16xi32>
      %reduce_max3A_239 = arith.constant true
      %reduce_max3A_240 = vector.broadcast %reduce_max3A_239 : i1 to vector<16xi1>
      %reduce_max3A_241 = arith.constant -2147483648 : i32
      %reduce_max3A_242 = vector.broadcast %reduce_max3A_241 : i32 to vector<16xi32>
      %reduce_max3A_243 = arith.xori %select_n3A_238, %reduce_max3A_242 : vector<16xi32>
      %reduce_max3A_244 = tpu.scan <max>, %reduce_max3A_243 masked %reduce_max3A_240 : vector<16xi32>, vector<16xi1> -> vector<16xi32>
      %reduce_max3A_245 = arith.xori %reduce_max3A_244, %reduce_max3A_242 : vector<16xi32>
      %reduce_max3A_246 = vector.extract %reduce_max3A_245[15] : i32 from vector<16xi32>
      %ge3A = arith.constant 2048 : i32
      %ge3A_247 = arith.cmpi sge, %reduce_max3A_246, %ge3A : i32
      %convert_element_type3A_248 = arith.extui %ge3A_247 : i1 to i32
      %cond3A_249 = arith.constant 0 : i32
      %cond3A_250 = arith.cmpi ne, %convert_element_type3A_248, %cond3A_249 : i32
      scf.if %cond3A_250 {
        %jit3A_251 = arith.constant 16 : i32
        %div3A_252 = arith.divsi %while3A_191, %jit3A_251 : i32
        %sign3A_253 = arith.constant 0 : i32
        %sign3A_254 = arith.cmpi sgt, %while3A_191, %sign3A_253 : i32
        %sign3A_255 = arith.extui %sign3A_254 : i1 to i32
        %sign3A_256 = arith.constant 0 : i32
        %sign3A_257 = arith.cmpi slt, %while3A_191, %sign3A_256 : i32
        %sign3A_258 = arith.extui %sign3A_257 : i1 to i32
        %sign3A_259 = arith.subi %sign3A_255, %sign3A_258 : i32
        %sign3A_260 = arith.constant 0 : i32
        %sign3A_261 = arith.cmpi sgt, %jit3A_251, %sign3A_260 : i32
        %sign3A_262 = arith.extui %sign3A_261 : i1 to i32
        %sign3A_263 = arith.constant 0 : i32
        %sign3A_264 = arith.cmpi slt, %jit3A_251, %sign3A_263 : i32
        %sign3A_265 = arith.extui %sign3A_264 : i1 to i32
        %sign3A_266 = arith.subi %sign3A_262, %sign3A_265 : i32
        %ne3A_267 = arith.cmpi ne, %sign3A_259, %sign3A_266 : i32
        %rem3A_268 = arith.remsi %while3A_191, %jit3A_251 : i32
        %ne3A_269 = arith.constant 0 : i32
        %ne3A_270 = arith.cmpi ne, %rem3A_268, %ne3A_269 : i32
        %and3A_271 = arith.andi %ne3A_267, %ne3A_270 : i1
        %sub3A_272 = arith.constant 1 : i32
        %sub3A_273 = arith.subi %div3A_252, %sub3A_272 : i32
        %select_n3A_274 = arith.select %and3A_271, %sub3A_273, %div3A_252 : i32
        %mul3A_275 = arith.constant 16 : i32
        %mul3A_276 = arith.muli %select_n3A_274, %mul3A_275 : i32
        %get3A_277 = arith.index_cast %mul3A_276 : i32 to index
        %get3A_278 = tpu.vector_load %arg10[%get3A_277] {strides = array<i32>} : memref<256xi32, #tpu.memory_space<vmem>>, vector<16xi32>,
        %jit3A_279 = arith.constant 16 : i32
        %eq3A_280 = arith.constant 0 : i32
        %eq3A_281 = arith.cmpi eq, %jit3A_279, %eq3A_280 : i32
        %jit3A_282 = arith.constant 1 : i32
        %select_n3A_283 = arith.select %eq3A_281, %jit3A_282, %jit3A_279 : i32
        %rem3A_284 = arith.remsi %while3A_191, %select_n3A_283 : i32
        %ne3A_285 = arith.constant 0 : i32
        %ne3A_286 = arith.cmpi ne, %rem3A_284, %ne3A_285 : i32
        %lt3A_287 = arith.constant 0 : i32
        %lt3A_288 = arith.cmpi slt, %rem3A_284, %lt3A_287 : i32
        %lt3A_289 = arith.constant 0 : i32
        %lt3A_290 = arith.cmpi slt, %select_n3A_283, %lt3A_289 : i32
        %ne3A_291 = arith.xori %lt3A_288, %lt3A_290 : i1
        %and3A_292 = arith.andi %ne3A_291, %ne3A_286 : i1
        %add3A_293 = arith.addi %rem3A_284, %select_n3A_283 : i32
        %select_n3A_294 = arith.select %and3A_292, %add3A_293, %rem3A_284 : i32
        %eq3A_295 = vector.broadcast %select_n3A_294 : i32 to vector<16xi32>
        %eq3A_296 = arith.cmpi eq, %iota3A, %eq3A_295 : vector<16xi32>
        %select_n3A_297 = arith.select %eq3A_296, %get3A_278, %broadcast_in_dim3A_1 : vector<16xi1>, vector<16xi32>
        %reduce_max3A_298 = arith.constant true
        %reduce_max3A_299 = vector.broadcast %reduce_max3A_298 : i1 to vector<16xi1>
        %reduce_max3A_300 = arith.constant -2147483648 : i32
        %reduce_max3A_301 = vector.broadcast %reduce_max3A_300 : i32 to vector<16xi32>
        %reduce_max3A_302 = arith.xori %select_n3A_297, %reduce_max3A_301 : vector<16xi32>
        %reduce_max3A_303 = tpu.scan <max>, %reduce_max3A_302 masked %reduce_max3A_299 : vector<16xi32>, vector<16xi1> -> vector<16xi32>
        %reduce_max3A_304 = arith.xori %reduce_max3A_303, %reduce_max3A_301 : vector<16xi32>
        %reduce_max3A_305 = vector.extract %reduce_max3A_304[15] : i32 from vector<16xi32>
        %shift_right_arithmetic3A = arith.constant 7 : i32
        %shift_right_arithmetic3A_306 = arith.shrsi %reduce_max3A_305, %shift_right_arithmetic3A : i32
        %mul3A_307 = arith.constant 128 : i32
        %mul3A_308 = arith.muli %shift_right_arithmetic3A_306, %mul3A_307 : i32
        %multiple_of3A = tpu.assume_multiple %mul3A_308, 128 : i32
        %shift_right_arithmetic3A_309 = arith.constant 7 : i32
        %shift_right_arithmetic3A_310 = arith.shrsi %reduce_max3A_246, %shift_right_arithmetic3A_309 : i32
        %and3A_311 = arith.constant 15 : i32
        %and3A_312 = arith.andi %shift_right_arithmetic3A_310, %and3A_311 : i32
        %dma_start3A = arith.constant 0 : i32
        %dma_start3A_313 = arith.constant 0 : i32
        %dma_start3A_314 = tpu.memref_slice %arg14[%and3A_312, %dma_start3A, %dma_start3A_313] : memref<12x64x128xf32, #tpu.memory_space<vmem>> -> memref<1x64x128xf32, #tpu.memory_space<vmem>>
        %dma_start3A_315 = tpu.memref_squeeze %dma_start3A_314 : memref<1x64x128xf32, #tpu.memory_space<vmem>> -> memref<64x128xf32, #tpu.memory_space<vmem>>
        %dma_start3A_316 = arith.constant 0 : i32
        %dma_start3A_317 = tpu.memref_slice %arg7[%dma_start3A_316, %multiple_of3A] : memref<64x1000000xf32, #tpu.memory_space<hbm>> -> memref<64x128xf32, #tpu.memory_space<hbm>>
        %dma_start3A_318 = arith.constant 0 : i32
        %dma_start3A_319 = arith.constant 0 : i32
        %dma_start3A_320 = tpu.memref_slice %arg14[%and3A_312, %dma_start3A_318, %dma_start3A_319] : memref<12x64x128xf32, #tpu.memory_space<vmem>> -> memref<1x64x128xf32, #tpu.memory_space<vmem>>
        %dma_start3A_321 = tpu.memref_squeeze %dma_start3A_320 : memref<1x64x128xf32, #tpu.memory_space<vmem>> -> memref<64x128xf32, #tpu.memory_space<vmem>>
        %dma_start3A_322 = arith.constant 0 : i32
        %dma_start3A_323 = tpu.memref_slice %arg7[%dma_start3A_322, %multiple_of3A] : memref<64x1000000xf32, #tpu.memory_space<hbm>> -> memref<64x128xf32, #tpu.memory_space<hbm>>
        tpu.enqueue_dma source(%dma_start3A_323 : memref<64x128xf32, #tpu.memory_space<hbm>>) target(%dma_start3A_321 : memref<64x128xf32, #tpu.memory_space<vmem>>) target_semaphore(%arg20 : memref<!tpu.dma_semaphore, #tpu.memory_space<semaphore_mem>>)
      } else {
      }
    }
    %while3A_163 = arith.constant 1 : i32
    scf.for %while3A_191 = %while3A_161 to %while3A_157 step %while3A_163  : i32 {
      %jit3A_192 = arith.constant 16 : i32
      %div3A_193 = arith.divsi %while3A_191, %jit3A_192 : i32
      %sign3A_194 = arith.constant 0 : i32
      %sign3A_195 = arith.cmpi sgt, %while3A_191, %sign3A_194 : i32
      %sign3A_196 = arith.extui %sign3A_195 : i1 to i32
      %sign3A_197 = arith.constant 0 : i32
      %sign3A_198 = arith.cmpi slt, %while3A_191, %sign3A_197 : i32
      %sign3A_199 = arith.extui %sign3A_198 : i1 to i32
      %sign3A_200 = arith.subi %sign3A_196, %sign3A_199 : i32
      %sign3A_201 = arith.constant 0 : i32
      %sign3A_202 = arith.cmpi sgt, %jit3A_192, %sign3A_201 : i32
      %sign3A_203 = arith.extui %sign3A_202 : i1 to i32
      %sign3A_204 = arith.constant 0 : i32
      %sign3A_205 = arith.cmpi slt, %jit3A_192, %sign3A_204 : i32
      %sign3A_206 = arith.extui %sign3A_205 : i1 to i32
      %sign3A_207 = arith.subi %sign3A_203, %sign3A_206 : i32
      %ne3A_208 = arith.cmpi ne, %sign3A_200, %sign3A_207 : i32
      %rem3A_209 = arith.remsi %while3A_191, %jit3A_192 : i32
      %ne3A_210 = arith.constant 0 : i32
      %ne3A_211 = arith.cmpi ne, %rem3A_209, %ne3A_210 : i32
      %and3A_212 = arith.andi %ne3A_208, %ne3A_211 : i1
      %sub3A_213 = arith.constant 1 : i32
      %sub3A_214 = arith.subi %div3A_193, %sub3A_213 : i32
      %select_n3A_215 = arith.select %and3A_212, %sub3A_214, %div3A_193 : i32
      %mul3A_216 = arith.constant 16 : i32
      %mul3A_217 = arith.muli %select_n3A_215, %mul3A_216 : i32
      %get3A_218 = arith.index_cast %mul3A_217 : i32 to index
      %get3A_219 = tpu.vector_load %arg11[%get3A_218] {strides = array<i32>} : memref<256xi32, #tpu.memory_space<vmem>>, vector<16xi32>,
      %jit3A_220 = arith.constant 16 : i32
      %eq3A_221 = arith.constant 0 : i32
      %eq3A_222 = arith.cmpi eq, %jit3A_220, %eq3A_221 : i32
      %jit3A_223 = arith.constant 1 : i32
      %select_n3A_224 = arith.select %eq3A_222, %jit3A_223, %jit3A_220 : i32
      %rem3A_225 = arith.remsi %while3A_191, %select_n3A_224 : i32
      %ne3A_226 = arith.constant 0 : i32
      %ne3A_227 = arith.cmpi ne, %rem3A_225, %ne3A_226 : i32
      %lt3A_228 = arith.constant 0 : i32
      %lt3A_229 = arith.cmpi slt, %rem3A_225, %lt3A_228 : i32
      %lt3A_230 = arith.constant 0 : i32
      %lt3A_231 = arith.cmpi slt, %select_n3A_224, %lt3A_230 : i32
      %ne3A_232 = arith.xori %lt3A_229, %lt3A_231 : i1
      %and3A_233 = arith.andi %ne3A_232, %ne3A_227 : i1
      %add3A_234 = arith.addi %rem3A_225, %select_n3A_224 : i32
      %select_n3A_235 = arith.select %and3A_233, %add3A_234, %rem3A_225 : i32
      %eq3A_236 = vector.broadcast %select_n3A_235 : i32 to vector<16xi32>
      %eq3A_237 = arith.cmpi eq, %iota3A, %eq3A_236 : vector<16xi32>
      %select_n3A_238 = arith.select %eq3A_237, %get3A_219, %broadcast_in_dim3A_1 : vector<16xi1>, vector<16xi32>
      %reduce_max3A_239 = arith.constant true
      %reduce_max3A_240 = vector.broadcast %reduce_max3A_239 : i1 to vector<16xi1>
      %reduce_max3A_241 = arith.constant -2147483648 : i32
      %reduce_max3A_242 = vector.broadcast %reduce_max3A_241 : i32 to vector<16xi32>
      %reduce_max3A_243 = arith.xori %select_n3A_238, %reduce_max3A_242 : vector<16xi32>
      %reduce_max3A_244 = tpu.scan <max>, %reduce_max3A_243 masked %reduce_max3A_240 : vector<16xi32>, vector<16xi1> -> vector<16xi32>
      %reduce_max3A_245 = arith.xori %reduce_max3A_244, %reduce_max3A_242 : vector<16xi32>
      %reduce_max3A_246 = vector.extract %reduce_max3A_245[15] : i32 from vector<16xi32>
      %ge3A = arith.constant 2048 : i32
      %ge3A_247 = arith.cmpi sge, %reduce_max3A_246, %ge3A : i32
      %convert_element_type3A_248 = arith.extui %ge3A_247 : i1 to i32
      %cond3A_249 = arith.constant 0 : i32
      %cond3A_250 = arith.cmpi ne, %convert_element_type3A_248, %cond3A_249 : i32
      scf.if %cond3A_250 {
        %jit3A_251 = arith.constant 16 : i32
        %div3A_252 = arith.divsi %while3A_191, %jit3A_251 : i32
        %sign3A_253 = arith.constant 0 : i32
        %sign3A_254 = arith.cmpi sgt, %while3A_191, %sign3A_253 : i32
        %sign3A_255 = arith.extui %sign3A_254 : i1 to i32
        %sign3A_256 = arith.constant 0 : i32
        %sign3A_257 = arith.cmpi slt, %while3A_191, %sign3A_256 : i32
        %sign3A_258 = arith.extui %sign3A_257 : i1 to i32
        %sign3A_259 = arith.subi %sign3A_255, %sign3A_258 : i32
        %sign3A_260 = arith.constant 0 : i32
        %sign3A_261 = arith.cmpi sgt, %jit3A_251, %sign3A_260 : i32
        %sign3A_262 = arith.extui %sign3A_261 : i1 to i32
        %sign3A_263 = arith.constant 0 : i32
        %sign3A_264 = arith.cmpi slt, %jit3A_251, %sign3A_263 : i32
        %sign3A_265 = arith.extui %sign3A_264 : i1 to i32
        %sign3A_266 = arith.subi %sign3A_262, %sign3A_265 : i32
        %ne3A_267 = arith.cmpi ne, %sign3A_259, %sign3A_266 : i32
        %rem3A_268 = arith.remsi %while3A_191, %jit3A_251 : i32
        %ne3A_269 = arith.constant 0 : i32
        %ne3A_270 = arith.cmpi ne, %rem3A_268, %ne3A_269 : i32
        %and3A_271 = arith.andi %ne3A_267, %ne3A_270 : i1
        %sub3A_272 = arith.constant 1 : i32
        %sub3A_273 = arith.subi %div3A_252, %sub3A_272 : i32
        %select_n3A_274 = arith.select %and3A_271, %sub3A_273, %div3A_252 : i32
        %mul3A_275 = arith.constant 16 : i32
        %mul3A_276 = arith.muli %select_n3A_274, %mul3A_275 : i32
        %get3A_277 = arith.index_cast %mul3A_276 : i32 to index
        %get3A_278 = tpu.vector_load %arg10[%get3A_277] {strides = array<i32>} : memref<256xi32, #tpu.memory_space<vmem>>, vector<16xi32>,
        %jit3A_279 = arith.constant 16 : i32
        %eq3A_280 = arith.constant 0 : i32
        %eq3A_281 = arith.cmpi eq, %jit3A_279, %eq3A_280 : i32
        %jit3A_282 = arith.constant 1 : i32
        %select_n3A_283 = arith.select %eq3A_281, %jit3A_282, %jit3A_279 : i32
        %rem3A_284 = arith.remsi %while3A_191, %select_n3A_283 : i32
        %ne3A_285 = arith.constant 0 : i32
        %ne3A_286 = arith.cmpi ne, %rem3A_284, %ne3A_285 : i32
        %lt3A_287 = arith.constant 0 : i32
        %lt3A_288 = arith.cmpi slt, %rem3A_284, %lt3A_287 : i32
        %lt3A_289 = arith.constant 0 : i32
        %lt3A_290 = arith.cmpi slt, %select_n3A_283, %lt3A_289 : i32
        %ne3A_291 = arith.xori %lt3A_288, %lt3A_290 : i1
        %and3A_292 = arith.andi %ne3A_291, %ne3A_286 : i1
        %add3A_293 = arith.addi %rem3A_284, %select_n3A_283 : i32
        %select_n3A_294 = arith.select %and3A_292, %add3A_293, %rem3A_284 : i32
        %eq3A_295 = vector.broadcast %select_n3A_294 : i32 to vector<16xi32>
        %eq3A_296 = arith.cmpi eq, %iota3A, %eq3A_295 : vector<16xi32>
        %select_n3A_297 = arith.select %eq3A_296, %get3A_278, %broadcast_in_dim3A_1 : vector<16xi1>, vector<16xi32>
        %reduce_max3A_298 = arith.constant true
        %reduce_max3A_299 = vector.broadcast %reduce_max3A_298 : i1 to vector<16xi1>
        %reduce_max3A_300 = arith.constant -2147483648 : i32
        %reduce_max3A_301 = vector.broadcast %reduce_max3A_300 : i32 to vector<16xi32>
        %reduce_max3A_302 = arith.xori %select_n3A_297, %reduce_max3A_301 : vector<16xi32>
        %reduce_max3A_303 = tpu.scan <max>, %reduce_max3A_302 masked %reduce_max3A_299 : vector<16xi32>, vector<16xi1> -> vector<16xi32>
        %reduce_max3A_304 = arith.xori %reduce_max3A_303, %reduce_max3A_301 : vector<16xi32>
        %reduce_max3A_305 = vector.extract %reduce_max3A_304[15] : i32 from vector<16xi32>
        %shift_right_arithmetic3A = arith.constant 7 : i32
        %shift_right_arithmetic3A_306 = arith.shrsi %reduce_max3A_305, %shift_right_arithmetic3A : i32
        %mul3A_307 = arith.constant 128 : i32
        %mul3A_308 = arith.muli %shift_right_arithmetic3A_306, %mul3A_307 : i32
        %multiple_of3A = tpu.assume_multiple %mul3A_308, 128 : i32
        %shift_right_arithmetic3A_309 = arith.constant 7 : i32
        %shift_right_arithmetic3A_310 = arith.shrsi %reduce_max3A_246, %shift_right_arithmetic3A_309 : i32
        %and3A_311 = arith.constant 15 : i32
        %and3A_312 = arith.andi %shift_right_arithmetic3A_310, %and3A_311 : i32
        %dma_start3A = arith.constant 0 : i32
        %dma_start3A_313 = arith.constant 0 : i32
        %dma_start3A_314 = tpu.memref_slice %arg14[%and3A_312, %dma_start3A, %dma_start3A_313] : memref<12x64x128xf32, #tpu.memory_space<vmem>> -> memref<1x64x128xf32, #tpu.memory_space<vmem>>
        %dma_start3A_315 = tpu.memref_squeeze %dma_start3A_314 : memref<1x64x128xf32, #tpu.memory_space<vmem>> -> memref<64x128xf32, #tpu.memory_space<vmem>>
        %dma_start3A_316 = arith.constant 0 : i32
        %dma_start3A_317 = tpu.memref_slice %arg7[%dma_start3A_316, %multiple_of3A] : memref<64x1000000xf32, #tpu.memory_space<hbm>> -> memref<64x128xf32, #tpu.memory_space<hbm>>
        %dma_start3A_318 = arith.constant 0 : i32
        %dma_start3A_319 = arith.constant 0 : i32
        %dma_start3A_320 = tpu.memref_slice %arg14[%and3A_312, %dma_start3A_318, %dma_start3A_319] : memref<12x64x128xf32, #tpu.memory_space<vmem>> -> memref<1x64x128xf32, #tpu.memory_space<vmem>>
        %dma_start3A_321 = tpu.memref_squeeze %dma_start3A_320 : memref<1x64x128xf32, #tpu.memory_space<vmem>> -> memref<64x128xf32, #tpu.memory_space<vmem>>
        %dma_start3A_322 = arith.constant 0 : i32
        %dma_start3A_323 = tpu.memref_slice %arg7[%dma_start3A_322, %multiple_of3A] : memref<64x1000000xf32, #tpu.memory_space<hbm>> -> memref<64x128xf32, #tpu.memory_space<hbm>>
        tpu.enqueue_dma source(%dma_start3A_323 : memref<64x128xf32, #tpu.memory_space<hbm>>) target(%dma_start3A_321 : memref<64x128xf32, #tpu.memory_space<vmem>>) target_semaphore(%arg20 : memref<!tpu.dma_semaphore, #tpu.memory_space<semaphore_mem>>)
      } else {
      }
    }
    %broadcast_in_dim3A_164 = arith.constant 0.000000e+00 : f32
    %broadcast_in_dim3A_165 = vector.broadcast %broadcast_in_dim3A_164 : f32 to vector<16xf32>
    %scan3A = arith.constant 0 : i32
    %scan3A_166 = arith.constant 22 : i32
    %scan3A_167 = arith.addi %scan3A, %scan3A_166 : i32
    %scan3A_168 = arith.constant 1 : i32
    %scan3A_169:4 = scf.for %scan3A_191 = %scan3A to %scan3A_167 step %scan3A_168 iter_args(%scan3A_192 = %broadcast_in_dim3A_165, %scan3A_193 = %broadcast_in_dim3A_165, %scan3A_194 = %broadcast_in_dim3A_165, %scan3A_195 = %broadcast_in_dim3A_165) -> (vector<16xf32>, vector<16xf32>, vector<16xf32>, vector<16xf32>)  : i32 {
      %mul3A_196 = arith.constant 3 : i32
      %mul3A_197 = arith.muli %mul3A_196, %scan3A_191 : i32
      %add3A_198 = arith.constant 0 : i32
      %add3A_199 = arith.addi %mul3A_197, %add3A_198 : i32
      %mul3A_200 = arith.constant 4 : i32
      %mul3A_201 = arith.muli %add3A_199, %mul3A_200 : i32
      %add3A_202 = arith.constant 0 : i32
      %add3A_203 = arith.addi %mul3A_201, %add3A_202 : i32
      %lt3A_204 = arith.cmpi slt, %add3A_203, %reduce_max3A_50 : i32
      %convert_element_type3A_205 = arith.extui %lt3A_204 : i1 to i32
      %cond3A_206 = arith.constant 0 : i32
      %cond3A_207 = arith.cmpi ne, %convert_element_type3A_205, %cond3A_206 : i32
      scf.if %cond3A_207 {
        %dma_wait3A = arith.constant 0 : i32
        %dma_wait3A_1039 = arith.constant 0 : i32
        %dma_wait3A_1040 = arith.constant 0 : i32
        %dma_wait3A_1041 = tpu.memref_slice %arg14[%dma_wait3A, %dma_wait3A_1039, %dma_wait3A_1040] : memref<12x64x128xf32, #tpu.memory_space<vmem>> -> memref<1x64x128xf32, #tpu.memory_space<vmem>>
        %dma_wait3A_1042 = tpu.memref_squeeze %dma_wait3A_1041 : memref<1x64x128xf32, #tpu.memory_space<vmem>> -> memref<64x128xf32, #tpu.memory_space<vmem>>
        %dma_wait3A_1043 = arith.constant 0 : i32
        %dma_wait3A_1044 = arith.constant 0 : i32
        %dma_wait3A_1045 = tpu.memref_slice %arg7[%dma_wait3A_1043, %dma_wait3A_1044] : memref<64x1000000xf32, #tpu.memory_space<hbm>> -> memref<64x128xf32, #tpu.memory_space<hbm>>
        %dma_wait3A_1046 = arith.constant 0 : i32
        %dma_wait3A_1047 = arith.constant 0 : i32
        %dma_wait3A_1048 = tpu.memref_slice %arg14[%dma_wait3A, %dma_wait3A_1046, %dma_wait3A_1047] : memref<12x64x128xf32, #tpu.memory_space<vmem>> -> memref<1x64x128xf32, #tpu.memory_space<vmem>>
        %dma_wait3A_1049 = tpu.memref_squeeze %dma_wait3A_1048 : memref<1x64x128xf32, #tpu.memory_space<vmem>> -> memref<64x128xf32, #tpu.memory_space<vmem>>
        %dma_wait3A_1050 = arith.constant 0 : i32
        %dma_wait3A_1051 = arith.constant 0 : i32
        %dma_wait3A_1052 = tpu.memref_slice %arg7[%dma_wait3A_1050, %dma_wait3A_1051] : memref<64x1000000xf32, #tpu.memory_space<hbm>> -> memref<64x128xf32, #tpu.memory_space<hbm>>
        tpu.wait_dma2 semaphore(%arg18 : memref<!tpu.dma_semaphore, #tpu.memory_space<semaphore_mem>>) src(%dma_wait3A_1052 : memref<64x128xf32, #tpu.memory_space<hbm>>) dst(%dma_wait3A_1049 : memref<64x128xf32, #tpu.memory_space<vmem>>)
      } else {
      }
      %mul3A_208 = arith.constant 4 : i32
      %mul3A_209 = arith.muli %add3A_199, %mul3A_208 : i32
      %add3A_210 = arith.constant 1 : i32
      %add3A_211 = arith.addi %mul3A_209, %add3A_210 : i32
      %lt3A_212 = arith.cmpi slt, %add3A_211, %reduce_max3A_50 : i32
      %convert_element_type3A_213 = arith.extui %lt3A_212 : i1 to i32
      %cond3A_214 = arith.constant 0 : i32
      %cond3A_215 = arith.cmpi ne, %convert_element_type3A_213, %cond3A_214 : i32
      scf.if %cond3A_215 {
        %dma_wait3A = arith.constant 0 : i32
        %dma_wait3A_1039 = arith.constant 0 : i32
        %dma_wait3A_1040 = arith.constant 0 : i32
        %dma_wait3A_1041 = tpu.memref_slice %arg14[%dma_wait3A, %dma_wait3A_1039, %dma_wait3A_1040] : memref<12x64x128xf32, #tpu.memory_space<vmem>> -> memref<1x64x128xf32, #tpu.memory_space<vmem>>
        %dma_wait3A_1042 = tpu.memref_squeeze %dma_wait3A_1041 : memref<1x64x128xf32, #tpu.memory_space<vmem>> -> memref<64x128xf32, #tpu.memory_space<vmem>>
        %dma_wait3A_1043 = arith.constant 0 : i32
        %dma_wait3A_1044 = arith.constant 0 : i32
        %dma_wait3A_1045 = tpu.memref_slice %arg7[%dma_wait3A_1043, %dma_wait3A_1044] : memref<64x1000000xf32, #tpu.memory_space<hbm>> -> memref<64x128xf32, #tpu.memory_space<hbm>>
        %dma_wait3A_1046 = arith.constant 0 : i32
        %dma_wait3A_1047 = arith.constant 0 : i32
        %dma_wait3A_1048 = tpu.memref_slice %arg14[%dma_wait3A, %dma_wait3A_1046, %dma_wait3A_1047] : memref<12x64x128xf32, #tpu.memory_space<vmem>> -> memref<1x64x128xf32, #tpu.memory_space<vmem>>
        %dma_wait3A_1049 = tpu.memref_squeeze %dma_wait3A_1048 : memref<1x64x128xf32, #tpu.memory_space<vmem>> -> memref<64x128xf32, #tpu.memory_space<vmem>>
        %dma_wait3A_1050 = arith.constant 0 : i32
        %dma_wait3A_1051 = arith.constant 0 : i32
        %dma_wait3A_1052 = tpu.memref_slice %arg7[%dma_wait3A_1050, %dma_wait3A_1051] : memref<64x1000000xf32, #tpu.memory_space<hbm>> -> memref<64x128xf32, #tpu.memory_space<hbm>>
        tpu.wait_dma2 semaphore(%arg18 : memref<!tpu.dma_semaphore, #tpu.memory_space<semaphore_mem>>) src(%dma_wait3A_1052 : memref<64x128xf32, #tpu.memory_space<hbm>>) dst(%dma_wait3A_1049 : memref<64x128xf32, #tpu.memory_space<vmem>>)
      } else {
      }
      %mul3A_216 = arith.constant 4 : i32
      %mul3A_217 = arith.muli %add3A_199, %mul3A_216 : i32
      %add3A_218 = arith.constant 2 : i32
      %add3A_219 = arith.addi %mul3A_217, %add3A_218 : i32
      %lt3A_220 = arith.cmpi slt, %add3A_219, %reduce_max3A_50 : i32
      %convert_element_type3A_221 = arith.extui %lt3A_220 : i1 to i32
      %cond3A_222 = arith.constant 0 : i32
      %cond3A_223 = arith.cmpi ne, %convert_element_type3A_221, %cond3A_222 : i32
      scf.if %cond3A_223 {
        %dma_wait3A = arith.constant 0 : i32
        %dma_wait3A_1039 = arith.constant 0 : i32
        %dma_wait3A_1040 = arith.constant 0 : i32
        %dma_wait3A_1041 = tpu.memref_slice %arg14[%dma_wait3A, %dma_wait3A_1039, %dma_wait3A_1040] : memref<12x64x128xf32, #tpu.memory_space<vmem>> -> memref<1x64x128xf32, #tpu.memory_space<vmem>>
        %dma_wait3A_1042 = tpu.memref_squeeze %dma_wait3A_1041 : memref<1x64x128xf32, #tpu.memory_space<vmem>> -> memref<64x128xf32, #tpu.memory_space<vmem>>
        %dma_wait3A_1043 = arith.constant 0 : i32
        %dma_wait3A_1044 = arith.constant 0 : i32
        %dma_wait3A_1045 = tpu.memref_slice %arg7[%dma_wait3A_1043, %dma_wait3A_1044] : memref<64x1000000xf32, #tpu.memory_space<hbm>> -> memref<64x128xf32, #tpu.memory_space<hbm>>
        %dma_wait3A_1046 = arith.constant 0 : i32
        %dma_wait3A_1047 = arith.constant 0 : i32
        %dma_wait3A_1048 = tpu.memref_slice %arg14[%dma_wait3A, %dma_wait3A_1046, %dma_wait3A_1047] : memref<12x64x128xf32, #tpu.memory_space<vmem>> -> memref<1x64x128xf32, #tpu.memory_space<vmem>>
        %dma_wait3A_1049 = tpu.memref_squeeze %dma_wait3A_1048 : memref<1x64x128xf32, #tpu.memory_space<vmem>> -> memref<64x128xf32, #tpu.memory_space<vmem>>
        %dma_wait3A_1050 = arith.constant 0 : i32
        %dma_wait3A_1051 = arith.constant 0 : i32
        %dma_wait3A_1052 = tpu.memref_slice %arg7[%dma_wait3A_1050, %dma_wait3A_1051] : memref<64x1000000xf32, #tpu.memory_space<hbm>> -> memref<64x128xf32, #tpu.memory_space<hbm>>
        tpu.wait_dma2 semaphore(%arg18 : memref<!tpu.dma_semaphore, #tpu.memory_space<semaphore_mem>>) src(%dma_wait3A_1052 : memref<64x128xf32, #tpu.memory_space<hbm>>) dst(%dma_wait3A_1049 : memref<64x128xf32, #tpu.memory_space<vmem>>)
      } else {
      }
      %mul3A_224 = arith.constant 4 : i32
      %mul3A_225 = arith.muli %add3A_199, %mul3A_224 : i32
      %add3A_226 = arith.constant 3 : i32
      %add3A_227 = arith.addi %mul3A_225, %add3A_226 : i32
      %lt3A_228 = arith.cmpi slt, %add3A_227, %reduce_max3A_50 : i32
      %convert_element_type3A_229 = arith.extui %lt3A_228 : i1 to i32
      %cond3A_230 = arith.constant 0 : i32
      %cond3A_231 = arith.cmpi ne, %convert_element_type3A_229, %cond3A_230 : i32
      scf.if %cond3A_231 {
        %dma_wait3A = arith.constant 0 : i32
        %dma_wait3A_1039 = arith.constant 0 : i32
        %dma_wait3A_1040 = arith.constant 0 : i32
        %dma_wait3A_1041 = tpu.memref_slice %arg14[%dma_wait3A, %dma_wait3A_1039, %dma_wait3A_1040] : memref<12x64x128xf32, #tpu.memory_space<vmem>> -> memref<1x64x128xf32, #tpu.memory_space<vmem>>
        %dma_wait3A_1042 = tpu.memref_squeeze %dma_wait3A_1041 : memref<1x64x128xf32, #tpu.memory_space<vmem>> -> memref<64x128xf32, #tpu.memory_space<vmem>>
        %dma_wait3A_1043 = arith.constant 0 : i32
        %dma_wait3A_1044 = arith.constant 0 : i32
        %dma_wait3A_1045 = tpu.memref_slice %arg7[%dma_wait3A_1043, %dma_wait3A_1044] : memref<64x1000000xf32, #tpu.memory_space<hbm>> -> memref<64x128xf32, #tpu.memory_space<hbm>>
        %dma_wait3A_1046 = arith.constant 0 : i32
        %dma_wait3A_1047 = arith.constant 0 : i32
        %dma_wait3A_1048 = tpu.memref_slice %arg14[%dma_wait3A, %dma_wait3A_1046, %dma_wait3A_1047] : memref<12x64x128xf32, #tpu.memory_space<vmem>> -> memref<1x64x128xf32, #tpu.memory_space<vmem>>
        %dma_wait3A_1049 = tpu.memref_squeeze %dma_wait3A_1048 : memref<1x64x128xf32, #tpu.memory_space<vmem>> -> memref<64x128xf32, #tpu.memory_space<vmem>>
        %dma_wait3A_1050 = arith.constant 0 : i32
        %dma_wait3A_1051 = arith.constant 0 : i32
        %dma_wait3A_1052 = tpu.memref_slice %arg7[%dma_wait3A_1050, %dma_wait3A_1051] : memref<64x1000000xf32, #tpu.memory_space<hbm>> -> memref<64x128xf32, #tpu.memory_space<hbm>>
        tpu.wait_dma2 semaphore(%arg18 : memref<!tpu.dma_semaphore, #tpu.memory_space<semaphore_mem>>) src(%dma_wait3A_1052 : memref<64x128xf32, #tpu.memory_space<hbm>>) dst(%dma_wait3A_1049 : memref<64x128xf32, #tpu.memory_space<vmem>>)
      } else {
      }
      %jit3A_232 = arith.constant 16 : i32
      %div3A_233 = arith.divsi %add3A_199, %jit3A_232 : i32
      %sign3A_234 = arith.constant 0 : i32
      %sign3A_235 = arith.cmpi sgt, %add3A_199, %sign3A_234 : i32
      %sign3A_236 = arith.extui %sign3A_235 : i1 to i32
      %sign3A_237 = arith.constant 0 : i32
      %sign3A_238 = arith.cmpi slt, %add3A_199, %sign3A_237 : i32
      %sign3A_239 = arith.extui %sign3A_238 : i1 to i32
      %sign3A_240 = arith.subi %sign3A_236, %sign3A_239 : i32
      %sign3A_241 = arith.constant 0 : i32
      %sign3A_242 = arith.cmpi sgt, %jit3A_232, %sign3A_241 : i32
      %sign3A_243 = arith.extui %sign3A_242 : i1 to i32
      %sign3A_244 = arith.constant 0 : i32
      %sign3A_245 = arith.cmpi slt, %jit3A_232, %sign3A_244 : i32
      %sign3A_246 = arith.extui %sign3A_245 : i1 to i32
      %sign3A_247 = arith.subi %sign3A_243, %sign3A_246 : i32
      %ne3A_248 = arith.cmpi ne, %sign3A_240, %sign3A_247 : i32
      %rem3A_249 = arith.remsi %add3A_199, %jit3A_232 : i32
      %ne3A_250 = arith.constant 0 : i32
      %ne3A_251 = arith.cmpi ne, %rem3A_249, %ne3A_250 : i32
      %and3A_252 = arith.andi %ne3A_248, %ne3A_251 : i1
      %sub3A_253 = arith.constant 1 : i32
      %sub3A_254 = arith.subi %div3A_233, %sub3A_253 : i32
      %select_n3A_255 = arith.select %and3A_252, %sub3A_254, %div3A_233 : i32
      %mul3A_256 = arith.constant 16 : i32
      %mul3A_257 = arith.muli %select_n3A_255, %mul3A_256 : i32
      %get3A_258 = arith.index_cast %mul3A_257 : i32 to index
      %get3A_259 = tpu.vector_load %arg12[%get3A_258] {strides = array<i32>} : memref<80xi32, #tpu.memory_space<vmem>>, vector<16xi32>,
      %jit3A_260 = arith.constant 16 : i32
      %eq3A_261 = arith.constant 0 : i32
      %eq3A_262 = arith.cmpi eq, %jit3A_260, %eq3A_261 : i32
      %jit3A_263 = arith.constant 1 : i32
      %select_n3A_264 = arith.select %eq3A_262, %jit3A_263, %jit3A_260 : i32
      %rem3A_265 = arith.remsi %add3A_199, %select_n3A_264 : i32
      %ne3A_266 = arith.constant 0 : i32
      %ne3A_267 = arith.cmpi ne, %rem3A_265, %ne3A_266 : i32
      %lt3A_268 = arith.constant 0 : i32
      %lt3A_269 = arith.cmpi slt, %rem3A_265, %lt3A_268 : i32
      %lt3A_270 = arith.constant 0 : i32
      %lt3A_271 = arith.cmpi slt, %select_n3A_264, %lt3A_270 : i32
      %ne3A_272 = arith.xori %lt3A_269, %lt3A_271 : i1
      %and3A_273 = arith.andi %ne3A_272, %ne3A_267 : i1
      %add3A_274 = arith.addi %rem3A_265, %select_n3A_264 : i32
      %select_n3A_275 = arith.select %and3A_273, %add3A_274, %rem3A_265 : i32
      %eq3A_276 = vector.broadcast %select_n3A_275 : i32 to vector<16xi32>
      %eq3A_277 = arith.cmpi eq, %iota3A, %eq3A_276 : vector<16xi32>
      %select_n3A_278 = arith.select %eq3A_277, %get3A_259, %broadcast_in_dim3A_1 : vector<16xi1>, vector<16xi32>
      %reduce_max3A_279 = arith.constant true
      %reduce_max3A_280 = vector.broadcast %reduce_max3A_279 : i1 to vector<16xi1>
      %reduce_max3A_281 = arith.constant -2147483648 : i32
      %reduce_max3A_282 = vector.broadcast %reduce_max3A_281 : i32 to vector<16xi32>
      %reduce_max3A_283 = arith.xori %select_n3A_278, %reduce_max3A_282 : vector<16xi32>
      %reduce_max3A_284 = tpu.scan <max>, %reduce_max3A_283 masked %reduce_max3A_280 : vector<16xi32>, vector<16xi1> -> vector<16xi32>
      %reduce_max3A_285 = arith.xori %reduce_max3A_284, %reduce_max3A_282 : vector<16xi32>
      %reduce_max3A_286 = vector.extract %reduce_max3A_285[15] : i32 from vector<16xi32>
      %add3A_287 = arith.constant 1 : i32
      %add3A_288 = arith.addi %add3A_199, %add3A_287 : i32
      %jit3A_289 = arith.constant 16 : i32
      %div3A_290 = arith.divsi %add3A_288, %jit3A_289 : i32
      %sign3A_291 = arith.constant 0 : i32
      %sign3A_292 = arith.cmpi sgt, %add3A_288, %sign3A_291 : i32
      %sign3A_293 = arith.extui %sign3A_292 : i1 to i32
      %sign3A_294 = arith.constant 0 : i32
      %sign3A_295 = arith.cmpi slt, %add3A_288, %sign3A_294 : i32
      %sign3A_296 = arith.extui %sign3A_295 : i1 to i32
      %sign3A_297 = arith.subi %sign3A_293, %sign3A_296 : i32
      %sign3A_298 = arith.constant 0 : i32
      %sign3A_299 = arith.cmpi sgt, %jit3A_289, %sign3A_298 : i32
      %sign3A_300 = arith.extui %sign3A_299 : i1 to i32
      %sign3A_301 = arith.constant 0 : i32
      %sign3A_302 = arith.cmpi slt, %jit3A_289, %sign3A_301 : i32
      %sign3A_303 = arith.extui %sign3A_302 : i1 to i32
      %sign3A_304 = arith.subi %sign3A_300, %sign3A_303 : i32
      %ne3A_305 = arith.cmpi ne, %sign3A_297, %sign3A_304 : i32
      %rem3A_306 = arith.remsi %add3A_288, %jit3A_289 : i32
      %ne3A_307 = arith.constant 0 : i32
      %ne3A_308 = arith.cmpi ne, %rem3A_306, %ne3A_307 : i32
      %and3A_309 = arith.andi %ne3A_305, %ne3A_308 : i1
      %sub3A_310 = arith.constant 1 : i32
      %sub3A_311 = arith.subi %div3A_290, %sub3A_310 : i32
      %select_n3A_312 = arith.select %and3A_309, %sub3A_311, %div3A_290 : i32
      %mul3A_313 = arith.constant 16 : i32
      %mul3A_314 = arith.muli %select_n3A_312, %mul3A_313 : i32
      %get3A_315 = arith.index_cast %mul3A_314 : i32 to index
      %get3A_316 = tpu.vector_load %arg12[%get3A_315] {strides = array<i32>} : memref<80xi32, #tpu.memory_space<vmem>>, vector<16xi32>,
      %jit3A_317 = arith.constant 16 : i32
      %eq3A_318 = arith.constant 0 : i32
      %eq3A_319 = arith.cmpi eq, %jit3A_317, %eq3A_318 : i32
      %jit3A_320 = arith.constant 1 : i32
      %select_n3A_321 = arith.select %eq3A_319, %jit3A_320, %jit3A_317 : i32
      %rem3A_322 = arith.remsi %add3A_288, %select_n3A_321 : i32
      %ne3A_323 = arith.constant 0 : i32
      %ne3A_324 = arith.cmpi ne, %rem3A_322, %ne3A_323 : i32
      %lt3A_325 = arith.constant 0 : i32
      %lt3A_326 = arith.cmpi slt, %rem3A_322, %lt3A_325 : i32
      %lt3A_327 = arith.constant 0 : i32
      %lt3A_328 = arith.cmpi slt, %select_n3A_321, %lt3A_327 : i32
      %ne3A_329 = arith.xori %lt3A_326, %lt3A_328 : i1
      %and3A_330 = arith.andi %ne3A_329, %ne3A_324 : i1
      %add3A_331 = arith.addi %rem3A_322, %select_n3A_321 : i32
      %select_n3A_332 = arith.select %and3A_330, %add3A_331, %rem3A_322 : i32
      %eq3A_333 = vector.broadcast %select_n3A_332 : i32 to vector<16xi32>
      %eq3A_334 = arith.cmpi eq, %iota3A, %eq3A_333 : vector<16xi32>
      %select_n3A_335 = arith.select %eq3A_334, %get3A_316, %broadcast_in_dim3A_1 : vector<16xi1>, vector<16xi32>
      %reduce_max3A_336 = arith.constant true
      %reduce_max3A_337 = vector.broadcast %reduce_max3A_336 : i1 to vector<16xi1>
      %reduce_max3A_338 = arith.constant -2147483648 : i32
      %reduce_max3A_339 = vector.broadcast %reduce_max3A_338 : i32 to vector<16xi32>
      %reduce_max3A_340 = arith.xori %select_n3A_335, %reduce_max3A_339 : vector<16xi32>
      %reduce_max3A_341 = tpu.scan <max>, %reduce_max3A_340 masked %reduce_max3A_337 : vector<16xi32>, vector<16xi1> -> vector<16xi32>
      %reduce_max3A_342 = arith.xori %reduce_max3A_341, %reduce_max3A_339 : vector<16xi32>
      %reduce_max3A_343 = vector.extract %reduce_max3A_342[15] : i32 from vector<16xi32>
      %while3A_344 = arith.subi %reduce_max3A_343, %reduce_max3A_286 : i32
      %while3A_345 = arith.addi %reduce_max3A_286, %while3A_344 : i32
      %while3A_346 = arith.constant 1 : i32
      %while3A_347 = arith.divsi %while3A_344, %while3A_346 : i32
      %while3A_348 = arith.muli %while3A_347, %while3A_346 : i32
      %while3A_349 = arith.addi %reduce_max3A_286, %while3A_348 : i32
      %while3A_350 = arith.constant 1 : i32
      %while3A_351:4 = scf.for %while3A_1039 = %reduce_max3A_286 to %while3A_349 step %while3A_350 iter_args(%while3A_1040 = %scan3A_192, %while3A_1041 = %scan3A_193, %while3A_1042 = %scan3A_194, %while3A_1043 = %scan3A_195) -> (vector<16xf32>, vector<16xf32>, vector<16xf32>, vector<16xf32>)  : i32 {
        %jit3A_1044 = arith.constant 16 : i32
        %div3A_1045 = arith.divsi %while3A_1039, %jit3A_1044 : i32
        %sign3A_1046 = arith.constant 0 : i32
        %sign3A_1047 = arith.cmpi sgt, %while3A_1039, %sign3A_1046 : i32
        %sign3A_1048 = arith.extui %sign3A_1047 : i1 to i32
        %sign3A_1049 = arith.constant 0 : i32
        %sign3A_1050 = arith.cmpi slt, %while3A_1039, %sign3A_1049 : i32
        %sign3A_1051 = arith.extui %sign3A_1050 : i1 to i32
        %sign3A_1052 = arith.subi %sign3A_1048, %sign3A_1051 : i32
        %sign3A_1053 = arith.constant 0 : i32
        %sign3A_1054 = arith.cmpi sgt, %jit3A_1044, %sign3A_1053 : i32
        %sign3A_1055 = arith.extui %sign3A_1054 : i1 to i32
        %sign3A_1056 = arith.constant 0 : i32
        %sign3A_1057 = arith.cmpi slt, %jit3A_1044, %sign3A_1056 : i32
        %sign3A_1058 = arith.extui %sign3A_1057 : i1 to i32
        %sign3A_1059 = arith.subi %sign3A_1055, %sign3A_1058 : i32
        %ne3A_1060 = arith.cmpi ne, %sign3A_1052, %sign3A_1059 : i32
        %rem3A_1061 = arith.remsi %while3A_1039, %jit3A_1044 : i32
        %ne3A_1062 = arith.constant 0 : i32
        %ne3A_1063 = arith.cmpi ne, %rem3A_1061, %ne3A_1062 : i32
        %and3A_1064 = arith.andi %ne3A_1060, %ne3A_1063 : i1
        %sub3A_1065 = arith.constant 1 : i32
        %sub3A_1066 = arith.subi %div3A_1045, %sub3A_1065 : i32
        %select_n3A_1067 = arith.select %and3A_1064, %sub3A_1066, %div3A_1045 : i32
        %mul3A_1068 = arith.constant 16 : i32
        %mul3A_1069 = arith.muli %select_n3A_1067, %mul3A_1068 : i32
        %get3A_1070 = arith.index_cast %mul3A_1069 : i32 to index
        %get3A_1071 = tpu.vector_load %arg11[%get3A_1070] {strides = array<i32>} : memref<256xi32, #tpu.memory_space<vmem>>, vector<16xi32>,
        %jit3A_1072 = arith.constant 16 : i32
        %eq3A_1073 = arith.constant 0 : i32
        %eq3A_1074 = arith.cmpi eq, %jit3A_1072, %eq3A_1073 : i32
        %jit3A_1075 = arith.constant 1 : i32
        %select_n3A_1076 = arith.select %eq3A_1074, %jit3A_1075, %jit3A_1072 : i32
        %rem3A_1077 = arith.remsi %while3A_1039, %select_n3A_1076 : i32
        %ne3A_1078 = arith.constant 0 : i32
        %ne3A_1079 = arith.cmpi ne, %rem3A_1077, %ne3A_1078 : i32
        %lt3A_1080 = arith.constant 0 : i32
        %lt3A_1081 = arith.cmpi slt, %rem3A_1077, %lt3A_1080 : i32
        %lt3A_1082 = arith.constant 0 : i32
        %lt3A_1083 = arith.cmpi slt, %select_n3A_1076, %lt3A_1082 : i32
        %ne3A_1084 = arith.xori %lt3A_1081, %lt3A_1083 : i1
        %and3A_1085 = arith.andi %ne3A_1084, %ne3A_1079 : i1
        %add3A_1086 = arith.addi %rem3A_1077, %select_n3A_1076 : i32
        %select_n3A_1087 = arith.select %and3A_1085, %add3A_1086, %rem3A_1077 : i32
        %eq3A_1088 = vector.broadcast %select_n3A_1087 : i32 to vector<16xi32>
        %eq3A_1089 = arith.cmpi eq, %iota3A, %eq3A_1088 : vector<16xi32>
        %select_n3A_1090 = arith.select %eq3A_1089, %get3A_1071, %broadcast_in_dim3A_1 : vector<16xi1>, vector<16xi32>
        %reduce_max3A_1091 = arith.constant true
        %reduce_max3A_1092 = vector.broadcast %reduce_max3A_1091 : i1 to vector<16xi1>
        %reduce_max3A_1093 = arith.constant -2147483648 : i32
        %reduce_max3A_1094 = vector.broadcast %reduce_max3A_1093 : i32 to vector<16xi32>
        %reduce_max3A_1095 = arith.xori %select_n3A_1090, %reduce_max3A_1094 : vector<16xi32>
        %reduce_max3A_1096 = tpu.scan <max>, %reduce_max3A_1095 masked %reduce_max3A_1092 : vector<16xi32>, vector<16xi1> -> vector<16xi32>
        %reduce_max3A_1097 = arith.xori %reduce_max3A_1096, %reduce_max3A_1094 : vector<16xi32>
        %reduce_max3A_1098 = vector.extract %reduce_max3A_1097[15] : i32 from vector<16xi32>
        %and3A_1099 = arith.constant 127 : i32
        %and3A_1100 = arith.andi %reduce_max3A_1098, %and3A_1099 : i32
        %broadcast_in_dim3A_1101 = vector.broadcast %and3A_1100 : i32 to vector<16xi32>
        %shift_right_arithmetic3A = arith.constant 7 : i32
        %shift_right_arithmetic3A_1102 = arith.shrsi %reduce_max3A_1098, %shift_right_arithmetic3A : i32
        %and3A_1103 = arith.constant 15 : i32
        %and3A_1104 = arith.andi %shift_right_arithmetic3A_1102, %and3A_1103 : i32
        %broadcast_in_dim3A_1105 = vector.broadcast %and3A_1104 : i32 to vector<16xi32>
        %gather3A = tpu.vector_load_idx %arg14[%broadcast_in_dim3A_1105, %iota3A, %broadcast_in_dim3A_1101] : memref<12x64x128xf32, #tpu.memory_space<vmem>>[vector<16xi32>, vector<16xi32>, vector<16xi32>], vector<16xf32>,
        %add3A_1106 = arith.addf %while3A_1040, %gather3A : vector<16xf32>
        %add3A_1107 = arith.constant 16 : i32
        %add3A_1108 = vector.broadcast %add3A_1107 : i32 to vector<16xi32>
        %add3A_1109 = arith.addi %iota3A, %add3A_1108 : vector<16xi32>
        %gather3A_1110 = tpu.vector_load_idx %arg14[%broadcast_in_dim3A_1105, %add3A_1109, %broadcast_in_dim3A_1101] : memref<12x64x128xf32, #tpu.memory_space<vmem>>[vector<16xi32>, vector<16xi32>, vector<16xi32>], vector<16xf32>,
        %add3A_1111 = arith.addf %while3A_1041, %gather3A_1110 : vector<16xf32>
        %add3A_1112 = arith.constant 32 : i32
        %add3A_1113 = vector.broadcast %add3A_1112 : i32 to vector<16xi32>
        %add3A_1114 = arith.addi %iota3A, %add3A_1113 : vector<16xi32>
        %gather3A_1115 = tpu.vector_load_idx %arg14[%broadcast_in_dim3A_1105, %add3A_1114, %broadcast_in_dim3A_1101] : memref<12x64x128xf32, #tpu.memory_space<vmem>>[vector<16xi32>, vector<16xi32>, vector<16xi32>], vector<16xf32>,
        %add3A_1116 = arith.addf %while3A_1042, %gather3A_1115 : vector<16xf32>
        %add3A_1117 = arith.constant 48 : i32
        %add3A_1118 = vector.broadcast %add3A_1117 : i32 to vector<16xi32>
        %add3A_1119 = arith.addi %iota3A, %add3A_1118 : vector<16xi32>
        %gather3A_1120 = tpu.vector_load_idx %arg14[%broadcast_in_dim3A_1105, %add3A_1119, %broadcast_in_dim3A_1101] : memref<12x64x128xf32, #tpu.memory_space<vmem>>[vector<16xi32>, vector<16xi32>, vector<16xi32>], vector<16xf32>,
        %add3A_1121 = arith.addf %while3A_1043, %gather3A_1120 : vector<16xf32>
        scf.yield %add3A_1106, %add3A_1111, %add3A_1116, %add3A_1121 : vector<16xf32>, vector<16xf32>, vector<16xf32>, vector<16xf32>
      }
      %while3A_352 = arith.constant 1 : i32
      %while3A_353:4 = scf.for %while3A_1039 = %while3A_349 to %while3A_345 step %while3A_352 iter_args(%while3A_1040 = %while3A_351#0, %while3A_1041 = %while3A_351#1, %while3A_1042 = %while3A_351#2, %while3A_1043 = %while3A_351#3) -> (vector<16xf32>, vector<16xf32>, vector<16xf32>, vector<16xf32>)  : i32 {
        %jit3A_1044 = arith.constant 16 : i32
        %div3A_1045 = arith.divsi %while3A_1039, %jit3A_1044 : i32
        %sign3A_1046 = arith.constant 0 : i32
        %sign3A_1047 = arith.cmpi sgt, %while3A_1039, %sign3A_1046 : i32
        %sign3A_1048 = arith.extui %sign3A_1047 : i1 to i32
        %sign3A_1049 = arith.constant 0 : i32
        %sign3A_1050 = arith.cmpi slt, %while3A_1039, %sign3A_1049 : i32
        %sign3A_1051 = arith.extui %sign3A_1050 : i1 to i32
        %sign3A_1052 = arith.subi %sign3A_1048, %sign3A_1051 : i32
        %sign3A_1053 = arith.constant 0 : i32
        %sign3A_1054 = arith.cmpi sgt, %jit3A_1044, %sign3A_1053 : i32
        %sign3A_1055 = arith.extui %sign3A_1054 : i1 to i32
        %sign3A_1056 = arith.constant 0 : i32
        %sign3A_1057 = arith.cmpi slt, %jit3A_1044, %sign3A_1056 : i32
        %sign3A_1058 = arith.extui %sign3A_1057 : i1 to i32
        %sign3A_1059 = arith.subi %sign3A_1055, %sign3A_1058 : i32
        %ne3A_1060 = arith.cmpi ne, %sign3A_1052, %sign3A_1059 : i32
        %rem3A_1061 = arith.remsi %while3A_1039, %jit3A_1044 : i32
        %ne3A_1062 = arith.constant 0 : i32
        %ne3A_1063 = arith.cmpi ne, %rem3A_1061, %ne3A_1062 : i32
        %and3A_1064 = arith.andi %ne3A_1060, %ne3A_1063 : i1
        %sub3A_1065 = arith.constant 1 : i32
        %sub3A_1066 = arith.subi %div3A_1045, %sub3A_1065 : i32
        %select_n3A_1067 = arith.select %and3A_1064, %sub3A_1066, %div3A_1045 : i32
        %mul3A_1068 = arith.constant 16 : i32
        %mul3A_1069 = arith.muli %select_n3A_1067, %mul3A_1068 : i32
        %get3A_1070 = arith.index_cast %mul3A_1069 : i32 to index
        %get3A_1071 = tpu.vector_load %arg11[%get3A_1070] {strides = array<i32>} : memref<256xi32, #tpu.memory_space<vmem>>, vector<16xi32>,
        %jit3A_1072 = arith.constant 16 : i32
        %eq3A_1073 = arith.constant 0 : i32
        %eq3A_1074 = arith.cmpi eq, %jit3A_1072, %eq3A_1073 : i32
        %jit3A_1075 = arith.constant 1 : i32
        %select_n3A_1076 = arith.select %eq3A_1074, %jit3A_1075, %jit3A_1072 : i32
        %rem3A_1077 = arith.remsi %while3A_1039, %select_n3A_1076 : i32
        %ne3A_1078 = arith.constant 0 : i32
        %ne3A_1079 = arith.cmpi ne, %rem3A_1077, %ne3A_1078 : i32
        %lt3A_1080 = arith.constant 0 : i32
        %lt3A_1081 = arith.cmpi slt, %rem3A_1077, %lt3A_1080 : i32
        %lt3A_1082 = arith.constant 0 : i32
        %lt3A_1083 = arith.cmpi slt, %select_n3A_1076, %lt3A_1082 : i32
        %ne3A_1084 = arith.xori %lt3A_1081, %lt3A_1083 : i1
        %and3A_1085 = arith.andi %ne3A_1084, %ne3A_1079 : i1
        %add3A_1086 = arith.addi %rem3A_1077, %select_n3A_1076 : i32
        %select_n3A_1087 = arith.select %and3A_1085, %add3A_1086, %rem3A_1077 : i32
        %eq3A_1088 = vector.broadcast %select_n3A_1087 : i32 to vector<16xi32>
        %eq3A_1089 = arith.cmpi eq, %iota3A, %eq3A_1088 : vector<16xi32>
        %select_n3A_1090 = arith.select %eq3A_1089, %get3A_1071, %broadcast_in_dim3A_1 : vector<16xi1>, vector<16xi32>
        %reduce_max3A_1091 = arith.constant true
        %reduce_max3A_1092 = vector.broadcast %reduce_max3A_1091 : i1 to vector<16xi1>
        %reduce_max3A_1093 = arith.constant -2147483648 : i32
        %reduce_max3A_1094 = vector.broadcast %reduce_max3A_1093 : i32 to vector<16xi32>
        %reduce_max3A_1095 = arith.xori %select_n3A_1090, %reduce_max3A_1094 : vector<16xi32>
        %reduce_max3A_1096 = tpu.scan <max>, %reduce_max3A_1095 masked %reduce_max3A_1092 : vector<16xi32>, vector<16xi1> -> vector<16xi32>
        %reduce_max3A_1097 = arith.xori %reduce_max3A_1096, %reduce_max3A_1094 : vector<16xi32>
        %reduce_max3A_1098 = vector.extract %reduce_max3A_1097[15] : i32 from vector<16xi32>
        %and3A_1099 = arith.constant 127 : i32
        %and3A_1100 = arith.andi %reduce_max3A_1098, %and3A_1099 : i32
        %broadcast_in_dim3A_1101 = vector.broadcast %and3A_1100 : i32 to vector<16xi32>
        %shift_right_arithmetic3A = arith.constant 7 : i32
        %shift_right_arithmetic3A_1102 = arith.shrsi %reduce_max3A_1098, %shift_right_arithmetic3A : i32
        %and3A_1103 = arith.constant 15 : i32
        %and3A_1104 = arith.andi %shift_right_arithmetic3A_1102, %and3A_1103 : i32
        %broadcast_in_dim3A_1105 = vector.broadcast %and3A_1104 : i32 to vector<16xi32>
        %gather3A = tpu.vector_load_idx %arg14[%broadcast_in_dim3A_1105, %iota3A, %broadcast_in_dim3A_1101] : memref<12x64x128xf32, #tpu.memory_space<vmem>>[vector<16xi32>, vector<16xi32>, vector<16xi32>], vector<16xf32>,
        %add3A_1106 = arith.addf %while3A_1040, %gather3A : vector<16xf32>
        %add3A_1107 = arith.constant 16 : i32
        %add3A_1108 = vector.broadcast %add3A_1107 : i32 to vector<16xi32>
        %add3A_1109 = arith.addi %iota3A, %add3A_1108 : vector<16xi32>
        %gather3A_1110 = tpu.vector_load_idx %arg14[%broadcast_in_dim3A_1105, %add3A_1109, %broadcast_in_dim3A_1101] : memref<12x64x128xf32, #tpu.memory_space<vmem>>[vector<16xi32>, vector<16xi32>, vector<16xi32>], vector<16xf32>,
        %add3A_1111 = arith.addf %while3A_1041, %gather3A_1110 : vector<16xf32>
        %add3A_1112 = arith.constant 32 : i32
        %add3A_1113 = vector.broadcast %add3A_1112 : i32 to vector<16xi32>
        %add3A_1114 = arith.addi %iota3A, %add3A_1113 : vector<16xi32>
        %gather3A_1115 = tpu.vector_load_idx %arg14[%broadcast_in_dim3A_1105, %add3A_1114, %broadcast_in_dim3A_1101] : memref<12x64x128xf32, #tpu.memory_space<vmem>>[vector<16xi32>, vector<16xi32>, vector<16xi32>], vector<16xf32>,
        %add3A_1116 = arith.addf %while3A_1042, %gather3A_1115 : vector<16xf32>
        %add3A_1117 = arith.constant 48 : i32
        %add3A_1118 = vector.broadcast %add3A_1117 : i32 to vector<16xi32>
        %add3A_1119 = arith.addi %iota3A, %add3A_1118 : vector<16xi32>
        %gather3A_1120 = tpu.vector_load_idx %arg14[%broadcast_in_dim3A_1105, %add3A_1119, %broadcast_in_dim3A_1101] : memref<12x64x128xf32, #tpu.memory_space<vmem>>[vector<16xi32>, vector<16xi32>, vector<16xi32>], vector<16xf32>,
        %add3A_1121 = arith.addf %while3A_1043, %gather3A_1120 : vector<16xf32>
        scf.yield %add3A_1106, %add3A_1111, %add3A_1116, %add3A_1121 : vector<16xf32>, vector<16xf32>, vector<16xf32>, vector<16xf32>
      }
      %add3A_354 = arith.constant 3 : i32
      %add3A_355 = arith.addi %add3A_199, %add3A_354 : i32
      %jit3A_356 = arith.constant 16 : i32
      %div3A_357 = arith.divsi %add3A_355, %jit3A_356 : i32
      %sign3A_358 = arith.constant 0 : i32
      %sign3A_359 = arith.cmpi sgt, %add3A_355, %sign3A_358 : i32
      %sign3A_360 = arith.extui %sign3A_359 : i1 to i32
      %sign3A_361 = arith.constant 0 : i32
      %sign3A_362 = arith.cmpi slt, %add3A_355, %sign3A_361 : i32
      %sign3A_363 = arith.extui %sign3A_362 : i1 to i32
      %sign3A_364 = arith.subi %sign3A_360, %sign3A_363 : i32
      %sign3A_365 = arith.constant 0 : i32
      %sign3A_366 = arith.cmpi sgt, %jit3A_356, %sign3A_365 : i32
      %sign3A_367 = arith.extui %sign3A_366 : i1 to i32
      %sign3A_368 = arith.constant 0 : i32
      %sign3A_369 = arith.cmpi slt, %jit3A_356, %sign3A_368 : i32
      %sign3A_370 = arith.extui %sign3A_369 : i1 to i32
      %sign3A_371 = arith.subi %sign3A_367, %sign3A_370 : i32
      %ne3A_372 = arith.cmpi ne, %sign3A_364, %sign3A_371 : i32
      %rem3A_373 = arith.remsi %add3A_355, %jit3A_356 : i32
      %ne3A_374 = arith.constant 0 : i32
      %ne3A_375 = arith.cmpi ne, %rem3A_373, %ne3A_374 : i32
      %and3A_376 = arith.andi %ne3A_372, %ne3A_375 : i1
      %sub3A_377 = arith.constant 1 : i32
      %sub3A_378 = arith.subi %div3A_357, %sub3A_377 : i32
      %select_n3A_379 = arith.select %and3A_376, %sub3A_378, %div3A_357 : i32
      %mul3A_380 = arith.constant 16 : i32
      %mul3A_381 = arith.muli %select_n3A_379, %mul3A_380 : i32
      %get3A_382 = arith.index_cast %mul3A_381 : i32 to index
      %get3A_383 = tpu.vector_load %arg12[%get3A_382] {strides = array<i32>} : memref<80xi32, #tpu.memory_space<vmem>>, vector<16xi32>,
      %jit3A_384 = arith.constant 16 : i32
      %eq3A_385 = arith.constant 0 : i32
      %eq3A_386 = arith.cmpi eq, %jit3A_384, %eq3A_385 : i32
      %jit3A_387 = arith.constant 1 : i32
      %select_n3A_388 = arith.select %eq3A_386, %jit3A_387, %jit3A_384 : i32
      %rem3A_389 = arith.remsi %add3A_355, %select_n3A_388 : i32
      %ne3A_390 = arith.constant 0 : i32
      %ne3A_391 = arith.cmpi ne, %rem3A_389, %ne3A_390 : i32
      %lt3A_392 = arith.constant 0 : i32
      %lt3A_393 = arith.cmpi slt, %rem3A_389, %lt3A_392 : i32
      %lt3A_394 = arith.constant 0 : i32
      %lt3A_395 = arith.cmpi slt, %select_n3A_388, %lt3A_394 : i32
      %ne3A_396 = arith.xori %lt3A_393, %lt3A_395 : i1
      %and3A_397 = arith.andi %ne3A_396, %ne3A_391 : i1
      %add3A_398 = arith.addi %rem3A_389, %select_n3A_388 : i32
      %select_n3A_399 = arith.select %and3A_397, %add3A_398, %rem3A_389 : i32
      %eq3A_400 = vector.broadcast %select_n3A_399 : i32 to vector<16xi32>
      %eq3A_401 = arith.cmpi eq, %iota3A, %eq3A_400 : vector<16xi32>
      %select_n3A_402 = arith.select %eq3A_401, %get3A_383, %broadcast_in_dim3A_1 : vector<16xi1>, vector<16xi32>
      %reduce_max3A_403 = arith.constant true
      %reduce_max3A_404 = vector.broadcast %reduce_max3A_403 : i1 to vector<16xi1>
      %reduce_max3A_405 = arith.constant -2147483648 : i32
      %reduce_max3A_406 = vector.broadcast %reduce_max3A_405 : i32 to vector<16xi32>
      %reduce_max3A_407 = arith.xori %select_n3A_402, %reduce_max3A_406 : vector<16xi32>
      %reduce_max3A_408 = tpu.scan <max>, %reduce_max3A_407 masked %reduce_max3A_404 : vector<16xi32>, vector<16xi1> -> vector<16xi32>
      %reduce_max3A_409 = arith.xori %reduce_max3A_408, %reduce_max3A_406 : vector<16xi32>
      %reduce_max3A_410 = vector.extract %reduce_max3A_409[15] : i32 from vector<16xi32>
      %add3A_411 = arith.constant 4 : i32
      %add3A_412 = arith.addi %add3A_199, %add3A_411 : i32
      %jit3A_413 = arith.constant 16 : i32
      %div3A_414 = arith.divsi %add3A_412, %jit3A_413 : i32
      %sign3A_415 = arith.constant 0 : i32
      %sign3A_416 = arith.cmpi sgt, %add3A_412, %sign3A_415 : i32
      %sign3A_417 = arith.extui %sign3A_416 : i1 to i32
      %sign3A_418 = arith.constant 0 : i32
      %sign3A_419 = arith.cmpi slt, %add3A_412, %sign3A_418 : i32
      %sign3A_420 = arith.extui %sign3A_419 : i1 to i32
      %sign3A_421 = arith.subi %sign3A_417, %sign3A_420 : i32
      %sign3A_422 = arith.constant 0 : i32
      %sign3A_423 = arith.cmpi sgt, %jit3A_413, %sign3A_422 : i32
      %sign3A_424 = arith.extui %sign3A_423 : i1 to i32
      %sign3A_425 = arith.constant 0 : i32
      %sign3A_426 = arith.cmpi slt, %jit3A_413, %sign3A_425 : i32
      %sign3A_427 = arith.extui %sign3A_426 : i1 to i32
      %sign3A_428 = arith.subi %sign3A_424, %sign3A_427 : i32
      %ne3A_429 = arith.cmpi ne, %sign3A_421, %sign3A_428 : i32
      %rem3A_430 = arith.remsi %add3A_412, %jit3A_413 : i32
      %ne3A_431 = arith.constant 0 : i32
      %ne3A_432 = arith.cmpi ne, %rem3A_430, %ne3A_431 : i32
      %and3A_433 = arith.andi %ne3A_429, %ne3A_432 : i1
      %sub3A_434 = arith.constant 1 : i32
      %sub3A_435 = arith.subi %div3A_414, %sub3A_434 : i32
      %select_n3A_436 = arith.select %and3A_433, %sub3A_435, %div3A_414 : i32
      %mul3A_437 = arith.constant 16 : i32
      %mul3A_438 = arith.muli %select_n3A_436, %mul3A_437 : i32
      %get3A_439 = arith.index_cast %mul3A_438 : i32 to index
      %get3A_440 = tpu.vector_load %arg12[%get3A_439] {strides = array<i32>} : memref<80xi32, #tpu.memory_space<vmem>>, vector<16xi32>,
      %jit3A_441 = arith.constant 16 : i32
      %eq3A_442 = arith.constant 0 : i32
      %eq3A_443 = arith.cmpi eq, %jit3A_441, %eq3A_442 : i32
      %jit3A_444 = arith.constant 1 : i32
      %select_n3A_445 = arith.select %eq3A_443, %jit3A_444, %jit3A_441 : i32
      %rem3A_446 = arith.remsi %add3A_412, %select_n3A_445 : i32
      %ne3A_447 = arith.constant 0 : i32
      %ne3A_448 = arith.cmpi ne, %rem3A_446, %ne3A_447 : i32
      %lt3A_449 = arith.constant 0 : i32
      %lt3A_450 = arith.cmpi slt, %rem3A_446, %lt3A_449 : i32
      %lt3A_451 = arith.constant 0 : i32
      %lt3A_452 = arith.cmpi slt, %select_n3A_445, %lt3A_451 : i32
      %ne3A_453 = arith.xori %lt3A_450, %lt3A_452 : i1
      %and3A_454 = arith.andi %ne3A_453, %ne3A_448 : i1
      %add3A_455 = arith.addi %rem3A_446, %select_n3A_445 : i32
      %select_n3A_456 = arith.select %and3A_454, %add3A_455, %rem3A_446 : i32
      %eq3A_457 = vector.broadcast %select_n3A_456 : i32 to vector<16xi32>
      %eq3A_458 = arith.cmpi eq, %iota3A, %eq3A_457 : vector<16xi32>
      %select_n3A_459 = arith.select %eq3A_458, %get3A_440, %broadcast_in_dim3A_1 : vector<16xi1>, vector<16xi32>
      %reduce_max3A_460 = arith.constant true
      %reduce_max3A_461 = vector.broadcast %reduce_max3A_460 : i1 to vector<16xi1>
      %reduce_max3A_462 = arith.constant -2147483648 : i32
      %reduce_max3A_463 = vector.broadcast %reduce_max3A_462 : i32 to vector<16xi32>
      %reduce_max3A_464 = arith.xori %select_n3A_459, %reduce_max3A_463 : vector<16xi32>
      %reduce_max3A_465 = tpu.scan <max>, %reduce_max3A_464 masked %reduce_max3A_461 : vector<16xi32>, vector<16xi1> -> vector<16xi32>
      %reduce_max3A_466 = arith.xori %reduce_max3A_465, %reduce_max3A_463 : vector<16xi32>
      %reduce_max3A_467 = vector.extract %reduce_max3A_466[15] : i32 from vector<16xi32>
      %while3A_468 = arith.constant 0 : i32
      %while3A_469 = arith.subi %reduce_max3A_467, %reduce_max3A_410 : i32
      %while3A_470 = arith.addi %reduce_max3A_410, %while3A_469 : i32
      %while3A_471 = arith.constant 1 : i32
      %while3A_472 = arith.divsi %while3A_469, %while3A_471 : i32
      %while3A_473 = arith.muli %while3A_472, %while3A_471 : i32
      %while3A_474 = arith.addi %reduce_max3A_410, %while3A_473 : i32
      %while3A_475 = arith.constant 1 : i32
      scf.for %while3A_1039 = %reduce_max3A_410 to %while3A_474 step %while3A_475  : i32 {
        %jit3A_1040 = arith.constant 16 : i32
        %div3A_1041 = arith.divsi %while3A_1039, %jit3A_1040 : i32
        %sign3A_1042 = arith.constant 0 : i32
        %sign3A_1043 = arith.cmpi sgt, %while3A_1039, %sign3A_1042 : i32
        %sign3A_1044 = arith.extui %sign3A_1043 : i1 to i32
        %sign3A_1045 = arith.constant 0 : i32
        %sign3A_1046 = arith.cmpi slt, %while3A_1039, %sign3A_1045 : i32
        %sign3A_1047 = arith.extui %sign3A_1046 : i1 to i32
        %sign3A_1048 = arith.subi %sign3A_1044, %sign3A_1047 : i32
        %sign3A_1049 = arith.constant 0 : i32
        %sign3A_1050 = arith.cmpi sgt, %jit3A_1040, %sign3A_1049 : i32
        %sign3A_1051 = arith.extui %sign3A_1050 : i1 to i32
        %sign3A_1052 = arith.constant 0 : i32
        %sign3A_1053 = arith.cmpi slt, %jit3A_1040, %sign3A_1052 : i32
        %sign3A_1054 = arith.extui %sign3A_1053 : i1 to i32
        %sign3A_1055 = arith.subi %sign3A_1051, %sign3A_1054 : i32
        %ne3A_1056 = arith.cmpi ne, %sign3A_1048, %sign3A_1055 : i32
        %rem3A_1057 = arith.remsi %while3A_1039, %jit3A_1040 : i32
        %ne3A_1058 = arith.constant 0 : i32
        %ne3A_1059 = arith.cmpi ne, %rem3A_1057, %ne3A_1058 : i32
        %and3A_1060 = arith.andi %ne3A_1056, %ne3A_1059 : i1
        %sub3A_1061 = arith.constant 1 : i32
        %sub3A_1062 = arith.subi %div3A_1041, %sub3A_1061 : i32
        %select_n3A_1063 = arith.select %and3A_1060, %sub3A_1062, %div3A_1041 : i32
        %mul3A_1064 = arith.constant 16 : i32
        %mul3A_1065 = arith.muli %select_n3A_1063, %mul3A_1064 : i32
        %get3A_1066 = arith.index_cast %mul3A_1065 : i32 to index
        %get3A_1067 = tpu.vector_load %arg11[%get3A_1066] {strides = array<i32>} : memref<256xi32, #tpu.memory_space<vmem>>, vector<16xi32>,
        %jit3A_1068 = arith.constant 16 : i32
        %eq3A_1069 = arith.constant 0 : i32
        %eq3A_1070 = arith.cmpi eq, %jit3A_1068, %eq3A_1069 : i32
        %jit3A_1071 = arith.constant 1 : i32
        %select_n3A_1072 = arith.select %eq3A_1070, %jit3A_1071, %jit3A_1068 : i32
        %rem3A_1073 = arith.remsi %while3A_1039, %select_n3A_1072 : i32
        %ne3A_1074 = arith.constant 0 : i32
        %ne3A_1075 = arith.cmpi ne, %rem3A_1073, %ne3A_1074 : i32
        %lt3A_1076 = arith.constant 0 : i32
        %lt3A_1077 = arith.cmpi slt, %rem3A_1073, %lt3A_1076 : i32
        %lt3A_1078 = arith.constant 0 : i32
        %lt3A_1079 = arith.cmpi slt, %select_n3A_1072, %lt3A_1078 : i32
        %ne3A_1080 = arith.xori %lt3A_1077, %lt3A_1079 : i1
        %and3A_1081 = arith.andi %ne3A_1080, %ne3A_1075 : i1
        %add3A_1082 = arith.addi %rem3A_1073, %select_n3A_1072 : i32
        %select_n3A_1083 = arith.select %and3A_1081, %add3A_1082, %rem3A_1073 : i32
        %eq3A_1084 = vector.broadcast %select_n3A_1083 : i32 to vector<16xi32>
        %eq3A_1085 = arith.cmpi eq, %iota3A, %eq3A_1084 : vector<16xi32>
        %select_n3A_1086 = arith.select %eq3A_1085, %get3A_1067, %broadcast_in_dim3A_1 : vector<16xi1>, vector<16xi32>
        %reduce_max3A_1087 = arith.constant true
        %reduce_max3A_1088 = vector.broadcast %reduce_max3A_1087 : i1 to vector<16xi1>
        %reduce_max3A_1089 = arith.constant -2147483648 : i32
        %reduce_max3A_1090 = vector.broadcast %reduce_max3A_1089 : i32 to vector<16xi32>
        %reduce_max3A_1091 = arith.xori %select_n3A_1086, %reduce_max3A_1090 : vector<16xi32>
        %reduce_max3A_1092 = tpu.scan <max>, %reduce_max3A_1091 masked %reduce_max3A_1088 : vector<16xi32>, vector<16xi1> -> vector<16xi32>
        %reduce_max3A_1093 = arith.xori %reduce_max3A_1092, %reduce_max3A_1090 : vector<16xi32>
        %reduce_max3A_1094 = vector.extract %reduce_max3A_1093[15] : i32 from vector<16xi32>
        %ge3A = arith.constant 2048 : i32
        %ge3A_1095 = arith.cmpi sge, %reduce_max3A_1094, %ge3A : i32
        %convert_element_type3A_1096 = arith.extui %ge3A_1095 : i1 to i32
        %cond3A_1097 = arith.constant 0 : i32
        %cond3A_1098 = arith.cmpi ne, %convert_element_type3A_1096, %cond3A_1097 : i32
        scf.if %cond3A_1098 {
          %jit3A_1099 = arith.constant 16 : i32
          %div3A_1100 = arith.divsi %while3A_1039, %jit3A_1099 : i32
          %sign3A_1101 = arith.constant 0 : i32
          %sign3A_1102 = arith.cmpi sgt, %while3A_1039, %sign3A_1101 : i32
          %sign3A_1103 = arith.extui %sign3A_1102 : i1 to i32
          %sign3A_1104 = arith.constant 0 : i32
          %sign3A_1105 = arith.cmpi slt, %while3A_1039, %sign3A_1104 : i32
          %sign3A_1106 = arith.extui %sign3A_1105 : i1 to i32
          %sign3A_1107 = arith.subi %sign3A_1103, %sign3A_1106 : i32
          %sign3A_1108 = arith.constant 0 : i32
          %sign3A_1109 = arith.cmpi sgt, %jit3A_1099, %sign3A_1108 : i32
          %sign3A_1110 = arith.extui %sign3A_1109 : i1 to i32
          %sign3A_1111 = arith.constant 0 : i32
          %sign3A_1112 = arith.cmpi slt, %jit3A_1099, %sign3A_1111 : i32
          %sign3A_1113 = arith.extui %sign3A_1112 : i1 to i32
          %sign3A_1114 = arith.subi %sign3A_1110, %sign3A_1113 : i32
          %ne3A_1115 = arith.cmpi ne, %sign3A_1107, %sign3A_1114 : i32
          %rem3A_1116 = arith.remsi %while3A_1039, %jit3A_1099 : i32
          %ne3A_1117 = arith.constant 0 : i32
          %ne3A_1118 = arith.cmpi ne, %rem3A_1116, %ne3A_1117 : i32
          %and3A_1119 = arith.andi %ne3A_1115, %ne3A_1118 : i1
          %sub3A_1120 = arith.constant 1 : i32
          %sub3A_1121 = arith.subi %div3A_1100, %sub3A_1120 : i32
          %select_n3A_1122 = arith.select %and3A_1119, %sub3A_1121, %div3A_1100 : i32
          %mul3A_1123 = arith.constant 16 : i32
          %mul3A_1124 = arith.muli %select_n3A_1122, %mul3A_1123 : i32
          %get3A_1125 = arith.index_cast %mul3A_1124 : i32 to index
          %get3A_1126 = tpu.vector_load %arg10[%get3A_1125] {strides = array<i32>} : memref<256xi32, #tpu.memory_space<vmem>>, vector<16xi32>,
          %jit3A_1127 = arith.constant 16 : i32
          %eq3A_1128 = arith.constant 0 : i32
          %eq3A_1129 = arith.cmpi eq, %jit3A_1127, %eq3A_1128 : i32
          %jit3A_1130 = arith.constant 1 : i32
          %select_n3A_1131 = arith.select %eq3A_1129, %jit3A_1130, %jit3A_1127 : i32
          %rem3A_1132 = arith.remsi %while3A_1039, %select_n3A_1131 : i32
          %ne3A_1133 = arith.constant 0 : i32
          %ne3A_1134 = arith.cmpi ne, %rem3A_1132, %ne3A_1133 : i32
          %lt3A_1135 = arith.constant 0 : i32
          %lt3A_1136 = arith.cmpi slt, %rem3A_1132, %lt3A_1135 : i32
          %lt3A_1137 = arith.constant 0 : i32
          %lt3A_1138 = arith.cmpi slt, %select_n3A_1131, %lt3A_1137 : i32
          %ne3A_1139 = arith.xori %lt3A_1136, %lt3A_1138 : i1
          %and3A_1140 = arith.andi %ne3A_1139, %ne3A_1134 : i1
          %add3A_1141 = arith.addi %rem3A_1132, %select_n3A_1131 : i32
          %select_n3A_1142 = arith.select %and3A_1140, %add3A_1141, %rem3A_1132 : i32
          %eq3A_1143 = vector.broadcast %select_n3A_1142 : i32 to vector<16xi32>
          %eq3A_1144 = arith.cmpi eq, %iota3A, %eq3A_1143 : vector<16xi32>
          %select_n3A_1145 = arith.select %eq3A_1144, %get3A_1126, %broadcast_in_dim3A_1 : vector<16xi1>, vector<16xi32>
          %reduce_max3A_1146 = arith.constant true
          %reduce_max3A_1147 = vector.broadcast %reduce_max3A_1146 : i1 to vector<16xi1>
          %reduce_max3A_1148 = arith.constant -2147483648 : i32
          %reduce_max3A_1149 = vector.broadcast %reduce_max3A_1148 : i32 to vector<16xi32>
          %reduce_max3A_1150 = arith.xori %select_n3A_1145, %reduce_max3A_1149 : vector<16xi32>
          %reduce_max3A_1151 = tpu.scan <max>, %reduce_max3A_1150 masked %reduce_max3A_1147 : vector<16xi32>, vector<16xi1> -> vector<16xi32>
          %reduce_max3A_1152 = arith.xori %reduce_max3A_1151, %reduce_max3A_1149 : vector<16xi32>
          %reduce_max3A_1153 = vector.extract %reduce_max3A_1152[15] : i32 from vector<16xi32>
          %shift_right_arithmetic3A = arith.constant 7 : i32
          %shift_right_arithmetic3A_1154 = arith.shrsi %reduce_max3A_1153, %shift_right_arithmetic3A : i32
          %mul3A_1155 = arith.constant 128 : i32
          %mul3A_1156 = arith.muli %shift_right_arithmetic3A_1154, %mul3A_1155 : i32
          %multiple_of3A = tpu.assume_multiple %mul3A_1156, 128 : i32
          %shift_right_arithmetic3A_1157 = arith.constant 7 : i32
          %shift_right_arithmetic3A_1158 = arith.shrsi %reduce_max3A_1094, %shift_right_arithmetic3A_1157 : i32
          %and3A_1159 = arith.constant 15 : i32
          %and3A_1160 = arith.andi %shift_right_arithmetic3A_1158, %and3A_1159 : i32
          %dma_start3A = arith.constant 0 : i32
          %dma_start3A_1161 = arith.constant 0 : i32
          %dma_start3A_1162 = tpu.memref_slice %arg14[%and3A_1160, %dma_start3A, %dma_start3A_1161] : memref<12x64x128xf32, #tpu.memory_space<vmem>> -> memref<1x64x128xf32, #tpu.memory_space<vmem>>
          %dma_start3A_1163 = tpu.memref_squeeze %dma_start3A_1162 : memref<1x64x128xf32, #tpu.memory_space<vmem>> -> memref<64x128xf32, #tpu.memory_space<vmem>>
          %dma_start3A_1164 = arith.constant 0 : i32
          %dma_start3A_1165 = tpu.memref_slice %arg7[%dma_start3A_1164, %multiple_of3A] : memref<64x1000000xf32, #tpu.memory_space<hbm>> -> memref<64x128xf32, #tpu.memory_space<hbm>>
          %dma_start3A_1166 = arith.constant 0 : i32
          %dma_start3A_1167 = arith.constant 0 : i32
          %dma_start3A_1168 = tpu.memref_slice %arg14[%and3A_1160, %dma_start3A_1166, %dma_start3A_1167] : memref<12x64x128xf32, #tpu.memory_space<vmem>> -> memref<1x64x128xf32, #tpu.memory_space<vmem>>
          %dma_start3A_1169 = tpu.memref_squeeze %dma_start3A_1168 : memref<1x64x128xf32, #tpu.memory_space<vmem>> -> memref<64x128xf32, #tpu.memory_space<vmem>>
          %dma_start3A_1170 = arith.constant 0 : i32
          %dma_start3A_1171 = tpu.memref_slice %arg7[%dma_start3A_1170, %multiple_of3A] : memref<64x1000000xf32, #tpu.memory_space<hbm>> -> memref<64x128xf32, #tpu.memory_space<hbm>>
          tpu.enqueue_dma source(%dma_start3A_1171 : memref<64x128xf32, #tpu.memory_space<hbm>>) target(%dma_start3A_1169 : memref<64x128xf32, #tpu.memory_space<vmem>>) target_semaphore(%arg18 : memref<!tpu.dma_semaphore, #tpu.memory_space<semaphore_mem>>)
        } else {
        }
      }
      %while3A_476 = arith.constant 1 : i32
      scf.for %while3A_1039 = %while3A_474 to %while3A_470 step %while3A_476  : i32 {
        %jit3A_1040 = arith.constant 16 : i32
        %div3A_1041 = arith.divsi %while3A_1039, %jit3A_1040 : i32
        %sign3A_1042 = arith.constant 0 : i32
        %sign3A_1043 = arith.cmpi sgt, %while3A_1039, %sign3A_1042 : i32
        %sign3A_1044 = arith.extui %sign3A_1043 : i1 to i32
        %sign3A_1045 = arith.constant 0 : i32
        %sign3A_1046 = arith.cmpi slt, %while3A_1039, %sign3A_1045 : i32
        %sign3A_1047 = arith.extui %sign3A_1046 : i1 to i32
        %sign3A_1048 = arith.subi %sign3A_1044, %sign3A_1047 : i32
        %sign3A_1049 = arith.constant 0 : i32
        %sign3A_1050 = arith.cmpi sgt, %jit3A_1040, %sign3A_1049 : i32
        %sign3A_1051 = arith.extui %sign3A_1050 : i1 to i32
        %sign3A_1052 = arith.constant 0 : i32
        %sign3A_1053 = arith.cmpi slt, %jit3A_1040, %sign3A_1052 : i32
        %sign3A_1054 = arith.extui %sign3A_1053 : i1 to i32
        %sign3A_1055 = arith.subi %sign3A_1051, %sign3A_1054 : i32
        %ne3A_1056 = arith.cmpi ne, %sign3A_1048, %sign3A_1055 : i32
        %rem3A_1057 = arith.remsi %while3A_1039, %jit3A_1040 : i32
        %ne3A_1058 = arith.constant 0 : i32
        %ne3A_1059 = arith.cmpi ne, %rem3A_1057, %ne3A_1058 : i32
        %and3A_1060 = arith.andi %ne3A_1056, %ne3A_1059 : i1
        %sub3A_1061 = arith.constant 1 : i32
        %sub3A_1062 = arith.subi %div3A_1041, %sub3A_1061 : i32
        %select_n3A_1063 = arith.select %and3A_1060, %sub3A_1062, %div3A_1041 : i32
        %mul3A_1064 = arith.constant 16 : i32
        %mul3A_1065 = arith.muli %select_n3A_1063, %mul3A_1064 : i32
        %get3A_1066 = arith.index_cast %mul3A_1065 : i32 to index
        %get3A_1067 = tpu.vector_load %arg11[%get3A_1066] {strides = array<i32>} : memref<256xi32, #tpu.memory_space<vmem>>, vector<16xi32>,
        %jit3A_1068 = arith.constant 16 : i32
        %eq3A_1069 = arith.constant 0 : i32
        %eq3A_1070 = arith.cmpi eq, %jit3A_1068, %eq3A_1069 : i32
        %jit3A_1071 = arith.constant 1 : i32
        %select_n3A_1072 = arith.select %eq3A_1070, %jit3A_1071, %jit3A_1068 : i32
        %rem3A_1073 = arith.remsi %while3A_1039, %select_n3A_1072 : i32
        %ne3A_1074 = arith.constant 0 : i32
        %ne3A_1075 = arith.cmpi ne, %rem3A_1073, %ne3A_1074 : i32
        %lt3A_1076 = arith.constant 0 : i32
        %lt3A_1077 = arith.cmpi slt, %rem3A_1073, %lt3A_1076 : i32
        %lt3A_1078 = arith.constant 0 : i32
        %lt3A_1079 = arith.cmpi slt, %select_n3A_1072, %lt3A_1078 : i32
        %ne3A_1080 = arith.xori %lt3A_1077, %lt3A_1079 : i1
        %and3A_1081 = arith.andi %ne3A_1080, %ne3A_1075 : i1
        %add3A_1082 = arith.addi %rem3A_1073, %select_n3A_1072 : i32
        %select_n3A_1083 = arith.select %and3A_1081, %add3A_1082, %rem3A_1073 : i32
        %eq3A_1084 = vector.broadcast %select_n3A_1083 : i32 to vector<16xi32>
        %eq3A_1085 = arith.cmpi eq, %iota3A, %eq3A_1084 : vector<16xi32>
        %select_n3A_1086 = arith.select %eq3A_1085, %get3A_1067, %broadcast_in_dim3A_1 : vector<16xi1>, vector<16xi32>
        %reduce_max3A_1087 = arith.constant true
        %reduce_max3A_1088 = vector.broadcast %reduce_max3A_1087 : i1 to vector<16xi1>
        %reduce_max3A_1089 = arith.constant -2147483648 : i32
        %reduce_max3A_1090 = vector.broadcast %reduce_max3A_1089 : i32 to vector<16xi32>
        %reduce_max3A_1091 = arith.xori %select_n3A_1086, %reduce_max3A_1090 : vector<16xi32>
        %reduce_max3A_1092 = tpu.scan <max>, %reduce_max3A_1091 masked %reduce_max3A_1088 : vector<16xi32>, vector<16xi1> -> vector<16xi32>
        %reduce_max3A_1093 = arith.xori %reduce_max3A_1092, %reduce_max3A_1090 : vector<16xi32>
        %reduce_max3A_1094 = vector.extract %reduce_max3A_1093[15] : i32 from vector<16xi32>
        %ge3A = arith.constant 2048 : i32
        %ge3A_1095 = arith.cmpi sge, %reduce_max3A_1094, %ge3A : i32
        %convert_element_type3A_1096 = arith.extui %ge3A_1095 : i1 to i32
        %cond3A_1097 = arith.constant 0 : i32
        %cond3A_1098 = arith.cmpi ne, %convert_element_type3A_1096, %cond3A_1097 : i32
        scf.if %cond3A_1098 {
          %jit3A_1099 = arith.constant 16 : i32
          %div3A_1100 = arith.divsi %while3A_1039, %jit3A_1099 : i32
          %sign3A_1101 = arith.constant 0 : i32
          %sign3A_1102 = arith.cmpi sgt, %while3A_1039, %sign3A_1101 : i32
          %sign3A_1103 = arith.extui %sign3A_1102 : i1 to i32
          %sign3A_1104 = arith.constant 0 : i32
          %sign3A_1105 = arith.cmpi slt, %while3A_1039, %sign3A_1104 : i32
          %sign3A_1106 = arith.extui %sign3A_1105 : i1 to i32
          %sign3A_1107 = arith.subi %sign3A_1103, %sign3A_1106 : i32
          %sign3A_1108 = arith.constant 0 : i32
          %sign3A_1109 = arith.cmpi sgt, %jit3A_1099, %sign3A_1108 : i32
          %sign3A_1110 = arith.extui %sign3A_1109 : i1 to i32
          %sign3A_1111 = arith.constant 0 : i32
          %sign3A_1112 = arith.cmpi slt, %jit3A_1099, %sign3A_1111 : i32
          %sign3A_1113 = arith.extui %sign3A_1112 : i1 to i32
          %sign3A_1114 = arith.subi %sign3A_1110, %sign3A_1113 : i32
          %ne3A_1115 = arith.cmpi ne, %sign3A_1107, %sign3A_1114 : i32
          %rem3A_1116 = arith.remsi %while3A_1039, %jit3A_1099 : i32
          %ne3A_1117 = arith.constant 0 : i32
          %ne3A_1118 = arith.cmpi ne, %rem3A_1116, %ne3A_1117 : i32
          %and3A_1119 = arith.andi %ne3A_1115, %ne3A_1118 : i1
          %sub3A_1120 = arith.constant 1 : i32
          %sub3A_1121 = arith.subi %div3A_1100, %sub3A_1120 : i32
          %select_n3A_1122 = arith.select %and3A_1119, %sub3A_1121, %div3A_1100 : i32
          %mul3A_1123 = arith.constant 16 : i32
          %mul3A_1124 = arith.muli %select_n3A_1122, %mul3A_1123 : i32
          %get3A_1125 = arith.index_cast %mul3A_1124 : i32 to index
          %get3A_1126 = tpu.vector_load %arg10[%get3A_1125] {strides = array<i32>} : memref<256xi32, #tpu.memory_space<vmem>>, vector<16xi32>,
          %jit3A_1127 = arith.constant 16 : i32
          %eq3A_1128 = arith.constant 0 : i32
          %eq3A_1129 = arith.cmpi eq, %jit3A_1127, %eq3A_1128 : i32
          %jit3A_1130 = arith.constant 1 : i32
          %select_n3A_1131 = arith.select %eq3A_1129, %jit3A_1130, %jit3A_1127 : i32
          %rem3A_1132 = arith.remsi %while3A_1039, %select_n3A_1131 : i32
          %ne3A_1133 = arith.constant 0 : i32
          %ne3A_1134 = arith.cmpi ne, %rem3A_1132, %ne3A_1133 : i32
          %lt3A_1135 = arith.constant 0 : i32
          %lt3A_1136 = arith.cmpi slt, %rem3A_1132, %lt3A_1135 : i32
          %lt3A_1137 = arith.constant 0 : i32
          %lt3A_1138 = arith.cmpi slt, %select_n3A_1131, %lt3A_1137 : i32
          %ne3A_1139 = arith.xori %lt3A_1136, %lt3A_1138 : i1
          %and3A_1140 = arith.andi %ne3A_1139, %ne3A_1134 : i1
          %add3A_1141 = arith.addi %rem3A_1132, %select_n3A_1131 : i32
          %select_n3A_1142 = arith.select %and3A_1140, %add3A_1141, %rem3A_1132 : i32
          %eq3A_1143 = vector.broadcast %select_n3A_1142 : i32 to vector<16xi32>
          %eq3A_1144 = arith.cmpi eq, %iota3A, %eq3A_1143 : vector<16xi32>
          %select_n3A_1145 = arith.select %eq3A_1144, %get3A_1126, %broadcast_in_dim3A_1 : vector<16xi1>, vector<16xi32>
          %reduce_max3A_1146 = arith.constant true
          %reduce_max3A_1147 = vector.broadcast %reduce_max3A_1146 : i1 to vector<16xi1>
          %reduce_max3A_1148 = arith.constant -2147483648 : i32
          %reduce_max3A_1149 = vector.broadcast %reduce_max3A_1148 : i32 to vector<16xi32>
          %reduce_max3A_1150 = arith.xori %select_n3A_1145, %reduce_max3A_1149 : vector<16xi32>
          %reduce_max3A_1151 = tpu.scan <max>, %reduce_max3A_1150 masked %reduce_max3A_1147 : vector<16xi32>, vector<16xi1> -> vector<16xi32>
          %reduce_max3A_1152 = arith.xori %reduce_max3A_1151, %reduce_max3A_1149 : vector<16xi32>
          %reduce_max3A_1153 = vector.extract %reduce_max3A_1152[15] : i32 from vector<16xi32>
          %shift_right_arithmetic3A = arith.constant 7 : i32
          %shift_right_arithmetic3A_1154 = arith.shrsi %reduce_max3A_1153, %shift_right_arithmetic3A : i32
          %mul3A_1155 = arith.constant 128 : i32
          %mul3A_1156 = arith.muli %shift_right_arithmetic3A_1154, %mul3A_1155 : i32
          %multiple_of3A = tpu.assume_multiple %mul3A_1156, 128 : i32
          %shift_right_arithmetic3A_1157 = arith.constant 7 : i32
          %shift_right_arithmetic3A_1158 = arith.shrsi %reduce_max3A_1094, %shift_right_arithmetic3A_1157 : i32
          %and3A_1159 = arith.constant 15 : i32
          %and3A_1160 = arith.andi %shift_right_arithmetic3A_1158, %and3A_1159 : i32
          %dma_start3A = arith.constant 0 : i32
          %dma_start3A_1161 = arith.constant 0 : i32
          %dma_start3A_1162 = tpu.memref_slice %arg14[%and3A_1160, %dma_start3A, %dma_start3A_1161] : memref<12x64x128xf32, #tpu.memory_space<vmem>> -> memref<1x64x128xf32, #tpu.memory_space<vmem>>
          %dma_start3A_1163 = tpu.memref_squeeze %dma_start3A_1162 : memref<1x64x128xf32, #tpu.memory_space<vmem>> -> memref<64x128xf32, #tpu.memory_space<vmem>>
          %dma_start3A_1164 = arith.constant 0 : i32
          %dma_start3A_1165 = tpu.memref_slice %arg7[%dma_start3A_1164, %multiple_of3A] : memref<64x1000000xf32, #tpu.memory_space<hbm>> -> memref<64x128xf32, #tpu.memory_space<hbm>>
          %dma_start3A_1166 = arith.constant 0 : i32
          %dma_start3A_1167 = arith.constant 0 : i32
          %dma_start3A_1168 = tpu.memref_slice %arg14[%and3A_1160, %dma_start3A_1166, %dma_start3A_1167] : memref<12x64x128xf32, #tpu.memory_space<vmem>> -> memref<1x64x128xf32, #tpu.memory_space<vmem>>
          %dma_start3A_1169 = tpu.memref_squeeze %dma_start3A_1168 : memref<1x64x128xf32, #tpu.memory_space<vmem>> -> memref<64x128xf32, #tpu.memory_space<vmem>>
          %dma_start3A_1170 = arith.constant 0 : i32
          %dma_start3A_1171 = tpu.memref_slice %arg7[%dma_start3A_1170, %multiple_of3A] : memref<64x1000000xf32, #tpu.memory_space<hbm>> -> memref<64x128xf32, #tpu.memory_space<hbm>>
          tpu.enqueue_dma source(%dma_start3A_1171 : memref<64x128xf32, #tpu.memory_space<hbm>>) target(%dma_start3A_1169 : memref<64x128xf32, #tpu.memory_space<vmem>>) target_semaphore(%arg18 : memref<!tpu.dma_semaphore, #tpu.memory_space<semaphore_mem>>)
        } else {
        }
      }
      %mul3A_477 = arith.constant 3 : i32
      %mul3A_478 = arith.muli %mul3A_477, %scan3A_191 : i32
      %add3A_479 = arith.constant 1 : i32
      %add3A_480 = arith.addi %mul3A_478, %add3A_479 : i32
      %mul3A_481 = arith.constant 4 : i32
      %mul3A_482 = arith.muli %add3A_480, %mul3A_481 : i32
      %add3A_483 = arith.constant 0 : i32
      %add3A_484 = arith.addi %mul3A_482, %add3A_483 : i32
      %lt3A_485 = arith.cmpi slt, %add3A_484, %reduce_max3A_50 : i32
      %convert_element_type3A_486 = arith.extui %lt3A_485 : i1 to i32
      %cond3A_487 = arith.constant 0 : i32
      %cond3A_488 = arith.cmpi ne, %convert_element_type3A_486, %cond3A_487 : i32
      scf.if %cond3A_488 {
        %dma_wait3A = arith.constant 0 : i32
        %dma_wait3A_1039 = arith.constant 0 : i32
        %dma_wait3A_1040 = arith.constant 0 : i32
        %dma_wait3A_1041 = tpu.memref_slice %arg14[%dma_wait3A, %dma_wait3A_1039, %dma_wait3A_1040] : memref<12x64x128xf32, #tpu.memory_space<vmem>> -> memref<1x64x128xf32, #tpu.memory_space<vmem>>
        %dma_wait3A_1042 = tpu.memref_squeeze %dma_wait3A_1041 : memref<1x64x128xf32, #tpu.memory_space<vmem>> -> memref<64x128xf32, #tpu.memory_space<vmem>>
        %dma_wait3A_1043 = arith.constant 0 : i32
        %dma_wait3A_1044 = arith.constant 0 : i32
        %dma_wait3A_1045 = tpu.memref_slice %arg7[%dma_wait3A_1043, %dma_wait3A_1044] : memref<64x1000000xf32, #tpu.memory_space<hbm>> -> memref<64x128xf32, #tpu.memory_space<hbm>>
        %dma_wait3A_1046 = arith.constant 0 : i32
        %dma_wait3A_1047 = arith.constant 0 : i32
        %dma_wait3A_1048 = tpu.memref_slice %arg14[%dma_wait3A, %dma_wait3A_1046, %dma_wait3A_1047] : memref<12x64x128xf32, #tpu.memory_space<vmem>> -> memref<1x64x128xf32, #tpu.memory_space<vmem>>
        %dma_wait3A_1049 = tpu.memref_squeeze %dma_wait3A_1048 : memref<1x64x128xf32, #tpu.memory_space<vmem>> -> memref<64x128xf32, #tpu.memory_space<vmem>>
        %dma_wait3A_1050 = arith.constant 0 : i32
        %dma_wait3A_1051 = arith.constant 0 : i32
        %dma_wait3A_1052 = tpu.memref_slice %arg7[%dma_wait3A_1050, %dma_wait3A_1051] : memref<64x1000000xf32, #tpu.memory_space<hbm>> -> memref<64x128xf32, #tpu.memory_space<hbm>>
        tpu.wait_dma2 semaphore(%arg19 : memref<!tpu.dma_semaphore, #tpu.memory_space<semaphore_mem>>) src(%dma_wait3A_1052 : memref<64x128xf32, #tpu.memory_space<hbm>>) dst(%dma_wait3A_1049 : memref<64x128xf32, #tpu.memory_space<vmem>>)
      } else {
      }
      %mul3A_489 = arith.constant 4 : i32
      %mul3A_490 = arith.muli %add3A_480, %mul3A_489 : i32
      %add3A_491 = arith.constant 1 : i32
      %add3A_492 = arith.addi %mul3A_490, %add3A_491 : i32
      %lt3A_493 = arith.cmpi slt, %add3A_492, %reduce_max3A_50 : i32
      %convert_element_type3A_494 = arith.extui %lt3A_493 : i1 to i32
      %cond3A_495 = arith.constant 0 : i32
      %cond3A_496 = arith.cmpi ne, %convert_element_type3A_494, %cond3A_495 : i32
      scf.if %cond3A_496 {
        %dma_wait3A = arith.constant 0 : i32
        %dma_wait3A_1039 = arith.constant 0 : i32
        %dma_wait3A_1040 = arith.constant 0 : i32
        %dma_wait3A_1041 = tpu.memref_slice %arg14[%dma_wait3A, %dma_wait3A_1039, %dma_wait3A_1040] : memref<12x64x128xf32, #tpu.memory_space<vmem>> -> memref<1x64x128xf32, #tpu.memory_space<vmem>>
        %dma_wait3A_1042 = tpu.memref_squeeze %dma_wait3A_1041 : memref<1x64x128xf32, #tpu.memory_space<vmem>> -> memref<64x128xf32, #tpu.memory_space<vmem>>
        %dma_wait3A_1043 = arith.constant 0 : i32
        %dma_wait3A_1044 = arith.constant 0 : i32
        %dma_wait3A_1045 = tpu.memref_slice %arg7[%dma_wait3A_1043, %dma_wait3A_1044] : memref<64x1000000xf32, #tpu.memory_space<hbm>> -> memref<64x128xf32, #tpu.memory_space<hbm>>
        %dma_wait3A_1046 = arith.constant 0 : i32
        %dma_wait3A_1047 = arith.constant 0 : i32
        %dma_wait3A_1048 = tpu.memref_slice %arg14[%dma_wait3A, %dma_wait3A_1046, %dma_wait3A_1047] : memref<12x64x128xf32, #tpu.memory_space<vmem>> -> memref<1x64x128xf32, #tpu.memory_space<vmem>>
        %dma_wait3A_1049 = tpu.memref_squeeze %dma_wait3A_1048 : memref<1x64x128xf32, #tpu.memory_space<vmem>> -> memref<64x128xf32, #tpu.memory_space<vmem>>
        %dma_wait3A_1050 = arith.constant 0 : i32
        %dma_wait3A_1051 = arith.constant 0 : i32
        %dma_wait3A_1052 = tpu.memref_slice %arg7[%dma_wait3A_1050, %dma_wait3A_1051] : memref<64x1000000xf32, #tpu.memory_space<hbm>> -> memref<64x128xf32, #tpu.memory_space<hbm>>
        tpu.wait_dma2 semaphore(%arg19 : memref<!tpu.dma_semaphore, #tpu.memory_space<semaphore_mem>>) src(%dma_wait3A_1052 : memref<64x128xf32, #tpu.memory_space<hbm>>) dst(%dma_wait3A_1049 : memref<64x128xf32, #tpu.memory_space<vmem>>)
      } else {
      }
      %mul3A_497 = arith.constant 4 : i32
      %mul3A_498 = arith.muli %add3A_480, %mul3A_497 : i32
      %add3A_499 = arith.constant 2 : i32
      %add3A_500 = arith.addi %mul3A_498, %add3A_499 : i32
      %lt3A_501 = arith.cmpi slt, %add3A_500, %reduce_max3A_50 : i32
      %convert_element_type3A_502 = arith.extui %lt3A_501 : i1 to i32
      %cond3A_503 = arith.constant 0 : i32
      %cond3A_504 = arith.cmpi ne, %convert_element_type3A_502, %cond3A_503 : i32
      scf.if %cond3A_504 {
        %dma_wait3A = arith.constant 0 : i32
        %dma_wait3A_1039 = arith.constant 0 : i32
        %dma_wait3A_1040 = arith.constant 0 : i32
        %dma_wait3A_1041 = tpu.memref_slice %arg14[%dma_wait3A, %dma_wait3A_1039, %dma_wait3A_1040] : memref<12x64x128xf32, #tpu.memory_space<vmem>> -> memref<1x64x128xf32, #tpu.memory_space<vmem>>
        %dma_wait3A_1042 = tpu.memref_squeeze %dma_wait3A_1041 : memref<1x64x128xf32, #tpu.memory_space<vmem>> -> memref<64x128xf32, #tpu.memory_space<vmem>>
        %dma_wait3A_1043 = arith.constant 0 : i32
        %dma_wait3A_1044 = arith.constant 0 : i32
        %dma_wait3A_1045 = tpu.memref_slice %arg7[%dma_wait3A_1043, %dma_wait3A_1044] : memref<64x1000000xf32, #tpu.memory_space<hbm>> -> memref<64x128xf32, #tpu.memory_space<hbm>>
        %dma_wait3A_1046 = arith.constant 0 : i32
        %dma_wait3A_1047 = arith.constant 0 : i32
        %dma_wait3A_1048 = tpu.memref_slice %arg14[%dma_wait3A, %dma_wait3A_1046, %dma_wait3A_1047] : memref<12x64x128xf32, #tpu.memory_space<vmem>> -> memref<1x64x128xf32, #tpu.memory_space<vmem>>
        %dma_wait3A_1049 = tpu.memref_squeeze %dma_wait3A_1048 : memref<1x64x128xf32, #tpu.memory_space<vmem>> -> memref<64x128xf32, #tpu.memory_space<vmem>>
        %dma_wait3A_1050 = arith.constant 0 : i32
        %dma_wait3A_1051 = arith.constant 0 : i32
        %dma_wait3A_1052 = tpu.memref_slice %arg7[%dma_wait3A_1050, %dma_wait3A_1051] : memref<64x1000000xf32, #tpu.memory_space<hbm>> -> memref<64x128xf32, #tpu.memory_space<hbm>>
        tpu.wait_dma2 semaphore(%arg19 : memref<!tpu.dma_semaphore, #tpu.memory_space<semaphore_mem>>) src(%dma_wait3A_1052 : memref<64x128xf32, #tpu.memory_space<hbm>>) dst(%dma_wait3A_1049 : memref<64x128xf32, #tpu.memory_space<vmem>>)
      } else {
      }
      %mul3A_505 = arith.constant 4 : i32
      %mul3A_506 = arith.muli %add3A_480, %mul3A_505 : i32
      %add3A_507 = arith.constant 3 : i32
      %add3A_508 = arith.addi %mul3A_506, %add3A_507 : i32
      %lt3A_509 = arith.cmpi slt, %add3A_508, %reduce_max3A_50 : i32
      %convert_element_type3A_510 = arith.extui %lt3A_509 : i1 to i32
      %cond3A_511 = arith.constant 0 : i32
      %cond3A_512 = arith.cmpi ne, %convert_element_type3A_510, %cond3A_511 : i32
      scf.if %cond3A_512 {
        %dma_wait3A = arith.constant 0 : i32
        %dma_wait3A_1039 = arith.constant 0 : i32
        %dma_wait3A_1040 = arith.constant 0 : i32
        %dma_wait3A_1041 = tpu.memref_slice %arg14[%dma_wait3A, %dma_wait3A_1039, %dma_wait3A_1040] : memref<12x64x128xf32, #tpu.memory_space<vmem>> -> memref<1x64x128xf32, #tpu.memory_space<vmem>>
        %dma_wait3A_1042 = tpu.memref_squeeze %dma_wait3A_1041 : memref<1x64x128xf32, #tpu.memory_space<vmem>> -> memref<64x128xf32, #tpu.memory_space<vmem>>
        %dma_wait3A_1043 = arith.constant 0 : i32
        %dma_wait3A_1044 = arith.constant 0 : i32
        %dma_wait3A_1045 = tpu.memref_slice %arg7[%dma_wait3A_1043, %dma_wait3A_1044] : memref<64x1000000xf32, #tpu.memory_space<hbm>> -> memref<64x128xf32, #tpu.memory_space<hbm>>
        %dma_wait3A_1046 = arith.constant 0 : i32
        %dma_wait3A_1047 = arith.constant 0 : i32
        %dma_wait3A_1048 = tpu.memref_slice %arg14[%dma_wait3A, %dma_wait3A_1046, %dma_wait3A_1047] : memref<12x64x128xf32, #tpu.memory_space<vmem>> -> memref<1x64x128xf32, #tpu.memory_space<vmem>>
        %dma_wait3A_1049 = tpu.memref_squeeze %dma_wait3A_1048 : memref<1x64x128xf32, #tpu.memory_space<vmem>> -> memref<64x128xf32, #tpu.memory_space<vmem>>
        %dma_wait3A_1050 = arith.constant 0 : i32
        %dma_wait3A_1051 = arith.constant 0 : i32
        %dma_wait3A_1052 = tpu.memref_slice %arg7[%dma_wait3A_1050, %dma_wait3A_1051] : memref<64x1000000xf32, #tpu.memory_space<hbm>> -> memref<64x128xf32, #tpu.memory_space<hbm>>
        tpu.wait_dma2 semaphore(%arg19 : memref<!tpu.dma_semaphore, #tpu.memory_space<semaphore_mem>>) src(%dma_wait3A_1052 : memref<64x128xf32, #tpu.memory_space<hbm>>) dst(%dma_wait3A_1049 : memref<64x128xf32, #tpu.memory_space<vmem>>)
      } else {
      }
      %jit3A_513 = arith.constant 16 : i32
      %div3A_514 = arith.divsi %add3A_480, %jit3A_513 : i32
      %sign3A_515 = arith.constant 0 : i32
      %sign3A_516 = arith.cmpi sgt, %add3A_480, %sign3A_515 : i32
      %sign3A_517 = arith.extui %sign3A_516 : i1 to i32
      %sign3A_518 = arith.constant 0 : i32
      %sign3A_519 = arith.cmpi slt, %add3A_480, %sign3A_518 : i32
      %sign3A_520 = arith.extui %sign3A_519 : i1 to i32
      %sign3A_521 = arith.subi %sign3A_517, %sign3A_520 : i32
      %sign3A_522 = arith.constant 0 : i32
      %sign3A_523 = arith.cmpi sgt, %jit3A_513, %sign3A_522 : i32
      %sign3A_524 = arith.extui %sign3A_523 : i1 to i32
      %sign3A_525 = arith.constant 0 : i32
      %sign3A_526 = arith.cmpi slt, %jit3A_513, %sign3A_525 : i32
      %sign3A_527 = arith.extui %sign3A_526 : i1 to i32
      %sign3A_528 = arith.subi %sign3A_524, %sign3A_527 : i32
      %ne3A_529 = arith.cmpi ne, %sign3A_521, %sign3A_528 : i32
      %rem3A_530 = arith.remsi %add3A_480, %jit3A_513 : i32
      %ne3A_531 = arith.constant 0 : i32
      %ne3A_532 = arith.cmpi ne, %rem3A_530, %ne3A_531 : i32
      %and3A_533 = arith.andi %ne3A_529, %ne3A_532 : i1
      %sub3A_534 = arith.constant 1 : i32
      %sub3A_535 = arith.subi %div3A_514, %sub3A_534 : i32
      %select_n3A_536 = arith.select %and3A_533, %sub3A_535, %div3A_514 : i32
      %mul3A_537 = arith.constant 16 : i32
      %mul3A_538 = arith.muli %select_n3A_536, %mul3A_537 : i32
      %get3A_539 = arith.index_cast %mul3A_538 : i32 to index
      %get3A_540 = tpu.vector_load %arg12[%get3A_539] {strides = array<i32>} : memref<80xi32, #tpu.memory_space<vmem>>, vector<16xi32>,
      %jit3A_541 = arith.constant 16 : i32
      %eq3A_542 = arith.constant 0 : i32
      %eq3A_543 = arith.cmpi eq, %jit3A_541, %eq3A_542 : i32
      %jit3A_544 = arith.constant 1 : i32
      %select_n3A_545 = arith.select %eq3A_543, %jit3A_544, %jit3A_541 : i32
      %rem3A_546 = arith.remsi %add3A_480, %select_n3A_545 : i32
      %ne3A_547 = arith.constant 0 : i32
      %ne3A_548 = arith.cmpi ne, %rem3A_546, %ne3A_547 : i32
      %lt3A_549 = arith.constant 0 : i32
      %lt3A_550 = arith.cmpi slt, %rem3A_546, %lt3A_549 : i32
      %lt3A_551 = arith.constant 0 : i32
      %lt3A_552 = arith.cmpi slt, %select_n3A_545, %lt3A_551 : i32
      %ne3A_553 = arith.xori %lt3A_550, %lt3A_552 : i1
      %and3A_554 = arith.andi %ne3A_553, %ne3A_548 : i1
      %add3A_555 = arith.addi %rem3A_546, %select_n3A_545 : i32
      %select_n3A_556 = arith.select %and3A_554, %add3A_555, %rem3A_546 : i32
      %eq3A_557 = vector.broadcast %select_n3A_556 : i32 to vector<16xi32>
      %eq3A_558 = arith.cmpi eq, %iota3A, %eq3A_557 : vector<16xi32>
      %select_n3A_559 = arith.select %eq3A_558, %get3A_540, %broadcast_in_dim3A_1 : vector<16xi1>, vector<16xi32>
      %reduce_max3A_560 = arith.constant true
      %reduce_max3A_561 = vector.broadcast %reduce_max3A_560 : i1 to vector<16xi1>
      %reduce_max3A_562 = arith.constant -2147483648 : i32
      %reduce_max3A_563 = vector.broadcast %reduce_max3A_562 : i32 to vector<16xi32>
      %reduce_max3A_564 = arith.xori %select_n3A_559, %reduce_max3A_563 : vector<16xi32>
      %reduce_max3A_565 = tpu.scan <max>, %reduce_max3A_564 masked %reduce_max3A_561 : vector<16xi32>, vector<16xi1> -> vector<16xi32>
      %reduce_max3A_566 = arith.xori %reduce_max3A_565, %reduce_max3A_563 : vector<16xi32>
      %reduce_max3A_567 = vector.extract %reduce_max3A_566[15] : i32 from vector<16xi32>
      %add3A_568 = arith.constant 1 : i32
      %add3A_569 = arith.addi %add3A_480, %add3A_568 : i32
      %jit3A_570 = arith.constant 16 : i32
      %div3A_571 = arith.divsi %add3A_569, %jit3A_570 : i32
      %sign3A_572 = arith.constant 0 : i32
      %sign3A_573 = arith.cmpi sgt, %add3A_569, %sign3A_572 : i32
      %sign3A_574 = arith.extui %sign3A_573 : i1 to i32
      %sign3A_575 = arith.constant 0 : i32
      %sign3A_576 = arith.cmpi slt, %add3A_569, %sign3A_575 : i32
      %sign3A_577 = arith.extui %sign3A_576 : i1 to i32
      %sign3A_578 = arith.subi %sign3A_574, %sign3A_577 : i32
      %sign3A_579 = arith.constant 0 : i32
      %sign3A_580 = arith.cmpi sgt, %jit3A_570, %sign3A_579 : i32
      %sign3A_581 = arith.extui %sign3A_580 : i1 to i32
      %sign3A_582 = arith.constant 0 : i32
      %sign3A_583 = arith.cmpi slt, %jit3A_570, %sign3A_582 : i32
      %sign3A_584 = arith.extui %sign3A_583 : i1 to i32
      %sign3A_585 = arith.subi %sign3A_581, %sign3A_584 : i32
      %ne3A_586 = arith.cmpi ne, %sign3A_578, %sign3A_585 : i32
      %rem3A_587 = arith.remsi %add3A_569, %jit3A_570 : i32
      %ne3A_588 = arith.constant 0 : i32
      %ne3A_589 = arith.cmpi ne, %rem3A_587, %ne3A_588 : i32
      %and3A_590 = arith.andi %ne3A_586, %ne3A_589 : i1
      %sub3A_591 = arith.constant 1 : i32
      %sub3A_592 = arith.subi %div3A_571, %sub3A_591 : i32
      %select_n3A_593 = arith.select %and3A_590, %sub3A_592, %div3A_571 : i32
      %mul3A_594 = arith.constant 16 : i32
      %mul3A_595 = arith.muli %select_n3A_593, %mul3A_594 : i32
      %get3A_596 = arith.index_cast %mul3A_595 : i32 to index
      %get3A_597 = tpu.vector_load %arg12[%get3A_596] {strides = array<i32>} : memref<80xi32, #tpu.memory_space<vmem>>, vector<16xi32>,
      %jit3A_598 = arith.constant 16 : i32
      %eq3A_599 = arith.constant 0 : i32
      %eq3A_600 = arith.cmpi eq, %jit3A_598, %eq3A_599 : i32
      %jit3A_601 = arith.constant 1 : i32
      %select_n3A_602 = arith.select %eq3A_600, %jit3A_601, %jit3A_598 : i32
      %rem3A_603 = arith.remsi %add3A_569, %select_n3A_602 : i32
      %ne3A_604 = arith.constant 0 : i32
      %ne3A_605 = arith.cmpi ne, %rem3A_603, %ne3A_604 : i32
      %lt3A_606 = arith.constant 0 : i32
      %lt3A_607 = arith.cmpi slt, %rem3A_603, %lt3A_606 : i32
      %lt3A_608 = arith.constant 0 : i32
      %lt3A_609 = arith.cmpi slt, %select_n3A_602, %lt3A_608 : i32
      %ne3A_610 = arith.xori %lt3A_607, %lt3A_609 : i1
      %and3A_611 = arith.andi %ne3A_610, %ne3A_605 : i1
      %add3A_612 = arith.addi %rem3A_603, %select_n3A_602 : i32
      %select_n3A_613 = arith.select %and3A_611, %add3A_612, %rem3A_603 : i32
      %eq3A_614 = vector.broadcast %select_n3A_613 : i32 to vector<16xi32>
      %eq3A_615 = arith.cmpi eq, %iota3A, %eq3A_614 : vector<16xi32>
      %select_n3A_616 = arith.select %eq3A_615, %get3A_597, %broadcast_in_dim3A_1 : vector<16xi1>, vector<16xi32>
      %reduce_max3A_617 = arith.constant true
      %reduce_max3A_618 = vector.broadcast %reduce_max3A_617 : i1 to vector<16xi1>
      %reduce_max3A_619 = arith.constant -2147483648 : i32
      %reduce_max3A_620 = vector.broadcast %reduce_max3A_619 : i32 to vector<16xi32>
      %reduce_max3A_621 = arith.xori %select_n3A_616, %reduce_max3A_620 : vector<16xi32>
      %reduce_max3A_622 = tpu.scan <max>, %reduce_max3A_621 masked %reduce_max3A_618 : vector<16xi32>, vector<16xi1> -> vector<16xi32>
      %reduce_max3A_623 = arith.xori %reduce_max3A_622, %reduce_max3A_620 : vector<16xi32>
      %reduce_max3A_624 = vector.extract %reduce_max3A_623[15] : i32 from vector<16xi32>
      %while3A_625 = arith.subi %reduce_max3A_624, %reduce_max3A_567 : i32
      %while3A_626 = arith.addi %reduce_max3A_567, %while3A_625 : i32
      %while3A_627 = arith.constant 1 : i32
      %while3A_628 = arith.divsi %while3A_625, %while3A_627 : i32
      %while3A_629 = arith.muli %while3A_628, %while3A_627 : i32
      %while3A_630 = arith.addi %reduce_max3A_567, %while3A_629 : i32
      %while3A_631 = arith.constant 1 : i32
      %while3A_632:4 = scf.for %while3A_1039 = %reduce_max3A_567 to %while3A_630 step %while3A_631 iter_args(%while3A_1040 = %while3A_353#0, %while3A_1041 = %while3A_353#1, %while3A_1042 = %while3A_353#2, %while3A_1043 = %while3A_353#3) -> (vector<16xf32>, vector<16xf32>, vector<16xf32>, vector<16xf32>)  : i32 {
        %jit3A_1044 = arith.constant 16 : i32
        %div3A_1045 = arith.divsi %while3A_1039, %jit3A_1044 : i32
        %sign3A_1046 = arith.constant 0 : i32
        %sign3A_1047 = arith.cmpi sgt, %while3A_1039, %sign3A_1046 : i32
        %sign3A_1048 = arith.extui %sign3A_1047 : i1 to i32
        %sign3A_1049 = arith.constant 0 : i32
        %sign3A_1050 = arith.cmpi slt, %while3A_1039, %sign3A_1049 : i32
        %sign3A_1051 = arith.extui %sign3A_1050 : i1 to i32
        %sign3A_1052 = arith.subi %sign3A_1048, %sign3A_1051 : i32
        %sign3A_1053 = arith.constant 0 : i32
        %sign3A_1054 = arith.cmpi sgt, %jit3A_1044, %sign3A_1053 : i32
        %sign3A_1055 = arith.extui %sign3A_1054 : i1 to i32
        %sign3A_1056 = arith.constant 0 : i32
        %sign3A_1057 = arith.cmpi slt, %jit3A_1044, %sign3A_1056 : i32
        %sign3A_1058 = arith.extui %sign3A_1057 : i1 to i32
        %sign3A_1059 = arith.subi %sign3A_1055, %sign3A_1058 : i32
        %ne3A_1060 = arith.cmpi ne, %sign3A_1052, %sign3A_1059 : i32
        %rem3A_1061 = arith.remsi %while3A_1039, %jit3A_1044 : i32
        %ne3A_1062 = arith.constant 0 : i32
        %ne3A_1063 = arith.cmpi ne, %rem3A_1061, %ne3A_1062 : i32
        %and3A_1064 = arith.andi %ne3A_1060, %ne3A_1063 : i1
        %sub3A_1065 = arith.constant 1 : i32
        %sub3A_1066 = arith.subi %div3A_1045, %sub3A_1065 : i32
        %select_n3A_1067 = arith.select %and3A_1064, %sub3A_1066, %div3A_1045 : i32
        %mul3A_1068 = arith.constant 16 : i32
        %mul3A_1069 = arith.muli %select_n3A_1067, %mul3A_1068 : i32
        %get3A_1070 = arith.index_cast %mul3A_1069 : i32 to index
        %get3A_1071 = tpu.vector_load %arg11[%get3A_1070] {strides = array<i32>} : memref<256xi32, #tpu.memory_space<vmem>>, vector<16xi32>,
        %jit3A_1072 = arith.constant 16 : i32
        %eq3A_1073 = arith.constant 0 : i32
        %eq3A_1074 = arith.cmpi eq, %jit3A_1072, %eq3A_1073 : i32
        %jit3A_1075 = arith.constant 1 : i32
        %select_n3A_1076 = arith.select %eq3A_1074, %jit3A_1075, %jit3A_1072 : i32
        %rem3A_1077 = arith.remsi %while3A_1039, %select_n3A_1076 : i32
        %ne3A_1078 = arith.constant 0 : i32
        %ne3A_1079 = arith.cmpi ne, %rem3A_1077, %ne3A_1078 : i32
        %lt3A_1080 = arith.constant 0 : i32
        %lt3A_1081 = arith.cmpi slt, %rem3A_1077, %lt3A_1080 : i32
        %lt3A_1082 = arith.constant 0 : i32
        %lt3A_1083 = arith.cmpi slt, %select_n3A_1076, %lt3A_1082 : i32
        %ne3A_1084 = arith.xori %lt3A_1081, %lt3A_1083 : i1
        %and3A_1085 = arith.andi %ne3A_1084, %ne3A_1079 : i1
        %add3A_1086 = arith.addi %rem3A_1077, %select_n3A_1076 : i32
        %select_n3A_1087 = arith.select %and3A_1085, %add3A_1086, %rem3A_1077 : i32
        %eq3A_1088 = vector.broadcast %select_n3A_1087 : i32 to vector<16xi32>
        %eq3A_1089 = arith.cmpi eq, %iota3A, %eq3A_1088 : vector<16xi32>
        %select_n3A_1090 = arith.select %eq3A_1089, %get3A_1071, %broadcast_in_dim3A_1 : vector<16xi1>, vector<16xi32>
        %reduce_max3A_1091 = arith.constant true
        %reduce_max3A_1092 = vector.broadcast %reduce_max3A_1091 : i1 to vector<16xi1>
        %reduce_max3A_1093 = arith.constant -2147483648 : i32
        %reduce_max3A_1094 = vector.broadcast %reduce_max3A_1093 : i32 to vector<16xi32>
        %reduce_max3A_1095 = arith.xori %select_n3A_1090, %reduce_max3A_1094 : vector<16xi32>
        %reduce_max3A_1096 = tpu.scan <max>, %reduce_max3A_1095 masked %reduce_max3A_1092 : vector<16xi32>, vector<16xi1> -> vector<16xi32>
        %reduce_max3A_1097 = arith.xori %reduce_max3A_1096, %reduce_max3A_1094 : vector<16xi32>
        %reduce_max3A_1098 = vector.extract %reduce_max3A_1097[15] : i32 from vector<16xi32>
        %and3A_1099 = arith.constant 127 : i32
        %and3A_1100 = arith.andi %reduce_max3A_1098, %and3A_1099 : i32
        %broadcast_in_dim3A_1101 = vector.broadcast %and3A_1100 : i32 to vector<16xi32>
        %shift_right_arithmetic3A = arith.constant 7 : i32
        %shift_right_arithmetic3A_1102 = arith.shrsi %reduce_max3A_1098, %shift_right_arithmetic3A : i32
        %and3A_1103 = arith.constant 15 : i32
        %and3A_1104 = arith.andi %shift_right_arithmetic3A_1102, %and3A_1103 : i32
        %broadcast_in_dim3A_1105 = vector.broadcast %and3A_1104 : i32 to vector<16xi32>
        %gather3A = tpu.vector_load_idx %arg14[%broadcast_in_dim3A_1105, %iota3A, %broadcast_in_dim3A_1101] : memref<12x64x128xf32, #tpu.memory_space<vmem>>[vector<16xi32>, vector<16xi32>, vector<16xi32>], vector<16xf32>,
        %add3A_1106 = arith.addf %while3A_1040, %gather3A : vector<16xf32>
        %add3A_1107 = arith.constant 16 : i32
        %add3A_1108 = vector.broadcast %add3A_1107 : i32 to vector<16xi32>
        %add3A_1109 = arith.addi %iota3A, %add3A_1108 : vector<16xi32>
        %gather3A_1110 = tpu.vector_load_idx %arg14[%broadcast_in_dim3A_1105, %add3A_1109, %broadcast_in_dim3A_1101] : memref<12x64x128xf32, #tpu.memory_space<vmem>>[vector<16xi32>, vector<16xi32>, vector<16xi32>], vector<16xf32>,
        %add3A_1111 = arith.addf %while3A_1041, %gather3A_1110 : vector<16xf32>
        %add3A_1112 = arith.constant 32 : i32
        %add3A_1113 = vector.broadcast %add3A_1112 : i32 to vector<16xi32>
        %add3A_1114 = arith.addi %iota3A, %add3A_1113 : vector<16xi32>
        %gather3A_1115 = tpu.vector_load_idx %arg14[%broadcast_in_dim3A_1105, %add3A_1114, %broadcast_in_dim3A_1101] : memref<12x64x128xf32, #tpu.memory_space<vmem>>[vector<16xi32>, vector<16xi32>, vector<16xi32>], vector<16xf32>,
        %add3A_1116 = arith.addf %while3A_1042, %gather3A_1115 : vector<16xf32>
        %add3A_1117 = arith.constant 48 : i32
        %add3A_1118 = vector.broadcast %add3A_1117 : i32 to vector<16xi32>
        %add3A_1119 = arith.addi %iota3A, %add3A_1118 : vector<16xi32>
        %gather3A_1120 = tpu.vector_load_idx %arg14[%broadcast_in_dim3A_1105, %add3A_1119, %broadcast_in_dim3A_1101] : memref<12x64x128xf32, #tpu.memory_space<vmem>>[vector<16xi32>, vector<16xi32>, vector<16xi32>], vector<16xf32>,
        %add3A_1121 = arith.addf %while3A_1043, %gather3A_1120 : vector<16xf32>
        scf.yield %add3A_1106, %add3A_1111, %add3A_1116, %add3A_1121 : vector<16xf32>, vector<16xf32>, vector<16xf32>, vector<16xf32>
      }
      %while3A_633 = arith.constant 1 : i32
      %while3A_634:4 = scf.for %while3A_1039 = %while3A_630 to %while3A_626 step %while3A_633 iter_args(%while3A_1040 = %while3A_632#0, %while3A_1041 = %while3A_632#1, %while3A_1042 = %while3A_632#2, %while3A_1043 = %while3A_632#3) -> (vector<16xf32>, vector<16xf32>, vector<16xf32>, vector<16xf32>)  : i32 {
        %jit3A_1044 = arith.constant 16 : i32
        %div3A_1045 = arith.divsi %while3A_1039, %jit3A_1044 : i32
        %sign3A_1046 = arith.constant 0 : i32
        %sign3A_1047 = arith.cmpi sgt, %while3A_1039, %sign3A_1046 : i32
        %sign3A_1048 = arith.extui %sign3A_1047 : i1 to i32
        %sign3A_1049 = arith.constant 0 : i32
        %sign3A_1050 = arith.cmpi slt, %while3A_1039, %sign3A_1049 : i32
        %sign3A_1051 = arith.extui %sign3A_1050 : i1 to i32
        %sign3A_1052 = arith.subi %sign3A_1048, %sign3A_1051 : i32
        %sign3A_1053 = arith.constant 0 : i32
        %sign3A_1054 = arith.cmpi sgt, %jit3A_1044, %sign3A_1053 : i32
        %sign3A_1055 = arith.extui %sign3A_1054 : i1 to i32
        %sign3A_1056 = arith.constant 0 : i32
        %sign3A_1057 = arith.cmpi slt, %jit3A_1044, %sign3A_1056 : i32
        %sign3A_1058 = arith.extui %sign3A_1057 : i1 to i32
        %sign3A_1059 = arith.subi %sign3A_1055, %sign3A_1058 : i32
        %ne3A_1060 = arith.cmpi ne, %sign3A_1052, %sign3A_1059 : i32
        %rem3A_1061 = arith.remsi %while3A_1039, %jit3A_1044 : i32
        %ne3A_1062 = arith.constant 0 : i32
        %ne3A_1063 = arith.cmpi ne, %rem3A_1061, %ne3A_1062 : i32
        %and3A_1064 = arith.andi %ne3A_1060, %ne3A_1063 : i1
        %sub3A_1065 = arith.constant 1 : i32
        %sub3A_1066 = arith.subi %div3A_1045, %sub3A_1065 : i32
        %select_n3A_1067 = arith.select %and3A_1064, %sub3A_1066, %div3A_1045 : i32
        %mul3A_1068 = arith.constant 16 : i32
        %mul3A_1069 = arith.muli %select_n3A_1067, %mul3A_1068 : i32
        %get3A_1070 = arith.index_cast %mul3A_1069 : i32 to index
        %get3A_1071 = tpu.vector_load %arg11[%get3A_1070] {strides = array<i32>} : memref<256xi32, #tpu.memory_space<vmem>>, vector<16xi32>,
        %jit3A_1072 = arith.constant 16 : i32
        %eq3A_1073 = arith.constant 0 : i32
        %eq3A_1074 = arith.cmpi eq, %jit3A_1072, %eq3A_1073 : i32
        %jit3A_1075 = arith.constant 1 : i32
        %select_n3A_1076 = arith.select %eq3A_1074, %jit3A_1075, %jit3A_1072 : i32
        %rem3A_1077 = arith.remsi %while3A_1039, %select_n3A_1076 : i32
        %ne3A_1078 = arith.constant 0 : i32
        %ne3A_1079 = arith.cmpi ne, %rem3A_1077, %ne3A_1078 : i32
        %lt3A_1080 = arith.constant 0 : i32
        %lt3A_1081 = arith.cmpi slt, %rem3A_1077, %lt3A_1080 : i32
        %lt3A_1082 = arith.constant 0 : i32
        %lt3A_1083 = arith.cmpi slt, %select_n3A_1076, %lt3A_1082 : i32
        %ne3A_1084 = arith.xori %lt3A_1081, %lt3A_1083 : i1
        %and3A_1085 = arith.andi %ne3A_1084, %ne3A_1079 : i1
        %add3A_1086 = arith.addi %rem3A_1077, %select_n3A_1076 : i32
        %select_n3A_1087 = arith.select %and3A_1085, %add3A_1086, %rem3A_1077 : i32
        %eq3A_1088 = vector.broadcast %select_n3A_1087 : i32 to vector<16xi32>
        %eq3A_1089 = arith.cmpi eq, %iota3A, %eq3A_1088 : vector<16xi32>
        %select_n3A_1090 = arith.select %eq3A_1089, %get3A_1071, %broadcast_in_dim3A_1 : vector<16xi1>, vector<16xi32>
        %reduce_max3A_1091 = arith.constant true
        %reduce_max3A_1092 = vector.broadcast %reduce_max3A_1091 : i1 to vector<16xi1>
        %reduce_max3A_1093 = arith.constant -2147483648 : i32
        %reduce_max3A_1094 = vector.broadcast %reduce_max3A_1093 : i32 to vector<16xi32>
        %reduce_max3A_1095 = arith.xori %select_n3A_1090, %reduce_max3A_1094 : vector<16xi32>
        %reduce_max3A_1096 = tpu.scan <max>, %reduce_max3A_1095 masked %reduce_max3A_1092 : vector<16xi32>, vector<16xi1> -> vector<16xi32>
        %reduce_max3A_1097 = arith.xori %reduce_max3A_1096, %reduce_max3A_1094 : vector<16xi32>
        %reduce_max3A_1098 = vector.extract %reduce_max3A_1097[15] : i32 from vector<16xi32>
        %and3A_1099 = arith.constant 127 : i32
        %and3A_1100 = arith.andi %reduce_max3A_1098, %and3A_1099 : i32
        %broadcast_in_dim3A_1101 = vector.broadcast %and3A_1100 : i32 to vector<16xi32>
        %shift_right_arithmetic3A = arith.constant 7 : i32
        %shift_right_arithmetic3A_1102 = arith.shrsi %reduce_max3A_1098, %shift_right_arithmetic3A : i32
        %and3A_1103 = arith.constant 15 : i32
        %and3A_1104 = arith.andi %shift_right_arithmetic3A_1102, %and3A_1103 : i32
        %broadcast_in_dim3A_1105 = vector.broadcast %and3A_1104 : i32 to vector<16xi32>
        %gather3A = tpu.vector_load_idx %arg14[%broadcast_in_dim3A_1105, %iota3A, %broadcast_in_dim3A_1101] : memref<12x64x128xf32, #tpu.memory_space<vmem>>[vector<16xi32>, vector<16xi32>, vector<16xi32>], vector<16xf32>,
        %add3A_1106 = arith.addf %while3A_1040, %gather3A : vector<16xf32>
        %add3A_1107 = arith.constant 16 : i32
        %add3A_1108 = vector.broadcast %add3A_1107 : i32 to vector<16xi32>
        %add3A_1109 = arith.addi %iota3A, %add3A_1108 : vector<16xi32>
        %gather3A_1110 = tpu.vector_load_idx %arg14[%broadcast_in_dim3A_1105, %add3A_1109, %broadcast_in_dim3A_1101] : memref<12x64x128xf32, #tpu.memory_space<vmem>>[vector<16xi32>, vector<16xi32>, vector<16xi32>], vector<16xf32>,
        %add3A_1111 = arith.addf %while3A_1041, %gather3A_1110 : vector<16xf32>
        %add3A_1112 = arith.constant 32 : i32
        %add3A_1113 = vector.broadcast %add3A_1112 : i32 to vector<16xi32>
        %add3A_1114 = arith.addi %iota3A, %add3A_1113 : vector<16xi32>
        %gather3A_1115 = tpu.vector_load_idx %arg14[%broadcast_in_dim3A_1105, %add3A_1114, %broadcast_in_dim3A_1101] : memref<12x64x128xf32, #tpu.memory_space<vmem>>[vector<16xi32>, vector<16xi32>, vector<16xi32>], vector<16xf32>,
        %add3A_1116 = arith.addf %while3A_1042, %gather3A_1115 : vector<16xf32>
        %add3A_1117 = arith.constant 48 : i32
        %add3A_1118 = vector.broadcast %add3A_1117 : i32 to vector<16xi32>
        %add3A_1119 = arith.addi %iota3A, %add3A_1118 : vector<16xi32>
        %gather3A_1120 = tpu.vector_load_idx %arg14[%broadcast_in_dim3A_1105, %add3A_1119, %broadcast_in_dim3A_1101] : memref<12x64x128xf32, #tpu.memory_space<vmem>>[vector<16xi32>, vector<16xi32>, vector<16xi32>], vector<16xf32>,
        %add3A_1121 = arith.addf %while3A_1043, %gather3A_1120 : vector<16xf32>
        scf.yield %add3A_1106, %add3A_1111, %add3A_1116, %add3A_1121 : vector<16xf32>, vector<16xf32>, vector<16xf32>, vector<16xf32>
      }
      %add3A_635 = arith.constant 3 : i32
      %add3A_636 = arith.addi %add3A_480, %add3A_635 : i32
      %jit3A_637 = arith.constant 16 : i32
      %div3A_638 = arith.divsi %add3A_636, %jit3A_637 : i32
      %sign3A_639 = arith.constant 0 : i32
      %sign3A_640 = arith.cmpi sgt, %add3A_636, %sign3A_639 : i32
      %sign3A_641 = arith.extui %sign3A_640 : i1 to i32
      %sign3A_642 = arith.constant 0 : i32
      %sign3A_643 = arith.cmpi slt, %add3A_636, %sign3A_642 : i32
      %sign3A_644 = arith.extui %sign3A_643 : i1 to i32
      %sign3A_645 = arith.subi %sign3A_641, %sign3A_644 : i32
      %sign3A_646 = arith.constant 0 : i32
      %sign3A_647 = arith.cmpi sgt, %jit3A_637, %sign3A_646 : i32
      %sign3A_648 = arith.extui %sign3A_647 : i1 to i32
      %sign3A_649 = arith.constant 0 : i32
      %sign3A_650 = arith.cmpi slt, %jit3A_637, %sign3A_649 : i32
      %sign3A_651 = arith.extui %sign3A_650 : i1 to i32
      %sign3A_652 = arith.subi %sign3A_648, %sign3A_651 : i32
      %ne3A_653 = arith.cmpi ne, %sign3A_645, %sign3A_652 : i32
      %rem3A_654 = arith.remsi %add3A_636, %jit3A_637 : i32
      %ne3A_655 = arith.constant 0 : i32
      %ne3A_656 = arith.cmpi ne, %rem3A_654, %ne3A_655 : i32
      %and3A_657 = arith.andi %ne3A_653, %ne3A_656 : i1
      %sub3A_658 = arith.constant 1 : i32
      %sub3A_659 = arith.subi %div3A_638, %sub3A_658 : i32
      %select_n3A_660 = arith.select %and3A_657, %sub3A_659, %div3A_638 : i32
      %mul3A_661 = arith.constant 16 : i32
      %mul3A_662 = arith.muli %select_n3A_660, %mul3A_661 : i32
      %get3A_663 = arith.index_cast %mul3A_662 : i32 to index
      %get3A_664 = tpu.vector_load %arg12[%get3A_663] {strides = array<i32>} : memref<80xi32, #tpu.memory_space<vmem>>, vector<16xi32>,
      %jit3A_665 = arith.constant 16 : i32
      %eq3A_666 = arith.constant 0 : i32
      %eq3A_667 = arith.cmpi eq, %jit3A_665, %eq3A_666 : i32
      %jit3A_668 = arith.constant 1 : i32
      %select_n3A_669 = arith.select %eq3A_667, %jit3A_668, %jit3A_665 : i32
      %rem3A_670 = arith.remsi %add3A_636, %select_n3A_669 : i32
      %ne3A_671 = arith.constant 0 : i32
      %ne3A_672 = arith.cmpi ne, %rem3A_670, %ne3A_671 : i32
      %lt3A_673 = arith.constant 0 : i32
      %lt3A_674 = arith.cmpi slt, %rem3A_670, %lt3A_673 : i32
      %lt3A_675 = arith.constant 0 : i32
      %lt3A_676 = arith.cmpi slt, %select_n3A_669, %lt3A_675 : i32
      %ne3A_677 = arith.xori %lt3A_674, %lt3A_676 : i1
      %and3A_678 = arith.andi %ne3A_677, %ne3A_672 : i1
      %add3A_679 = arith.addi %rem3A_670, %select_n3A_669 : i32
      %select_n3A_680 = arith.select %and3A_678, %add3A_679, %rem3A_670 : i32
      %eq3A_681 = vector.broadcast %select_n3A_680 : i32 to vector<16xi32>
      %eq3A_682 = arith.cmpi eq, %iota3A, %eq3A_681 : vector<16xi32>
      %select_n3A_683 = arith.select %eq3A_682, %get3A_664, %broadcast_in_dim3A_1 : vector<16xi1>, vector<16xi32>
      %reduce_max3A_684 = arith.constant true
      %reduce_max3A_685 = vector.broadcast %reduce_max3A_684 : i1 to vector<16xi1>
      %reduce_max3A_686 = arith.constant -2147483648 : i32
      %reduce_max3A_687 = vector.broadcast %reduce_max3A_686 : i32 to vector<16xi32>
      %reduce_max3A_688 = arith.xori %select_n3A_683, %reduce_max3A_687 : vector<16xi32>
      %reduce_max3A_689 = tpu.scan <max>, %reduce_max3A_688 masked %reduce_max3A_685 : vector<16xi32>, vector<16xi1> -> vector<16xi32>
      %reduce_max3A_690 = arith.xori %reduce_max3A_689, %reduce_max3A_687 : vector<16xi32>
      %reduce_max3A_691 = vector.extract %reduce_max3A_690[15] : i32 from vector<16xi32>
      %add3A_692 = arith.constant 4 : i32
      %add3A_693 = arith.addi %add3A_480, %add3A_692 : i32
      %jit3A_694 = arith.constant 16 : i32
      %div3A_695 = arith.divsi %add3A_693, %jit3A_694 : i32
      %sign3A_696 = arith.constant 0 : i32
      %sign3A_697 = arith.cmpi sgt, %add3A_693, %sign3A_696 : i32
      %sign3A_698 = arith.extui %sign3A_697 : i1 to i32
      %sign3A_699 = arith.constant 0 : i32
      %sign3A_700 = arith.cmpi slt, %add3A_693, %sign3A_699 : i32
      %sign3A_701 = arith.extui %sign3A_700 : i1 to i32
      %sign3A_702 = arith.subi %sign3A_698, %sign3A_701 : i32
      %sign3A_703 = arith.constant 0 : i32
      %sign3A_704 = arith.cmpi sgt, %jit3A_694, %sign3A_703 : i32
      %sign3A_705 = arith.extui %sign3A_704 : i1 to i32
      %sign3A_706 = arith.constant 0 : i32
      %sign3A_707 = arith.cmpi slt, %jit3A_694, %sign3A_706 : i32
      %sign3A_708 = arith.extui %sign3A_707 : i1 to i32
      %sign3A_709 = arith.subi %sign3A_705, %sign3A_708 : i32
      %ne3A_710 = arith.cmpi ne, %sign3A_702, %sign3A_709 : i32
      %rem3A_711 = arith.remsi %add3A_693, %jit3A_694 : i32
      %ne3A_712 = arith.constant 0 : i32
      %ne3A_713 = arith.cmpi ne, %rem3A_711, %ne3A_712 : i32
      %and3A_714 = arith.andi %ne3A_710, %ne3A_713 : i1
      %sub3A_715 = arith.constant 1 : i32
      %sub3A_716 = arith.subi %div3A_695, %sub3A_715 : i32
      %select_n3A_717 = arith.select %and3A_714, %sub3A_716, %div3A_695 : i32
      %mul3A_718 = arith.constant 16 : i32
      %mul3A_719 = arith.muli %select_n3A_717, %mul3A_718 : i32
      %get3A_720 = arith.index_cast %mul3A_719 : i32 to index
      %get3A_721 = tpu.vector_load %arg12[%get3A_720] {strides = array<i32>} : memref<80xi32, #tpu.memory_space<vmem>>, vector<16xi32>,
      %jit3A_722 = arith.constant 16 : i32
      %eq3A_723 = arith.constant 0 : i32
      %eq3A_724 = arith.cmpi eq, %jit3A_722, %eq3A_723 : i32
      %jit3A_725 = arith.constant 1 : i32
      %select_n3A_726 = arith.select %eq3A_724, %jit3A_725, %jit3A_722 : i32
      %rem3A_727 = arith.remsi %add3A_693, %select_n3A_726 : i32
      %ne3A_728 = arith.constant 0 : i32
      %ne3A_729 = arith.cmpi ne, %rem3A_727, %ne3A_728 : i32
      %lt3A_730 = arith.constant 0 : i32
      %lt3A_731 = arith.cmpi slt, %rem3A_727, %lt3A_730 : i32
      %lt3A_732 = arith.constant 0 : i32
      %lt3A_733 = arith.cmpi slt, %select_n3A_726, %lt3A_732 : i32
      %ne3A_734 = arith.xori %lt3A_731, %lt3A_733 : i1
      %and3A_735 = arith.andi %ne3A_734, %ne3A_729 : i1
      %add3A_736 = arith.addi %rem3A_727, %select_n3A_726 : i32
      %select_n3A_737 = arith.select %and3A_735, %add3A_736, %rem3A_727 : i32
      %eq3A_738 = vector.broadcast %select_n3A_737 : i32 to vector<16xi32>
      %eq3A_739 = arith.cmpi eq, %iota3A, %eq3A_738 : vector<16xi32>
      %select_n3A_740 = arith.select %eq3A_739, %get3A_721, %broadcast_in_dim3A_1 : vector<16xi1>, vector<16xi32>
      %reduce_max3A_741 = arith.constant true
      %reduce_max3A_742 = vector.broadcast %reduce_max3A_741 : i1 to vector<16xi1>
      %reduce_max3A_743 = arith.constant -2147483648 : i32
      %reduce_max3A_744 = vector.broadcast %reduce_max3A_743 : i32 to vector<16xi32>
      %reduce_max3A_745 = arith.xori %select_n3A_740, %reduce_max3A_744 : vector<16xi32>
      %reduce_max3A_746 = tpu.scan <max>, %reduce_max3A_745 masked %reduce_max3A_742 : vector<16xi32>, vector<16xi1> -> vector<16xi32>
      %reduce_max3A_747 = arith.xori %reduce_max3A_746, %reduce_max3A_744 : vector<16xi32>
      %reduce_max3A_748 = vector.extract %reduce_max3A_747[15] : i32 from vector<16xi32>
      %while3A_749 = arith.constant 0 : i32
      %while3A_750 = arith.subi %reduce_max3A_748, %reduce_max3A_691 : i32
      %while3A_751 = arith.addi %reduce_max3A_691, %while3A_750 : i32
      %while3A_752 = arith.constant 1 : i32
      %while3A_753 = arith.divsi %while3A_750, %while3A_752 : i32
      %while3A_754 = arith.muli %while3A_753, %while3A_752 : i32
      %while3A_755 = arith.addi %reduce_max3A_691, %while3A_754 : i32
      %while3A_756 = arith.constant 1 : i32
      scf.for %while3A_1039 = %reduce_max3A_691 to %while3A_755 step %while3A_756  : i32 {
        %jit3A_1040 = arith.constant 16 : i32
        %div3A_1041 = arith.divsi %while3A_1039, %jit3A_1040 : i32
        %sign3A_1042 = arith.constant 0 : i32
        %sign3A_1043 = arith.cmpi sgt, %while3A_1039, %sign3A_1042 : i32
        %sign3A_1044 = arith.extui %sign3A_1043 : i1 to i32
        %sign3A_1045 = arith.constant 0 : i32
        %sign3A_1046 = arith.cmpi slt, %while3A_1039, %sign3A_1045 : i32
        %sign3A_1047 = arith.extui %sign3A_1046 : i1 to i32
        %sign3A_1048 = arith.subi %sign3A_1044, %sign3A_1047 : i32
        %sign3A_1049 = arith.constant 0 : i32
        %sign3A_1050 = arith.cmpi sgt, %jit3A_1040, %sign3A_1049 : i32
        %sign3A_1051 = arith.extui %sign3A_1050 : i1 to i32
        %sign3A_1052 = arith.constant 0 : i32
        %sign3A_1053 = arith.cmpi slt, %jit3A_1040, %sign3A_1052 : i32
        %sign3A_1054 = arith.extui %sign3A_1053 : i1 to i32
        %sign3A_1055 = arith.subi %sign3A_1051, %sign3A_1054 : i32
        %ne3A_1056 = arith.cmpi ne, %sign3A_1048, %sign3A_1055 : i32
        %rem3A_1057 = arith.remsi %while3A_1039, %jit3A_1040 : i32
        %ne3A_1058 = arith.constant 0 : i32
        %ne3A_1059 = arith.cmpi ne, %rem3A_1057, %ne3A_1058 : i32
        %and3A_1060 = arith.andi %ne3A_1056, %ne3A_1059 : i1
        %sub3A_1061 = arith.constant 1 : i32
        %sub3A_1062 = arith.subi %div3A_1041, %sub3A_1061 : i32
        %select_n3A_1063 = arith.select %and3A_1060, %sub3A_1062, %div3A_1041 : i32
        %mul3A_1064 = arith.constant 16 : i32
        %mul3A_1065 = arith.muli %select_n3A_1063, %mul3A_1064 : i32
        %get3A_1066 = arith.index_cast %mul3A_1065 : i32 to index
        %get3A_1067 = tpu.vector_load %arg11[%get3A_1066] {strides = array<i32>} : memref<256xi32, #tpu.memory_space<vmem>>, vector<16xi32>,
        %jit3A_1068 = arith.constant 16 : i32
        %eq3A_1069 = arith.constant 0 : i32
        %eq3A_1070 = arith.cmpi eq, %jit3A_1068, %eq3A_1069 : i32
        %jit3A_1071 = arith.constant 1 : i32
        %select_n3A_1072 = arith.select %eq3A_1070, %jit3A_1071, %jit3A_1068 : i32
        %rem3A_1073 = arith.remsi %while3A_1039, %select_n3A_1072 : i32
        %ne3A_1074 = arith.constant 0 : i32
        %ne3A_1075 = arith.cmpi ne, %rem3A_1073, %ne3A_1074 : i32
        %lt3A_1076 = arith.constant 0 : i32
        %lt3A_1077 = arith.cmpi slt, %rem3A_1073, %lt3A_1076 : i32
        %lt3A_1078 = arith.constant 0 : i32
        %lt3A_1079 = arith.cmpi slt, %select_n3A_1072, %lt3A_1078 : i32
        %ne3A_1080 = arith.xori %lt3A_1077, %lt3A_1079 : i1
        %and3A_1081 = arith.andi %ne3A_1080, %ne3A_1075 : i1
        %add3A_1082 = arith.addi %rem3A_1073, %select_n3A_1072 : i32
        %select_n3A_1083 = arith.select %and3A_1081, %add3A_1082, %rem3A_1073 : i32
        %eq3A_1084 = vector.broadcast %select_n3A_1083 : i32 to vector<16xi32>
        %eq3A_1085 = arith.cmpi eq, %iota3A, %eq3A_1084 : vector<16xi32>
        %select_n3A_1086 = arith.select %eq3A_1085, %get3A_1067, %broadcast_in_dim3A_1 : vector<16xi1>, vector<16xi32>
        %reduce_max3A_1087 = arith.constant true
        %reduce_max3A_1088 = vector.broadcast %reduce_max3A_1087 : i1 to vector<16xi1>
        %reduce_max3A_1089 = arith.constant -2147483648 : i32
        %reduce_max3A_1090 = vector.broadcast %reduce_max3A_1089 : i32 to vector<16xi32>
        %reduce_max3A_1091 = arith.xori %select_n3A_1086, %reduce_max3A_1090 : vector<16xi32>
        %reduce_max3A_1092 = tpu.scan <max>, %reduce_max3A_1091 masked %reduce_max3A_1088 : vector<16xi32>, vector<16xi1> -> vector<16xi32>
        %reduce_max3A_1093 = arith.xori %reduce_max3A_1092, %reduce_max3A_1090 : vector<16xi32>
        %reduce_max3A_1094 = vector.extract %reduce_max3A_1093[15] : i32 from vector<16xi32>
        %ge3A = arith.constant 2048 : i32
        %ge3A_1095 = arith.cmpi sge, %reduce_max3A_1094, %ge3A : i32
        %convert_element_type3A_1096 = arith.extui %ge3A_1095 : i1 to i32
        %cond3A_1097 = arith.constant 0 : i32
        %cond3A_1098 = arith.cmpi ne, %convert_element_type3A_1096, %cond3A_1097 : i32
        scf.if %cond3A_1098 {
          %jit3A_1099 = arith.constant 16 : i32
          %div3A_1100 = arith.divsi %while3A_1039, %jit3A_1099 : i32
          %sign3A_1101 = arith.constant 0 : i32
          %sign3A_1102 = arith.cmpi sgt, %while3A_1039, %sign3A_1101 : i32
          %sign3A_1103 = arith.extui %sign3A_1102 : i1 to i32
          %sign3A_1104 = arith.constant 0 : i32
          %sign3A_1105 = arith.cmpi slt, %while3A_1039, %sign3A_1104 : i32
          %sign3A_1106 = arith.extui %sign3A_1105 : i1 to i32
          %sign3A_1107 = arith.subi %sign3A_1103, %sign3A_1106 : i32
          %sign3A_1108 = arith.constant 0 : i32
          %sign3A_1109 = arith.cmpi sgt, %jit3A_1099, %sign3A_1108 : i32
          %sign3A_1110 = arith.extui %sign3A_1109 : i1 to i32
          %sign3A_1111 = arith.constant 0 : i32
          %sign3A_1112 = arith.cmpi slt, %jit3A_1099, %sign3A_1111 : i32
          %sign3A_1113 = arith.extui %sign3A_1112 : i1 to i32
          %sign3A_1114 = arith.subi %sign3A_1110, %sign3A_1113 : i32
          %ne3A_1115 = arith.cmpi ne, %sign3A_1107, %sign3A_1114 : i32
          %rem3A_1116 = arith.remsi %while3A_1039, %jit3A_1099 : i32
          %ne3A_1117 = arith.constant 0 : i32
          %ne3A_1118 = arith.cmpi ne, %rem3A_1116, %ne3A_1117 : i32
          %and3A_1119 = arith.andi %ne3A_1115, %ne3A_1118 : i1
          %sub3A_1120 = arith.constant 1 : i32
          %sub3A_1121 = arith.subi %div3A_1100, %sub3A_1120 : i32
          %select_n3A_1122 = arith.select %and3A_1119, %sub3A_1121, %div3A_1100 : i32
          %mul3A_1123 = arith.constant 16 : i32
          %mul3A_1124 = arith.muli %select_n3A_1122, %mul3A_1123 : i32
          %get3A_1125 = arith.index_cast %mul3A_1124 : i32 to index
          %get3A_1126 = tpu.vector_load %arg10[%get3A_1125] {strides = array<i32>} : memref<256xi32, #tpu.memory_space<vmem>>, vector<16xi32>,
          %jit3A_1127 = arith.constant 16 : i32
          %eq3A_1128 = arith.constant 0 : i32
          %eq3A_1129 = arith.cmpi eq, %jit3A_1127, %eq3A_1128 : i32
          %jit3A_1130 = arith.constant 1 : i32
          %select_n3A_1131 = arith.select %eq3A_1129, %jit3A_1130, %jit3A_1127 : i32
          %rem3A_1132 = arith.remsi %while3A_1039, %select_n3A_1131 : i32
          %ne3A_1133 = arith.constant 0 : i32
          %ne3A_1134 = arith.cmpi ne, %rem3A_1132, %ne3A_1133 : i32
          %lt3A_1135 = arith.constant 0 : i32
          %lt3A_1136 = arith.cmpi slt, %rem3A_1132, %lt3A_1135 : i32
          %lt3A_1137 = arith.constant 0 : i32
          %lt3A_1138 = arith.cmpi slt, %select_n3A_1131, %lt3A_1137 : i32
          %ne3A_1139 = arith.xori %lt3A_1136, %lt3A_1138 : i1
          %and3A_1140 = arith.andi %ne3A_1139, %ne3A_1134 : i1
          %add3A_1141 = arith.addi %rem3A_1132, %select_n3A_1131 : i32
          %select_n3A_1142 = arith.select %and3A_1140, %add3A_1141, %rem3A_1132 : i32
          %eq3A_1143 = vector.broadcast %select_n3A_1142 : i32 to vector<16xi32>
          %eq3A_1144 = arith.cmpi eq, %iota3A, %eq3A_1143 : vector<16xi32>
          %select_n3A_1145 = arith.select %eq3A_1144, %get3A_1126, %broadcast_in_dim3A_1 : vector<16xi1>, vector<16xi32>
          %reduce_max3A_1146 = arith.constant true
          %reduce_max3A_1147 = vector.broadcast %reduce_max3A_1146 : i1 to vector<16xi1>
          %reduce_max3A_1148 = arith.constant -2147483648 : i32
          %reduce_max3A_1149 = vector.broadcast %reduce_max3A_1148 : i32 to vector<16xi32>
          %reduce_max3A_1150 = arith.xori %select_n3A_1145, %reduce_max3A_1149 : vector<16xi32>
          %reduce_max3A_1151 = tpu.scan <max>, %reduce_max3A_1150 masked %reduce_max3A_1147 : vector<16xi32>, vector<16xi1> -> vector<16xi32>
          %reduce_max3A_1152 = arith.xori %reduce_max3A_1151, %reduce_max3A_1149 : vector<16xi32>
          %reduce_max3A_1153 = vector.extract %reduce_max3A_1152[15] : i32 from vector<16xi32>
          %shift_right_arithmetic3A = arith.constant 7 : i32
          %shift_right_arithmetic3A_1154 = arith.shrsi %reduce_max3A_1153, %shift_right_arithmetic3A : i32
          %mul3A_1155 = arith.constant 128 : i32
          %mul3A_1156 = arith.muli %shift_right_arithmetic3A_1154, %mul3A_1155 : i32
          %multiple_of3A = tpu.assume_multiple %mul3A_1156, 128 : i32
          %shift_right_arithmetic3A_1157 = arith.constant 7 : i32
          %shift_right_arithmetic3A_1158 = arith.shrsi %reduce_max3A_1094, %shift_right_arithmetic3A_1157 : i32
          %and3A_1159 = arith.constant 15 : i32
          %and3A_1160 = arith.andi %shift_right_arithmetic3A_1158, %and3A_1159 : i32
          %dma_start3A = arith.constant 0 : i32
          %dma_start3A_1161 = arith.constant 0 : i32
          %dma_start3A_1162 = tpu.memref_slice %arg14[%and3A_1160, %dma_start3A, %dma_start3A_1161] : memref<12x64x128xf32, #tpu.memory_space<vmem>> -> memref<1x64x128xf32, #tpu.memory_space<vmem>>
          %dma_start3A_1163 = tpu.memref_squeeze %dma_start3A_1162 : memref<1x64x128xf32, #tpu.memory_space<vmem>> -> memref<64x128xf32, #tpu.memory_space<vmem>>
          %dma_start3A_1164 = arith.constant 0 : i32
          %dma_start3A_1165 = tpu.memref_slice %arg7[%dma_start3A_1164, %multiple_of3A] : memref<64x1000000xf32, #tpu.memory_space<hbm>> -> memref<64x128xf32, #tpu.memory_space<hbm>>
          %dma_start3A_1166 = arith.constant 0 : i32
          %dma_start3A_1167 = arith.constant 0 : i32
          %dma_start3A_1168 = tpu.memref_slice %arg14[%and3A_1160, %dma_start3A_1166, %dma_start3A_1167] : memref<12x64x128xf32, #tpu.memory_space<vmem>> -> memref<1x64x128xf32, #tpu.memory_space<vmem>>
          %dma_start3A_1169 = tpu.memref_squeeze %dma_start3A_1168 : memref<1x64x128xf32, #tpu.memory_space<vmem>> -> memref<64x128xf32, #tpu.memory_space<vmem>>
          %dma_start3A_1170 = arith.constant 0 : i32
          %dma_start3A_1171 = tpu.memref_slice %arg7[%dma_start3A_1170, %multiple_of3A] : memref<64x1000000xf32, #tpu.memory_space<hbm>> -> memref<64x128xf32, #tpu.memory_space<hbm>>
          tpu.enqueue_dma source(%dma_start3A_1171 : memref<64x128xf32, #tpu.memory_space<hbm>>) target(%dma_start3A_1169 : memref<64x128xf32, #tpu.memory_space<vmem>>) target_semaphore(%arg19 : memref<!tpu.dma_semaphore, #tpu.memory_space<semaphore_mem>>)
        } else {
        }
      }
      %while3A_757 = arith.constant 1 : i32
      scf.for %while3A_1039 = %while3A_755 to %while3A_751 step %while3A_757  : i32 {
        %jit3A_1040 = arith.constant 16 : i32
        %div3A_1041 = arith.divsi %while3A_1039, %jit3A_1040 : i32
        %sign3A_1042 = arith.constant 0 : i32
        %sign3A_1043 = arith.cmpi sgt, %while3A_1039, %sign3A_1042 : i32
        %sign3A_1044 = arith.extui %sign3A_1043 : i1 to i32
        %sign3A_1045 = arith.constant 0 : i32
        %sign3A_1046 = arith.cmpi slt, %while3A_1039, %sign3A_1045 : i32
        %sign3A_1047 = arith.extui %sign3A_1046 : i1 to i32
        %sign3A_1048 = arith.subi %sign3A_1044, %sign3A_1047 : i32
        %sign3A_1049 = arith.constant 0 : i32
        %sign3A_1050 = arith.cmpi sgt, %jit3A_1040, %sign3A_1049 : i32
        %sign3A_1051 = arith.extui %sign3A_1050 : i1 to i32
        %sign3A_1052 = arith.constant 0 : i32
        %sign3A_1053 = arith.cmpi slt, %jit3A_1040, %sign3A_1052 : i32
        %sign3A_1054 = arith.extui %sign3A_1053 : i1 to i32
        %sign3A_1055 = arith.subi %sign3A_1051, %sign3A_1054 : i32
        %ne3A_1056 = arith.cmpi ne, %sign3A_1048, %sign3A_1055 : i32
        %rem3A_1057 = arith.remsi %while3A_1039, %jit3A_1040 : i32
        %ne3A_1058 = arith.constant 0 : i32
        %ne3A_1059 = arith.cmpi ne, %rem3A_1057, %ne3A_1058 : i32
        %and3A_1060 = arith.andi %ne3A_1056, %ne3A_1059 : i1
        %sub3A_1061 = arith.constant 1 : i32
        %sub3A_1062 = arith.subi %div3A_1041, %sub3A_1061 : i32
        %select_n3A_1063 = arith.select %and3A_1060, %sub3A_1062, %div3A_1041 : i32
        %mul3A_1064 = arith.constant 16 : i32
        %mul3A_1065 = arith.muli %select_n3A_1063, %mul3A_1064 : i32
        %get3A_1066 = arith.index_cast %mul3A_1065 : i32 to index
        %get3A_1067 = tpu.vector_load %arg11[%get3A_1066] {strides = array<i32>} : memref<256xi32, #tpu.memory_space<vmem>>, vector<16xi32>,
        %jit3A_1068 = arith.constant 16 : i32
        %eq3A_1069 = arith.constant 0 : i32
        %eq3A_1070 = arith.cmpi eq, %jit3A_1068, %eq3A_1069 : i32
        %jit3A_1071 = arith.constant 1 : i32
        %select_n3A_1072 = arith.select %eq3A_1070, %jit3A_1071, %jit3A_1068 : i32
        %rem3A_1073 = arith.remsi %while3A_1039, %select_n3A_1072 : i32
        %ne3A_1074 = arith.constant 0 : i32
        %ne3A_1075 = arith.cmpi ne, %rem3A_1073, %ne3A_1074 : i32
        %lt3A_1076 = arith.constant 0 : i32
        %lt3A_1077 = arith.cmpi slt, %rem3A_1073, %lt3A_1076 : i32
        %lt3A_1078 = arith.constant 0 : i32
        %lt3A_1079 = arith.cmpi slt, %select_n3A_1072, %lt3A_1078 : i32
        %ne3A_1080 = arith.xori %lt3A_1077, %lt3A_1079 : i1
        %and3A_1081 = arith.andi %ne3A_1080, %ne3A_1075 : i1
        %add3A_1082 = arith.addi %rem3A_1073, %select_n3A_1072 : i32
        %select_n3A_1083 = arith.select %and3A_1081, %add3A_1082, %rem3A_1073 : i32
        %eq3A_1084 = vector.broadcast %select_n3A_1083 : i32 to vector<16xi32>
        %eq3A_1085 = arith.cmpi eq, %iota3A, %eq3A_1084 : vector<16xi32>
        %select_n3A_1086 = arith.select %eq3A_1085, %get3A_1067, %broadcast_in_dim3A_1 : vector<16xi1>, vector<16xi32>
        %reduce_max3A_1087 = arith.constant true
        %reduce_max3A_1088 = vector.broadcast %reduce_max3A_1087 : i1 to vector<16xi1>
        %reduce_max3A_1089 = arith.constant -2147483648 : i32
        %reduce_max3A_1090 = vector.broadcast %reduce_max3A_1089 : i32 to vector<16xi32>
        %reduce_max3A_1091 = arith.xori %select_n3A_1086, %reduce_max3A_1090 : vector<16xi32>
        %reduce_max3A_1092 = tpu.scan <max>, %reduce_max3A_1091 masked %reduce_max3A_1088 : vector<16xi32>, vector<16xi1> -> vector<16xi32>
        %reduce_max3A_1093 = arith.xori %reduce_max3A_1092, %reduce_max3A_1090 : vector<16xi32>
        %reduce_max3A_1094 = vector.extract %reduce_max3A_1093[15] : i32 from vector<16xi32>
        %ge3A = arith.constant 2048 : i32
        %ge3A_1095 = arith.cmpi sge, %reduce_max3A_1094, %ge3A : i32
        %convert_element_type3A_1096 = arith.extui %ge3A_1095 : i1 to i32
        %cond3A_1097 = arith.constant 0 : i32
        %cond3A_1098 = arith.cmpi ne, %convert_element_type3A_1096, %cond3A_1097 : i32
        scf.if %cond3A_1098 {
          %jit3A_1099 = arith.constant 16 : i32
          %div3A_1100 = arith.divsi %while3A_1039, %jit3A_1099 : i32
          %sign3A_1101 = arith.constant 0 : i32
          %sign3A_1102 = arith.cmpi sgt, %while3A_1039, %sign3A_1101 : i32
          %sign3A_1103 = arith.extui %sign3A_1102 : i1 to i32
          %sign3A_1104 = arith.constant 0 : i32
          %sign3A_1105 = arith.cmpi slt, %while3A_1039, %sign3A_1104 : i32
          %sign3A_1106 = arith.extui %sign3A_1105 : i1 to i32
          %sign3A_1107 = arith.subi %sign3A_1103, %sign3A_1106 : i32
          %sign3A_1108 = arith.constant 0 : i32
          %sign3A_1109 = arith.cmpi sgt, %jit3A_1099, %sign3A_1108 : i32
          %sign3A_1110 = arith.extui %sign3A_1109 : i1 to i32
          %sign3A_1111 = arith.constant 0 : i32
          %sign3A_1112 = arith.cmpi slt, %jit3A_1099, %sign3A_1111 : i32
          %sign3A_1113 = arith.extui %sign3A_1112 : i1 to i32
          %sign3A_1114 = arith.subi %sign3A_1110, %sign3A_1113 : i32
          %ne3A_1115 = arith.cmpi ne, %sign3A_1107, %sign3A_1114 : i32
          %rem3A_1116 = arith.remsi %while3A_1039, %jit3A_1099 : i32
          %ne3A_1117 = arith.constant 0 : i32
          %ne3A_1118 = arith.cmpi ne, %rem3A_1116, %ne3A_1117 : i32
          %and3A_1119 = arith.andi %ne3A_1115, %ne3A_1118 : i1
          %sub3A_1120 = arith.constant 1 : i32
          %sub3A_1121 = arith.subi %div3A_1100, %sub3A_1120 : i32
          %select_n3A_1122 = arith.select %and3A_1119, %sub3A_1121, %div3A_1100 : i32
          %mul3A_1123 = arith.constant 16 : i32
          %mul3A_1124 = arith.muli %select_n3A_1122, %mul3A_1123 : i32
          %get3A_1125 = arith.index_cast %mul3A_1124 : i32 to index
          %get3A_1126 = tpu.vector_load %arg10[%get3A_1125] {strides = array<i32>} : memref<256xi32, #tpu.memory_space<vmem>>, vector<16xi32>,
          %jit3A_1127 = arith.constant 16 : i32
          %eq3A_1128 = arith.constant 0 : i32
          %eq3A_1129 = arith.cmpi eq, %jit3A_1127, %eq3A_1128 : i32
          %jit3A_1130 = arith.constant 1 : i32
          %select_n3A_1131 = arith.select %eq3A_1129, %jit3A_1130, %jit3A_1127 : i32
          %rem3A_1132 = arith.remsi %while3A_1039, %select_n3A_1131 : i32
          %ne3A_1133 = arith.constant 0 : i32
          %ne3A_1134 = arith.cmpi ne, %rem3A_1132, %ne3A_1133 : i32
          %lt3A_1135 = arith.constant 0 : i32
          %lt3A_1136 = arith.cmpi slt, %rem3A_1132, %lt3A_1135 : i32
          %lt3A_1137 = arith.constant 0 : i32
          %lt3A_1138 = arith.cmpi slt, %select_n3A_1131, %lt3A_1137 : i32
          %ne3A_1139 = arith.xori %lt3A_1136, %lt3A_1138 : i1
          %and3A_1140 = arith.andi %ne3A_1139, %ne3A_1134 : i1
          %add3A_1141 = arith.addi %rem3A_1132, %select_n3A_1131 : i32
          %select_n3A_1142 = arith.select %and3A_1140, %add3A_1141, %rem3A_1132 : i32
          %eq3A_1143 = vector.broadcast %select_n3A_1142 : i32 to vector<16xi32>
          %eq3A_1144 = arith.cmpi eq, %iota3A, %eq3A_1143 : vector<16xi32>
          %select_n3A_1145 = arith.select %eq3A_1144, %get3A_1126, %broadcast_in_dim3A_1 : vector<16xi1>, vector<16xi32>
          %reduce_max3A_1146 = arith.constant true
          %reduce_max3A_1147 = vector.broadcast %reduce_max3A_1146 : i1 to vector<16xi1>
          %reduce_max3A_1148 = arith.constant -2147483648 : i32
          %reduce_max3A_1149 = vector.broadcast %reduce_max3A_1148 : i32 to vector<16xi32>
          %reduce_max3A_1150 = arith.xori %select_n3A_1145, %reduce_max3A_1149 : vector<16xi32>
          %reduce_max3A_1151 = tpu.scan <max>, %reduce_max3A_1150 masked %reduce_max3A_1147 : vector<16xi32>, vector<16xi1> -> vector<16xi32>
          %reduce_max3A_1152 = arith.xori %reduce_max3A_1151, %reduce_max3A_1149 : vector<16xi32>
          %reduce_max3A_1153 = vector.extract %reduce_max3A_1152[15] : i32 from vector<16xi32>
          %shift_right_arithmetic3A = arith.constant 7 : i32
          %shift_right_arithmetic3A_1154 = arith.shrsi %reduce_max3A_1153, %shift_right_arithmetic3A : i32
          %mul3A_1155 = arith.constant 128 : i32
          %mul3A_1156 = arith.muli %shift_right_arithmetic3A_1154, %mul3A_1155 : i32
          %multiple_of3A = tpu.assume_multiple %mul3A_1156, 128 : i32
          %shift_right_arithmetic3A_1157 = arith.constant 7 : i32
          %shift_right_arithmetic3A_1158 = arith.shrsi %reduce_max3A_1094, %shift_right_arithmetic3A_1157 : i32
          %and3A_1159 = arith.constant 15 : i32
          %and3A_1160 = arith.andi %shift_right_arithmetic3A_1158, %and3A_1159 : i32
          %dma_start3A = arith.constant 0 : i32
          %dma_start3A_1161 = arith.constant 0 : i32
          %dma_start3A_1162 = tpu.memref_slice %arg14[%and3A_1160, %dma_start3A, %dma_start3A_1161] : memref<12x64x128xf32, #tpu.memory_space<vmem>> -> memref<1x64x128xf32, #tpu.memory_space<vmem>>
          %dma_start3A_1163 = tpu.memref_squeeze %dma_start3A_1162 : memref<1x64x128xf32, #tpu.memory_space<vmem>> -> memref<64x128xf32, #tpu.memory_space<vmem>>
          %dma_start3A_1164 = arith.constant 0 : i32
          %dma_start3A_1165 = tpu.memref_slice %arg7[%dma_start3A_1164, %multiple_of3A] : memref<64x1000000xf32, #tpu.memory_space<hbm>> -> memref<64x128xf32, #tpu.memory_space<hbm>>
          %dma_start3A_1166 = arith.constant 0 : i32
          %dma_start3A_1167 = arith.constant 0 : i32
          %dma_start3A_1168 = tpu.memref_slice %arg14[%and3A_1160, %dma_start3A_1166, %dma_start3A_1167] : memref<12x64x128xf32, #tpu.memory_space<vmem>> -> memref<1x64x128xf32, #tpu.memory_space<vmem>>
          %dma_start3A_1169 = tpu.memref_squeeze %dma_start3A_1168 : memref<1x64x128xf32, #tpu.memory_space<vmem>> -> memref<64x128xf32, #tpu.memory_space<vmem>>
          %dma_start3A_1170 = arith.constant 0 : i32
          %dma_start3A_1171 = tpu.memref_slice %arg7[%dma_start3A_1170, %multiple_of3A] : memref<64x1000000xf32, #tpu.memory_space<hbm>> -> memref<64x128xf32, #tpu.memory_space<hbm>>
          tpu.enqueue_dma source(%dma_start3A_1171 : memref<64x128xf32, #tpu.memory_space<hbm>>) target(%dma_start3A_1169 : memref<64x128xf32, #tpu.memory_space<vmem>>) target_semaphore(%arg19 : memref<!tpu.dma_semaphore, #tpu.memory_space<semaphore_mem>>)
        } else {
        }
      }
      %mul3A_758 = arith.constant 3 : i32
      %mul3A_759 = arith.muli %mul3A_758, %scan3A_191 : i32
      %add3A_760 = arith.constant 2 : i32
      %add3A_761 = arith.addi %mul3A_759, %add3A_760 : i32
      %mul3A_762 = arith.constant 4 : i32
      %mul3A_763 = arith.muli %add3A_761, %mul3A_762 : i32
      %add3A_764 = arith.constant 0 : i32
      %add3A_765 = arith.addi %mul3A_763, %add3A_764 : i32
      %lt3A_766 = arith.cmpi slt, %add3A_765, %reduce_max3A_50 : i32
      %convert_element_type3A_767 = arith.extui %lt3A_766 : i1 to i32
      %cond3A_768 = arith.constant 0 : i32
      %cond3A_769 = arith.cmpi ne, %convert_element_type3A_767, %cond3A_768 : i32
      scf.if %cond3A_769 {
        %dma_wait3A = arith.constant 0 : i32
        %dma_wait3A_1039 = arith.constant 0 : i32
        %dma_wait3A_1040 = arith.constant 0 : i32
        %dma_wait3A_1041 = tpu.memref_slice %arg14[%dma_wait3A, %dma_wait3A_1039, %dma_wait3A_1040] : memref<12x64x128xf32, #tpu.memory_space<vmem>> -> memref<1x64x128xf32, #tpu.memory_space<vmem>>
        %dma_wait3A_1042 = tpu.memref_squeeze %dma_wait3A_1041 : memref<1x64x128xf32, #tpu.memory_space<vmem>> -> memref<64x128xf32, #tpu.memory_space<vmem>>
        %dma_wait3A_1043 = arith.constant 0 : i32
        %dma_wait3A_1044 = arith.constant 0 : i32
        %dma_wait3A_1045 = tpu.memref_slice %arg7[%dma_wait3A_1043, %dma_wait3A_1044] : memref<64x1000000xf32, #tpu.memory_space<hbm>> -> memref<64x128xf32, #tpu.memory_space<hbm>>
        %dma_wait3A_1046 = arith.constant 0 : i32
        %dma_wait3A_1047 = arith.constant 0 : i32
        %dma_wait3A_1048 = tpu.memref_slice %arg14[%dma_wait3A, %dma_wait3A_1046, %dma_wait3A_1047] : memref<12x64x128xf32, #tpu.memory_space<vmem>> -> memref<1x64x128xf32, #tpu.memory_space<vmem>>
        %dma_wait3A_1049 = tpu.memref_squeeze %dma_wait3A_1048 : memref<1x64x128xf32, #tpu.memory_space<vmem>> -> memref<64x128xf32, #tpu.memory_space<vmem>>
        %dma_wait3A_1050 = arith.constant 0 : i32
        %dma_wait3A_1051 = arith.constant 0 : i32
        %dma_wait3A_1052 = tpu.memref_slice %arg7[%dma_wait3A_1050, %dma_wait3A_1051] : memref<64x1000000xf32, #tpu.memory_space<hbm>> -> memref<64x128xf32, #tpu.memory_space<hbm>>
        tpu.wait_dma2 semaphore(%arg20 : memref<!tpu.dma_semaphore, #tpu.memory_space<semaphore_mem>>) src(%dma_wait3A_1052 : memref<64x128xf32, #tpu.memory_space<hbm>>) dst(%dma_wait3A_1049 : memref<64x128xf32, #tpu.memory_space<vmem>>)
      } else {
      }
      %mul3A_770 = arith.constant 4 : i32
      %mul3A_771 = arith.muli %add3A_761, %mul3A_770 : i32
      %add3A_772 = arith.constant 1 : i32
      %add3A_773 = arith.addi %mul3A_771, %add3A_772 : i32
      %lt3A_774 = arith.cmpi slt, %add3A_773, %reduce_max3A_50 : i32
      %convert_element_type3A_775 = arith.extui %lt3A_774 : i1 to i32
      %cond3A_776 = arith.constant 0 : i32
      %cond3A_777 = arith.cmpi ne, %convert_element_type3A_775, %cond3A_776 : i32
      scf.if %cond3A_777 {
        %dma_wait3A = arith.constant 0 : i32
        %dma_wait3A_1039 = arith.constant 0 : i32
        %dma_wait3A_1040 = arith.constant 0 : i32
        %dma_wait3A_1041 = tpu.memref_slice %arg14[%dma_wait3A, %dma_wait3A_1039, %dma_wait3A_1040] : memref<12x64x128xf32, #tpu.memory_space<vmem>> -> memref<1x64x128xf32, #tpu.memory_space<vmem>>
        %dma_wait3A_1042 = tpu.memref_squeeze %dma_wait3A_1041 : memref<1x64x128xf32, #tpu.memory_space<vmem>> -> memref<64x128xf32, #tpu.memory_space<vmem>>
        %dma_wait3A_1043 = arith.constant 0 : i32
        %dma_wait3A_1044 = arith.constant 0 : i32
        %dma_wait3A_1045 = tpu.memref_slice %arg7[%dma_wait3A_1043, %dma_wait3A_1044] : memref<64x1000000xf32, #tpu.memory_space<hbm>> -> memref<64x128xf32, #tpu.memory_space<hbm>>
        %dma_wait3A_1046 = arith.constant 0 : i32
        %dma_wait3A_1047 = arith.constant 0 : i32
        %dma_wait3A_1048 = tpu.memref_slice %arg14[%dma_wait3A, %dma_wait3A_1046, %dma_wait3A_1047] : memref<12x64x128xf32, #tpu.memory_space<vmem>> -> memref<1x64x128xf32, #tpu.memory_space<vmem>>
        %dma_wait3A_1049 = tpu.memref_squeeze %dma_wait3A_1048 : memref<1x64x128xf32, #tpu.memory_space<vmem>> -> memref<64x128xf32, #tpu.memory_space<vmem>>
        %dma_wait3A_1050 = arith.constant 0 : i32
        %dma_wait3A_1051 = arith.constant 0 : i32
        %dma_wait3A_1052 = tpu.memref_slice %arg7[%dma_wait3A_1050, %dma_wait3A_1051] : memref<64x1000000xf32, #tpu.memory_space<hbm>> -> memref<64x128xf32, #tpu.memory_space<hbm>>
        tpu.wait_dma2 semaphore(%arg20 : memref<!tpu.dma_semaphore, #tpu.memory_space<semaphore_mem>>) src(%dma_wait3A_1052 : memref<64x128xf32, #tpu.memory_space<hbm>>) dst(%dma_wait3A_1049 : memref<64x128xf32, #tpu.memory_space<vmem>>)
      } else {
      }
      %mul3A_778 = arith.constant 4 : i32
      %mul3A_779 = arith.muli %add3A_761, %mul3A_778 : i32
      %add3A_780 = arith.constant 2 : i32
      %add3A_781 = arith.addi %mul3A_779, %add3A_780 : i32
      %lt3A_782 = arith.cmpi slt, %add3A_781, %reduce_max3A_50 : i32
      %convert_element_type3A_783 = arith.extui %lt3A_782 : i1 to i32
      %cond3A_784 = arith.constant 0 : i32
      %cond3A_785 = arith.cmpi ne, %convert_element_type3A_783, %cond3A_784 : i32
      scf.if %cond3A_785 {
        %dma_wait3A = arith.constant 0 : i32
        %dma_wait3A_1039 = arith.constant 0 : i32
        %dma_wait3A_1040 = arith.constant 0 : i32
        %dma_wait3A_1041 = tpu.memref_slice %arg14[%dma_wait3A, %dma_wait3A_1039, %dma_wait3A_1040] : memref<12x64x128xf32, #tpu.memory_space<vmem>> -> memref<1x64x128xf32, #tpu.memory_space<vmem>>
        %dma_wait3A_1042 = tpu.memref_squeeze %dma_wait3A_1041 : memref<1x64x128xf32, #tpu.memory_space<vmem>> -> memref<64x128xf32, #tpu.memory_space<vmem>>
        %dma_wait3A_1043 = arith.constant 0 : i32
        %dma_wait3A_1044 = arith.constant 0 : i32
        %dma_wait3A_1045 = tpu.memref_slice %arg7[%dma_wait3A_1043, %dma_wait3A_1044] : memref<64x1000000xf32, #tpu.memory_space<hbm>> -> memref<64x128xf32, #tpu.memory_space<hbm>>
        %dma_wait3A_1046 = arith.constant 0 : i32
        %dma_wait3A_1047 = arith.constant 0 : i32
        %dma_wait3A_1048 = tpu.memref_slice %arg14[%dma_wait3A, %dma_wait3A_1046, %dma_wait3A_1047] : memref<12x64x128xf32, #tpu.memory_space<vmem>> -> memref<1x64x128xf32, #tpu.memory_space<vmem>>
        %dma_wait3A_1049 = tpu.memref_squeeze %dma_wait3A_1048 : memref<1x64x128xf32, #tpu.memory_space<vmem>> -> memref<64x128xf32, #tpu.memory_space<vmem>>
        %dma_wait3A_1050 = arith.constant 0 : i32
        %dma_wait3A_1051 = arith.constant 0 : i32
        %dma_wait3A_1052 = tpu.memref_slice %arg7[%dma_wait3A_1050, %dma_wait3A_1051] : memref<64x1000000xf32, #tpu.memory_space<hbm>> -> memref<64x128xf32, #tpu.memory_space<hbm>>
        tpu.wait_dma2 semaphore(%arg20 : memref<!tpu.dma_semaphore, #tpu.memory_space<semaphore_mem>>) src(%dma_wait3A_1052 : memref<64x128xf32, #tpu.memory_space<hbm>>) dst(%dma_wait3A_1049 : memref<64x128xf32, #tpu.memory_space<vmem>>)
      } else {
      }
      %mul3A_786 = arith.constant 4 : i32
      %mul3A_787 = arith.muli %add3A_761, %mul3A_786 : i32
      %add3A_788 = arith.constant 3 : i32
      %add3A_789 = arith.addi %mul3A_787, %add3A_788 : i32
      %lt3A_790 = arith.cmpi slt, %add3A_789, %reduce_max3A_50 : i32
      %convert_element_type3A_791 = arith.extui %lt3A_790 : i1 to i32
      %cond3A_792 = arith.constant 0 : i32
      %cond3A_793 = arith.cmpi ne, %convert_element_type3A_791, %cond3A_792 : i32
      scf.if %cond3A_793 {
        %dma_wait3A = arith.constant 0 : i32
        %dma_wait3A_1039 = arith.constant 0 : i32
        %dma_wait3A_1040 = arith.constant 0 : i32
        %dma_wait3A_1041 = tpu.memref_slice %arg14[%dma_wait3A, %dma_wait3A_1039, %dma_wait3A_1040] : memref<12x64x128xf32, #tpu.memory_space<vmem>> -> memref<1x64x128xf32, #tpu.memory_space<vmem>>
        %dma_wait3A_1042 = tpu.memref_squeeze %dma_wait3A_1041 : memref<1x64x128xf32, #tpu.memory_space<vmem>> -> memref<64x128xf32, #tpu.memory_space<vmem>>
        %dma_wait3A_1043 = arith.constant 0 : i32
        %dma_wait3A_1044 = arith.constant 0 : i32
        %dma_wait3A_1045 = tpu.memref_slice %arg7[%dma_wait3A_1043, %dma_wait3A_1044] : memref<64x1000000xf32, #tpu.memory_space<hbm>> -> memref<64x128xf32, #tpu.memory_space<hbm>>
        %dma_wait3A_1046 = arith.constant 0 : i32
        %dma_wait3A_1047 = arith.constant 0 : i32
        %dma_wait3A_1048 = tpu.memref_slice %arg14[%dma_wait3A, %dma_wait3A_1046, %dma_wait3A_1047] : memref<12x64x128xf32, #tpu.memory_space<vmem>> -> memref<1x64x128xf32, #tpu.memory_space<vmem>>
        %dma_wait3A_1049 = tpu.memref_squeeze %dma_wait3A_1048 : memref<1x64x128xf32, #tpu.memory_space<vmem>> -> memref<64x128xf32, #tpu.memory_space<vmem>>
        %dma_wait3A_1050 = arith.constant 0 : i32
        %dma_wait3A_1051 = arith.constant 0 : i32
        %dma_wait3A_1052 = tpu.memref_slice %arg7[%dma_wait3A_1050, %dma_wait3A_1051] : memref<64x1000000xf32, #tpu.memory_space<hbm>> -> memref<64x128xf32, #tpu.memory_space<hbm>>
        tpu.wait_dma2 semaphore(%arg20 : memref<!tpu.dma_semaphore, #tpu.memory_space<semaphore_mem>>) src(%dma_wait3A_1052 : memref<64x128xf32, #tpu.memory_space<hbm>>) dst(%dma_wait3A_1049 : memref<64x128xf32, #tpu.memory_space<vmem>>)
      } else {
      }
      %jit3A_794 = arith.constant 16 : i32
      %div3A_795 = arith.divsi %add3A_761, %jit3A_794 : i32
      %sign3A_796 = arith.constant 0 : i32
      %sign3A_797 = arith.cmpi sgt, %add3A_761, %sign3A_796 : i32
      %sign3A_798 = arith.extui %sign3A_797 : i1 to i32
      %sign3A_799 = arith.constant 0 : i32
      %sign3A_800 = arith.cmpi slt, %add3A_761, %sign3A_799 : i32
      %sign3A_801 = arith.extui %sign3A_800 : i1 to i32
      %sign3A_802 = arith.subi %sign3A_798, %sign3A_801 : i32
      %sign3A_803 = arith.constant 0 : i32
      %sign3A_804 = arith.cmpi sgt, %jit3A_794, %sign3A_803 : i32
      %sign3A_805 = arith.extui %sign3A_804 : i1 to i32
      %sign3A_806 = arith.constant 0 : i32
      %sign3A_807 = arith.cmpi slt, %jit3A_794, %sign3A_806 : i32
      %sign3A_808 = arith.extui %sign3A_807 : i1 to i32
      %sign3A_809 = arith.subi %sign3A_805, %sign3A_808 : i32
      %ne3A_810 = arith.cmpi ne, %sign3A_802, %sign3A_809 : i32
      %rem3A_811 = arith.remsi %add3A_761, %jit3A_794 : i32
      %ne3A_812 = arith.constant 0 : i32
      %ne3A_813 = arith.cmpi ne, %rem3A_811, %ne3A_812 : i32
      %and3A_814 = arith.andi %ne3A_810, %ne3A_813 : i1
      %sub3A_815 = arith.constant 1 : i32
      %sub3A_816 = arith.subi %div3A_795, %sub3A_815 : i32
      %select_n3A_817 = arith.select %and3A_814, %sub3A_816, %div3A_795 : i32
      %mul3A_818 = arith.constant 16 : i32
      %mul3A_819 = arith.muli %select_n3A_817, %mul3A_818 : i32
      %get3A_820 = arith.index_cast %mul3A_819 : i32 to index
      %get3A_821 = tpu.vector_load %arg12[%get3A_820] {strides = array<i32>} : memref<80xi32, #tpu.memory_space<vmem>>, vector<16xi32>,
      %jit3A_822 = arith.constant 16 : i32
      %eq3A_823 = arith.constant 0 : i32
      %eq3A_824 = arith.cmpi eq, %jit3A_822, %eq3A_823 : i32
      %jit3A_825 = arith.constant 1 : i32
      %select_n3A_826 = arith.select %eq3A_824, %jit3A_825, %jit3A_822 : i32
      %rem3A_827 = arith.remsi %add3A_761, %select_n3A_826 : i32
      %ne3A_828 = arith.constant 0 : i32
      %ne3A_829 = arith.cmpi ne, %rem3A_827, %ne3A_828 : i32
      %lt3A_830 = arith.constant 0 : i32
      %lt3A_831 = arith.cmpi slt, %rem3A_827, %lt3A_830 : i32
      %lt3A_832 = arith.constant 0 : i32
      %lt3A_833 = arith.cmpi slt, %select_n3A_826, %lt3A_832 : i32
      %ne3A_834 = arith.xori %lt3A_831, %lt3A_833 : i1
      %and3A_835 = arith.andi %ne3A_834, %ne3A_829 : i1
      %add3A_836 = arith.addi %rem3A_827, %select_n3A_826 : i32
      %select_n3A_837 = arith.select %and3A_835, %add3A_836, %rem3A_827 : i32
      %eq3A_838 = vector.broadcast %select_n3A_837 : i32 to vector<16xi32>
      %eq3A_839 = arith.cmpi eq, %iota3A, %eq3A_838 : vector<16xi32>
      %select_n3A_840 = arith.select %eq3A_839, %get3A_821, %broadcast_in_dim3A_1 : vector<16xi1>, vector<16xi32>
      %reduce_max3A_841 = arith.constant true
      %reduce_max3A_842 = vector.broadcast %reduce_max3A_841 : i1 to vector<16xi1>
      %reduce_max3A_843 = arith.constant -2147483648 : i32
      %reduce_max3A_844 = vector.broadcast %reduce_max3A_843 : i32 to vector<16xi32>
      %reduce_max3A_845 = arith.xori %select_n3A_840, %reduce_max3A_844 : vector<16xi32>
      %reduce_max3A_846 = tpu.scan <max>, %reduce_max3A_845 masked %reduce_max3A_842 : vector<16xi32>, vector<16xi1> -> vector<16xi32>
      %reduce_max3A_847 = arith.xori %reduce_max3A_846, %reduce_max3A_844 : vector<16xi32>
      %reduce_max3A_848 = vector.extract %reduce_max3A_847[15] : i32 from vector<16xi32>
      %add3A_849 = arith.constant 1 : i32
      %add3A_850 = arith.addi %add3A_761, %add3A_849 : i32
      %jit3A_851 = arith.constant 16 : i32
      %div3A_852 = arith.divsi %add3A_850, %jit3A_851 : i32
      %sign3A_853 = arith.constant 0 : i32
      %sign3A_854 = arith.cmpi sgt, %add3A_850, %sign3A_853 : i32
      %sign3A_855 = arith.extui %sign3A_854 : i1 to i32
      %sign3A_856 = arith.constant 0 : i32
      %sign3A_857 = arith.cmpi slt, %add3A_850, %sign3A_856 : i32
      %sign3A_858 = arith.extui %sign3A_857 : i1 to i32
      %sign3A_859 = arith.subi %sign3A_855, %sign3A_858 : i32
      %sign3A_860 = arith.constant 0 : i32
      %sign3A_861 = arith.cmpi sgt, %jit3A_851, %sign3A_860 : i32
      %sign3A_862 = arith.extui %sign3A_861 : i1 to i32
      %sign3A_863 = arith.constant 0 : i32
      %sign3A_864 = arith.cmpi slt, %jit3A_851, %sign3A_863 : i32
      %sign3A_865 = arith.extui %sign3A_864 : i1 to i32
      %sign3A_866 = arith.subi %sign3A_862, %sign3A_865 : i32
      %ne3A_867 = arith.cmpi ne, %sign3A_859, %sign3A_866 : i32
      %rem3A_868 = arith.remsi %add3A_850, %jit3A_851 : i32
      %ne3A_869 = arith.constant 0 : i32
      %ne3A_870 = arith.cmpi ne, %rem3A_868, %ne3A_869 : i32
      %and3A_871 = arith.andi %ne3A_867, %ne3A_870 : i1
      %sub3A_872 = arith.constant 1 : i32
      %sub3A_873 = arith.subi %div3A_852, %sub3A_872 : i32
      %select_n3A_874 = arith.select %and3A_871, %sub3A_873, %div3A_852 : i32
      %mul3A_875 = arith.constant 16 : i32
      %mul3A_876 = arith.muli %select_n3A_874, %mul3A_875 : i32
      %get3A_877 = arith.index_cast %mul3A_876 : i32 to index
      %get3A_878 = tpu.vector_load %arg12[%get3A_877] {strides = array<i32>} : memref<80xi32, #tpu.memory_space<vmem>>, vector<16xi32>,
      %jit3A_879 = arith.constant 16 : i32
      %eq3A_880 = arith.constant 0 : i32
      %eq3A_881 = arith.cmpi eq, %jit3A_879, %eq3A_880 : i32
      %jit3A_882 = arith.constant 1 : i32
      %select_n3A_883 = arith.select %eq3A_881, %jit3A_882, %jit3A_879 : i32
      %rem3A_884 = arith.remsi %add3A_850, %select_n3A_883 : i32
      %ne3A_885 = arith.constant 0 : i32
      %ne3A_886 = arith.cmpi ne, %rem3A_884, %ne3A_885 : i32
      %lt3A_887 = arith.constant 0 : i32
      %lt3A_888 = arith.cmpi slt, %rem3A_884, %lt3A_887 : i32
      %lt3A_889 = arith.constant 0 : i32
      %lt3A_890 = arith.cmpi slt, %select_n3A_883, %lt3A_889 : i32
      %ne3A_891 = arith.xori %lt3A_888, %lt3A_890 : i1
      %and3A_892 = arith.andi %ne3A_891, %ne3A_886 : i1
      %add3A_893 = arith.addi %rem3A_884, %select_n3A_883 : i32
      %select_n3A_894 = arith.select %and3A_892, %add3A_893, %rem3A_884 : i32
      %eq3A_895 = vector.broadcast %select_n3A_894 : i32 to vector<16xi32>
      %eq3A_896 = arith.cmpi eq, %iota3A, %eq3A_895 : vector<16xi32>
      %select_n3A_897 = arith.select %eq3A_896, %get3A_878, %broadcast_in_dim3A_1 : vector<16xi1>, vector<16xi32>
      %reduce_max3A_898 = arith.constant true
      %reduce_max3A_899 = vector.broadcast %reduce_max3A_898 : i1 to vector<16xi1>
      %reduce_max3A_900 = arith.constant -2147483648 : i32
      %reduce_max3A_901 = vector.broadcast %reduce_max3A_900 : i32 to vector<16xi32>
      %reduce_max3A_902 = arith.xori %select_n3A_897, %reduce_max3A_901 : vector<16xi32>
      %reduce_max3A_903 = tpu.scan <max>, %reduce_max3A_902 masked %reduce_max3A_899 : vector<16xi32>, vector<16xi1> -> vector<16xi32>
      %reduce_max3A_904 = arith.xori %reduce_max3A_903, %reduce_max3A_901 : vector<16xi32>
      %reduce_max3A_905 = vector.extract %reduce_max3A_904[15] : i32 from vector<16xi32>
      %while3A_906 = arith.subi %reduce_max3A_905, %reduce_max3A_848 : i32
      %while3A_907 = arith.addi %reduce_max3A_848, %while3A_906 : i32
      %while3A_908 = arith.constant 1 : i32
      %while3A_909 = arith.divsi %while3A_906, %while3A_908 : i32
      %while3A_910 = arith.muli %while3A_909, %while3A_908 : i32
      %while3A_911 = arith.addi %reduce_max3A_848, %while3A_910 : i32
      %while3A_912 = arith.constant 1 : i32
      %while3A_913:4 = scf.for %while3A_1039 = %reduce_max3A_848 to %while3A_911 step %while3A_912 iter_args(%while3A_1040 = %while3A_634#0, %while3A_1041 = %while3A_634#1, %while3A_1042 = %while3A_634#2, %while3A_1043 = %while3A_634#3) -> (vector<16xf32>, vector<16xf32>, vector<16xf32>, vector<16xf32>)  : i32 {
        %jit3A_1044 = arith.constant 16 : i32
        %div3A_1045 = arith.divsi %while3A_1039, %jit3A_1044 : i32
        %sign3A_1046 = arith.constant 0 : i32
        %sign3A_1047 = arith.cmpi sgt, %while3A_1039, %sign3A_1046 : i32
        %sign3A_1048 = arith.extui %sign3A_1047 : i1 to i32
        %sign3A_1049 = arith.constant 0 : i32
        %sign3A_1050 = arith.cmpi slt, %while3A_1039, %sign3A_1049 : i32
        %sign3A_1051 = arith.extui %sign3A_1050 : i1 to i32
        %sign3A_1052 = arith.subi %sign3A_1048, %sign3A_1051 : i32
        %sign3A_1053 = arith.constant 0 : i32
        %sign3A_1054 = arith.cmpi sgt, %jit3A_1044, %sign3A_1053 : i32
        %sign3A_1055 = arith.extui %sign3A_1054 : i1 to i32
        %sign3A_1056 = arith.constant 0 : i32
        %sign3A_1057 = arith.cmpi slt, %jit3A_1044, %sign3A_1056 : i32
        %sign3A_1058 = arith.extui %sign3A_1057 : i1 to i32
        %sign3A_1059 = arith.subi %sign3A_1055, %sign3A_1058 : i32
        %ne3A_1060 = arith.cmpi ne, %sign3A_1052, %sign3A_1059 : i32
        %rem3A_1061 = arith.remsi %while3A_1039, %jit3A_1044 : i32
        %ne3A_1062 = arith.constant 0 : i32
        %ne3A_1063 = arith.cmpi ne, %rem3A_1061, %ne3A_1062 : i32
        %and3A_1064 = arith.andi %ne3A_1060, %ne3A_1063 : i1
        %sub3A_1065 = arith.constant 1 : i32
        %sub3A_1066 = arith.subi %div3A_1045, %sub3A_1065 : i32
        %select_n3A_1067 = arith.select %and3A_1064, %sub3A_1066, %div3A_1045 : i32
        %mul3A_1068 = arith.constant 16 : i32
        %mul3A_1069 = arith.muli %select_n3A_1067, %mul3A_1068 : i32
        %get3A_1070 = arith.index_cast %mul3A_1069 : i32 to index
        %get3A_1071 = tpu.vector_load %arg11[%get3A_1070] {strides = array<i32>} : memref<256xi32, #tpu.memory_space<vmem>>, vector<16xi32>,
        %jit3A_1072 = arith.constant 16 : i32
        %eq3A_1073 = arith.constant 0 : i32
        %eq3A_1074 = arith.cmpi eq, %jit3A_1072, %eq3A_1073 : i32
        %jit3A_1075 = arith.constant 1 : i32
        %select_n3A_1076 = arith.select %eq3A_1074, %jit3A_1075, %jit3A_1072 : i32
        %rem3A_1077 = arith.remsi %while3A_1039, %select_n3A_1076 : i32
        %ne3A_1078 = arith.constant 0 : i32
        %ne3A_1079 = arith.cmpi ne, %rem3A_1077, %ne3A_1078 : i32
        %lt3A_1080 = arith.constant 0 : i32
        %lt3A_1081 = arith.cmpi slt, %rem3A_1077, %lt3A_1080 : i32
        %lt3A_1082 = arith.constant 0 : i32
        %lt3A_1083 = arith.cmpi slt, %select_n3A_1076, %lt3A_1082 : i32
        %ne3A_1084 = arith.xori %lt3A_1081, %lt3A_1083 : i1
        %and3A_1085 = arith.andi %ne3A_1084, %ne3A_1079 : i1
        %add3A_1086 = arith.addi %rem3A_1077, %select_n3A_1076 : i32
        %select_n3A_1087 = arith.select %and3A_1085, %add3A_1086, %rem3A_1077 : i32
        %eq3A_1088 = vector.broadcast %select_n3A_1087 : i32 to vector<16xi32>
        %eq3A_1089 = arith.cmpi eq, %iota3A, %eq3A_1088 : vector<16xi32>
        %select_n3A_1090 = arith.select %eq3A_1089, %get3A_1071, %broadcast_in_dim3A_1 : vector<16xi1>, vector<16xi32>
        %reduce_max3A_1091 = arith.constant true
        %reduce_max3A_1092 = vector.broadcast %reduce_max3A_1091 : i1 to vector<16xi1>
        %reduce_max3A_1093 = arith.constant -2147483648 : i32
        %reduce_max3A_1094 = vector.broadcast %reduce_max3A_1093 : i32 to vector<16xi32>
        %reduce_max3A_1095 = arith.xori %select_n3A_1090, %reduce_max3A_1094 : vector<16xi32>
        %reduce_max3A_1096 = tpu.scan <max>, %reduce_max3A_1095 masked %reduce_max3A_1092 : vector<16xi32>, vector<16xi1> -> vector<16xi32>
        %reduce_max3A_1097 = arith.xori %reduce_max3A_1096, %reduce_max3A_1094 : vector<16xi32>
        %reduce_max3A_1098 = vector.extract %reduce_max3A_1097[15] : i32 from vector<16xi32>
        %and3A_1099 = arith.constant 127 : i32
        %and3A_1100 = arith.andi %reduce_max3A_1098, %and3A_1099 : i32
        %broadcast_in_dim3A_1101 = vector.broadcast %and3A_1100 : i32 to vector<16xi32>
        %shift_right_arithmetic3A = arith.constant 7 : i32
        %shift_right_arithmetic3A_1102 = arith.shrsi %reduce_max3A_1098, %shift_right_arithmetic3A : i32
        %and3A_1103 = arith.constant 15 : i32
        %and3A_1104 = arith.andi %shift_right_arithmetic3A_1102, %and3A_1103 : i32
        %broadcast_in_dim3A_1105 = vector.broadcast %and3A_1104 : i32 to vector<16xi32>
        %gather3A = tpu.vector_load_idx %arg14[%broadcast_in_dim3A_1105, %iota3A, %broadcast_in_dim3A_1101] : memref<12x64x128xf32, #tpu.memory_space<vmem>>[vector<16xi32>, vector<16xi32>, vector<16xi32>], vector<16xf32>,
        %add3A_1106 = arith.addf %while3A_1040, %gather3A : vector<16xf32>
        %add3A_1107 = arith.constant 16 : i32
        %add3A_1108 = vector.broadcast %add3A_1107 : i32 to vector<16xi32>
        %add3A_1109 = arith.addi %iota3A, %add3A_1108 : vector<16xi32>
        %gather3A_1110 = tpu.vector_load_idx %arg14[%broadcast_in_dim3A_1105, %add3A_1109, %broadcast_in_dim3A_1101] : memref<12x64x128xf32, #tpu.memory_space<vmem>>[vector<16xi32>, vector<16xi32>, vector<16xi32>], vector<16xf32>,
        %add3A_1111 = arith.addf %while3A_1041, %gather3A_1110 : vector<16xf32>
        %add3A_1112 = arith.constant 32 : i32
        %add3A_1113 = vector.broadcast %add3A_1112 : i32 to vector<16xi32>
        %add3A_1114 = arith.addi %iota3A, %add3A_1113 : vector<16xi32>
        %gather3A_1115 = tpu.vector_load_idx %arg14[%broadcast_in_dim3A_1105, %add3A_1114, %broadcast_in_dim3A_1101] : memref<12x64x128xf32, #tpu.memory_space<vmem>>[vector<16xi32>, vector<16xi32>, vector<16xi32>], vector<16xf32>,
        %add3A_1116 = arith.addf %while3A_1042, %gather3A_1115 : vector<16xf32>
        %add3A_1117 = arith.constant 48 : i32
        %add3A_1118 = vector.broadcast %add3A_1117 : i32 to vector<16xi32>
        %add3A_1119 = arith.addi %iota3A, %add3A_1118 : vector<16xi32>
        %gather3A_1120 = tpu.vector_load_idx %arg14[%broadcast_in_dim3A_1105, %add3A_1119, %broadcast_in_dim3A_1101] : memref<12x64x128xf32, #tpu.memory_space<vmem>>[vector<16xi32>, vector<16xi32>, vector<16xi32>], vector<16xf32>,
        %add3A_1121 = arith.addf %while3A_1043, %gather3A_1120 : vector<16xf32>
        scf.yield %add3A_1106, %add3A_1111, %add3A_1116, %add3A_1121 : vector<16xf32>, vector<16xf32>, vector<16xf32>, vector<16xf32>
      }
      %while3A_914 = arith.constant 1 : i32
      %while3A_915:4 = scf.for %while3A_1039 = %while3A_911 to %while3A_907 step %while3A_914 iter_args(%while3A_1040 = %while3A_913#0, %while3A_1041 = %while3A_913#1, %while3A_1042 = %while3A_913#2, %while3A_1043 = %while3A_913#3) -> (vector<16xf32>, vector<16xf32>, vector<16xf32>, vector<16xf32>)  : i32 {
        %jit3A_1044 = arith.constant 16 : i32
        %div3A_1045 = arith.divsi %while3A_1039, %jit3A_1044 : i32
        %sign3A_1046 = arith.constant 0 : i32
        %sign3A_1047 = arith.cmpi sgt, %while3A_1039, %sign3A_1046 : i32
        %sign3A_1048 = arith.extui %sign3A_1047 : i1 to i32
        %sign3A_1049 = arith.constant 0 : i32
        %sign3A_1050 = arith.cmpi slt, %while3A_1039, %sign3A_1049 : i32
        %sign3A_1051 = arith.extui %sign3A_1050 : i1 to i32
        %sign3A_1052 = arith.subi %sign3A_1048, %sign3A_1051 : i32
        %sign3A_1053 = arith.constant 0 : i32
        %sign3A_1054 = arith.cmpi sgt, %jit3A_1044, %sign3A_1053 : i32
        %sign3A_1055 = arith.extui %sign3A_1054 : i1 to i32
        %sign3A_1056 = arith.constant 0 : i32
        %sign3A_1057 = arith.cmpi slt, %jit3A_1044, %sign3A_1056 : i32
        %sign3A_1058 = arith.extui %sign3A_1057 : i1 to i32
        %sign3A_1059 = arith.subi %sign3A_1055, %sign3A_1058 : i32
        %ne3A_1060 = arith.cmpi ne, %sign3A_1052, %sign3A_1059 : i32
        %rem3A_1061 = arith.remsi %while3A_1039, %jit3A_1044 : i32
        %ne3A_1062 = arith.constant 0 : i32
        %ne3A_1063 = arith.cmpi ne, %rem3A_1061, %ne3A_1062 : i32
        %and3A_1064 = arith.andi %ne3A_1060, %ne3A_1063 : i1
        %sub3A_1065 = arith.constant 1 : i32
        %sub3A_1066 = arith.subi %div3A_1045, %sub3A_1065 : i32
        %select_n3A_1067 = arith.select %and3A_1064, %sub3A_1066, %div3A_1045 : i32
        %mul3A_1068 = arith.constant 16 : i32
        %mul3A_1069 = arith.muli %select_n3A_1067, %mul3A_1068 : i32
        %get3A_1070 = arith.index_cast %mul3A_1069 : i32 to index
        %get3A_1071 = tpu.vector_load %arg11[%get3A_1070] {strides = array<i32>} : memref<256xi32, #tpu.memory_space<vmem>>, vector<16xi32>,
        %jit3A_1072 = arith.constant 16 : i32
        %eq3A_1073 = arith.constant 0 : i32
        %eq3A_1074 = arith.cmpi eq, %jit3A_1072, %eq3A_1073 : i32
        %jit3A_1075 = arith.constant 1 : i32
        %select_n3A_1076 = arith.select %eq3A_1074, %jit3A_1075, %jit3A_1072 : i32
        %rem3A_1077 = arith.remsi %while3A_1039, %select_n3A_1076 : i32
        %ne3A_1078 = arith.constant 0 : i32
        %ne3A_1079 = arith.cmpi ne, %rem3A_1077, %ne3A_1078 : i32
        %lt3A_1080 = arith.constant 0 : i32
        %lt3A_1081 = arith.cmpi slt, %rem3A_1077, %lt3A_1080 : i32
        %lt3A_1082 = arith.constant 0 : i32
        %lt3A_1083 = arith.cmpi slt, %select_n3A_1076, %lt3A_1082 : i32
        %ne3A_1084 = arith.xori %lt3A_1081, %lt3A_1083 : i1
        %and3A_1085 = arith.andi %ne3A_1084, %ne3A_1079 : i1
        %add3A_1086 = arith.addi %rem3A_1077, %select_n3A_1076 : i32
        %select_n3A_1087 = arith.select %and3A_1085, %add3A_1086, %rem3A_1077 : i32
        %eq3A_1088 = vector.broadcast %select_n3A_1087 : i32 to vector<16xi32>
        %eq3A_1089 = arith.cmpi eq, %iota3A, %eq3A_1088 : vector<16xi32>
        %select_n3A_1090 = arith.select %eq3A_1089, %get3A_1071, %broadcast_in_dim3A_1 : vector<16xi1>, vector<16xi32>
        %reduce_max3A_1091 = arith.constant true
        %reduce_max3A_1092 = vector.broadcast %reduce_max3A_1091 : i1 to vector<16xi1>
        %reduce_max3A_1093 = arith.constant -2147483648 : i32
        %reduce_max3A_1094 = vector.broadcast %reduce_max3A_1093 : i32 to vector<16xi32>
        %reduce_max3A_1095 = arith.xori %select_n3A_1090, %reduce_max3A_1094 : vector<16xi32>
        %reduce_max3A_1096 = tpu.scan <max>, %reduce_max3A_1095 masked %reduce_max3A_1092 : vector<16xi32>, vector<16xi1> -> vector<16xi32>
        %reduce_max3A_1097 = arith.xori %reduce_max3A_1096, %reduce_max3A_1094 : vector<16xi32>
        %reduce_max3A_1098 = vector.extract %reduce_max3A_1097[15] : i32 from vector<16xi32>
        %and3A_1099 = arith.constant 127 : i32
        %and3A_1100 = arith.andi %reduce_max3A_1098, %and3A_1099 : i32
        %broadcast_in_dim3A_1101 = vector.broadcast %and3A_1100 : i32 to vector<16xi32>
        %shift_right_arithmetic3A = arith.constant 7 : i32
        %shift_right_arithmetic3A_1102 = arith.shrsi %reduce_max3A_1098, %shift_right_arithmetic3A : i32
        %and3A_1103 = arith.constant 15 : i32
        %and3A_1104 = arith.andi %shift_right_arithmetic3A_1102, %and3A_1103 : i32
        %broadcast_in_dim3A_1105 = vector.broadcast %and3A_1104 : i32 to vector<16xi32>
        %gather3A = tpu.vector_load_idx %arg14[%broadcast_in_dim3A_1105, %iota3A, %broadcast_in_dim3A_1101] : memref<12x64x128xf32, #tpu.memory_space<vmem>>[vector<16xi32>, vector<16xi32>, vector<16xi32>], vector<16xf32>,
        %add3A_1106 = arith.addf %while3A_1040, %gather3A : vector<16xf32>
        %add3A_1107 = arith.constant 16 : i32
        %add3A_1108 = vector.broadcast %add3A_1107 : i32 to vector<16xi32>
        %add3A_1109 = arith.addi %iota3A, %add3A_1108 : vector<16xi32>
        %gather3A_1110 = tpu.vector_load_idx %arg14[%broadcast_in_dim3A_1105, %add3A_1109, %broadcast_in_dim3A_1101] : memref<12x64x128xf32, #tpu.memory_space<vmem>>[vector<16xi32>, vector<16xi32>, vector<16xi32>], vector<16xf32>,
        %add3A_1111 = arith.addf %while3A_1041, %gather3A_1110 : vector<16xf32>
        %add3A_1112 = arith.constant 32 : i32
        %add3A_1113 = vector.broadcast %add3A_1112 : i32 to vector<16xi32>
        %add3A_1114 = arith.addi %iota3A, %add3A_1113 : vector<16xi32>
        %gather3A_1115 = tpu.vector_load_idx %arg14[%broadcast_in_dim3A_1105, %add3A_1114, %broadcast_in_dim3A_1101] : memref<12x64x128xf32, #tpu.memory_space<vmem>>[vector<16xi32>, vector<16xi32>, vector<16xi32>], vector<16xf32>,
        %add3A_1116 = arith.addf %while3A_1042, %gather3A_1115 : vector<16xf32>
        %add3A_1117 = arith.constant 48 : i32
        %add3A_1118 = vector.broadcast %add3A_1117 : i32 to vector<16xi32>
        %add3A_1119 = arith.addi %iota3A, %add3A_1118 : vector<16xi32>
        %gather3A_1120 = tpu.vector_load_idx %arg14[%broadcast_in_dim3A_1105, %add3A_1119, %broadcast_in_dim3A_1101] : memref<12x64x128xf32, #tpu.memory_space<vmem>>[vector<16xi32>, vector<16xi32>, vector<16xi32>], vector<16xf32>,
        %add3A_1121 = arith.addf %while3A_1043, %gather3A_1120 : vector<16xf32>
        scf.yield %add3A_1106, %add3A_1111, %add3A_1116, %add3A_1121 : vector<16xf32>, vector<16xf32>, vector<16xf32>, vector<16xf32>
      }
      %add3A_916 = arith.constant 3 : i32
      %add3A_917 = arith.addi %add3A_761, %add3A_916 : i32
      %jit3A_918 = arith.constant 16 : i32
      %div3A_919 = arith.divsi %add3A_917, %jit3A_918 : i32
      %sign3A_920 = arith.constant 0 : i32
      %sign3A_921 = arith.cmpi sgt, %add3A_917, %sign3A_920 : i32
      %sign3A_922 = arith.extui %sign3A_921 : i1 to i32
      %sign3A_923 = arith.constant 0 : i32
      %sign3A_924 = arith.cmpi slt, %add3A_917, %sign3A_923 : i32
      %sign3A_925 = arith.extui %sign3A_924 : i1 to i32
      %sign3A_926 = arith.subi %sign3A_922, %sign3A_925 : i32
      %sign3A_927 = arith.constant 0 : i32
      %sign3A_928 = arith.cmpi sgt, %jit3A_918, %sign3A_927 : i32
      %sign3A_929 = arith.extui %sign3A_928 : i1 to i32
      %sign3A_930 = arith.constant 0 : i32
      %sign3A_931 = arith.cmpi slt, %jit3A_918, %sign3A_930 : i32
      %sign3A_932 = arith.extui %sign3A_931 : i1 to i32
      %sign3A_933 = arith.subi %sign3A_929, %sign3A_932 : i32
      %ne3A_934 = arith.cmpi ne, %sign3A_926, %sign3A_933 : i32
      %rem3A_935 = arith.remsi %add3A_917, %jit3A_918 : i32
      %ne3A_936 = arith.constant 0 : i32
      %ne3A_937 = arith.cmpi ne, %rem3A_935, %ne3A_936 : i32
      %and3A_938 = arith.andi %ne3A_934, %ne3A_937 : i1
      %sub3A_939 = arith.constant 1 : i32
      %sub3A_940 = arith.subi %div3A_919, %sub3A_939 : i32
      %select_n3A_941 = arith.select %and3A_938, %sub3A_940, %div3A_919 : i32
      %mul3A_942 = arith.constant 16 : i32
      %mul3A_943 = arith.muli %select_n3A_941, %mul3A_942 : i32
      %get3A_944 = arith.index_cast %mul3A_943 : i32 to index
      %get3A_945 = tpu.vector_load %arg12[%get3A_944] {strides = array<i32>} : memref<80xi32, #tpu.memory_space<vmem>>, vector<16xi32>,
      %jit3A_946 = arith.constant 16 : i32
      %eq3A_947 = arith.constant 0 : i32
      %eq3A_948 = arith.cmpi eq, %jit3A_946, %eq3A_947 : i32
      %jit3A_949 = arith.constant 1 : i32
      %select_n3A_950 = arith.select %eq3A_948, %jit3A_949, %jit3A_946 : i32
      %rem3A_951 = arith.remsi %add3A_917, %select_n3A_950 : i32
      %ne3A_952 = arith.constant 0 : i32
      %ne3A_953 = arith.cmpi ne, %rem3A_951, %ne3A_952 : i32
      %lt3A_954 = arith.constant 0 : i32
      %lt3A_955 = arith.cmpi slt, %rem3A_951, %lt3A_954 : i32
      %lt3A_956 = arith.constant 0 : i32
      %lt3A_957 = arith.cmpi slt, %select_n3A_950, %lt3A_956 : i32
      %ne3A_958 = arith.xori %lt3A_955, %lt3A_957 : i1
      %and3A_959 = arith.andi %ne3A_958, %ne3A_953 : i1
      %add3A_960 = arith.addi %rem3A_951, %select_n3A_950 : i32
      %select_n3A_961 = arith.select %and3A_959, %add3A_960, %rem3A_951 : i32
      %eq3A_962 = vector.broadcast %select_n3A_961 : i32 to vector<16xi32>
      %eq3A_963 = arith.cmpi eq, %iota3A, %eq3A_962 : vector<16xi32>
      %select_n3A_964 = arith.select %eq3A_963, %get3A_945, %broadcast_in_dim3A_1 : vector<16xi1>, vector<16xi32>
      %reduce_max3A_965 = arith.constant true
      %reduce_max3A_966 = vector.broadcast %reduce_max3A_965 : i1 to vector<16xi1>
      %reduce_max3A_967 = arith.constant -2147483648 : i32
      %reduce_max3A_968 = vector.broadcast %reduce_max3A_967 : i32 to vector<16xi32>
      %reduce_max3A_969 = arith.xori %select_n3A_964, %reduce_max3A_968 : vector<16xi32>
      %reduce_max3A_970 = tpu.scan <max>, %reduce_max3A_969 masked %reduce_max3A_966 : vector<16xi32>, vector<16xi1> -> vector<16xi32>
      %reduce_max3A_971 = arith.xori %reduce_max3A_970, %reduce_max3A_968 : vector<16xi32>
      %reduce_max3A_972 = vector.extract %reduce_max3A_971[15] : i32 from vector<16xi32>
      %add3A_973 = arith.constant 4 : i32
      %add3A_974 = arith.addi %add3A_761, %add3A_973 : i32
      %jit3A_975 = arith.constant 16 : i32
      %div3A_976 = arith.divsi %add3A_974, %jit3A_975 : i32
      %sign3A_977 = arith.constant 0 : i32
      %sign3A_978 = arith.cmpi sgt, %add3A_974, %sign3A_977 : i32
      %sign3A_979 = arith.extui %sign3A_978 : i1 to i32
      %sign3A_980 = arith.constant 0 : i32
      %sign3A_981 = arith.cmpi slt, %add3A_974, %sign3A_980 : i32
      %sign3A_982 = arith.extui %sign3A_981 : i1 to i32
      %sign3A_983 = arith.subi %sign3A_979, %sign3A_982 : i32
      %sign3A_984 = arith.constant 0 : i32
      %sign3A_985 = arith.cmpi sgt, %jit3A_975, %sign3A_984 : i32
      %sign3A_986 = arith.extui %sign3A_985 : i1 to i32
      %sign3A_987 = arith.constant 0 : i32
      %sign3A_988 = arith.cmpi slt, %jit3A_975, %sign3A_987 : i32
      %sign3A_989 = arith.extui %sign3A_988 : i1 to i32
      %sign3A_990 = arith.subi %sign3A_986, %sign3A_989 : i32
      %ne3A_991 = arith.cmpi ne, %sign3A_983, %sign3A_990 : i32
      %rem3A_992 = arith.remsi %add3A_974, %jit3A_975 : i32
      %ne3A_993 = arith.constant 0 : i32
      %ne3A_994 = arith.cmpi ne, %rem3A_992, %ne3A_993 : i32
      %and3A_995 = arith.andi %ne3A_991, %ne3A_994 : i1
      %sub3A_996 = arith.constant 1 : i32
      %sub3A_997 = arith.subi %div3A_976, %sub3A_996 : i32
      %select_n3A_998 = arith.select %and3A_995, %sub3A_997, %div3A_976 : i32
      %mul3A_999 = arith.constant 16 : i32
      %mul3A_1000 = arith.muli %select_n3A_998, %mul3A_999 : i32
      %get3A_1001 = arith.index_cast %mul3A_1000 : i32 to index
      %get3A_1002 = tpu.vector_load %arg12[%get3A_1001] {strides = array<i32>} : memref<80xi32, #tpu.memory_space<vmem>>, vector<16xi32>,
      %jit3A_1003 = arith.constant 16 : i32
      %eq3A_1004 = arith.constant 0 : i32
      %eq3A_1005 = arith.cmpi eq, %jit3A_1003, %eq3A_1004 : i32
      %jit3A_1006 = arith.constant 1 : i32
      %select_n3A_1007 = arith.select %eq3A_1005, %jit3A_1006, %jit3A_1003 : i32
      %rem3A_1008 = arith.remsi %add3A_974, %select_n3A_1007 : i32
      %ne3A_1009 = arith.constant 0 : i32
      %ne3A_1010 = arith.cmpi ne, %rem3A_1008, %ne3A_1009 : i32
      %lt3A_1011 = arith.constant 0 : i32
      %lt3A_1012 = arith.cmpi slt, %rem3A_1008, %lt3A_1011 : i32
      %lt3A_1013 = arith.constant 0 : i32
      %lt3A_1014 = arith.cmpi slt, %select_n3A_1007, %lt3A_1013 : i32
      %ne3A_1015 = arith.xori %lt3A_1012, %lt3A_1014 : i1
      %and3A_1016 = arith.andi %ne3A_1015, %ne3A_1010 : i1
      %add3A_1017 = arith.addi %rem3A_1008, %select_n3A_1007 : i32
      %select_n3A_1018 = arith.select %and3A_1016, %add3A_1017, %rem3A_1008 : i32
      %eq3A_1019 = vector.broadcast %select_n3A_1018 : i32 to vector<16xi32>
      %eq3A_1020 = arith.cmpi eq, %iota3A, %eq3A_1019 : vector<16xi32>
      %select_n3A_1021 = arith.select %eq3A_1020, %get3A_1002, %broadcast_in_dim3A_1 : vector<16xi1>, vector<16xi32>
      %reduce_max3A_1022 = arith.constant true
      %reduce_max3A_1023 = vector.broadcast %reduce_max3A_1022 : i1 to vector<16xi1>
      %reduce_max3A_1024 = arith.constant -2147483648 : i32
      %reduce_max3A_1025 = vector.broadcast %reduce_max3A_1024 : i32 to vector<16xi32>
      %reduce_max3A_1026 = arith.xori %select_n3A_1021, %reduce_max3A_1025 : vector<16xi32>
      %reduce_max3A_1027 = tpu.scan <max>, %reduce_max3A_1026 masked %reduce_max3A_1023 : vector<16xi32>, vector<16xi1> -> vector<16xi32>
      %reduce_max3A_1028 = arith.xori %reduce_max3A_1027, %reduce_max3A_1025 : vector<16xi32>
      %reduce_max3A_1029 = vector.extract %reduce_max3A_1028[15] : i32 from vector<16xi32>
      %while3A_1030 = arith.constant 0 : i32
      %while3A_1031 = arith.subi %reduce_max3A_1029, %reduce_max3A_972 : i32
      %while3A_1032 = arith.addi %reduce_max3A_972, %while3A_1031 : i32
      %while3A_1033 = arith.constant 1 : i32
      %while3A_1034 = arith.divsi %while3A_1031, %while3A_1033 : i32
      %while3A_1035 = arith.muli %while3A_1034, %while3A_1033 : i32
      %while3A_1036 = arith.addi %reduce_max3A_972, %while3A_1035 : i32
      %while3A_1037 = arith.constant 1 : i32
      scf.for %while3A_1039 = %reduce_max3A_972 to %while3A_1036 step %while3A_1037  : i32 {
        %jit3A_1040 = arith.constant 16 : i32
        %div3A_1041 = arith.divsi %while3A_1039, %jit3A_1040 : i32
        %sign3A_1042 = arith.constant 0 : i32
        %sign3A_1043 = arith.cmpi sgt, %while3A_1039, %sign3A_1042 : i32
        %sign3A_1044 = arith.extui %sign3A_1043 : i1 to i32
        %sign3A_1045 = arith.constant 0 : i32
        %sign3A_1046 = arith.cmpi slt, %while3A_1039, %sign3A_1045 : i32
        %sign3A_1047 = arith.extui %sign3A_1046 : i1 to i32
        %sign3A_1048 = arith.subi %sign3A_1044, %sign3A_1047 : i32
        %sign3A_1049 = arith.constant 0 : i32
        %sign3A_1050 = arith.cmpi sgt, %jit3A_1040, %sign3A_1049 : i32
        %sign3A_1051 = arith.extui %sign3A_1050 : i1 to i32
        %sign3A_1052 = arith.constant 0 : i32
        %sign3A_1053 = arith.cmpi slt, %jit3A_1040, %sign3A_1052 : i32
        %sign3A_1054 = arith.extui %sign3A_1053 : i1 to i32
        %sign3A_1055 = arith.subi %sign3A_1051, %sign3A_1054 : i32
        %ne3A_1056 = arith.cmpi ne, %sign3A_1048, %sign3A_1055 : i32
        %rem3A_1057 = arith.remsi %while3A_1039, %jit3A_1040 : i32
        %ne3A_1058 = arith.constant 0 : i32
        %ne3A_1059 = arith.cmpi ne, %rem3A_1057, %ne3A_1058 : i32
        %and3A_1060 = arith.andi %ne3A_1056, %ne3A_1059 : i1
        %sub3A_1061 = arith.constant 1 : i32
        %sub3A_1062 = arith.subi %div3A_1041, %sub3A_1061 : i32
        %select_n3A_1063 = arith.select %and3A_1060, %sub3A_1062, %div3A_1041 : i32
        %mul3A_1064 = arith.constant 16 : i32
        %mul3A_1065 = arith.muli %select_n3A_1063, %mul3A_1064 : i32
        %get3A_1066 = arith.index_cast %mul3A_1065 : i32 to index
        %get3A_1067 = tpu.vector_load %arg11[%get3A_1066] {strides = array<i32>} : memref<256xi32, #tpu.memory_space<vmem>>, vector<16xi32>,
        %jit3A_1068 = arith.constant 16 : i32
        %eq3A_1069 = arith.constant 0 : i32
        %eq3A_1070 = arith.cmpi eq, %jit3A_1068, %eq3A_1069 : i32
        %jit3A_1071 = arith.constant 1 : i32
        %select_n3A_1072 = arith.select %eq3A_1070, %jit3A_1071, %jit3A_1068 : i32
        %rem3A_1073 = arith.remsi %while3A_1039, %select_n3A_1072 : i32
        %ne3A_1074 = arith.constant 0 : i32
        %ne3A_1075 = arith.cmpi ne, %rem3A_1073, %ne3A_1074 : i32
        %lt3A_1076 = arith.constant 0 : i32
        %lt3A_1077 = arith.cmpi slt, %rem3A_1073, %lt3A_1076 : i32
        %lt3A_1078 = arith.constant 0 : i32
        %lt3A_1079 = arith.cmpi slt, %select_n3A_1072, %lt3A_1078 : i32
        %ne3A_1080 = arith.xori %lt3A_1077, %lt3A_1079 : i1
        %and3A_1081 = arith.andi %ne3A_1080, %ne3A_1075 : i1
        %add3A_1082 = arith.addi %rem3A_1073, %select_n3A_1072 : i32
        %select_n3A_1083 = arith.select %and3A_1081, %add3A_1082, %rem3A_1073 : i32
        %eq3A_1084 = vector.broadcast %select_n3A_1083 : i32 to vector<16xi32>
        %eq3A_1085 = arith.cmpi eq, %iota3A, %eq3A_1084 : vector<16xi32>
        %select_n3A_1086 = arith.select %eq3A_1085, %get3A_1067, %broadcast_in_dim3A_1 : vector<16xi1>, vector<16xi32>
        %reduce_max3A_1087 = arith.constant true
        %reduce_max3A_1088 = vector.broadcast %reduce_max3A_1087 : i1 to vector<16xi1>
        %reduce_max3A_1089 = arith.constant -2147483648 : i32
        %reduce_max3A_1090 = vector.broadcast %reduce_max3A_1089 : i32 to vector<16xi32>
        %reduce_max3A_1091 = arith.xori %select_n3A_1086, %reduce_max3A_1090 : vector<16xi32>
        %reduce_max3A_1092 = tpu.scan <max>, %reduce_max3A_1091 masked %reduce_max3A_1088 : vector<16xi32>, vector<16xi1> -> vector<16xi32>
        %reduce_max3A_1093 = arith.xori %reduce_max3A_1092, %reduce_max3A_1090 : vector<16xi32>
        %reduce_max3A_1094 = vector.extract %reduce_max3A_1093[15] : i32 from vector<16xi32>
        %ge3A = arith.constant 2048 : i32
        %ge3A_1095 = arith.cmpi sge, %reduce_max3A_1094, %ge3A : i32
        %convert_element_type3A_1096 = arith.extui %ge3A_1095 : i1 to i32
        %cond3A_1097 = arith.constant 0 : i32
        %cond3A_1098 = arith.cmpi ne, %convert_element_type3A_1096, %cond3A_1097 : i32
        scf.if %cond3A_1098 {
          %jit3A_1099 = arith.constant 16 : i32
          %div3A_1100 = arith.divsi %while3A_1039, %jit3A_1099 : i32
          %sign3A_1101 = arith.constant 0 : i32
          %sign3A_1102 = arith.cmpi sgt, %while3A_1039, %sign3A_1101 : i32
          %sign3A_1103 = arith.extui %sign3A_1102 : i1 to i32
          %sign3A_1104 = arith.constant 0 : i32
          %sign3A_1105 = arith.cmpi slt, %while3A_1039, %sign3A_1104 : i32
          %sign3A_1106 = arith.extui %sign3A_1105 : i1 to i32
          %sign3A_1107 = arith.subi %sign3A_1103, %sign3A_1106 : i32
          %sign3A_1108 = arith.constant 0 : i32
          %sign3A_1109 = arith.cmpi sgt, %jit3A_1099, %sign3A_1108 : i32
          %sign3A_1110 = arith.extui %sign3A_1109 : i1 to i32
          %sign3A_1111 = arith.constant 0 : i32
          %sign3A_1112 = arith.cmpi slt, %jit3A_1099, %sign3A_1111 : i32
          %sign3A_1113 = arith.extui %sign3A_1112 : i1 to i32
          %sign3A_1114 = arith.subi %sign3A_1110, %sign3A_1113 : i32
          %ne3A_1115 = arith.cmpi ne, %sign3A_1107, %sign3A_1114 : i32
          %rem3A_1116 = arith.remsi %while3A_1039, %jit3A_1099 : i32
          %ne3A_1117 = arith.constant 0 : i32
          %ne3A_1118 = arith.cmpi ne, %rem3A_1116, %ne3A_1117 : i32
          %and3A_1119 = arith.andi %ne3A_1115, %ne3A_1118 : i1
          %sub3A_1120 = arith.constant 1 : i32
          %sub3A_1121 = arith.subi %div3A_1100, %sub3A_1120 : i32
          %select_n3A_1122 = arith.select %and3A_1119, %sub3A_1121, %div3A_1100 : i32
          %mul3A_1123 = arith.constant 16 : i32
          %mul3A_1124 = arith.muli %select_n3A_1122, %mul3A_1123 : i32
          %get3A_1125 = arith.index_cast %mul3A_1124 : i32 to index
          %get3A_1126 = tpu.vector_load %arg10[%get3A_1125] {strides = array<i32>} : memref<256xi32, #tpu.memory_space<vmem>>, vector<16xi32>,
          %jit3A_1127 = arith.constant 16 : i32
          %eq3A_1128 = arith.constant 0 : i32
          %eq3A_1129 = arith.cmpi eq, %jit3A_1127, %eq3A_1128 : i32
          %jit3A_1130 = arith.constant 1 : i32
          %select_n3A_1131 = arith.select %eq3A_1129, %jit3A_1130, %jit3A_1127 : i32
          %rem3A_1132 = arith.remsi %while3A_1039, %select_n3A_1131 : i32
          %ne3A_1133 = arith.constant 0 : i32
          %ne3A_1134 = arith.cmpi ne, %rem3A_1132, %ne3A_1133 : i32
          %lt3A_1135 = arith.constant 0 : i32
          %lt3A_1136 = arith.cmpi slt, %rem3A_1132, %lt3A_1135 : i32
          %lt3A_1137 = arith.constant 0 : i32
          %lt3A_1138 = arith.cmpi slt, %select_n3A_1131, %lt3A_1137 : i32
          %ne3A_1139 = arith.xori %lt3A_1136, %lt3A_1138 : i1
          %and3A_1140 = arith.andi %ne3A_1139, %ne3A_1134 : i1
          %add3A_1141 = arith.addi %rem3A_1132, %select_n3A_1131 : i32
          %select_n3A_1142 = arith.select %and3A_1140, %add3A_1141, %rem3A_1132 : i32
          %eq3A_1143 = vector.broadcast %select_n3A_1142 : i32 to vector<16xi32>
          %eq3A_1144 = arith.cmpi eq, %iota3A, %eq3A_1143 : vector<16xi32>
          %select_n3A_1145 = arith.select %eq3A_1144, %get3A_1126, %broadcast_in_dim3A_1 : vector<16xi1>, vector<16xi32>
          %reduce_max3A_1146 = arith.constant true
          %reduce_max3A_1147 = vector.broadcast %reduce_max3A_1146 : i1 to vector<16xi1>
          %reduce_max3A_1148 = arith.constant -2147483648 : i32
          %reduce_max3A_1149 = vector.broadcast %reduce_max3A_1148 : i32 to vector<16xi32>
          %reduce_max3A_1150 = arith.xori %select_n3A_1145, %reduce_max3A_1149 : vector<16xi32>
          %reduce_max3A_1151 = tpu.scan <max>, %reduce_max3A_1150 masked %reduce_max3A_1147 : vector<16xi32>, vector<16xi1> -> vector<16xi32>
          %reduce_max3A_1152 = arith.xori %reduce_max3A_1151, %reduce_max3A_1149 : vector<16xi32>
          %reduce_max3A_1153 = vector.extract %reduce_max3A_1152[15] : i32 from vector<16xi32>
          %shift_right_arithmetic3A = arith.constant 7 : i32
          %shift_right_arithmetic3A_1154 = arith.shrsi %reduce_max3A_1153, %shift_right_arithmetic3A : i32
          %mul3A_1155 = arith.constant 128 : i32
          %mul3A_1156 = arith.muli %shift_right_arithmetic3A_1154, %mul3A_1155 : i32
          %multiple_of3A = tpu.assume_multiple %mul3A_1156, 128 : i32
          %shift_right_arithmetic3A_1157 = arith.constant 7 : i32
          %shift_right_arithmetic3A_1158 = arith.shrsi %reduce_max3A_1094, %shift_right_arithmetic3A_1157 : i32
          %and3A_1159 = arith.constant 15 : i32
          %and3A_1160 = arith.andi %shift_right_arithmetic3A_1158, %and3A_1159 : i32
          %dma_start3A = arith.constant 0 : i32
          %dma_start3A_1161 = arith.constant 0 : i32
          %dma_start3A_1162 = tpu.memref_slice %arg14[%and3A_1160, %dma_start3A, %dma_start3A_1161] : memref<12x64x128xf32, #tpu.memory_space<vmem>> -> memref<1x64x128xf32, #tpu.memory_space<vmem>>
          %dma_start3A_1163 = tpu.memref_squeeze %dma_start3A_1162 : memref<1x64x128xf32, #tpu.memory_space<vmem>> -> memref<64x128xf32, #tpu.memory_space<vmem>>
          %dma_start3A_1164 = arith.constant 0 : i32
          %dma_start3A_1165 = tpu.memref_slice %arg7[%dma_start3A_1164, %multiple_of3A] : memref<64x1000000xf32, #tpu.memory_space<hbm>> -> memref<64x128xf32, #tpu.memory_space<hbm>>
          %dma_start3A_1166 = arith.constant 0 : i32
          %dma_start3A_1167 = arith.constant 0 : i32
          %dma_start3A_1168 = tpu.memref_slice %arg14[%and3A_1160, %dma_start3A_1166, %dma_start3A_1167] : memref<12x64x128xf32, #tpu.memory_space<vmem>> -> memref<1x64x128xf32, #tpu.memory_space<vmem>>
          %dma_start3A_1169 = tpu.memref_squeeze %dma_start3A_1168 : memref<1x64x128xf32, #tpu.memory_space<vmem>> -> memref<64x128xf32, #tpu.memory_space<vmem>>
          %dma_start3A_1170 = arith.constant 0 : i32
          %dma_start3A_1171 = tpu.memref_slice %arg7[%dma_start3A_1170, %multiple_of3A] : memref<64x1000000xf32, #tpu.memory_space<hbm>> -> memref<64x128xf32, #tpu.memory_space<hbm>>
          tpu.enqueue_dma source(%dma_start3A_1171 : memref<64x128xf32, #tpu.memory_space<hbm>>) target(%dma_start3A_1169 : memref<64x128xf32, #tpu.memory_space<vmem>>) target_semaphore(%arg20 : memref<!tpu.dma_semaphore, #tpu.memory_space<semaphore_mem>>)
        } else {
        }
      }
      %while3A_1038 = arith.constant 1 : i32
      scf.for %while3A_1039 = %while3A_1036 to %while3A_1032 step %while3A_1038  : i32 {
        %jit3A_1040 = arith.constant 16 : i32
        %div3A_1041 = arith.divsi %while3A_1039, %jit3A_1040 : i32
        %sign3A_1042 = arith.constant 0 : i32
        %sign3A_1043 = arith.cmpi sgt, %while3A_1039, %sign3A_1042 : i32
        %sign3A_1044 = arith.extui %sign3A_1043 : i1 to i32
        %sign3A_1045 = arith.constant 0 : i32
        %sign3A_1046 = arith.cmpi slt, %while3A_1039, %sign3A_1045 : i32
        %sign3A_1047 = arith.extui %sign3A_1046 : i1 to i32
        %sign3A_1048 = arith.subi %sign3A_1044, %sign3A_1047 : i32
        %sign3A_1049 = arith.constant 0 : i32
        %sign3A_1050 = arith.cmpi sgt, %jit3A_1040, %sign3A_1049 : i32
        %sign3A_1051 = arith.extui %sign3A_1050 : i1 to i32
        %sign3A_1052 = arith.constant 0 : i32
        %sign3A_1053 = arith.cmpi slt, %jit3A_1040, %sign3A_1052 : i32
        %sign3A_1054 = arith.extui %sign3A_1053 : i1 to i32
        %sign3A_1055 = arith.subi %sign3A_1051, %sign3A_1054 : i32
        %ne3A_1056 = arith.cmpi ne, %sign3A_1048, %sign3A_1055 : i32
        %rem3A_1057 = arith.remsi %while3A_1039, %jit3A_1040 : i32
        %ne3A_1058 = arith.constant 0 : i32
        %ne3A_1059 = arith.cmpi ne, %rem3A_1057, %ne3A_1058 : i32
        %and3A_1060 = arith.andi %ne3A_1056, %ne3A_1059 : i1
        %sub3A_1061 = arith.constant 1 : i32
        %sub3A_1062 = arith.subi %div3A_1041, %sub3A_1061 : i32
        %select_n3A_1063 = arith.select %and3A_1060, %sub3A_1062, %div3A_1041 : i32
        %mul3A_1064 = arith.constant 16 : i32
        %mul3A_1065 = arith.muli %select_n3A_1063, %mul3A_1064 : i32
        %get3A_1066 = arith.index_cast %mul3A_1065 : i32 to index
        %get3A_1067 = tpu.vector_load %arg11[%get3A_1066] {strides = array<i32>} : memref<256xi32, #tpu.memory_space<vmem>>, vector<16xi32>,
        %jit3A_1068 = arith.constant 16 : i32
        %eq3A_1069 = arith.constant 0 : i32
        %eq3A_1070 = arith.cmpi eq, %jit3A_1068, %eq3A_1069 : i32
        %jit3A_1071 = arith.constant 1 : i32
        %select_n3A_1072 = arith.select %eq3A_1070, %jit3A_1071, %jit3A_1068 : i32
        %rem3A_1073 = arith.remsi %while3A_1039, %select_n3A_1072 : i32
        %ne3A_1074 = arith.constant 0 : i32
        %ne3A_1075 = arith.cmpi ne, %rem3A_1073, %ne3A_1074 : i32
        %lt3A_1076 = arith.constant 0 : i32
        %lt3A_1077 = arith.cmpi slt, %rem3A_1073, %lt3A_1076 : i32
        %lt3A_1078 = arith.constant 0 : i32
        %lt3A_1079 = arith.cmpi slt, %select_n3A_1072, %lt3A_1078 : i32
        %ne3A_1080 = arith.xori %lt3A_1077, %lt3A_1079 : i1
        %and3A_1081 = arith.andi %ne3A_1080, %ne3A_1075 : i1
        %add3A_1082 = arith.addi %rem3A_1073, %select_n3A_1072 : i32
        %select_n3A_1083 = arith.select %and3A_1081, %add3A_1082, %rem3A_1073 : i32
        %eq3A_1084 = vector.broadcast %select_n3A_1083 : i32 to vector<16xi32>
        %eq3A_1085 = arith.cmpi eq, %iota3A, %eq3A_1084 : vector<16xi32>
        %select_n3A_1086 = arith.select %eq3A_1085, %get3A_1067, %broadcast_in_dim3A_1 : vector<16xi1>, vector<16xi32>
        %reduce_max3A_1087 = arith.constant true
        %reduce_max3A_1088 = vector.broadcast %reduce_max3A_1087 : i1 to vector<16xi1>
        %reduce_max3A_1089 = arith.constant -2147483648 : i32
        %reduce_max3A_1090 = vector.broadcast %reduce_max3A_1089 : i32 to vector<16xi32>
        %reduce_max3A_1091 = arith.xori %select_n3A_1086, %reduce_max3A_1090 : vector<16xi32>
        %reduce_max3A_1092 = tpu.scan <max>, %reduce_max3A_1091 masked %reduce_max3A_1088 : vector<16xi32>, vector<16xi1> -> vector<16xi32>
        %reduce_max3A_1093 = arith.xori %reduce_max3A_1092, %reduce_max3A_1090 : vector<16xi32>
        %reduce_max3A_1094 = vector.extract %reduce_max3A_1093[15] : i32 from vector<16xi32>
        %ge3A = arith.constant 2048 : i32
        %ge3A_1095 = arith.cmpi sge, %reduce_max3A_1094, %ge3A : i32
        %convert_element_type3A_1096 = arith.extui %ge3A_1095 : i1 to i32
        %cond3A_1097 = arith.constant 0 : i32
        %cond3A_1098 = arith.cmpi ne, %convert_element_type3A_1096, %cond3A_1097 : i32
        scf.if %cond3A_1098 {
          %jit3A_1099 = arith.constant 16 : i32
          %div3A_1100 = arith.divsi %while3A_1039, %jit3A_1099 : i32
          %sign3A_1101 = arith.constant 0 : i32
          %sign3A_1102 = arith.cmpi sgt, %while3A_1039, %sign3A_1101 : i32
          %sign3A_1103 = arith.extui %sign3A_1102 : i1 to i32
          %sign3A_1104 = arith.constant 0 : i32
          %sign3A_1105 = arith.cmpi slt, %while3A_1039, %sign3A_1104 : i32
          %sign3A_1106 = arith.extui %sign3A_1105 : i1 to i32
          %sign3A_1107 = arith.subi %sign3A_1103, %sign3A_1106 : i32
          %sign3A_1108 = arith.constant 0 : i32
          %sign3A_1109 = arith.cmpi sgt, %jit3A_1099, %sign3A_1108 : i32
          %sign3A_1110 = arith.extui %sign3A_1109 : i1 to i32
          %sign3A_1111 = arith.constant 0 : i32
          %sign3A_1112 = arith.cmpi slt, %jit3A_1099, %sign3A_1111 : i32
          %sign3A_1113 = arith.extui %sign3A_1112 : i1 to i32
          %sign3A_1114 = arith.subi %sign3A_1110, %sign3A_1113 : i32
          %ne3A_1115 = arith.cmpi ne, %sign3A_1107, %sign3A_1114 : i32
          %rem3A_1116 = arith.remsi %while3A_1039, %jit3A_1099 : i32
          %ne3A_1117 = arith.constant 0 : i32
          %ne3A_1118 = arith.cmpi ne, %rem3A_1116, %ne3A_1117 : i32
          %and3A_1119 = arith.andi %ne3A_1115, %ne3A_1118 : i1
          %sub3A_1120 = arith.constant 1 : i32
          %sub3A_1121 = arith.subi %div3A_1100, %sub3A_1120 : i32
          %select_n3A_1122 = arith.select %and3A_1119, %sub3A_1121, %div3A_1100 : i32
          %mul3A_1123 = arith.constant 16 : i32
          %mul3A_1124 = arith.muli %select_n3A_1122, %mul3A_1123 : i32
          %get3A_1125 = arith.index_cast %mul3A_1124 : i32 to index
          %get3A_1126 = tpu.vector_load %arg10[%get3A_1125] {strides = array<i32>} : memref<256xi32, #tpu.memory_space<vmem>>, vector<16xi32>,
          %jit3A_1127 = arith.constant 16 : i32
          %eq3A_1128 = arith.constant 0 : i32
          %eq3A_1129 = arith.cmpi eq, %jit3A_1127, %eq3A_1128 : i32
          %jit3A_1130 = arith.constant 1 : i32
          %select_n3A_1131 = arith.select %eq3A_1129, %jit3A_1130, %jit3A_1127 : i32
          %rem3A_1132 = arith.remsi %while3A_1039, %select_n3A_1131 : i32
          %ne3A_1133 = arith.constant 0 : i32
          %ne3A_1134 = arith.cmpi ne, %rem3A_1132, %ne3A_1133 : i32
          %lt3A_1135 = arith.constant 0 : i32
          %lt3A_1136 = arith.cmpi slt, %rem3A_1132, %lt3A_1135 : i32
          %lt3A_1137 = arith.constant 0 : i32
          %lt3A_1138 = arith.cmpi slt, %select_n3A_1131, %lt3A_1137 : i32
          %ne3A_1139 = arith.xori %lt3A_1136, %lt3A_1138 : i1
          %and3A_1140 = arith.andi %ne3A_1139, %ne3A_1134 : i1
          %add3A_1141 = arith.addi %rem3A_1132, %select_n3A_1131 : i32
          %select_n3A_1142 = arith.select %and3A_1140, %add3A_1141, %rem3A_1132 : i32
          %eq3A_1143 = vector.broadcast %select_n3A_1142 : i32 to vector<16xi32>
          %eq3A_1144 = arith.cmpi eq, %iota3A, %eq3A_1143 : vector<16xi32>
          %select_n3A_1145 = arith.select %eq3A_1144, %get3A_1126, %broadcast_in_dim3A_1 : vector<16xi1>, vector<16xi32>
          %reduce_max3A_1146 = arith.constant true
          %reduce_max3A_1147 = vector.broadcast %reduce_max3A_1146 : i1 to vector<16xi1>
          %reduce_max3A_1148 = arith.constant -2147483648 : i32
          %reduce_max3A_1149 = vector.broadcast %reduce_max3A_1148 : i32 to vector<16xi32>
          %reduce_max3A_1150 = arith.xori %select_n3A_1145, %reduce_max3A_1149 : vector<16xi32>
          %reduce_max3A_1151 = tpu.scan <max>, %reduce_max3A_1150 masked %reduce_max3A_1147 : vector<16xi32>, vector<16xi1> -> vector<16xi32>
          %reduce_max3A_1152 = arith.xori %reduce_max3A_1151, %reduce_max3A_1149 : vector<16xi32>
          %reduce_max3A_1153 = vector.extract %reduce_max3A_1152[15] : i32 from vector<16xi32>
          %shift_right_arithmetic3A = arith.constant 7 : i32
          %shift_right_arithmetic3A_1154 = arith.shrsi %reduce_max3A_1153, %shift_right_arithmetic3A : i32
          %mul3A_1155 = arith.constant 128 : i32
          %mul3A_1156 = arith.muli %shift_right_arithmetic3A_1154, %mul3A_1155 : i32
          %multiple_of3A = tpu.assume_multiple %mul3A_1156, 128 : i32
          %shift_right_arithmetic3A_1157 = arith.constant 7 : i32
          %shift_right_arithmetic3A_1158 = arith.shrsi %reduce_max3A_1094, %shift_right_arithmetic3A_1157 : i32
          %and3A_1159 = arith.constant 15 : i32
          %and3A_1160 = arith.andi %shift_right_arithmetic3A_1158, %and3A_1159 : i32
          %dma_start3A = arith.constant 0 : i32
          %dma_start3A_1161 = arith.constant 0 : i32
          %dma_start3A_1162 = tpu.memref_slice %arg14[%and3A_1160, %dma_start3A, %dma_start3A_1161] : memref<12x64x128xf32, #tpu.memory_space<vmem>> -> memref<1x64x128xf32, #tpu.memory_space<vmem>>
          %dma_start3A_1163 = tpu.memref_squeeze %dma_start3A_1162 : memref<1x64x128xf32, #tpu.memory_space<vmem>> -> memref<64x128xf32, #tpu.memory_space<vmem>>
          %dma_start3A_1164 = arith.constant 0 : i32
          %dma_start3A_1165 = tpu.memref_slice %arg7[%dma_start3A_1164, %multiple_of3A] : memref<64x1000000xf32, #tpu.memory_space<hbm>> -> memref<64x128xf32, #tpu.memory_space<hbm>>
          %dma_start3A_1166 = arith.constant 0 : i32
          %dma_start3A_1167 = arith.constant 0 : i32
          %dma_start3A_1168 = tpu.memref_slice %arg14[%and3A_1160, %dma_start3A_1166, %dma_start3A_1167] : memref<12x64x128xf32, #tpu.memory_space<vmem>> -> memref<1x64x128xf32, #tpu.memory_space<vmem>>
          %dma_start3A_1169 = tpu.memref_squeeze %dma_start3A_1168 : memref<1x64x128xf32, #tpu.memory_space<vmem>> -> memref<64x128xf32, #tpu.memory_space<vmem>>
          %dma_start3A_1170 = arith.constant 0 : i32
          %dma_start3A_1171 = tpu.memref_slice %arg7[%dma_start3A_1170, %multiple_of3A] : memref<64x1000000xf32, #tpu.memory_space<hbm>> -> memref<64x128xf32, #tpu.memory_space<hbm>>
          tpu.enqueue_dma source(%dma_start3A_1171 : memref<64x128xf32, #tpu.memory_space<hbm>>) target(%dma_start3A_1169 : memref<64x128xf32, #tpu.memory_space<vmem>>) target_semaphore(%arg20 : memref<!tpu.dma_semaphore, #tpu.memory_space<semaphore_mem>>)
        } else {
        }
      }
      scf.yield %while3A_915#0, %while3A_915#1, %while3A_915#2, %while3A_915#3 : vector<16xf32>, vector<16xf32>, vector<16xf32>, vector<16xf32>
    }
    %scan3A_170 = arith.constant 22 : i32
    %swap3A = arith.constant 0 : i32
    %swap3A_171 = arith.index_cast %swap3A : i32 to index
    %swap3A_172 = arith.constant 0 : index
    %swap3A_173 = tpu.vector_load %arg17[%swap3A_171, %swap3A_172] {strides = array<i32>} : memref<1x64xf32, #tpu.memory_space<vmem>>, vector<16xf32>,
    tpu.vector_store %arg17[%swap3A_171, %swap3A_172], %scan3A_169#0 {strides = array<i32>} : memref<1x64xf32, #tpu.memory_space<vmem>>, vector<16xf32>,
    %swap3A_174 = arith.constant 0 : i32
    %swap3A_175 = arith.index_cast %swap3A_174 : i32 to index
    %swap3A_176 = arith.constant 16 : index
    %swap3A_177 = tpu.vector_load %arg17[%swap3A_175, %swap3A_176] {strides = array<i32>} : memref<1x64xf32, #tpu.memory_space<vmem>>, vector<16xf32>,
    tpu.vector_store %arg17[%swap3A_175, %swap3A_176], %scan3A_169#1 {strides = array<i32>} : memref<1x64xf32, #tpu.memory_space<vmem>>, vector<16xf32>,
    %swap3A_178 = arith.constant 0 : i32
    %swap3A_179 = arith.index_cast %swap3A_178 : i32 to index
    %swap3A_180 = arith.constant 32 : index
    %swap3A_181 = tpu.vector_load %arg17[%swap3A_179, %swap3A_180] {strides = array<i32>} : memref<1x64xf32, #tpu.memory_space<vmem>>, vector<16xf32>,
    tpu.vector_store %arg17[%swap3A_179, %swap3A_180], %scan3A_169#2 {strides = array<i32>} : memref<1x64xf32, #tpu.memory_space<vmem>>, vector<16xf32>,
    %swap3A_182 = arith.constant 0 : i32
    %swap3A_183 = arith.index_cast %swap3A_182 : i32 to index
    %swap3A_184 = arith.constant 48 : index
    %swap3A_185 = tpu.vector_load %arg17[%swap3A_183, %swap3A_184] {strides = array<i32>} : memref<1x64xf32, #tpu.memory_space<vmem>>, vector<16xf32>,
    tpu.vector_store %arg17[%swap3A_183, %swap3A_184], %scan3A_169#3 {strides = array<i32>} : memref<1x64xf32, #tpu.memory_space<vmem>>, vector<16xf32>,
    "tpu.region"() ({
      %run_scoped3A = tpu.sem_alloc : memref<!tpu.dma_semaphore, #tpu.memory_space<semaphore_mem>>
      %dma_start3A = arith.constant 0 : i32
      %dma_start3A_191 = tpu.memref_slice %arg9[%add3A, %dma_start3A] : memref<40x64xf32, #tpu.memory_space<hbm>> -> memref<1x64xf32, #tpu.memory_space<hbm>>
      %dma_start3A_192 = arith.constant 0 : i32
      %dma_start3A_193 = tpu.memref_slice %arg9[%add3A, %dma_start3A_192] : memref<40x64xf32, #tpu.memory_space<hbm>> -> memref<1x64xf32, #tpu.memory_space<hbm>>
      tpu.enqueue_dma source(%arg17 : memref<1x64xf32, #tpu.memory_space<vmem>>) target(%dma_start3A_193 : memref<1x64xf32, #tpu.memory_space<hbm>>) target_semaphore(%run_scoped3A : memref<!tpu.dma_semaphore, #tpu.memory_space<semaphore_mem>>)
      %dma_wait3A = arith.constant 0 : i32
      %dma_wait3A_194 = tpu.memref_slice %arg9[%add3A, %dma_wait3A] : memref<40x64xf32, #tpu.memory_space<hbm>> -> memref<1x64xf32, #tpu.memory_space<hbm>>
      %dma_wait3A_195 = arith.constant 0 : i32
      %dma_wait3A_196 = tpu.memref_slice %arg9[%add3A, %dma_wait3A_195] : memref<40x64xf32, #tpu.memory_space<hbm>> -> memref<1x64xf32, #tpu.memory_space<hbm>>
      tpu.wait_dma2 semaphore(%run_scoped3A : memref<!tpu.dma_semaphore, #tpu.memory_space<semaphore_mem>>) src(%arg17 : memref<1x64xf32, #tpu.memory_space<vmem>>) dst(%dma_wait3A_196 : memref<1x64xf32, #tpu.memory_space<hbm>>)
      tpu.yield
    }) : () -> ()
    %lt3A_186 = arith.constant 8 : i32
    %lt3A_187 = arith.cmpi slt, %add3A, %lt3A_186 : i32
    %convert_element_type3A_188 = arith.extui %lt3A_187 : i1 to i32
    %cond3A_189 = arith.constant 0 : i32
    %cond3A_190 = arith.cmpi ne, %convert_element_type3A_188, %cond3A_189 : i32
    scf.if %cond3A_190 {
      tpu.wait_dma2 semaphore(%arg21 : memref<!tpu.dma_semaphore, #tpu.memory_space<semaphore_mem>>) src(%arg8 : memref<64x256xf32, #tpu.memory_space<hbm>>) dst(%arg16 : memref<64x256xf32, #tpu.memory_space<vmem>>)
      %get3A_191 = arith.constant 0 : index
      %get3A_192 = tpu.vector_load %arg15[%get3A_191] {strides = array<i32>} : memref<16xi32, #tpu.memory_space<vmem>>, vector<16xi32>,
      %eq3A_193 = arith.constant 0 : i32
      %eq3A_194 = vector.broadcast %eq3A_193 : i32 to vector<16xi32>
      %eq3A_195 = arith.cmpi eq, %iota3A, %eq3A_194 : vector<16xi32>
      %select_n3A_196 = arith.select %eq3A_195, %get3A_192, %broadcast_in_dim3A_1 : vector<16xi1>, vector<16xi32>
      %reduce_max3A_197 = arith.constant true
      %reduce_max3A_198 = vector.broadcast %reduce_max3A_197 : i1 to vector<16xi1>
      %reduce_max3A_199 = arith.constant -2147483648 : i32
      %reduce_max3A_200 = vector.broadcast %reduce_max3A_199 : i32 to vector<16xi32>
      %reduce_max3A_201 = arith.xori %select_n3A_196, %reduce_max3A_200 : vector<16xi32>
      %reduce_max3A_202 = tpu.scan <max>, %reduce_max3A_201 masked %reduce_max3A_198 : vector<16xi32>, vector<16xi1> -> vector<16xi32>
      %reduce_max3A_203 = arith.xori %reduce_max3A_202, %reduce_max3A_200 : vector<16xi32>
      %reduce_max3A_204 = vector.extract %reduce_max3A_203[15] : i32 from vector<16xi32>
      %broadcast_in_dim3A_205 = vector.broadcast %reduce_max3A_204 : i32 to vector<16xi32>
      %gather3A = tpu.vector_load_idx %arg16[%iota3A, %broadcast_in_dim3A_205] : memref<64x256xf32, #tpu.memory_space<vmem>>[vector<16xi32>, vector<16xi32>], vector<16xf32>,
      %add3A_206 = arith.addf %broadcast_in_dim3A_165, %gather3A : vector<16xf32>
      %add3A_207 = arith.constant 16 : i32
      %add3A_208 = vector.broadcast %add3A_207 : i32 to vector<16xi32>
      %add3A_209 = arith.addi %iota3A, %add3A_208 : vector<16xi32>
      %gather3A_210 = tpu.vector_load_idx %arg16[%add3A_209, %broadcast_in_dim3A_205] : memref<64x256xf32, #tpu.memory_space<vmem>>[vector<16xi32>, vector<16xi32>], vector<16xf32>,
      %add3A_211 = arith.addf %broadcast_in_dim3A_165, %gather3A_210 : vector<16xf32>
      %add3A_212 = arith.constant 32 : i32
      %add3A_213 = vector.broadcast %add3A_212 : i32 to vector<16xi32>
      %add3A_214 = arith.addi %iota3A, %add3A_213 : vector<16xi32>
      %gather3A_215 = tpu.vector_load_idx %arg16[%add3A_214, %broadcast_in_dim3A_205] : memref<64x256xf32, #tpu.memory_space<vmem>>[vector<16xi32>, vector<16xi32>], vector<16xf32>,
      %add3A_216 = arith.addf %broadcast_in_dim3A_165, %gather3A_215 : vector<16xf32>
      %add3A_217 = arith.constant 48 : i32
      %add3A_218 = vector.broadcast %add3A_217 : i32 to vector<16xi32>
      %add3A_219 = arith.addi %iota3A, %add3A_218 : vector<16xi32>
      %gather3A_220 = tpu.vector_load_idx %arg16[%add3A_219, %broadcast_in_dim3A_205] : memref<64x256xf32, #tpu.memory_space<vmem>>[vector<16xi32>, vector<16xi32>], vector<16xf32>,
      %add3A_221 = arith.addf %broadcast_in_dim3A_165, %gather3A_220 : vector<16xf32>
      %eq3A_222 = arith.constant 1 : i32
      %eq3A_223 = vector.broadcast %eq3A_222 : i32 to vector<16xi32>
      %eq3A_224 = arith.cmpi eq, %iota3A, %eq3A_223 : vector<16xi32>
      %select_n3A_225 = arith.select %eq3A_224, %get3A_192, %broadcast_in_dim3A_1 : vector<16xi1>, vector<16xi32>
      %reduce_max3A_226 = arith.constant true
      %reduce_max3A_227 = vector.broadcast %reduce_max3A_226 : i1 to vector<16xi1>
      %reduce_max3A_228 = arith.constant -2147483648 : i32
      %reduce_max3A_229 = vector.broadcast %reduce_max3A_228 : i32 to vector<16xi32>
      %reduce_max3A_230 = arith.xori %select_n3A_225, %reduce_max3A_229 : vector<16xi32>
      %reduce_max3A_231 = tpu.scan <max>, %reduce_max3A_230 masked %reduce_max3A_227 : vector<16xi32>, vector<16xi1> -> vector<16xi32>
      %reduce_max3A_232 = arith.xori %reduce_max3A_231, %reduce_max3A_229 : vector<16xi32>
      %reduce_max3A_233 = vector.extract %reduce_max3A_232[15] : i32 from vector<16xi32>
      %broadcast_in_dim3A_234 = vector.broadcast %reduce_max3A_233 : i32 to vector<16xi32>
      %gather3A_235 = tpu.vector_load_idx %arg16[%iota3A, %broadcast_in_dim3A_234] : memref<64x256xf32, #tpu.memory_space<vmem>>[vector<16xi32>, vector<16xi32>], vector<16xf32>,
      %add3A_236 = arith.addf %add3A_206, %gather3A_235 : vector<16xf32>
      %add3A_237 = arith.constant 16 : i32
      %add3A_238 = vector.broadcast %add3A_237 : i32 to vector<16xi32>
      %add3A_239 = arith.addi %iota3A, %add3A_238 : vector<16xi32>
      %gather3A_240 = tpu.vector_load_idx %arg16[%add3A_239, %broadcast_in_dim3A_234] : memref<64x256xf32, #tpu.memory_space<vmem>>[vector<16xi32>, vector<16xi32>], vector<16xf32>,
      %add3A_241 = arith.addf %add3A_211, %gather3A_240 : vector<16xf32>
      %add3A_242 = arith.constant 32 : i32
      %add3A_243 = vector.broadcast %add3A_242 : i32 to vector<16xi32>
      %add3A_244 = arith.addi %iota3A, %add3A_243 : vector<16xi32>
      %gather3A_245 = tpu.vector_load_idx %arg16[%add3A_244, %broadcast_in_dim3A_234] : memref<64x256xf32, #tpu.memory_space<vmem>>[vector<16xi32>, vector<16xi32>], vector<16xf32>,
      %add3A_246 = arith.addf %add3A_216, %gather3A_245 : vector<16xf32>
      %add3A_247 = arith.constant 48 : i32
      %add3A_248 = vector.broadcast %add3A_247 : i32 to vector<16xi32>
      %add3A_249 = arith.addi %iota3A, %add3A_248 : vector<16xi32>
      %gather3A_250 = tpu.vector_load_idx %arg16[%add3A_249, %broadcast_in_dim3A_234] : memref<64x256xf32, #tpu.memory_space<vmem>>[vector<16xi32>, vector<16xi32>], vector<16xf32>,
      %add3A_251 = arith.addf %add3A_221, %gather3A_250 : vector<16xf32>
      %eq3A_252 = arith.constant 2 : i32
      %eq3A_253 = vector.broadcast %eq3A_252 : i32 to vector<16xi32>
      %eq3A_254 = arith.cmpi eq, %iota3A, %eq3A_253 : vector<16xi32>
      %select_n3A_255 = arith.select %eq3A_254, %get3A_192, %broadcast_in_dim3A_1 : vector<16xi1>, vector<16xi32>
      %reduce_max3A_256 = arith.constant true
      %reduce_max3A_257 = vector.broadcast %reduce_max3A_256 : i1 to vector<16xi1>
      %reduce_max3A_258 = arith.constant -2147483648 : i32
      %reduce_max3A_259 = vector.broadcast %reduce_max3A_258 : i32 to vector<16xi32>
      %reduce_max3A_260 = arith.xori %select_n3A_255, %reduce_max3A_259 : vector<16xi32>
      %reduce_max3A_261 = tpu.scan <max>, %reduce_max3A_260 masked %reduce_max3A_257 : vector<16xi32>, vector<16xi1> -> vector<16xi32>
      %reduce_max3A_262 = arith.xori %reduce_max3A_261, %reduce_max3A_259 : vector<16xi32>
      %reduce_max3A_263 = vector.extract %reduce_max3A_262[15] : i32 from vector<16xi32>
      %broadcast_in_dim3A_264 = vector.broadcast %reduce_max3A_263 : i32 to vector<16xi32>
      %gather3A_265 = tpu.vector_load_idx %arg16[%iota3A, %broadcast_in_dim3A_264] : memref<64x256xf32, #tpu.memory_space<vmem>>[vector<16xi32>, vector<16xi32>], vector<16xf32>,
      %add3A_266 = arith.addf %add3A_236, %gather3A_265 : vector<16xf32>
      %add3A_267 = arith.constant 16 : i32
      %add3A_268 = vector.broadcast %add3A_267 : i32 to vector<16xi32>
      %add3A_269 = arith.addi %iota3A, %add3A_268 : vector<16xi32>
      %gather3A_270 = tpu.vector_load_idx %arg16[%add3A_269, %broadcast_in_dim3A_264] : memref<64x256xf32, #tpu.memory_space<vmem>>[vector<16xi32>, vector<16xi32>], vector<16xf32>,
      %add3A_271 = arith.addf %add3A_241, %gather3A_270 : vector<16xf32>
      %add3A_272 = arith.constant 32 : i32
      %add3A_273 = vector.broadcast %add3A_272 : i32 to vector<16xi32>
      %add3A_274 = arith.addi %iota3A, %add3A_273 : vector<16xi32>
      %gather3A_275 = tpu.vector_load_idx %arg16[%add3A_274, %broadcast_in_dim3A_264] : memref<64x256xf32, #tpu.memory_space<vmem>>[vector<16xi32>, vector<16xi32>], vector<16xf32>,
      %add3A_276 = arith.addf %add3A_246, %gather3A_275 : vector<16xf32>
      %add3A_277 = arith.constant 48 : i32
      %add3A_278 = vector.broadcast %add3A_277 : i32 to vector<16xi32>
      %add3A_279 = arith.addi %iota3A, %add3A_278 : vector<16xi32>
      %gather3A_280 = tpu.vector_load_idx %arg16[%add3A_279, %broadcast_in_dim3A_264] : memref<64x256xf32, #tpu.memory_space<vmem>>[vector<16xi32>, vector<16xi32>], vector<16xf32>,
      %add3A_281 = arith.addf %add3A_251, %gather3A_280 : vector<16xf32>
      %eq3A_282 = arith.constant 3 : i32
      %eq3A_283 = vector.broadcast %eq3A_282 : i32 to vector<16xi32>
      %eq3A_284 = arith.cmpi eq, %iota3A, %eq3A_283 : vector<16xi32>
      %select_n3A_285 = arith.select %eq3A_284, %get3A_192, %broadcast_in_dim3A_1 : vector<16xi1>, vector<16xi32>
      %reduce_max3A_286 = arith.constant true
      %reduce_max3A_287 = vector.broadcast %reduce_max3A_286 : i1 to vector<16xi1>
      %reduce_max3A_288 = arith.constant -2147483648 : i32
      %reduce_max3A_289 = vector.broadcast %reduce_max3A_288 : i32 to vector<16xi32>
      %reduce_max3A_290 = arith.xori %select_n3A_285, %reduce_max3A_289 : vector<16xi32>
      %reduce_max3A_291 = tpu.scan <max>, %reduce_max3A_290 masked %reduce_max3A_287 : vector<16xi32>, vector<16xi1> -> vector<16xi32>
      %reduce_max3A_292 = arith.xori %reduce_max3A_291, %reduce_max3A_289 : vector<16xi32>
      %reduce_max3A_293 = vector.extract %reduce_max3A_292[15] : i32 from vector<16xi32>
      %broadcast_in_dim3A_294 = vector.broadcast %reduce_max3A_293 : i32 to vector<16xi32>
      %gather3A_295 = tpu.vector_load_idx %arg16[%iota3A, %broadcast_in_dim3A_294] : memref<64x256xf32, #tpu.memory_space<vmem>>[vector<16xi32>, vector<16xi32>], vector<16xf32>,
      %add3A_296 = arith.addf %add3A_266, %gather3A_295 : vector<16xf32>
      %add3A_297 = arith.constant 16 : i32
      %add3A_298 = vector.broadcast %add3A_297 : i32 to vector<16xi32>
      %add3A_299 = arith.addi %iota3A, %add3A_298 : vector<16xi32>
      %gather3A_300 = tpu.vector_load_idx %arg16[%add3A_299, %broadcast_in_dim3A_294] : memref<64x256xf32, #tpu.memory_space<vmem>>[vector<16xi32>, vector<16xi32>], vector<16xf32>,
      %add3A_301 = arith.addf %add3A_271, %gather3A_300 : vector<16xf32>
      %add3A_302 = arith.constant 32 : i32
      %add3A_303 = vector.broadcast %add3A_302 : i32 to vector<16xi32>
      %add3A_304 = arith.addi %iota3A, %add3A_303 : vector<16xi32>
      %gather3A_305 = tpu.vector_load_idx %arg16[%add3A_304, %broadcast_in_dim3A_294] : memref<64x256xf32, #tpu.memory_space<vmem>>[vector<16xi32>, vector<16xi32>], vector<16xf32>,
      %add3A_306 = arith.addf %add3A_276, %gather3A_305 : vector<16xf32>
      %add3A_307 = arith.constant 48 : i32
      %add3A_308 = vector.broadcast %add3A_307 : i32 to vector<16xi32>
      %add3A_309 = arith.addi %iota3A, %add3A_308 : vector<16xi32>
      %gather3A_310 = tpu.vector_load_idx %arg16[%add3A_309, %broadcast_in_dim3A_294] : memref<64x256xf32, #tpu.memory_space<vmem>>[vector<16xi32>, vector<16xi32>], vector<16xf32>,
      %add3A_311 = arith.addf %add3A_281, %gather3A_310 : vector<16xf32>
      %eq3A_312 = arith.constant 4 : i32
      %eq3A_313 = vector.broadcast %eq3A_312 : i32 to vector<16xi32>
      %eq3A_314 = arith.cmpi eq, %iota3A, %eq3A_313 : vector<16xi32>
      %select_n3A_315 = arith.select %eq3A_314, %get3A_192, %broadcast_in_dim3A_1 : vector<16xi1>, vector<16xi32>
      %reduce_max3A_316 = arith.constant true
      %reduce_max3A_317 = vector.broadcast %reduce_max3A_316 : i1 to vector<16xi1>
      %reduce_max3A_318 = arith.constant -2147483648 : i32
      %reduce_max3A_319 = vector.broadcast %reduce_max3A_318 : i32 to vector<16xi32>
      %reduce_max3A_320 = arith.xori %select_n3A_315, %reduce_max3A_319 : vector<16xi32>
      %reduce_max3A_321 = tpu.scan <max>, %reduce_max3A_320 masked %reduce_max3A_317 : vector<16xi32>, vector<16xi1> -> vector<16xi32>
      %reduce_max3A_322 = arith.xori %reduce_max3A_321, %reduce_max3A_319 : vector<16xi32>
      %reduce_max3A_323 = vector.extract %reduce_max3A_322[15] : i32 from vector<16xi32>
      %broadcast_in_dim3A_324 = vector.broadcast %reduce_max3A_323 : i32 to vector<16xi32>
      %gather3A_325 = tpu.vector_load_idx %arg16[%iota3A, %broadcast_in_dim3A_324] : memref<64x256xf32, #tpu.memory_space<vmem>>[vector<16xi32>, vector<16xi32>], vector<16xf32>,
      %add3A_326 = arith.addf %add3A_296, %gather3A_325 : vector<16xf32>
      %add3A_327 = arith.constant 16 : i32
      %add3A_328 = vector.broadcast %add3A_327 : i32 to vector<16xi32>
      %add3A_329 = arith.addi %iota3A, %add3A_328 : vector<16xi32>
      %gather3A_330 = tpu.vector_load_idx %arg16[%add3A_329, %broadcast_in_dim3A_324] : memref<64x256xf32, #tpu.memory_space<vmem>>[vector<16xi32>, vector<16xi32>], vector<16xf32>,
      %add3A_331 = arith.addf %add3A_301, %gather3A_330 : vector<16xf32>
      %add3A_332 = arith.constant 32 : i32
      %add3A_333 = vector.broadcast %add3A_332 : i32 to vector<16xi32>
      %add3A_334 = arith.addi %iota3A, %add3A_333 : vector<16xi32>
      %gather3A_335 = tpu.vector_load_idx %arg16[%add3A_334, %broadcast_in_dim3A_324] : memref<64x256xf32, #tpu.memory_space<vmem>>[vector<16xi32>, vector<16xi32>], vector<16xf32>,
      %add3A_336 = arith.addf %add3A_306, %gather3A_335 : vector<16xf32>
      %add3A_337 = arith.constant 48 : i32
      %add3A_338 = vector.broadcast %add3A_337 : i32 to vector<16xi32>
      %add3A_339 = arith.addi %iota3A, %add3A_338 : vector<16xi32>
      %gather3A_340 = tpu.vector_load_idx %arg16[%add3A_339, %broadcast_in_dim3A_324] : memref<64x256xf32, #tpu.memory_space<vmem>>[vector<16xi32>, vector<16xi32>], vector<16xf32>,
      %add3A_341 = arith.addf %add3A_311, %gather3A_340 : vector<16xf32>
      %eq3A_342 = arith.constant 5 : i32
      %eq3A_343 = vector.broadcast %eq3A_342 : i32 to vector<16xi32>
      %eq3A_344 = arith.cmpi eq, %iota3A, %eq3A_343 : vector<16xi32>
      %select_n3A_345 = arith.select %eq3A_344, %get3A_192, %broadcast_in_dim3A_1 : vector<16xi1>, vector<16xi32>
      %reduce_max3A_346 = arith.constant true
      %reduce_max3A_347 = vector.broadcast %reduce_max3A_346 : i1 to vector<16xi1>
      %reduce_max3A_348 = arith.constant -2147483648 : i32
      %reduce_max3A_349 = vector.broadcast %reduce_max3A_348 : i32 to vector<16xi32>
      %reduce_max3A_350 = arith.xori %select_n3A_345, %reduce_max3A_349 : vector<16xi32>
      %reduce_max3A_351 = tpu.scan <max>, %reduce_max3A_350 masked %reduce_max3A_347 : vector<16xi32>, vector<16xi1> -> vector<16xi32>
      %reduce_max3A_352 = arith.xori %reduce_max3A_351, %reduce_max3A_349 : vector<16xi32>
      %reduce_max3A_353 = vector.extract %reduce_max3A_352[15] : i32 from vector<16xi32>
      %broadcast_in_dim3A_354 = vector.broadcast %reduce_max3A_353 : i32 to vector<16xi32>
      %gather3A_355 = tpu.vector_load_idx %arg16[%iota3A, %broadcast_in_dim3A_354] : memref<64x256xf32, #tpu.memory_space<vmem>>[vector<16xi32>, vector<16xi32>], vector<16xf32>,
      %add3A_356 = arith.addf %add3A_326, %gather3A_355 : vector<16xf32>
      %add3A_357 = arith.constant 16 : i32
      %add3A_358 = vector.broadcast %add3A_357 : i32 to vector<16xi32>
      %add3A_359 = arith.addi %iota3A, %add3A_358 : vector<16xi32>
      %gather3A_360 = tpu.vector_load_idx %arg16[%add3A_359, %broadcast_in_dim3A_354] : memref<64x256xf32, #tpu.memory_space<vmem>>[vector<16xi32>, vector<16xi32>], vector<16xf32>,
      %add3A_361 = arith.addf %add3A_331, %gather3A_360 : vector<16xf32>
      %add3A_362 = arith.constant 32 : i32
      %add3A_363 = vector.broadcast %add3A_362 : i32 to vector<16xi32>
      %add3A_364 = arith.addi %iota3A, %add3A_363 : vector<16xi32>
      %gather3A_365 = tpu.vector_load_idx %arg16[%add3A_364, %broadcast_in_dim3A_354] : memref<64x256xf32, #tpu.memory_space<vmem>>[vector<16xi32>, vector<16xi32>], vector<16xf32>,
      %add3A_366 = arith.addf %add3A_336, %gather3A_365 : vector<16xf32>
      %add3A_367 = arith.constant 48 : i32
      %add3A_368 = vector.broadcast %add3A_367 : i32 to vector<16xi32>
      %add3A_369 = arith.addi %iota3A, %add3A_368 : vector<16xi32>
      %gather3A_370 = tpu.vector_load_idx %arg16[%add3A_369, %broadcast_in_dim3A_354] : memref<64x256xf32, #tpu.memory_space<vmem>>[vector<16xi32>, vector<16xi32>], vector<16xf32>,
      %add3A_371 = arith.addf %add3A_341, %gather3A_370 : vector<16xf32>
      %eq3A_372 = arith.constant 6 : i32
      %eq3A_373 = vector.broadcast %eq3A_372 : i32 to vector<16xi32>
      %eq3A_374 = arith.cmpi eq, %iota3A, %eq3A_373 : vector<16xi32>
      %select_n3A_375 = arith.select %eq3A_374, %get3A_192, %broadcast_in_dim3A_1 : vector<16xi1>, vector<16xi32>
      %reduce_max3A_376 = arith.constant true
      %reduce_max3A_377 = vector.broadcast %reduce_max3A_376 : i1 to vector<16xi1>
      %reduce_max3A_378 = arith.constant -2147483648 : i32
      %reduce_max3A_379 = vector.broadcast %reduce_max3A_378 : i32 to vector<16xi32>
      %reduce_max3A_380 = arith.xori %select_n3A_375, %reduce_max3A_379 : vector<16xi32>
      %reduce_max3A_381 = tpu.scan <max>, %reduce_max3A_380 masked %reduce_max3A_377 : vector<16xi32>, vector<16xi1> -> vector<16xi32>
      %reduce_max3A_382 = arith.xori %reduce_max3A_381, %reduce_max3A_379 : vector<16xi32>
      %reduce_max3A_383 = vector.extract %reduce_max3A_382[15] : i32 from vector<16xi32>
      %broadcast_in_dim3A_384 = vector.broadcast %reduce_max3A_383 : i32 to vector<16xi32>
      %gather3A_385 = tpu.vector_load_idx %arg16[%iota3A, %broadcast_in_dim3A_384] : memref<64x256xf32, #tpu.memory_space<vmem>>[vector<16xi32>, vector<16xi32>], vector<16xf32>,
      %add3A_386 = arith.addf %add3A_356, %gather3A_385 : vector<16xf32>
      %add3A_387 = arith.constant 16 : i32
      %add3A_388 = vector.broadcast %add3A_387 : i32 to vector<16xi32>
      %add3A_389 = arith.addi %iota3A, %add3A_388 : vector<16xi32>
      %gather3A_390 = tpu.vector_load_idx %arg16[%add3A_389, %broadcast_in_dim3A_384] : memref<64x256xf32, #tpu.memory_space<vmem>>[vector<16xi32>, vector<16xi32>], vector<16xf32>,
      %add3A_391 = arith.addf %add3A_361, %gather3A_390 : vector<16xf32>
      %add3A_392 = arith.constant 32 : i32
      %add3A_393 = vector.broadcast %add3A_392 : i32 to vector<16xi32>
      %add3A_394 = arith.addi %iota3A, %add3A_393 : vector<16xi32>
      %gather3A_395 = tpu.vector_load_idx %arg16[%add3A_394, %broadcast_in_dim3A_384] : memref<64x256xf32, #tpu.memory_space<vmem>>[vector<16xi32>, vector<16xi32>], vector<16xf32>,
      %add3A_396 = arith.addf %add3A_366, %gather3A_395 : vector<16xf32>
      %add3A_397 = arith.constant 48 : i32
      %add3A_398 = vector.broadcast %add3A_397 : i32 to vector<16xi32>
      %add3A_399 = arith.addi %iota3A, %add3A_398 : vector<16xi32>
      %gather3A_400 = tpu.vector_load_idx %arg16[%add3A_399, %broadcast_in_dim3A_384] : memref<64x256xf32, #tpu.memory_space<vmem>>[vector<16xi32>, vector<16xi32>], vector<16xf32>,
      %add3A_401 = arith.addf %add3A_371, %gather3A_400 : vector<16xf32>
      %eq3A_402 = arith.constant 7 : i32
      %eq3A_403 = vector.broadcast %eq3A_402 : i32 to vector<16xi32>
      %eq3A_404 = arith.cmpi eq, %iota3A, %eq3A_403 : vector<16xi32>
      %select_n3A_405 = arith.select %eq3A_404, %get3A_192, %broadcast_in_dim3A_1 : vector<16xi1>, vector<16xi32>
      %reduce_max3A_406 = arith.constant true
      %reduce_max3A_407 = vector.broadcast %reduce_max3A_406 : i1 to vector<16xi1>
      %reduce_max3A_408 = arith.constant -2147483648 : i32
      %reduce_max3A_409 = vector.broadcast %reduce_max3A_408 : i32 to vector<16xi32>
      %reduce_max3A_410 = arith.xori %select_n3A_405, %reduce_max3A_409 : vector<16xi32>
      %reduce_max3A_411 = tpu.scan <max>, %reduce_max3A_410 masked %reduce_max3A_407 : vector<16xi32>, vector<16xi1> -> vector<16xi32>
      %reduce_max3A_412 = arith.xori %reduce_max3A_411, %reduce_max3A_409 : vector<16xi32>
      %reduce_max3A_413 = vector.extract %reduce_max3A_412[15] : i32 from vector<16xi32>
      %broadcast_in_dim3A_414 = vector.broadcast %reduce_max3A_413 : i32 to vector<16xi32>
      %gather3A_415 = tpu.vector_load_idx %arg16[%iota3A, %broadcast_in_dim3A_414] : memref<64x256xf32, #tpu.memory_space<vmem>>[vector<16xi32>, vector<16xi32>], vector<16xf32>,
      %add3A_416 = arith.addf %add3A_386, %gather3A_415 : vector<16xf32>
      %add3A_417 = arith.constant 16 : i32
      %add3A_418 = vector.broadcast %add3A_417 : i32 to vector<16xi32>
      %add3A_419 = arith.addi %iota3A, %add3A_418 : vector<16xi32>
      %gather3A_420 = tpu.vector_load_idx %arg16[%add3A_419, %broadcast_in_dim3A_414] : memref<64x256xf32, #tpu.memory_space<vmem>>[vector<16xi32>, vector<16xi32>], vector<16xf32>,
      %add3A_421 = arith.addf %add3A_391, %gather3A_420 : vector<16xf32>
      %add3A_422 = arith.constant 32 : i32
      %add3A_423 = vector.broadcast %add3A_422 : i32 to vector<16xi32>
      %add3A_424 = arith.addi %iota3A, %add3A_423 : vector<16xi32>
      %gather3A_425 = tpu.vector_load_idx %arg16[%add3A_424, %broadcast_in_dim3A_414] : memref<64x256xf32, #tpu.memory_space<vmem>>[vector<16xi32>, vector<16xi32>], vector<16xf32>,
      %add3A_426 = arith.addf %add3A_396, %gather3A_425 : vector<16xf32>
      %add3A_427 = arith.constant 48 : i32
      %add3A_428 = vector.broadcast %add3A_427 : i32 to vector<16xi32>
      %add3A_429 = arith.addi %iota3A, %add3A_428 : vector<16xi32>
      %gather3A_430 = tpu.vector_load_idx %arg16[%add3A_429, %broadcast_in_dim3A_414] : memref<64x256xf32, #tpu.memory_space<vmem>>[vector<16xi32>, vector<16xi32>], vector<16xf32>,
      %add3A_431 = arith.addf %add3A_401, %gather3A_430 : vector<16xf32>
      %eq3A_432 = arith.constant 8 : i32
      %eq3A_433 = vector.broadcast %eq3A_432 : i32 to vector<16xi32>
      %eq3A_434 = arith.cmpi eq, %iota3A, %eq3A_433 : vector<16xi32>
      %select_n3A_435 = arith.select %eq3A_434, %get3A_192, %broadcast_in_dim3A_1 : vector<16xi1>, vector<16xi32>
      %reduce_max3A_436 = arith.constant true
      %reduce_max3A_437 = vector.broadcast %reduce_max3A_436 : i1 to vector<16xi1>
      %reduce_max3A_438 = arith.constant -2147483648 : i32
      %reduce_max3A_439 = vector.broadcast %reduce_max3A_438 : i32 to vector<16xi32>
      %reduce_max3A_440 = arith.xori %select_n3A_435, %reduce_max3A_439 : vector<16xi32>
      %reduce_max3A_441 = tpu.scan <max>, %reduce_max3A_440 masked %reduce_max3A_437 : vector<16xi32>, vector<16xi1> -> vector<16xi32>
      %reduce_max3A_442 = arith.xori %reduce_max3A_441, %reduce_max3A_439 : vector<16xi32>
      %reduce_max3A_443 = vector.extract %reduce_max3A_442[15] : i32 from vector<16xi32>
      %broadcast_in_dim3A_444 = vector.broadcast %reduce_max3A_443 : i32 to vector<16xi32>
      %gather3A_445 = tpu.vector_load_idx %arg16[%iota3A, %broadcast_in_dim3A_444] : memref<64x256xf32, #tpu.memory_space<vmem>>[vector<16xi32>, vector<16xi32>], vector<16xf32>,
      %add3A_446 = arith.addf %add3A_416, %gather3A_445 : vector<16xf32>
      %add3A_447 = arith.constant 16 : i32
      %add3A_448 = vector.broadcast %add3A_447 : i32 to vector<16xi32>
      %add3A_449 = arith.addi %iota3A, %add3A_448 : vector<16xi32>
      %gather3A_450 = tpu.vector_load_idx %arg16[%add3A_449, %broadcast_in_dim3A_444] : memref<64x256xf32, #tpu.memory_space<vmem>>[vector<16xi32>, vector<16xi32>], vector<16xf32>,
      %add3A_451 = arith.addf %add3A_421, %gather3A_450 : vector<16xf32>
      %add3A_452 = arith.constant 32 : i32
      %add3A_453 = vector.broadcast %add3A_452 : i32 to vector<16xi32>
      %add3A_454 = arith.addi %iota3A, %add3A_453 : vector<16xi32>
      %gather3A_455 = tpu.vector_load_idx %arg16[%add3A_454, %broadcast_in_dim3A_444] : memref<64x256xf32, #tpu.memory_space<vmem>>[vector<16xi32>, vector<16xi32>], vector<16xf32>,
      %add3A_456 = arith.addf %add3A_426, %gather3A_455 : vector<16xf32>
      %add3A_457 = arith.constant 48 : i32
      %add3A_458 = vector.broadcast %add3A_457 : i32 to vector<16xi32>
      %add3A_459 = arith.addi %iota3A, %add3A_458 : vector<16xi32>
      %gather3A_460 = tpu.vector_load_idx %arg16[%add3A_459, %broadcast_in_dim3A_444] : memref<64x256xf32, #tpu.memory_space<vmem>>[vector<16xi32>, vector<16xi32>], vector<16xf32>,
      %add3A_461 = arith.addf %add3A_431, %gather3A_460 : vector<16xf32>
      %eq3A_462 = arith.constant 9 : i32
      %eq3A_463 = vector.broadcast %eq3A_462 : i32 to vector<16xi32>
      %eq3A_464 = arith.cmpi eq, %iota3A, %eq3A_463 : vector<16xi32>
      %select_n3A_465 = arith.select %eq3A_464, %get3A_192, %broadcast_in_dim3A_1 : vector<16xi1>, vector<16xi32>
      %reduce_max3A_466 = arith.constant true
      %reduce_max3A_467 = vector.broadcast %reduce_max3A_466 : i1 to vector<16xi1>
      %reduce_max3A_468 = arith.constant -2147483648 : i32
      %reduce_max3A_469 = vector.broadcast %reduce_max3A_468 : i32 to vector<16xi32>
      %reduce_max3A_470 = arith.xori %select_n3A_465, %reduce_max3A_469 : vector<16xi32>
      %reduce_max3A_471 = tpu.scan <max>, %reduce_max3A_470 masked %reduce_max3A_467 : vector<16xi32>, vector<16xi1> -> vector<16xi32>
      %reduce_max3A_472 = arith.xori %reduce_max3A_471, %reduce_max3A_469 : vector<16xi32>
      %reduce_max3A_473 = vector.extract %reduce_max3A_472[15] : i32 from vector<16xi32>
      %broadcast_in_dim3A_474 = vector.broadcast %reduce_max3A_473 : i32 to vector<16xi32>
      %gather3A_475 = tpu.vector_load_idx %arg16[%iota3A, %broadcast_in_dim3A_474] : memref<64x256xf32, #tpu.memory_space<vmem>>[vector<16xi32>, vector<16xi32>], vector<16xf32>,
      %add3A_476 = arith.addf %add3A_446, %gather3A_475 : vector<16xf32>
      %add3A_477 = arith.constant 16 : i32
      %add3A_478 = vector.broadcast %add3A_477 : i32 to vector<16xi32>
      %add3A_479 = arith.addi %iota3A, %add3A_478 : vector<16xi32>
      %gather3A_480 = tpu.vector_load_idx %arg16[%add3A_479, %broadcast_in_dim3A_474] : memref<64x256xf32, #tpu.memory_space<vmem>>[vector<16xi32>, vector<16xi32>], vector<16xf32>,
      %add3A_481 = arith.addf %add3A_451, %gather3A_480 : vector<16xf32>
      %add3A_482 = arith.constant 32 : i32
      %add3A_483 = vector.broadcast %add3A_482 : i32 to vector<16xi32>
      %add3A_484 = arith.addi %iota3A, %add3A_483 : vector<16xi32>
      %gather3A_485 = tpu.vector_load_idx %arg16[%add3A_484, %broadcast_in_dim3A_474] : memref<64x256xf32, #tpu.memory_space<vmem>>[vector<16xi32>, vector<16xi32>], vector<16xf32>,
      %add3A_486 = arith.addf %add3A_456, %gather3A_485 : vector<16xf32>
      %add3A_487 = arith.constant 48 : i32
      %add3A_488 = vector.broadcast %add3A_487 : i32 to vector<16xi32>
      %add3A_489 = arith.addi %iota3A, %add3A_488 : vector<16xi32>
      %gather3A_490 = tpu.vector_load_idx %arg16[%add3A_489, %broadcast_in_dim3A_474] : memref<64x256xf32, #tpu.memory_space<vmem>>[vector<16xi32>, vector<16xi32>], vector<16xf32>,
      %add3A_491 = arith.addf %add3A_461, %gather3A_490 : vector<16xf32>
      %eq3A_492 = arith.constant 10 : i32
      %eq3A_493 = vector.broadcast %eq3A_492 : i32 to vector<16xi32>
      %eq3A_494 = arith.cmpi eq, %iota3A, %eq3A_493 : vector<16xi32>
      %select_n3A_495 = arith.select %eq3A_494, %get3A_192, %broadcast_in_dim3A_1 : vector<16xi1>, vector<16xi32>
      %reduce_max3A_496 = arith.constant true
      %reduce_max3A_497 = vector.broadcast %reduce_max3A_496 : i1 to vector<16xi1>
      %reduce_max3A_498 = arith.constant -2147483648 : i32
      %reduce_max3A_499 = vector.broadcast %reduce_max3A_498 : i32 to vector<16xi32>
      %reduce_max3A_500 = arith.xori %select_n3A_495, %reduce_max3A_499 : vector<16xi32>
      %reduce_max3A_501 = tpu.scan <max>, %reduce_max3A_500 masked %reduce_max3A_497 : vector<16xi32>, vector<16xi1> -> vector<16xi32>
      %reduce_max3A_502 = arith.xori %reduce_max3A_501, %reduce_max3A_499 : vector<16xi32>
      %reduce_max3A_503 = vector.extract %reduce_max3A_502[15] : i32 from vector<16xi32>
      %broadcast_in_dim3A_504 = vector.broadcast %reduce_max3A_503 : i32 to vector<16xi32>
      %gather3A_505 = tpu.vector_load_idx %arg16[%iota3A, %broadcast_in_dim3A_504] : memref<64x256xf32, #tpu.memory_space<vmem>>[vector<16xi32>, vector<16xi32>], vector<16xf32>,
      %add3A_506 = arith.addf %add3A_476, %gather3A_505 : vector<16xf32>
      %add3A_507 = arith.constant 16 : i32
      %add3A_508 = vector.broadcast %add3A_507 : i32 to vector<16xi32>
      %add3A_509 = arith.addi %iota3A, %add3A_508 : vector<16xi32>
      %gather3A_510 = tpu.vector_load_idx %arg16[%add3A_509, %broadcast_in_dim3A_504] : memref<64x256xf32, #tpu.memory_space<vmem>>[vector<16xi32>, vector<16xi32>], vector<16xf32>,
      %add3A_511 = arith.addf %add3A_481, %gather3A_510 : vector<16xf32>
      %add3A_512 = arith.constant 32 : i32
      %add3A_513 = vector.broadcast %add3A_512 : i32 to vector<16xi32>
      %add3A_514 = arith.addi %iota3A, %add3A_513 : vector<16xi32>
      %gather3A_515 = tpu.vector_load_idx %arg16[%add3A_514, %broadcast_in_dim3A_504] : memref<64x256xf32, #tpu.memory_space<vmem>>[vector<16xi32>, vector<16xi32>], vector<16xf32>,
      %add3A_516 = arith.addf %add3A_486, %gather3A_515 : vector<16xf32>
      %add3A_517 = arith.constant 48 : i32
      %add3A_518 = vector.broadcast %add3A_517 : i32 to vector<16xi32>
      %add3A_519 = arith.addi %iota3A, %add3A_518 : vector<16xi32>
      %gather3A_520 = tpu.vector_load_idx %arg16[%add3A_519, %broadcast_in_dim3A_504] : memref<64x256xf32, #tpu.memory_space<vmem>>[vector<16xi32>, vector<16xi32>], vector<16xf32>,
      %add3A_521 = arith.addf %add3A_491, %gather3A_520 : vector<16xf32>
      %eq3A_522 = arith.constant 11 : i32
      %eq3A_523 = vector.broadcast %eq3A_522 : i32 to vector<16xi32>
      %eq3A_524 = arith.cmpi eq, %iota3A, %eq3A_523 : vector<16xi32>
      %select_n3A_525 = arith.select %eq3A_524, %get3A_192, %broadcast_in_dim3A_1 : vector<16xi1>, vector<16xi32>
      %reduce_max3A_526 = arith.constant true
      %reduce_max3A_527 = vector.broadcast %reduce_max3A_526 : i1 to vector<16xi1>
      %reduce_max3A_528 = arith.constant -2147483648 : i32
      %reduce_max3A_529 = vector.broadcast %reduce_max3A_528 : i32 to vector<16xi32>
      %reduce_max3A_530 = arith.xori %select_n3A_525, %reduce_max3A_529 : vector<16xi32>
      %reduce_max3A_531 = tpu.scan <max>, %reduce_max3A_530 masked %reduce_max3A_527 : vector<16xi32>, vector<16xi1> -> vector<16xi32>
      %reduce_max3A_532 = arith.xori %reduce_max3A_531, %reduce_max3A_529 : vector<16xi32>
      %reduce_max3A_533 = vector.extract %reduce_max3A_532[15] : i32 from vector<16xi32>
      %broadcast_in_dim3A_534 = vector.broadcast %reduce_max3A_533 : i32 to vector<16xi32>
      %gather3A_535 = tpu.vector_load_idx %arg16[%iota3A, %broadcast_in_dim3A_534] : memref<64x256xf32, #tpu.memory_space<vmem>>[vector<16xi32>, vector<16xi32>], vector<16xf32>,
      %add3A_536 = arith.addf %add3A_506, %gather3A_535 : vector<16xf32>
      %add3A_537 = arith.constant 16 : i32
      %add3A_538 = vector.broadcast %add3A_537 : i32 to vector<16xi32>
      %add3A_539 = arith.addi %iota3A, %add3A_538 : vector<16xi32>
      %gather3A_540 = tpu.vector_load_idx %arg16[%add3A_539, %broadcast_in_dim3A_534] : memref<64x256xf32, #tpu.memory_space<vmem>>[vector<16xi32>, vector<16xi32>], vector<16xf32>,
      %add3A_541 = arith.addf %add3A_511, %gather3A_540 : vector<16xf32>
      %add3A_542 = arith.constant 32 : i32
      %add3A_543 = vector.broadcast %add3A_542 : i32 to vector<16xi32>
      %add3A_544 = arith.addi %iota3A, %add3A_543 : vector<16xi32>
      %gather3A_545 = tpu.vector_load_idx %arg16[%add3A_544, %broadcast_in_dim3A_534] : memref<64x256xf32, #tpu.memory_space<vmem>>[vector<16xi32>, vector<16xi32>], vector<16xf32>,
      %add3A_546 = arith.addf %add3A_516, %gather3A_545 : vector<16xf32>
      %add3A_547 = arith.constant 48 : i32
      %add3A_548 = vector.broadcast %add3A_547 : i32 to vector<16xi32>
      %add3A_549 = arith.addi %iota3A, %add3A_548 : vector<16xi32>
      %gather3A_550 = tpu.vector_load_idx %arg16[%add3A_549, %broadcast_in_dim3A_534] : memref<64x256xf32, #tpu.memory_space<vmem>>[vector<16xi32>, vector<16xi32>], vector<16xf32>,
      %add3A_551 = arith.addf %add3A_521, %gather3A_550 : vector<16xf32>
      %eq3A_552 = arith.constant 12 : i32
      %eq3A_553 = vector.broadcast %eq3A_552 : i32 to vector<16xi32>
      %eq3A_554 = arith.cmpi eq, %iota3A, %eq3A_553 : vector<16xi32>
      %select_n3A_555 = arith.select %eq3A_554, %get3A_192, %broadcast_in_dim3A_1 : vector<16xi1>, vector<16xi32>
      %reduce_max3A_556 = arith.constant true
      %reduce_max3A_557 = vector.broadcast %reduce_max3A_556 : i1 to vector<16xi1>
      %reduce_max3A_558 = arith.constant -2147483648 : i32
      %reduce_max3A_559 = vector.broadcast %reduce_max3A_558 : i32 to vector<16xi32>
      %reduce_max3A_560 = arith.xori %select_n3A_555, %reduce_max3A_559 : vector<16xi32>
      %reduce_max3A_561 = tpu.scan <max>, %reduce_max3A_560 masked %reduce_max3A_557 : vector<16xi32>, vector<16xi1> -> vector<16xi32>
      %reduce_max3A_562 = arith.xori %reduce_max3A_561, %reduce_max3A_559 : vector<16xi32>
      %reduce_max3A_563 = vector.extract %reduce_max3A_562[15] : i32 from vector<16xi32>
      %broadcast_in_dim3A_564 = vector.broadcast %reduce_max3A_563 : i32 to vector<16xi32>
      %gather3A_565 = tpu.vector_load_idx %arg16[%iota3A, %broadcast_in_dim3A_564] : memref<64x256xf32, #tpu.memory_space<vmem>>[vector<16xi32>, vector<16xi32>], vector<16xf32>,
      %add3A_566 = arith.addf %add3A_536, %gather3A_565 : vector<16xf32>
      %add3A_567 = arith.constant 16 : i32
      %add3A_568 = vector.broadcast %add3A_567 : i32 to vector<16xi32>
      %add3A_569 = arith.addi %iota3A, %add3A_568 : vector<16xi32>
      %gather3A_570 = tpu.vector_load_idx %arg16[%add3A_569, %broadcast_in_dim3A_564] : memref<64x256xf32, #tpu.memory_space<vmem>>[vector<16xi32>, vector<16xi32>], vector<16xf32>,
      %add3A_571 = arith.addf %add3A_541, %gather3A_570 : vector<16xf32>
      %add3A_572 = arith.constant 32 : i32
      %add3A_573 = vector.broadcast %add3A_572 : i32 to vector<16xi32>
      %add3A_574 = arith.addi %iota3A, %add3A_573 : vector<16xi32>
      %gather3A_575 = tpu.vector_load_idx %arg16[%add3A_574, %broadcast_in_dim3A_564] : memref<64x256xf32, #tpu.memory_space<vmem>>[vector<16xi32>, vector<16xi32>], vector<16xf32>,
      %add3A_576 = arith.addf %add3A_546, %gather3A_575 : vector<16xf32>
      %add3A_577 = arith.constant 48 : i32
      %add3A_578 = vector.broadcast %add3A_577 : i32 to vector<16xi32>
      %add3A_579 = arith.addi %iota3A, %add3A_578 : vector<16xi32>
      %gather3A_580 = tpu.vector_load_idx %arg16[%add3A_579, %broadcast_in_dim3A_564] : memref<64x256xf32, #tpu.memory_space<vmem>>[vector<16xi32>, vector<16xi32>], vector<16xf32>,
      %add3A_581 = arith.addf %add3A_551, %gather3A_580 : vector<16xf32>
      %eq3A_582 = arith.constant 13 : i32
      %eq3A_583 = vector.broadcast %eq3A_582 : i32 to vector<16xi32>
      %eq3A_584 = arith.cmpi eq, %iota3A, %eq3A_583 : vector<16xi32>
      %select_n3A_585 = arith.select %eq3A_584, %get3A_192, %broadcast_in_dim3A_1 : vector<16xi1>, vector<16xi32>
      %reduce_max3A_586 = arith.constant true
      %reduce_max3A_587 = vector.broadcast %reduce_max3A_586 : i1 to vector<16xi1>
      %reduce_max3A_588 = arith.constant -2147483648 : i32
      %reduce_max3A_589 = vector.broadcast %reduce_max3A_588 : i32 to vector<16xi32>
      %reduce_max3A_590 = arith.xori %select_n3A_585, %reduce_max3A_589 : vector<16xi32>
      %reduce_max3A_591 = tpu.scan <max>, %reduce_max3A_590 masked %reduce_max3A_587 : vector<16xi32>, vector<16xi1> -> vector<16xi32>
      %reduce_max3A_592 = arith.xori %reduce_max3A_591, %reduce_max3A_589 : vector<16xi32>
      %reduce_max3A_593 = vector.extract %reduce_max3A_592[15] : i32 from vector<16xi32>
      %broadcast_in_dim3A_594 = vector.broadcast %reduce_max3A_593 : i32 to vector<16xi32>
      %gather3A_595 = tpu.vector_load_idx %arg16[%iota3A, %broadcast_in_dim3A_594] : memref<64x256xf32, #tpu.memory_space<vmem>>[vector<16xi32>, vector<16xi32>], vector<16xf32>,
      %add3A_596 = arith.addf %add3A_566, %gather3A_595 : vector<16xf32>
      %add3A_597 = arith.constant 16 : i32
      %add3A_598 = vector.broadcast %add3A_597 : i32 to vector<16xi32>
      %add3A_599 = arith.addi %iota3A, %add3A_598 : vector<16xi32>
      %gather3A_600 = tpu.vector_load_idx %arg16[%add3A_599, %broadcast_in_dim3A_594] : memref<64x256xf32, #tpu.memory_space<vmem>>[vector<16xi32>, vector<16xi32>], vector<16xf32>,
      %add3A_601 = arith.addf %add3A_571, %gather3A_600 : vector<16xf32>
      %add3A_602 = arith.constant 32 : i32
      %add3A_603 = vector.broadcast %add3A_602 : i32 to vector<16xi32>
      %add3A_604 = arith.addi %iota3A, %add3A_603 : vector<16xi32>
      %gather3A_605 = tpu.vector_load_idx %arg16[%add3A_604, %broadcast_in_dim3A_594] : memref<64x256xf32, #tpu.memory_space<vmem>>[vector<16xi32>, vector<16xi32>], vector<16xf32>,
      %add3A_606 = arith.addf %add3A_576, %gather3A_605 : vector<16xf32>
      %add3A_607 = arith.constant 48 : i32
      %add3A_608 = vector.broadcast %add3A_607 : i32 to vector<16xi32>
      %add3A_609 = arith.addi %iota3A, %add3A_608 : vector<16xi32>
      %gather3A_610 = tpu.vector_load_idx %arg16[%add3A_609, %broadcast_in_dim3A_594] : memref<64x256xf32, #tpu.memory_space<vmem>>[vector<16xi32>, vector<16xi32>], vector<16xf32>,
      %add3A_611 = arith.addf %add3A_581, %gather3A_610 : vector<16xf32>
      %eq3A_612 = arith.constant 14 : i32
      %eq3A_613 = vector.broadcast %eq3A_612 : i32 to vector<16xi32>
      %eq3A_614 = arith.cmpi eq, %iota3A, %eq3A_613 : vector<16xi32>
      %select_n3A_615 = arith.select %eq3A_614, %get3A_192, %broadcast_in_dim3A_1 : vector<16xi1>, vector<16xi32>
      %reduce_max3A_616 = arith.constant true
      %reduce_max3A_617 = vector.broadcast %reduce_max3A_616 : i1 to vector<16xi1>
      %reduce_max3A_618 = arith.constant -2147483648 : i32
      %reduce_max3A_619 = vector.broadcast %reduce_max3A_618 : i32 to vector<16xi32>
      %reduce_max3A_620 = arith.xori %select_n3A_615, %reduce_max3A_619 : vector<16xi32>
      %reduce_max3A_621 = tpu.scan <max>, %reduce_max3A_620 masked %reduce_max3A_617 : vector<16xi32>, vector<16xi1> -> vector<16xi32>
      %reduce_max3A_622 = arith.xori %reduce_max3A_621, %reduce_max3A_619 : vector<16xi32>
      %reduce_max3A_623 = vector.extract %reduce_max3A_622[15] : i32 from vector<16xi32>
      %broadcast_in_dim3A_624 = vector.broadcast %reduce_max3A_623 : i32 to vector<16xi32>
      %gather3A_625 = tpu.vector_load_idx %arg16[%iota3A, %broadcast_in_dim3A_624] : memref<64x256xf32, #tpu.memory_space<vmem>>[vector<16xi32>, vector<16xi32>], vector<16xf32>,
      %add3A_626 = arith.addf %add3A_596, %gather3A_625 : vector<16xf32>
      %add3A_627 = arith.constant 16 : i32
      %add3A_628 = vector.broadcast %add3A_627 : i32 to vector<16xi32>
      %add3A_629 = arith.addi %iota3A, %add3A_628 : vector<16xi32>
      %gather3A_630 = tpu.vector_load_idx %arg16[%add3A_629, %broadcast_in_dim3A_624] : memref<64x256xf32, #tpu.memory_space<vmem>>[vector<16xi32>, vector<16xi32>], vector<16xf32>,
      %add3A_631 = arith.addf %add3A_601, %gather3A_630 : vector<16xf32>
      %add3A_632 = arith.constant 32 : i32
      %add3A_633 = vector.broadcast %add3A_632 : i32 to vector<16xi32>
      %add3A_634 = arith.addi %iota3A, %add3A_633 : vector<16xi32>
      %gather3A_635 = tpu.vector_load_idx %arg16[%add3A_634, %broadcast_in_dim3A_624] : memref<64x256xf32, #tpu.memory_space<vmem>>[vector<16xi32>, vector<16xi32>], vector<16xf32>,
      %add3A_636 = arith.addf %add3A_606, %gather3A_635 : vector<16xf32>
      %add3A_637 = arith.constant 48 : i32
      %add3A_638 = vector.broadcast %add3A_637 : i32 to vector<16xi32>
      %add3A_639 = arith.addi %iota3A, %add3A_638 : vector<16xi32>
      %gather3A_640 = tpu.vector_load_idx %arg16[%add3A_639, %broadcast_in_dim3A_624] : memref<64x256xf32, #tpu.memory_space<vmem>>[vector<16xi32>, vector<16xi32>], vector<16xf32>,
      %add3A_641 = arith.addf %add3A_611, %gather3A_640 : vector<16xf32>
      %eq3A_642 = arith.constant 15 : i32
      %eq3A_643 = vector.broadcast %eq3A_642 : i32 to vector<16xi32>
      %eq3A_644 = arith.cmpi eq, %iota3A, %eq3A_643 : vector<16xi32>
      %select_n3A_645 = arith.select %eq3A_644, %get3A_192, %broadcast_in_dim3A_1 : vector<16xi1>, vector<16xi32>
      %reduce_max3A_646 = arith.constant true
      %reduce_max3A_647 = vector.broadcast %reduce_max3A_646 : i1 to vector<16xi1>
      %reduce_max3A_648 = arith.constant -2147483648 : i32
      %reduce_max3A_649 = vector.broadcast %reduce_max3A_648 : i32 to vector<16xi32>
      %reduce_max3A_650 = arith.xori %select_n3A_645, %reduce_max3A_649 : vector<16xi32>
      %reduce_max3A_651 = tpu.scan <max>, %reduce_max3A_650 masked %reduce_max3A_647 : vector<16xi32>, vector<16xi1> -> vector<16xi32>
      %reduce_max3A_652 = arith.xori %reduce_max3A_651, %reduce_max3A_649 : vector<16xi32>
      %reduce_max3A_653 = vector.extract %reduce_max3A_652[15] : i32 from vector<16xi32>
      %broadcast_in_dim3A_654 = vector.broadcast %reduce_max3A_653 : i32 to vector<16xi32>
      %gather3A_655 = tpu.vector_load_idx %arg16[%iota3A, %broadcast_in_dim3A_654] : memref<64x256xf32, #tpu.memory_space<vmem>>[vector<16xi32>, vector<16xi32>], vector<16xf32>,
      %add3A_656 = arith.addf %add3A_626, %gather3A_655 : vector<16xf32>
      %add3A_657 = arith.constant 16 : i32
      %add3A_658 = vector.broadcast %add3A_657 : i32 to vector<16xi32>
      %add3A_659 = arith.addi %iota3A, %add3A_658 : vector<16xi32>
      %gather3A_660 = tpu.vector_load_idx %arg16[%add3A_659, %broadcast_in_dim3A_654] : memref<64x256xf32, #tpu.memory_space<vmem>>[vector<16xi32>, vector<16xi32>], vector<16xf32>,
      %add3A_661 = arith.addf %add3A_631, %gather3A_660 : vector<16xf32>
      %add3A_662 = arith.constant 32 : i32
      %add3A_663 = vector.broadcast %add3A_662 : i32 to vector<16xi32>
      %add3A_664 = arith.addi %iota3A, %add3A_663 : vector<16xi32>
      %gather3A_665 = tpu.vector_load_idx %arg16[%add3A_664, %broadcast_in_dim3A_654] : memref<64x256xf32, #tpu.memory_space<vmem>>[vector<16xi32>, vector<16xi32>], vector<16xf32>,
      %add3A_666 = arith.addf %add3A_636, %gather3A_665 : vector<16xf32>
      %add3A_667 = arith.constant 48 : i32
      %add3A_668 = vector.broadcast %add3A_667 : i32 to vector<16xi32>
      %add3A_669 = arith.addi %iota3A, %add3A_668 : vector<16xi32>
      %gather3A_670 = tpu.vector_load_idx %arg16[%add3A_669, %broadcast_in_dim3A_654] : memref<64x256xf32, #tpu.memory_space<vmem>>[vector<16xi32>, vector<16xi32>], vector<16xf32>,
      %add3A_671 = arith.addf %add3A_641, %gather3A_670 : vector<16xf32>
      %swap3A_672 = arith.constant 0 : i32
      %swap3A_673 = arith.index_cast %swap3A_672 : i32 to index
      %swap3A_674 = arith.constant 0 : index
      %swap3A_675 = tpu.vector_load %arg17[%swap3A_673, %swap3A_674] {strides = array<i32>} : memref<1x64xf32, #tpu.memory_space<vmem>>, vector<16xf32>,
      tpu.vector_store %arg17[%swap3A_673, %swap3A_674], %add3A_656 {strides = array<i32>} : memref<1x64xf32, #tpu.memory_space<vmem>>, vector<16xf32>,
      %swap3A_676 = arith.constant 0 : i32
      %swap3A_677 = arith.index_cast %swap3A_676 : i32 to index
      %swap3A_678 = arith.constant 16 : index
      %swap3A_679 = tpu.vector_load %arg17[%swap3A_677, %swap3A_678] {strides = array<i32>} : memref<1x64xf32, #tpu.memory_space<vmem>>, vector<16xf32>,
      tpu.vector_store %arg17[%swap3A_677, %swap3A_678], %add3A_661 {strides = array<i32>} : memref<1x64xf32, #tpu.memory_space<vmem>>, vector<16xf32>,
      %swap3A_680 = arith.constant 0 : i32
      %swap3A_681 = arith.index_cast %swap3A_680 : i32 to index
      %swap3A_682 = arith.constant 32 : index
      %swap3A_683 = tpu.vector_load %arg17[%swap3A_681, %swap3A_682] {strides = array<i32>} : memref<1x64xf32, #tpu.memory_space<vmem>>, vector<16xf32>,
      tpu.vector_store %arg17[%swap3A_681, %swap3A_682], %add3A_666 {strides = array<i32>} : memref<1x64xf32, #tpu.memory_space<vmem>>, vector<16xf32>,
      %swap3A_684 = arith.constant 0 : i32
      %swap3A_685 = arith.index_cast %swap3A_684 : i32 to index
      %swap3A_686 = arith.constant 48 : index
      %swap3A_687 = tpu.vector_load %arg17[%swap3A_685, %swap3A_686] {strides = array<i32>} : memref<1x64xf32, #tpu.memory_space<vmem>>, vector<16xf32>,
      tpu.vector_store %arg17[%swap3A_685, %swap3A_686], %add3A_671 {strides = array<i32>} : memref<1x64xf32, #tpu.memory_space<vmem>>, vector<16xf32>,
      %add3A_688 = arith.constant 32 : i32
      %add3A_689 = arith.addi %add3A_688, %add3A : i32
      "tpu.region"() ({
        %run_scoped3A = tpu.sem_alloc : memref<!tpu.dma_semaphore, #tpu.memory_space<semaphore_mem>>
        %dma_start3A = arith.constant 0 : i32
        %dma_start3A_690 = tpu.memref_slice %arg9[%add3A_689, %dma_start3A] : memref<40x64xf32, #tpu.memory_space<hbm>> -> memref<1x64xf32, #tpu.memory_space<hbm>>
        %dma_start3A_691 = arith.constant 0 : i32
        %dma_start3A_692 = tpu.memref_slice %arg9[%add3A_689, %dma_start3A_691] : memref<40x64xf32, #tpu.memory_space<hbm>> -> memref<1x64xf32, #tpu.memory_space<hbm>>
        tpu.enqueue_dma source(%arg17 : memref<1x64xf32, #tpu.memory_space<vmem>>) target(%dma_start3A_692 : memref<1x64xf32, #tpu.memory_space<hbm>>) target_semaphore(%run_scoped3A : memref<!tpu.dma_semaphore, #tpu.memory_space<semaphore_mem>>)
        %dma_wait3A = arith.constant 0 : i32
        %dma_wait3A_693 = tpu.memref_slice %arg9[%add3A_689, %dma_wait3A] : memref<40x64xf32, #tpu.memory_space<hbm>> -> memref<1x64xf32, #tpu.memory_space<hbm>>
        %dma_wait3A_694 = arith.constant 0 : i32
        %dma_wait3A_695 = tpu.memref_slice %arg9[%add3A_689, %dma_wait3A_694] : memref<40x64xf32, #tpu.memory_space<hbm>> -> memref<1x64xf32, #tpu.memory_space<hbm>>
        tpu.wait_dma2 semaphore(%run_scoped3A : memref<!tpu.dma_semaphore, #tpu.memory_space<semaphore_mem>>) src(%arg17 : memref<1x64xf32, #tpu.memory_space<vmem>>) dst(%dma_wait3A_695 : memref<1x64xf32, #tpu.memory_space<hbm>>)
        tpu.yield
      }) : () -> ()
    } else {
    }
    return
  }
}

module attributes {stable_mosaic.version = 14 : i64} {
  func.func @_finish_kernel(%arg0: memref<40x64xf32, #tpu.memory_space<vmem>>, %arg1: memref<1x1xf32, #tpu.memory_space<vmem>>) attributes {dimension_semantics = [], scalar_prefetch = 0 : i64, scratch_operands = 0 : i64, tpu.core_type = #tpu.core_type<tc>} {
    %get3A = arith.constant 0 : index
    %get3A_0 = arith.constant 0 : index
    %get3A_1 = vector.load %arg0[%get3A, %get3A_0] : memref<40x64xf32, #tpu.memory_space<vmem>>, vector<40x64xf32>
    %slice3A = vector.extract_strided_slice %get3A_1 {offsets = [0, 0], sizes = [32, 64], strides = [1, 1]} : vector<40x64xf32> to vector<32x64xf32>
    %reduce_sum3A = arith.constant dense<0.000000e+00> : vector<64xf32>
    %reduce_sum3A_2 = vector.multi_reduction <add>, %slice3A, %reduce_sum3A [0] : vector<32x64xf32> to vector<64xf32>
    %div3A = arith.constant 8.192000e+03 : f32
    %div3A_3 = vector.broadcast %div3A : f32 to vector<64xf32>
    %div3A_4 = arith.divf %reduce_sum3A_2, %div3A_3 : vector<64xf32>
    %slice3A_5 = vector.extract_strided_slice %get3A_1 {offsets = [32, 0], sizes = [8, 64], strides = [1, 1]} : vector<40x64xf32> to vector<8x64xf32>
    %reduce_sum3A_6 = arith.constant dense<0.000000e+00> : vector<64xf32>
    %reduce_sum3A_7 = vector.multi_reduction <add>, %slice3A_5, %reduce_sum3A_6 [0] : vector<8x64xf32> to vector<64xf32>
    %div3A_8 = arith.constant 1.280000e+02 : f32
    %div3A_9 = vector.broadcast %div3A_8 : f32 to vector<64xf32>
    %div3A_10 = arith.divf %reduce_sum3A_7, %div3A_9 : vector<64xf32>
    %mul3A = arith.mulf %div3A_10, %div3A_4 : vector<64xf32>
    %reduce_sum3A_11 = vector.shape_cast %mul3A : vector<64xf32> to vector<1x64xf32>
    %reduce_sum3A_12 = arith.constant dense<0.000000e+00> : vector<1xf32>
    %reduce_sum3A_13 = vector.multi_reduction <add>, %reduce_sum3A_11, %reduce_sum3A_12 [1] : vector<1x64xf32> to vector<1xf32>
    %reduce_sum3A_14 = vector.shape_cast %reduce_sum3A_13 : vector<1xf32> to vector<1x1xf32>
    %reduce_sum3A_15 = vector.extract %reduce_sum3A_14[0, 0] : f32 from vector<1x1xf32>
    %mul3A_16 = arith.mulf %div3A_10, %div3A_10 : vector<64xf32>
    %reduce_sum3A_17 = vector.shape_cast %mul3A_16 : vector<64xf32> to vector<1x64xf32>
    %reduce_sum3A_18 = arith.constant dense<0.000000e+00> : vector<1xf32>
    %reduce_sum3A_19 = vector.multi_reduction <add>, %reduce_sum3A_17, %reduce_sum3A_18 [1] : vector<1x64xf32> to vector<1xf32>
    %reduce_sum3A_20 = vector.shape_cast %reduce_sum3A_19 : vector<1xf32> to vector<1x1xf32>
    %reduce_sum3A_21 = vector.extract %reduce_sum3A_20[0, 0] : f32 from vector<1x1xf32>
    %sqrt3A = math.sqrt %reduce_sum3A_21 : f32
    %max3A = arith.constant 9.99999993E-9 : f32
    %max3A_22 = arith.maximumf %sqrt3A, %max3A : f32
    %mul3A_23 = arith.mulf %div3A_4, %div3A_4 : vector<64xf32>
    %reduce_sum3A_24 = vector.shape_cast %mul3A_23 : vector<64xf32> to vector<1x64xf32>
    %reduce_sum3A_25 = arith.constant dense<0.000000e+00> : vector<1xf32>
    %reduce_sum3A_26 = vector.multi_reduction <add>, %reduce_sum3A_24, %reduce_sum3A_25 [1] : vector<1x64xf32> to vector<1xf32>
    %reduce_sum3A_27 = vector.shape_cast %reduce_sum3A_26 : vector<1xf32> to vector<1x1xf32>
    %reduce_sum3A_28 = vector.extract %reduce_sum3A_27[0, 0] : f32 from vector<1x1xf32>
    %sqrt3A_29 = math.sqrt %reduce_sum3A_28 : f32
    %max3A_30 = arith.constant 9.99999993E-9 : f32
    %max3A_31 = arith.maximumf %sqrt3A_29, %max3A_30 : f32
    %mul3A_32 = arith.mulf %max3A_22, %max3A_31 : f32
    %div3A_33 = arith.divf %reduce_sum3A_15, %mul3A_32 : f32
    %broadcast_in_dim3A = vector.broadcast %div3A_33 : f32 to vector<1x1xf32>
    %swap3A = arith.constant 0 : index
    %swap3A_34 = arith.constant 0 : index
    %swap3A_35 = vector.load %arg1[%swap3A, %swap3A_34] : memref<1x1xf32, #tpu.memory_space<vmem>>, vector<1x1xf32>
    tpu.vector_store %arg1[%swap3A, %swap3A_34], %broadcast_in_dim3A {strides = array<i32>} : memref<1x1xf32, #tpu.memory_space<vmem>>, vector<1x1xf32>,
    return
  }
}

</mosaic_0001>

<sc_bundles>
// kernel: kernel.4.cloned.1.call-start
scs
__scs_entry_jumppad:
0x0: {  	(pc) =	sbr.rel $0x88, $3  }
0x1: {  	(tag) =	ssettag $0x0;
	lr =	simm.s32 $0x1  }
0x2: {  	[smem:$0x3F9D] =	sst lr;
	_ =	strace $0xD0000000  }
0x3: {  	_ = 	snop  }
0x4: {  	_ = 	snop  }
0x5: {  	_ = 	snop  }
0x6: {  	_ = 	snop  }
0x7: {  	_ = 	snop  }
__scs_overlays_trampoline_lowered:
0x8: {  	[smem:$0x3FAC] =	sst s0  }
0x9: {  	[smem:$0x3FAD] =	sst s1  }
0xa: {  	[smem:$0x3FAE] =	sst s2  }
0xb: {  	[smem:$0x3FAF] =	sst s3  }
0xc: {  	[smem:$0x3FB0] =	sst s4  }
0xd: {  	[smem:$0x3FB1] =	sst s5  }
0xe: {  	[smem:$0x3FB2] =	sst s6  }
0xf: {  	[smem:$0x3FB3] =	sst s7  }
0x10: {  	[smem:$0x3FB4] =	sst s8  }
0x11: {  	[smem:$0x3FB5] =	sst s9;
	s0 =	simm.s32 @!p0 $0x0  }
0x12: {  	s1 =	sld [smem:$0x3F9B];
	s0 =	simm.s32 @p0 $0x1  }
0x13: {  	[smem:$0x3FB6] =	sst s0;
	s0 =	simm.s32 @!p1 $0x0  }
0x14: {  	s2 =	sld [smem:$0x3F9A];
	s0 =	simm.s32 @p1 $0x1  }
0x15: {  	[smem:$0x3FB7] =	sst s0;
	s0 =	simm.s32 @!p2 $0x0  }
0x16: {  	s3 =	sld [smem:$0x3FDB];
	s0 =	simm.s32 @p2 $0x1  }
0x17: {  	s4 =	simm.s32 $0x1BF5;
	[smem:$0x3FB9] =	sst s0  }
0x18: {  	s0 =	sld [smem:$0x3F9C];
	_ =	swait.ge [sflag:s4], $0x0  }
0x19: {  	s7 =	sld [smem:$0x3F9D]  }
0x1a: {  	s8 =	sadd.s32 $0xFFFFE003, lr  }
0x1b: {  	s9 =	sadd.s32 $0xFFFFFEF7, lr;
	s5 =	simm.s32 $0xFFFFFFFF;
	p2 =	slt.u32 s8, $0xFFFFF086  }
0x1c: {  	p1 =	slt.u32 s9, $0xF7A;
	s5 =	simm.s32 @!p2 $0x0  }
0x1d: {  	s5 =	simm.s32 @p1 $0x1;
	p0 =	seq.s32 s7, s2  }
0x1e: {  	s7 =	smul.u32 @!p0 $0xF7A, s2;
	p2 =	seq.s32 @!p0 s5, $0x0  }
0x1f: {  	s9 =	smul.u32 $0xF7A, s1;
	s8 =	simm.s32 @!p0 $0x1BF5;
	p2 =	por !p2, p0  }
0x20: {  	[sflag:s8] =	ssyncset.s32 @!p0 $0xFFFFF086;
	s6 =	sadd.s32 @!p0 s3, s7;
	s7 =	simm.s32 @!p0 $0x108  }
0x21: {  	s3 =	sadd.s32 s3, s9;
	s6 =	sadd.s32 @!p0 $0x88, s6;
	s7 =	simm.s32 @p2 $0x1082  }
0x22: {  	[simem:s7], [sflag:s8] =	dma.local @!p0 [hbm:s6], $0xF7A  }
0x23: {  	s9 =	sor.u32 $0xD0000000, s2;
	s6 =	simm.s32 $0x108;
	_ =	swait.ge @!p0 [sflag:s8], $0x0  }
0x24: {  	s3 =	sadd.s32 $0x88, s3;
	s6 =	simm.s32 @!p1 $0x1082;
	[sflag:s4] =	ssyncset.s32 $0xFFFFF086  }
0x25: {  	[simem:s6], [sflag:s4] =	dma.local [hbm:s3], $0xF7A  }
0x26: {  	[smem:$0x3F9D] =	sst s1;
	(tag) =	ssettag s2;
	_ =	strace s9  }
0x27: {  	s1 =	sld [smem:$0x3FAD]  }
0x28: {  	s2 =	sld [smem:$0x3FAE]  }
0x29: {  	s4 =	sld [smem:$0x3FB0]  }
0x2a: {  	p0 =	seq.s32 s5, $0x0;
	s5 =	sld [smem:$0x3FB1]  }
0x2b: {  	s6 =	sld [smem:$0x3FB2]  }
0x2c: {  	s7 =	sld [smem:$0x3FB3]  }
0x2d: {  	s3 =	simm.s32 $0x108;
	s8 =	sld [smem:$0x3FB4]  }
0x2e: {  	s3 =	simm.s32 @!p0 $0x1082;
	s9 =	sld [smem:$0x3FB5]  }
0x2f: {  	lr =	sadd.s32 s0, s3;
	s0 =	sld [smem:$0x3FAC]  }
0x30: {  	s3 =	sld [smem:$0x3FAF]  }
0x31: {  	[smem:$0x3FB8] =	sst s10  }
0x32: {  	s10 =	sld [smem:$0x3FB6];
	_ =	sdelay $0x3  }
0x33: {  	p0 =	seq.s32 s10, $0x1;
	s10 =	sld [smem:$0x3FB8];
	_ =	sdelay $0x3  }
0x34: {  	[smem:$0x3FB8] =	sst s10  }
0x35: {  	s10 =	sld [smem:$0x3FB7];
	_ =	sdelay $0x3  }
0x36: {  	p1 =	seq.s32 s10, $0x1;
	s10 =	sld [smem:$0x3FB8];
	_ =	sdelay $0x3  }
0x37: {  	[smem:$0x3FB8] =	sst s10  }
0x38: {  	s10 =	sld [smem:$0x3FB9]  }
0x39: {  	_ = 	snop;
	(pc) =	sbr.ind lr, $3  }
0x3a: {  	_ = 	snop  }
0x3b: {  	_ = 	snop  }
0x3c: {  	p2 =	seq.s32 s10, $0x1;
	s10 =	sld [smem:$0x3FB8]  }
0x3d: {  	_ =	shalt  }
0x3e: {  	_ =	shalt  }
0x3f: {  	_ =	shalt  }
0x40: {  	_ =	shalt  }
0x41: {  	_ =	shalt  }
0x42: {  	_ =	shalt  }
0x43: {  	_ =	shalt  }
0x44: {  	_ =	shalt  }
0x45: {  	_ =	shalt  }
0x46: {  	_ =	shalt  }
0x47: {  	_ =	shalt  }
0x48: {  	_ =	shalt  }
0x49: {  	_ =	shalt  }
0x4a: {  	_ =	shalt  }
0x4b: {  	_ =	shalt  }
0x4c: {  	_ =	shalt  }
0x4d: {  	_ =	shalt  }
0x4e: {  	_ =	shalt  }
0x4f: {  	_ =	shalt  }
0x50: {  	_ =	shalt  }
0x51: {  	_ =	shalt  }
0x52: {  	_ =	shalt  }
0x53: {  	_ =	shalt  }
0x54: {  	_ =	shalt  }
0x55: {  	_ =	shalt  }
0x56: {  	_ =	shalt  }
0x57: {  	_ =	shalt  }
0x58: {  	_ =	shalt  }
0x59: {  	_ =	shalt  }
0x5a: {  	_ =	shalt  }
0x5b: {  	_ =	shalt  }
0x5c: {  	_ =	shalt  }
0x5d: {  	_ =	shalt  }
0x5e: {  	_ =	shalt  }
0x5f: {  	_ =	shalt  }
0x60: {  	_ =	shalt  }
0x61: {  	_ =	shalt  }
0x62: {  	_ =	shalt  }
0x63: {  	_ =	shalt  }
0x64: {  	_ =	shalt  }
0x65: {  	_ =	shalt  }
0x66: {  	_ =	shalt  }
0x67: {  	_ =	shalt  }
0x68: {  	_ =	shalt  }
0x69: {  	_ =	shalt  }
0x6a: {  	_ =	shalt  }
0x6b: {  	_ =	shalt  }
0x6c: {  	_ =	shalt  }
0x6d: {  	_ =	shalt  }
0x6e: {  	_ =	shalt  }
0x6f: {  	_ =	shalt  }
0x70: {  	_ =	shalt  }
0x71: {  	_ =	shalt  }
0x72: {  	_ =	shalt  }
0x73: {  	_ =	shalt  }
0x74: {  	_ =	shalt  }
0x75: {  	_ =	shalt  }
0x76: {  	_ =	shalt  }
0x77: {  	_ =	shalt  }
0x78: {  	_ =	shalt  }
0x79: {  	_ =	shalt  }
0x7a: {  	_ =	shalt  }
0x7b: {  	_ =	shalt  }
0x7c: {  	_ =	shalt  }
0x7d: {  	_ =	shalt  }
0x7e: {  	_ =	shalt  }
0x7f: {  	_ =	shalt  }
0x80: {  	_ =	shalt  }
0x81: {  	_ =	shalt  }
0x82: {  	_ =	shalt  }
0x83: {  	_ =	shalt  }
0x84: {  	_ =	shalt  }
0x85: {  	_ =	shalt  }
0x86: {  	_ =	shalt  }
0x87: {  	_ =	shalt  }
.Lfunc_end0:
.L_simem_size_0:
called_computation_lowered:
.L_overlay_start_0:
0x88: {  	s2 =	sld [smem:$0x3FD9]  }
0x89: {  	s3 =	sld [smem:$0x3FFE];
	_ =	sdelay $0x1  }
0x8a: {  	s1 =	srdreg.scid  }
0x8b: {  	s0 =	sand.u32 $0x1, s1  }
0x8c: {  	s17 =	sshll.u32 s0, $0xA;
	s2 =	sadd.s32 s3, s2  }
0x8d: {  	s2 =	sadd.s32 s2, s17  }
0x8e: {  	[smem:$0x3FC4] =	sst s2  }
0x8f: {  	_ = 	snop  }
0x90: {  	s2 =	sld [smem:$0x3FC9]  }
0x91: {  	s18 =	sld [smem:$0x3FC7]  }
0x92: {  	s4 =	sld [smem:$0x3FC6]  }
0x93: {  	s5 =	sld [smem:$0x3FD0];
	(tm) =	ssettm $0x1  }
0x94: {  	s6 =	sld [smem:$0x3FFB];
	_ =	sdelay $0x3  }
0x95: {  	_ =	strace s6  }
0x96: {  	s6 =	sld [smem:$0x3FFC];
	_ =	sdelay $0x3  }
0x97: {  	_ =	strace s6  }
0x98: {  	s6 =	sld [smem:$0x3FFD];
	_ =	sdelay $0x3  }
0x99: {  	_ =	strace s6  }
0x9a: {  	_ =	strace $0x8FFFFFFF  }
0x9b: {  	s19 =	sld [smem:$0x3FDB];
	_ =	sdelay $0x1  }
0x9c: {  	s7 =	simm.s32 $_scs_section_size  }
0x9d: {  	s8 =	simm.s32 $_size__tile_overlayer_lowered;
	s9 =	simm.s32 $_tile_overlayer_lowered  }
0x9e: {  	s22 =	simm.s32 $0x1BFF;
	s21 =	sshll.u32 s9, $0x1;
	s6 =	sadd.s32 s7, s19  }
0x9f: {  	s10 =	simm.s32 $0x0;
	s20 =	sshll.u32 s8, $0x1;
	s8 =	sadd.s32 s21, s6  }
0xa0: {  	[timem:s10], [sflag:s22] =	dma.local [hbm:s8], s20  }
0xa1: {  	_ =	swait.ge [sflag:s22], s20  }
0xa2: {  	s7 =	ssub.s32 $0x0, s20;
	[sflag:s22] =	ssyncset.done $0x0  }
0xa3: {  	[sflag:s22] =	ssyncadd.s32 s7;
	_ =	sdelay $0x1  }
0xa4: {  	s23 =	simm.s32 $0x1B8B  }
0xa5: {  	_ =	swait.ge [sflag:s23], $0x1  }
0xa6: {  	[sflag:s23] =	ssyncset.done $0x0  }
0xa7: {  	s25 =	simm.s32 $0x1B8E;
	s24 =	sld [smem:$0x3FFE];
	[sflag:s23] =	ssyncadd.s32 $0xFFFFFFFF  }
0xa8: {  	s26 =	simm.s32 $execute0_lowered;
	[smem:$0x3FD2] =	sst s25  }
0xa9: {  	s8 =	sshll.u32 s26, $0x1;
	_ =	strace $0x80000046;
	[dreg:$0x1] =	wrdreg $0xFFFFFFFF  }
0xaa: {  	s28 =	simm.s32 $_size_execute0_lowered;
	s6 =	sadd.s32 s6, s8;
	[dreg:$0x0] =	wrdreg $0x0  }
0xab: {  	s8 =	sshll.u32 s28, $0x1;
	[dreg:$0x2] =	wrdreg s6  }
0xac: {  	[dreg:$0x3] =	wrdreg s8  }
0xad: {  	[dreg:$0x4] =	wrdreg $0xC0  }
0xae: {  	_ =	task [dreg:s10], $0x5FFFF  }
0xaf: {  	[dreg:$0x1] =	wrdreg $0xFFFFFFFF  }
0xb0: {  	[dreg:$0x0] =	wrdreg $0x60  }
0xb1: {  	[dreg:$0x2] =	wrdreg s24  }
0xb2: {  	[dreg:$0x3] =	wrdreg s5  }
0xb3: {  	[dreg:$0x4] =	wrdreg s2  }
0xb4: {  	[dreg:$0x5] =	wrdreg s18  }
0xb5: {  	[dreg:$0x6] =	wrdreg s4  }
0xb6: {  	[dreg:$0x7] =	wrdreg $0x9  }
0xb7: {  	_ =	task.clear_ibuf [dreg:s10], $0x8FFFF;
	_ =	strace $0x90000046  }
0xb8: {  	s29 =	simm.s32 $0x9;
	_ =	strace $0x80000048  }
0xb9: {  	_ =	swait.ge [sflag:s29], $0x1  }
0xba: {  	[sflag:s29] =	ssyncadd.s32 $0xFFFFFFFF  }
0xbb: {  	_ =	strace $0x90000048  }
0xbc: {  	_ =	sfence  }
0xbd: {  	s30 =	sld [smem:$0x0];
	_ =	sdelay $0x2  }
0xbe: {  	s31 =	sshll.u32 s1, $0xD;
	s1 =	sshrl.u32 s1, $0x2  }
0xbf: {  	s3 =	sand.u32 $0x4000, s31;
	s1 =	sadd.s32 s1, s30  }
0xc0: {  	s0 =	sor.u32 s3, s0;
	s1 =	sshll.u32 s1, $0x11  }
0xc1: {  	s0 =	sor.u32 s1, s0  }
0xc2: {  	s0 =	sadd.s32 $0x8F2B, s0  }
0xc3: {  	[sflag:s0] =	ssyncadd.remote.s32 $0x1  }
0xc4: {  	_ =	sfence.sel $0xFFFF  }
0xc5: {  	[dreg:$0x0] =	wrdreg $0xFFFFFFFF;
	(pc) =	sbr.abs _section_cstart, $3  }
0xc6: {  	[dreg:$0x1] =	wrdreg $0xFFFFFFFF  }
0xc7: {  	_ =	task.clear_ibuf [dreg:s10], $0x2FFFF;
	_ =	strace $0x9FFFFFFF  }
0xc8: {  	(tm) =	ssettm $0x7FFFFFFF  }
0xc9: {  	_ =	shalt  }
tec
execute0_lowered:
.L_overlay_start_1:
0x0: {  	(tag) =	ssettag $0x1  }
0x1: {  	v0 =	vimm.s32 $0xB80;
	vm7 =	vcmask $0x300  }
0x2: {  	s0 =	srdreg.scid;
	s13 =	stileid.u32;
	vm8 =	vcmask $0x704;
	v0 =	vsel vm7, $0x0, v0  }
0x3: {  	vm9 =	vcmask $0xB08;
	vm11 =	vcmask $0xF0C;
	s1 =	sand.u32 $0x1, s0;
	s28 =	sshll.u32 s13, $0x1;
	v0 =	vsel vm8, $0x80, v0  }
0x4: {  	vm15 =	vcmask $0x1310;
	vm14 =	vcmask $0x1714;
	s0 =	sor.u32 s1, s28;
	v0 =	vsel vm9, $0x100, v0  }
0x5: {  	vm13 =	vcmask $0x1B18;
	vm1 =	vmmov $0x1;
	s2 =	sand.u32 $0xF, s0;
	v2 =	vsel vm11, $0x180, v0  }
0x6: {  	v1 =	vmov s2;
	v0 =	vlaneseq.u32;
	v2 =	vsel vm15, $0x200, v2  }
0x7: {  	vm12 =	vcmask $0x1F1C;
	vm0 =	veq.s32 v1, v0;
	v1 =	vsel vm14, $0x280, v2  }
0x8: {  	vm2 =	vcmask $0x308;
	vm10 =	vcmask $0x2320;
	v1 =	vsel vm13, $0x300, v1  }
0x9: {  	vm3 =	vcmask $0x70C;
	v5 =	vimm.s32 $0x3B80;
	v1 =	vsel vm12, $0x380, v1  }
0xa: {  	vm6 =	vcmask $0x2724;
	v5 =	vsel vm7, $0x3000, v5;
	v1 =	vsel vm10, $0x800, v1  }
0xb: {  	vm5 =	vcmask $0x2B28;
	v5 =	vsel vm8, $0x3080, v5;
	v2 =	vsel vm6, $0x880, v1  }
0xc: {  	v5 =	vsel vm9, $0x3100, v5;
	v3 =	vsel vm5, $0x900, v2;
	v2 =	vimm.s32 $0x1B80  }
0xd: {  	v1 =	vmul.u32 $0x80, v0;
	v4 =	vsel vm7, $0x1000, v2;
	v2 =	vimm.s32 $0x2B80  }
0xe: {  	vm4 =	vcmask $0xB10;
	v9 =	vsel vm11, $0x3180, v5;
	v6 =	vsel vm7, $0x2000, v2  }
0xf: {  	vm7 =	vcmask $0x2F2C;
	v2 =	vor.u32 $0x800, v1;
	v4 =	vsel vm8, $0x1080, v4  }
0x10: {  	v7 =	vsel vm7, $0x980, v3;
	v6 =	vsel vm8, $0x2080, v6;
	vm8 =	vcmask $0x3330  }
0x11: {  	v3 =	vor.u32 $0x1000, v1;
	v8 =	vsel vm9, $0x1100, v4;
	v7 =	vsel vm8, $0xA00, v7  }
0x12: {  	v6 =	vsel vm9, $0x2100, v6;
	vm9 =	vcmask $0x3734;
	v8 =	vsel vm11, $0x1180, v8  }
0x13: {  	v7 =	vsel vm9, $0xA80, v7;
	v6 =	vsel vm11, $0x2180, v6;
	vm11 =	vcmask $0x3B38  }
0x14: {  	v4 =	vor.u32 $0x1800, v1;
	v5 =	vsel vm11, $0xB00, v7;
	v7 =	vsel vm15, $0x1200, v8  }
0x15: {  	s3 =	rddreg [dreg:$0x0];
	v6 =	vsel vm15, $0x2200, v6;
	v8 =	vsel vm15, $0x3200, v9;
	vm15 =	vcmask $0x373C  }
0x16: {  	s4 =	rddreg [dreg:$0x2];
	s5 =	simm.s32 $0x0;
	v7 =	vsel vm14, $0x1280, v7;
	v6 =	vsel vm14, $0x2280, v6;
	v8 =	vsel vm14, $0x3280, v8  }
0x17: {  	s18 =	simm.s32 $0x300;
	s20 =	simm.s32 $0x4;
	s21 =	simm.s32 $0x18380;
	vm14 =	vcmask $0x3338;
	v7 =	vsel vm13, $0x1300, v7;
	v6 =	vsel vm13, $0x2300, v6  }
0x18: {  	s22 =	simm.s32 $0x0;
	[smem:$0x7FF] =	sst s5;
	s30 =	sshll.u32 s13, $0x3;
	v8 =	vsel vm13, $0x3300, v8;
	vm13 =	vcmask $0x2F34;
	v7 =	vsel vm12, $0x1380, v7  }
0x19: {  	p0 =	sgt.u32 s13, $0x3;
	s13 =	simm.s32 $0x5;
	s1 =	ssub.s32 $0x2, s1;
	v6 =	vsel vm12, $0x2380, v6;
	v8 =	vsel vm12, $0x3380, v8;
	vm12 =	vcmask $0x2B30  }
0x1a: {  	s6 =	smul.u32 $0xA, s0;
	s29 =	sshll.u32 s0, $0x4;
	s7 =	sshll.u32 s0, $0x5;
	v7 =	vsel vm10, $0x1800, v7;
	v6 =	vsel vm10, $0x2800, v6;
	v8 =	vsel vm10, $0x3800, v8  }
0x1b: {  	s9 =	sshrl.u32 s1, $0x1;
	s0 =	sshll.u32 s0, $0x1;
	s2 =	rddreg [dreg:$0x3];
	vm10 =	vcmask $0x2328;
	v7 =	vsel vm6, $0x1880, v7;
	v6 =	vsel vm6, $0x2880, v6  }
0x1c: {  	_ =	strace $0x80000047;
	s11 =	sadd.s32 s29, s3;
	s1 =	ssub.s32 s1, s9;
	v8 =	vsel vm6, $0x3880, v8;
	v7 =	vsel vm5, $0x1900, v7;
	v6 =	vsel vm5, $0x2900, v6  }
.Ltmp0:
0x1d: {  	s9 =	sadd.s32 s4, s0;
	s0 =	simm.s32 @!p0 $0x0;
	v8 =	vsel vm5, $0x3900, v8;
	v7 =	vsel vm7, $0x1980, v7;
	v6 =	vsel vm7, $0x2980, v6;
	(pc) =	sbr.rel .LBB2_1-.Ltmp0, $4  }
0x1e: {  	s8 =	sadd.s32 s6, s3;
	s6 =	sadd.s32 s3, s7;
	s3 =	sand.u32 $0x40, s30;
	v8 =	vsel vm7, $0x3980, v8;
	v7 =	vsel vm8, $0x1A00, v7;
	v6 =	vsel vm8, $0x2A00, v6  }
0x1f: {  	s10 =	sadd.s32 $0xA00, s11;
	s31 =	sadd.s32 $0xC00, s11;
	s12 =	smax.u32 s1, $0x1;
	v8 =	vsel vm8, $0x3A00, v8;
	v7 =	vsel vm9, $0x1A80, v7;
	v9 =	vsel vm9, $0x2A80, v6  }
0x20: {  	s0 =	simm.s32 @p0 $0x1;
	s7 =	sadd.s32 $0x400, s6;
	[dreg:$0x6] =	wrdreg s31;
	v8 =	vsel vm9, $0x3A80, v8;
	vm9 =	vcmask $0x1F24;
	v6 =	vsel vm11, $0x1B00, v7  }
0x21: {  	s8 =	sadd.s32 $0x800, s8;
	[smem:$0x7FD] =	sst s0;
	s17 =	sshrl.u32 s3, $0x2;
	v7 =	vsel vm11, $0x2B00, v9;
	v8 =	vsel vm11, $0x3B00, v8;
	vm11 =	vcmask $0x272C  }
.LBB2_83:
0x22: {  	s22 =	sadd.s32 $0x1, s22  }
0x23: {  	p0 =	sne.s32 s22, s12  }
.Ltmp1:
0x24: {  	_ = 	snop;
	(pc) =	sbr.rel @!p0 .LBB2_84-.Ltmp1, $1  }
0x25: {  	_ =	sdelay $0x3  }
.LBB2_1:
0x26: {  	[tilespmem:s5], [sflag:$0x5] =	stream.linear.gather [hbm4b:s6+s5], $0x100, $0x38;
	[tilespmem:$0x1C400] =	vst v63  }
0x27: {  	_ =	swait.ge [sflag:s13], $0x100  }
0x28: {  	[sflag:s13] =	ssyncset.done $0x0  }
0x29: {  	s0 =	simm.s32 $0x100;
	[sflag:s13] =	ssyncadd.s32 $0xFFFFFF00  }
0x2a: {  	[tilespmem:s0], [sflag:$0x5] =	stream.linear.gather [hbm4b:s7+s5], $0x100, $0x38;
	[tilespmem:$0x1C400] =	vst v63  }
0x2b: {  	_ =	swait.ge [sflag:s13], $0x100  }
0x2c: {  	[sflag:s13] =	ssyncset.done $0x0  }
0x2d: {  	s28 =	simm.s32 $0x200;
	[sflag:s13] =	ssyncadd.s32 $0xFFFFFF00  }
0x2e: {  	[tilespmem:s28], [sflag:$0x5] =	stream.linear.gather [hbm4b:s8+s5], $0x50, $0x38;
	[tilespmem:$0x1C400] =	vst v63  }
0x2f: {  	_ =	swait.ge [sflag:s13], $0x50  }
0x30: {  	[sflag:s13] =	ssyncset.done $0x0  }
0x31: {  	[sflag:s13] =	ssyncadd.s32 $0xFFFFFFB0  }
0x32: {  	s1 =	simm.s32 $0x280;
	s29 =	rddreg [dreg:$0x1]  }
0x33: {  	[tilespmem:s1], [sflag:$0x5] =	stream.linear.gather [hbm4b:s29+s5], $0x80, $0x38;
	[tilespmem:$0x1C400] =	vst v63  }
0x34: {  	_ =	swait.ge [sflag:s13], $0x80  }
0x35: {  	[sflag:s13] =	ssyncset.done $0x0  }
0x36: {  	[sflag:s13] =	ssyncadd.s32 $0xFFFFFF80  }
0x37: {  	v9 =	vld [tilespmem:s17+$0x280];
	_ =	sdelay $0x4  }
0x38: {  	v9 =	vxor.u32 $0x80000000, v9  }
0x39: {  	v9 =	vnsel vm0, $0x80000000, v9  }
0x3a: {  	(xrf0) =	vmax.scan.msk.u32 $0xffff, v9;
	_ =	sdelay $0x5  }
0x3b: {  	v9, _, _ =	vpop (xrf0)  }
0x3c: {  	(v2sf) =	vpush v9, $0xF;
	_ =	sdelay $0x8  }
0x3d: {  	s30 =	sld [smem:$0x7FD];
	_ =	sdelay $0x2  }
0x3e: {  	p0 =	seq.s32 s30, $0x1  }
0x3f: {  	s0 =	simm.s32 @!p0 $0x0;
	s1 =	simm.s32 @!p0 $0x18300  }
0x40: {  	[tilespmem:s1], [sflag:$0x5] =	stream.linear.gather @!p0 [hbm4b:s9+s0], $0x10, $0x38;
	[tilespmem:$0x1C400] =	vst v63  }
0x41: {  	s1 =	simm.s32 @!p0 $0x5;
	s23 =	spop (v2sf)  }
0x42: {  	_ =	swait.ge @!p0 [sflag:s1], $0x10  }
0x43: {  	[sflag:s1] =	ssyncset.done @!p0 $0x0  }
0x44: {  	[sflag:s1] =	ssyncadd.s32 @!p0 $0xFFFFFFF0  }
0x45: {  	s1 =	simm.s32 @!p0 $0x18380;
	s3 =	rddreg [dreg:$0x4]  }
0x46: {  	[tilespmem:s1], [sflag:$0x4] =	stream.linear.gather @!p0 [hbm4b:s3+s0], $0x4000, $0x38;
	[tilespmem:$0x1C400] =	vst v63  }
0x47: {  	v9 =	vld [tilespmem:$0x200];
	_ =	sdelay $0x4  }
0x48: {  	v10 =	vnsel vm1, $0x0, v9  }
0x49: {  	v9 =	vsel vm2, $0x0, v9;
	v10 =	vxor.u32 $0x80000000, v10  }
0x4a: {  	v9 =	vxor.u32 $0x80000000, v9;
	(xrf0) =	vmax.scan.msk.u32 $0xffff, v10  }
0x4b: {  	(xrf0) =	vmax.scan.msk.u32 $0xffff, v9;
	_ =	sdelay $0x4  }
0x4c: {  	v9, _, _ =	vpop (xrf0)  }
0x4d: {  	(v2sf) =	vpush v9, $0xF;
	v9, _, _ =	vpop (xrf0)  }
0x4e: {  	(v2sf) =	vpush v9, $0xF;
	_ =	sdelay $0xd  }
0x4f: {  	s1 =	spop (v2sf)  }
0x50: {  	s0 =	spop (v2sf)  }
0x51: {  	s31 =	sxor.u32 $0x80000000, s1;
	s4 =	sxor.u32 $0x80000000, s0  }
0x52: {  	p0 =	sge.s32 s31, s4  }
.Ltmp2:
0x53: {  	_ = 	snop;
	(pc) =	sbr.rel @p0 .LBB2_5-.Ltmp2, $1  }
0x54: {  	_ =	sdelay $0x3  }
0x55: {  	s3 =	sadd.s32 $0x80000000, s1  }
0x56: {  	s4 =	sshra.s32 s3, $0x1F  }
0x57: {  	s4 =	sshrl.u32 s4, $0x1C  }
0x58: {  	s4 =	sadd.s32 s4, s3  }
0x59: {  	s11 =	sand.u32 $0xFFFFFFF0, s4  }
0x5a: {  	p0 =	slt.s32 s3, $0x1;
	p1 =	sne.s32 s3, s11  }
0x5b: {  	p0 =	por !p0, !p1  }
0x5c: {  	s11 =	simm.s32 $0x1;
	p0 =	por !p0, !p0  }
0x5d: {  	s4 =	sshrl.u32 s4, $0x4;
	s11 =	simm.s32 @!p0 $0x0  }
0x5e: {  	s4 =	ssub.s32 s4, s11  }
0x5f: {  	s4 =	sshll.u32 s4, $0x4  }
0x60: {  	v9 =	vld [tilespmem:s4+$0x100];
	_ =	sdelay $0x2  }
0x61: {  	s3 =	sand.u32 $0xF, s3  }
0x62: {  	v10 =	vmov s3  }
0x63: {  	vm5 =	veq.s32 v10, v0;
	v9 =	vxor.u32 $0x80000000, v9  }
0x64: {  	v9 =	vnsel vm5, $0x80000000, v9  }
0x65: {  	(xrf0) =	vmax.scan.msk.u32 $0xffff, v9;
	_ =	sdelay $0x5  }
0x66: {  	v9, _, _ =	vpop (xrf0)  }
0x67: {  	(v2sf) =	vpush v9, $0xF;
	_ =	sdelay $0xe  }
0x68: {  	s3 =	spop (v2sf)  }
0x69: {  	p2 =	slt.u32 s3, $0x80000800  }
0x6a: {  	v9 =	vld @!p2 [tilespmem:s4+$0x0];
	_ =	sdelay $0x3  }
0x6b: {  	v11 =	vlaneseq.u32 @!p2  }
0x6c: {  	vm5 =	veq.s32 @!p2 v10, v11;
	v9 =	vxor.u32 @!p2 $0x80000000, v9  }
0x6d: {  	v9 =	vnsel @!p2 vm5, $0x80000000, v9  }
0x6e: {  	(xrf0) =	vmax.scan.msk.u32 @!p2 $0xffff, v9  }
0x6f: {  	s1 =	sadd.s32 $0x1, s1  }
0x70: {  	p0 =	sne.s32 s0, s1  }
.Ltmp3:
0x71: {  	_ = 	snop;
	(pc) =	sbr.rel @!p0 .LBB2_4-.Ltmp3, $3  }
0x72: {  	_ =	sdelay $0x1  }
0x73: {  	v9, _, _ =	vpop @!p2 (xrf0)  }
0x74: {  	(v2sf) =	vpush @!p2 v9, $0xF  }
.LBB2_3:
0x75: {  	_ =	sdelay $0x3  }
0x76: {  	s4 =	sadd.s32 $0x80000000, s1  }
0x77: {  	s11 =	sshra.s32 s4, $0x1F  }
0x78: {  	s11 =	sshrl.u32 s11, $0x1C  }
0x79: {  	s1 =	sadd.s32 $0x1, s1;
	s11 =	sadd.s32 s11, s4  }
0x7a: {  	p1 =	sne.s32 s0, s1;
	s14 =	sand.u32 $0xFFFFFFF0, s11  }
0x7b: {  	p0 =	slt.s32 s4, $0x1;
	p3 =	sne.s32 s4, s14  }
0x7c: {  	p0 =	por !p0, !p3  }
0x7d: {  	s14 =	simm.s32 $0x1;
	p0 =	por !p0, !p0  }
0x7e: {  	s11 =	sshrl.u32 s11, $0x4;
	s14 =	simm.s32 @!p0 $0x0  }
0x7f: {  	s11 =	ssub.s32 s11, s14  }
0x80: {  	s3 =	sshll.u32 @!p2 s3, $0x6;
	s11 =	sshll.u32 s11, $0x4;
	s14 =	spop @!p2 (v2sf)  }
0x81: {  	s15 =	simm.s32 @!p2 $0x400;
	s3 =	sand.u32 @!p2 $0x1E000, s3;
	s14 =	sand.u32 @!p2 $0x1FFFFF80, s14  }
0x82: {  	s16 =	simm.s32 @!p2 $0x7A1400;
	s3 =	sor.u32 @!p2 $0x300, s3;
	s14 =	sadd.s32 @!p2 s2, s14  }
0x83: {  	[tilespmem:s3], [sflag:$0x1] =	stream.strided.gather @!p2 [hbm4b:s14+s15], $0x2000, s16, s15, $0x38;
	[tilespmem:$0x1C400] =	vst v63  }
0x84: {  	v9 =	vld [tilespmem:s11+$0x100];
	_ =	sdelay $0x2  }
0x85: {  	s3 =	sand.u32 $0xF, s4  }
0x86: {  	v10 =	vmov s3  }
0x87: {  	vm5 =	veq.s32 v10, v0;
	v9 =	vxor.u32 $0x80000000, v9  }
0x88: {  	v9 =	vnsel vm5, $0x80000000, v9  }
0x89: {  	(xrf0) =	vmax.scan.msk.u32 $0xffff, v9;
	_ =	sdelay $0x5  }
0x8a: {  	v9, _, _ =	vpop (xrf0)  }
0x8b: {  	(v2sf) =	vpush v9, $0xF;
	_ =	sdelay $0xe  }
0x8c: {  	s3 =	spop (v2sf)  }
0x8d: {  	p2 =	slt.u32 s3, $0x80000800  }
0x8e: {  	v9 =	vld @!p2 [tilespmem:s11+$0x0];
	_ =	sdelay $0x3  }
0x8f: {  	v11 =	vlaneseq.u32 @!p2  }
0x90: {  	vm5 =	veq.s32 @!p2 v10, v11;
	v9 =	vxor.u32 @!p2 $0x80000000, v9  }
0x91: {  	v9 =	vnsel @!p2 vm5, $0x80000000, v9  }
0x92: {  	(xrf0) =	vmax.scan.msk.u32 @!p2 $0xffff, v9;
	_ =	sdelay $0x2  }
.Ltmp4:
0x93: {  	(pc) =	sbr.rel @p1 .LBB2_3-.Ltmp4, $3  }
0x94: {  	_ =	sdelay $0x1  }
0x95: {  	v9, _, _ =	vpop @!p2 (xrf0)  }
0x96: {  	(v2sf) =	vpush @!p2 v9, $0xF  }
.LBB2_4:
0x97: {  	_ =	sdelay $0xd  }
0x98: {  	s0 =	sshll.u32 @!p2 s3, $0x6;
	s1 =	spop @!p2 (v2sf)  }
0x99: {  	s3 =	simm.s32 @!p2 $0x400;
	s0 =	sand.u32 @!p2 $0x1E000, s0;
	s1 =	sand.u32 @!p2 $0x1FFFFF80, s1  }
0x9a: {  	s4 =	simm.s32 @!p2 $0x7A1400;
	s0 =	sor.u32 @!p2 $0x300, s0;
	s1 =	sadd.s32 @!p2 s2, s1  }
0x9b: {  	[tilespmem:s0], [sflag:$0x1] =	stream.strided.gather @!p2 [hbm4b:s1+s3], $0x2000, s4, s3, $0x38;
	[tilespmem:$0x1C400] =	vst v63  }
.LBB2_5:
0x9c: {  	v9 =	vld [tilespmem:$0x200];
	_ =	sdelay $0x4  }
0x9d: {  	v10 =	vsel vm2, $0x0, v9  }
0x9e: {  	v9 =	vsel vm3, $0x0, v9;
	v10 =	vxor.u32 $0x80000000, v10  }
0x9f: {  	v9 =	vxor.u32 $0x80000000, v9;
	(xrf0) =	vmax.scan.msk.u32 $0xffff, v10  }
0xa0: {  	(xrf0) =	vmax.scan.msk.u32 $0xffff, v9;
	_ =	sdelay $0x4  }
0xa1: {  	v9, _, _ =	vpop (xrf0)  }
0xa2: {  	(v2sf) =	vpush v9, $0xF;
	v9, _, _ =	vpop (xrf0)  }
0xa3: {  	(v2sf) =	vpush v9, $0xF;
	_ =	sdelay $0xd  }
0xa4: {  	s1 =	spop (v2sf)  }
0xa5: {  	s0 =	spop (v2sf)  }
0xa6: {  	s3 =	sxor.u32 $0x80000000, s1;
	s4 =	sxor.u32 $0x80000000, s0  }
0xa7: {  	p0 =	sge.s32 s3, s4  }
.Ltmp5:
0xa8: {  	_ = 	snop;
	(pc) =	sbr.rel @p0 .LBB2_9-.Ltmp5, $1  }
0xa9: {  	_ =	sdelay $0x3  }
0xaa: {  	s3 =	sadd.s32 $0x80000000, s1  }
0xab: {  	s4 =	sshra.s32 s3, $0x1F  }
0xac: {  	s4 =	sshrl.u32 s4, $0x1C  }
0xad: {  	s4 =	sadd.s32 s4, s3  }
0xae: {  	s11 =	sand.u32 $0xFFFFFFF0, s4  }
0xaf: {  	p0 =	slt.s32 s3, $0x1;
	p1 =	sne.s32 s3, s11  }
0xb0: {  	p0 =	por !p0, !p1  }
0xb1: {  	s11 =	simm.s32 $0x1;
	p0 =	por !p0, !p0  }
0xb2: {  	s4 =	sshrl.u32 s4, $0x4;
	s11 =	simm.s32 @!p0 $0x0  }
0xb3: {  	s4 =	ssub.s32 s4, s11  }
0xb4: {  	s4 =	sshll.u32 s4, $0x4  }
0xb5: {  	v9 =	vld [tilespmem:s4+$0x100];
	_ =	sdelay $0x2  }
0xb6: {  	s3 =	sand.u32 $0xF, s3  }
0xb7: {  	v10 =	vmov s3  }
0xb8: {  	vm5 =	veq.s32 v10, v0;
	v9 =	vxor.u32 $0x80000000, v9  }
0xb9: {  	v9 =	vnsel vm5, $0x80000000, v9  }
0xba: {  	(xrf0) =	vmax.scan.msk.u32 $0xffff, v9;
	_ =	sdelay $0x5  }
0xbb: {  	v9, _, _ =	vpop (xrf0)  }
0xbc: {  	(v2sf) =	vpush v9, $0xF;
	_ =	sdelay $0xe  }
0xbd: {  	s3 =	spop (v2sf)  }
0xbe: {  	p2 =	slt.u32 s3, $0x80000800  }
0xbf: {  	v9 =	vld @!p2 [tilespmem:s4+$0x0];
	_ =	sdelay $0x3  }
0xc0: {  	v11 =	vlaneseq.u32 @!p2  }
0xc1: {  	vm5 =	veq.s32 @!p2 v10, v11;
	v9 =	vxor.u32 @!p2 $0x80000000, v9  }
0xc2: {  	v9 =	vnsel @!p2 vm5, $0x80000000, v9  }
0xc3: {  	(xrf0) =	vmax.scan.msk.u32 @!p2 $0xffff, v9  }
0xc4: {  	s1 =	sadd.s32 $0x1, s1  }
0xc5: {  	p0 =	sne.s32 s0, s1  }
.Ltmp6:
0xc6: {  	_ = 	snop;
	(pc) =	sbr.rel @!p0 .LBB2_8-.Ltmp6, $3  }
0xc7: {  	_ =	sdelay $0x1  }
0xc8: {  	v9, _, _ =	vpop @!p2 (xrf0)  }
0xc9: {  	(v2sf) =	vpush @!p2 v9, $0xF  }
.LBB2_7:
0xca: {  	_ =	sdelay $0x3  }
0xcb: {  	s4 =	sadd.s32 $0x80000000, s1  }
0xcc: {  	s11 =	sshra.s32 s4, $0x1F  }
0xcd: {  	s11 =	sshrl.u32 s11, $0x1C  }
0xce: {  	s1 =	sadd.s32 $0x1, s1;
	s11 =	sadd.s32 s11, s4  }
0xcf: {  	p1 =	sne.s32 s0, s1;
	s14 =	sand.u32 $0xFFFFFFF0, s11  }
0xd0: {  	p0 =	slt.s32 s4, $0x1;
	p3 =	sne.s32 s4, s14  }
0xd1: {  	p0 =	por !p0, !p3  }
0xd2: {  	s14 =	simm.s32 $0x1;
	p0 =	por !p0, !p0  }
0xd3: {  	s11 =	sshrl.u32 s11, $0x4;
	s14 =	simm.s32 @!p0 $0x0  }
0xd4: {  	s11 =	ssub.s32 s11, s14  }
0xd5: {  	s3 =	sshll.u32 @!p2 s3, $0x6;
	s11 =	sshll.u32 s11, $0x4;
	s14 =	spop @!p2 (v2sf)  }
0xd6: {  	s15 =	simm.s32 @!p2 $0x400;
	s3 =	sand.u32 @!p2 $0x1E000, s3;
	s14 =	sand.u32 @!p2 $0x1FFFFF80, s14  }
0xd7: {  	s16 =	simm.s32 @!p2 $0x7A1400;
	s3 =	sor.u32 @!p2 $0x300, s3;
	s14 =	sadd.s32 @!p2 s2, s14  }
0xd8: {  	[tilespmem:s3], [sflag:$0x2] =	stream.strided.gather @!p2 [hbm4b:s14+s15], $0x2000, s16, s15, $0x38;
	[tilespmem:$0x1C400] =	vst v63  }
0xd9: {  	v9 =	vld [tilespmem:s11+$0x100];
	_ =	sdelay $0x2  }
0xda: {  	s3 =	sand.u32 $0xF, s4  }
0xdb: {  	v10 =	vmov s3  }
0xdc: {  	vm5 =	veq.s32 v10, v0;
	v9 =	vxor.u32 $0x80000000, v9  }
0xdd: {  	v9 =	vnsel vm5, $0x80000000, v9  }
0xde: {  	(xrf0) =	vmax.scan.msk.u32 $0xffff, v9;
	_ =	sdelay $0x5  }
0xdf: {  	v9, _, _ =	vpop (xrf0)  }
0xe0: {  	(v2sf) =	vpush v9, $0xF;
	_ =	sdelay $0xe  }
0xe1: {  	s3 =	spop (v2sf)  }
0xe2: {  	p2 =	slt.u32 s3, $0x80000800  }
0xe3: {  	v9 =	vld @!p2 [tilespmem:s11+$0x0];
	_ =	sdelay $0x3  }
0xe4: {  	v11 =	vlaneseq.u32 @!p2  }
0xe5: {  	vm5 =	veq.s32 @!p2 v10, v11;
	v9 =	vxor.u32 @!p2 $0x80000000, v9  }
0xe6: {  	v9 =	vnsel @!p2 vm5, $0x80000000, v9  }
0xe7: {  	(xrf0) =	vmax.scan.msk.u32 @!p2 $0xffff, v9;
	_ =	sdelay $0x2  }
.Ltmp7:
0xe8: {  	(pc) =	sbr.rel @p1 .LBB2_7-.Ltmp7, $3  }
0xe9: {  	_ =	sdelay $0x1  }
0xea: {  	v9, _, _ =	vpop @!p2 (xrf0)  }
0xeb: {  	(v2sf) =	vpush @!p2 v9, $0xF  }
.LBB2_8:
0xec: {  	_ =	sdelay $0xd  }
0xed: {  	s0 =	sshll.u32 @!p2 s3, $0x6;
	s1 =	spop @!p2 (v2sf)  }
0xee: {  	s3 =	simm.s32 @!p2 $0x400;
	s0 =	sand.u32 @!p2 $0x1E000, s0;
	s1 =	sand.u32 @!p2 $0x1FFFFF80, s1  }
0xef: {  	s4 =	simm.s32 @!p2 $0x7A1400;
	s0 =	sor.u32 @!p2 $0x300, s0;
	s1 =	sadd.s32 @!p2 s2, s1  }
0xf0: {  	[tilespmem:s0], [sflag:$0x2] =	stream.strided.gather @!p2 [hbm4b:s1+s3], $0x2000, s4, s3, $0x38;
	[tilespmem:$0x1C400] =	vst v63  }
.LBB2_9:
0xf1: {  	v9 =	vld [tilespmem:$0x200];
	_ =	sdelay $0x4  }
0xf2: {  	v10 =	vsel vm3, $0x0, v9  }
0xf3: {  	v9 =	vsel vm4, $0x0, v9;
	v10 =	vxor.u32 $0x80000000, v10  }
0xf4: {  	v9 =	vxor.u32 $0x80000000, v9;
	(xrf0) =	vmax.scan.msk.u32 $0xffff, v10  }
0xf5: {  	(xrf0) =	vmax.scan.msk.u32 $0xffff, v9;
	_ =	sdelay $0x4  }
0xf6: {  	v9, _, _ =	vpop (xrf0)  }
0xf7: {  	(v2sf) =	vpush v9, $0xF;
	v9, _, _ =	vpop (xrf0)  }
0xf8: {  	(v2sf) =	vpush v9, $0xF;
	_ =	sdelay $0xd  }
0xf9: {  	s1 =	spop (v2sf)  }
0xfa: {  	s0 =	spop (v2sf)  }
0xfb: {  	s3 =	sxor.u32 $0x80000000, s1;
	s4 =	sxor.u32 $0x80000000, s0  }
0xfc: {  	p0 =	sge.s32 s3, s4  }
.Ltmp8:
0xfd: {  	_ = 	snop;
	(pc) =	sbr.rel @p0 .LBB2_13-.Ltmp8, $1  }
0xfe: {  	_ =	sdelay $0x3  }
0xff: {  	s3 =	sadd.s32 $0x80000000, s1  }
0x100: {  	s4 =	sshra.s32 s3, $0x1F  }
0x101: {  	s4 =	sshrl.u32 s4, $0x1C  }
0x102: {  	s4 =	sadd.s32 s4, s3  }
0x103: {  	s11 =	sand.u32 $0xFFFFFFF0, s4  }
0x104: {  	p0 =	slt.s32 s3, $0x1;
	p1 =	sne.s32 s3, s11  }
0x105: {  	p0 =	por !p0, !p1  }
0x106: {  	s11 =	simm.s32 $0x1;
	p0 =	por !p0, !p0  }
0x107: {  	s4 =	sshrl.u32 s4, $0x4;
	s11 =	simm.s32 @!p0 $0x0  }
0x108: {  	s4 =	ssub.s32 s4, s11  }
0x109: {  	s4 =	sshll.u32 s4, $0x4  }
0x10a: {  	v9 =	vld [tilespmem:s4+$0x100];
	_ =	sdelay $0x2  }
0x10b: {  	s3 =	sand.u32 $0xF, s3  }
0x10c: {  	v10 =	vmov s3  }
0x10d: {  	vm5 =	veq.s32 v10, v0;
	v9 =	vxor.u32 $0x80000000, v9  }
0x10e: {  	v9 =	vnsel vm5, $0x80000000, v9  }
0x10f: {  	(xrf0) =	vmax.scan.msk.u32 $0xffff, v9;
	_ =	sdelay $0x5  }
0x110: {  	v9, _, _ =	vpop (xrf0)  }
0x111: {  	(v2sf) =	vpush v9, $0xF;
	_ =	sdelay $0xe  }
0x112: {  	s3 =	spop (v2sf)  }
0x113: {  	p2 =	slt.u32 s3, $0x80000800  }
0x114: {  	v9 =	vld @!p2 [tilespmem:s4+$0x0];
	_ =	sdelay $0x3  }
0x115: {  	v11 =	vlaneseq.u32 @!p2  }
0x116: {  	vm5 =	veq.s32 @!p2 v10, v11;
	v9 =	vxor.u32 @!p2 $0x80000000, v9  }
0x117: {  	v9 =	vnsel @!p2 vm5, $0x80000000, v9  }
0x118: {  	(xrf0) =	vmax.scan.msk.u32 @!p2 $0xffff, v9  }
0x119: {  	s1 =	sadd.s32 $0x1, s1  }
0x11a: {  	p0 =	sne.s32 s0, s1  }
.Ltmp9:
0x11b: {  	_ = 	snop;
	(pc) =	sbr.rel @!p0 .LBB2_12-.Ltmp9, $3  }
0x11c: {  	_ =	sdelay $0x1  }
0x11d: {  	v9, _, _ =	vpop @!p2 (xrf0)  }
0x11e: {  	(v2sf) =	vpush @!p2 v9, $0xF  }
.LBB2_11:
0x11f: {  	_ =	sdelay $0x3  }
0x120: {  	s4 =	sadd.s32 $0x80000000, s1  }
0x121: {  	s11 =	sshra.s32 s4, $0x1F  }
0x122: {  	s11 =	sshrl.u32 s11, $0x1C  }
0x123: {  	s1 =	sadd.s32 $0x1, s1;
	s11 =	sadd.s32 s11, s4  }
0x124: {  	p1 =	sne.s32 s0, s1;
	s14 =	sand.u32 $0xFFFFFFF0, s11  }
0x125: {  	p0 =	slt.s32 s4, $0x1;
	p3 =	sne.s32 s4, s14  }
0x126: {  	p0 =	por !p0, !p3  }
0x127: {  	s14 =	simm.s32 $0x1;
	p0 =	por !p0, !p0  }
0x128: {  	s11 =	sshrl.u32 s11, $0x4;
	s14 =	simm.s32 @!p0 $0x0  }
0x129: {  	s11 =	ssub.s32 s11, s14  }
0x12a: {  	s3 =	sshll.u32 @!p2 s3, $0x6;
	s11 =	sshll.u32 s11, $0x4;
	s14 =	spop @!p2 (v2sf)  }
0x12b: {  	s15 =	simm.s32 @!p2 $0x400;
	s3 =	sand.u32 @!p2 $0x1E000, s3;
	s14 =	sand.u32 @!p2 $0x1FFFFF80, s14  }
0x12c: {  	s16 =	simm.s32 @!p2 $0x7A1400;
	s3 =	sor.u32 @!p2 $0x300, s3;
	s14 =	sadd.s32 @!p2 s2, s14  }
0x12d: {  	[tilespmem:s3], [sflag:$0x3] =	stream.strided.gather @!p2 [hbm4b:s14+s15], $0x2000, s16, s15, $0x38;
	[tilespmem:$0x1C400] =	vst v63  }
0x12e: {  	v9 =	vld [tilespmem:s11+$0x100];
	_ =	sdelay $0x2  }
0x12f: {  	s3 =	sand.u32 $0xF, s4  }
0x130: {  	v10 =	vmov s3  }
0x131: {  	vm5 =	veq.s32 v10, v0;
	v9 =	vxor.u32 $0x80000000, v9  }
0x132: {  	v9 =	vnsel vm5, $0x80000000, v9  }
0x133: {  	(xrf0) =	vmax.scan.msk.u32 $0xffff, v9;
	_ =	sdelay $0x5  }
0x134: {  	v9, _, _ =	vpop (xrf0)  }
0x135: {  	(v2sf) =	vpush v9, $0xF;
	_ =	sdelay $0xe  }
0x136: {  	s3 =	spop (v2sf)  }
0x137: {  	p2 =	slt.u32 s3, $0x80000800  }
0x138: {  	v9 =	vld @!p2 [tilespmem:s11+$0x0];
	_ =	sdelay $0x3  }
0x139: {  	v11 =	vlaneseq.u32 @!p2  }
0x13a: {  	vm5 =	veq.s32 @!p2 v10, v11;
	v9 =	vxor.u32 @!p2 $0x80000000, v9  }
0x13b: {  	v9 =	vnsel @!p2 vm5, $0x80000000, v9  }
0x13c: {  	(xrf0) =	vmax.scan.msk.u32 @!p2 $0xffff, v9;
	_ =	sdelay $0x2  }
.Ltmp10:
0x13d: {  	(pc) =	sbr.rel @p1 .LBB2_11-.Ltmp10, $3  }
0x13e: {  	_ =	sdelay $0x1  }
0x13f: {  	v9, _, _ =	vpop @!p2 (xrf0)  }
0x140: {  	(v2sf) =	vpush @!p2 v9, $0xF  }
.LBB2_12:
0x141: {  	_ =	sdelay $0xd  }
0x142: {  	s0 =	sshll.u32 @!p2 s3, $0x6;
	s1 =	spop @!p2 (v2sf)  }
0x143: {  	s3 =	simm.s32 @!p2 $0x400;
	s0 =	sand.u32 @!p2 $0x1E000, s0;
	s1 =	sand.u32 @!p2 $0x1FFFFF80, s1  }
0x144: {  	s4 =	simm.s32 @!p2 $0x7A1400;
	s0 =	sor.u32 @!p2 $0x300, s0;
	s1 =	sadd.s32 @!p2 s2, s1  }
0x145: {  	[tilespmem:s0], [sflag:$0x3] =	stream.strided.gather @!p2 [hbm4b:s1+s3], $0x2000, s4, s3, $0x38;
	[tilespmem:$0x1C400] =	vst v63  }
.LBB2_13:
.Ltmp11:
0x146: {  	(pc) =	sbr.rel .LBB2_14-.Ltmp11, $3  }
0x147: {  	_ =	sdelay $0x1  }
0x148: {  	v9 =	vimm.f32 $0.0e+00  }
0x149: {  	s23 =	sxor.u32 $0x80000000, s23;
	s24 =	simm.s32 $0x0;
	v10 =	vimm.f32 $0.0e+00;
	v11 =	vimm.f32 $0.0e+00;
	v12 =	vimm.f32 $0.0e+00  }
.LBB2_79:
0x14a: {  	_ =	sdelay $0x8  }
0x14b: {  	s0 =	sshll.u32 @!p2 s3, $0x6;
	s1 =	spop @!p2 (v2sf)  }
0x14c: {  	s3 =	simm.s32 @!p2 $0x400;
	s0 =	sand.u32 @!p2 $0x1E000, s0;
	s1 =	sand.u32 @!p2 $0x1FFFFF80, s1  }
0x14d: {  	s4 =	simm.s32 @!p2 $0x7A1400;
	s0 =	sor.u32 @!p2 $0x300, s0;
	s1 =	sadd.s32 @!p2 s2, s1  }
0x14e: {  	[tilespmem:s0], [sflag:$0x3] =	stream.strided.gather @!p2 [hbm4b:s1+s3], $0x2000, s4, s3, $0x38;
	[tilespmem:$0x1C400] =	vst v63  }
.LBB2_80:
0x14f: {  	s24 =	sadd.s32 $0x1, s24  }
0x150: {  	p0 =	sne.s32 s24, $0x16  }
.Ltmp12:
0x151: {  	_ = 	snop;
	(pc) =	sbr.rel @!p0 .LBB2_81-.Ltmp12, $1  }
0x152: {  	_ =	sdelay $0x3  }
.LBB2_14:
0x153: {  	s0 =	smul.u32 $0xC, s24;
	_ =	sdelay $0x1  }
0x154: {  	p0 =	sge.s32 s0, s23  }
0x155: {  	s1 =	simm.s32 @!p0 $0x1  }
0x156: {  	s3 =	sor.u32 $0x1, s0;
	_ =	swait.ge @!p0 [sflag:s1], $0x2000  }
0x157: {  	p1 =	sge.s32 s3, s23;
	[sflag:s1] =	ssyncset.done @!p0 $0x0  }
0x158: {  	[sflag:s1] =	ssyncadd.s32 @!p0 $0xFFFFE000;
	s1 =	simm.s32 @!p1 $0x1  }
0x159: {  	s4 =	sor.u32 $0x2, s0;
	_ =	swait.ge @!p1 [sflag:s1], $0x2000  }
0x15a: {  	p0 =	sge.s32 s4, s23;
	[sflag:s1] =	ssyncset.done @!p1 $0x0  }
0x15b: {  	[sflag:s1] =	ssyncadd.s32 @!p1 $0xFFFFE000;
	s1 =	simm.s32 @!p0 $0x1  }
0x15c: {  	s11 =	sor.u32 $0x3, s0;
	_ =	swait.ge @!p0 [sflag:s1], $0x2000  }
0x15d: {  	s25 =	smul.u32 $0x3, s24;
	p1 =	sge.s32 s11, s23;
	[sflag:s1] =	ssyncset.done @!p0 $0x0  }
0x15e: {  	[sflag:s1] =	ssyncadd.s32 @!p0 $0xFFFFE000;
	s1 =	simm.s32 @!p1 $0x1  }
0x15f: {  	s14 =	sadd.s32 $0x1, s25;
	_ =	swait.ge @!p1 [sflag:s1], $0x2000  }
0x160: {  	s0 =	sand.u32 $0x1C0, s0;
	s29 =	sshll.u32 s14, $0x2;
	[sflag:s1] =	ssyncset.done @!p1 $0x0  }
0x161: {  	s0 =	sshrl.u32 s0, $0x2;
	s15 =	sand.u32 $0x3C0, s29;
	[sflag:s1] =	ssyncadd.s32 @!p1 $0xFFFFE000  }
0x162: {  	s28 =	sshrl.u32 s15, $0x2;
	v13 =	vld [tilespmem:s0+$0x200]  }
0x163: {  	v14 =	vld [tilespmem:s28+$0x200];
	_ =	sdelay $0x1  }
0x164: {  	s16 =	sand.u32 $0xF, s25  }
0x165: {  	v15 =	vmov s16;
	s19 =	sand.u32 $0xF, s14  }
0x166: {  	vm5 =	veq.s32 v15, v0;
	v15 =	vmov s19;
	v13 =	vxor.u32 $0x80000000, v13  }
0x167: {  	vm6 =	veq.s32 v15, v0;
	v14 =	vxor.u32 $0x80000000, v14;
	v13 =	vnsel vm5, $0x80000000, v13  }
0x168: {  	(xrf0) =	vmax.scan.msk.u32 $0xffff, v13;
	v13 =	vnsel vm6, $0x80000000, v14  }
0x169: {  	(xrf0) =	vmax.scan.msk.u32 $0xffff, v13;
	_ =	sdelay $0x4  }
0x16a: {  	v13, _, _ =	vpop (xrf0)  }
0x16b: {  	(v2sf) =	vpush v13, $0xF;
	v13, _, _ =	vpop (xrf0)  }
0x16c: {  	(v2sf) =	vpush v13, $0xF;
	_ =	sdelay $0xd  }
0x16d: {  	s1 =	spop (v2sf)  }
0x16e: {  	s30 =	spop (v2sf)  }
0x16f: {  	s26 =	sxor.u32 $0x80000000, s1;
	s31 =	sxor.u32 $0x80000000, s30  }
0x170: {  	p0 =	sge.s32 s26, s31  }
.Ltmp13:
0x171: {  	_ = 	snop;
	(pc) =	sbr.rel @p0 .LBB2_32-.Ltmp13, $1  }
0x172: {  	_ =	sdelay $0x3  }
0x173: {  	s0 =	sadd.s32 $0x80000000, s1;
	s1 =	sadd.s32 $0x1, s1  }
0x174: {  	p0 =	sne.s32 s30, s1  }
.Ltmp14:
0x175: {  	_ = 	snop;
	(pc) =	sbr.rel @!p0 .LBB2_16-.Ltmp14, $4  }
0x176: {  	s3 =	sshra.s32 s0, $0x1F  }
0x177: {  	p1 =	por $0x0, $0x0;
	s3 =	sshrl.u32 s3, $0x1C  }
0x178: {  	p2 =	por $0x0, $0x0;
	p3 =	por $0x0, $0x0;
	s26 =	sadd.s32 s3, s0  }
0x179: {  	p4 =	por $0x0, $0x0;
	p5 =	por $0x0, $0x0;
	s4 =	sand.u32 $0xFFFFFFF0, s26  }
0x17a: {  	p0 =	slt.s32 s0, $0x1;
	p1 =	sne.s32 s0, s4  }
0x17b: {  	p0 =	por !p0, !p1  }
0x17c: {  	s3 =	simm.s32 $0x1;
	p0 =	por !p0, !p0  }
0x17d: {  	s26 =	sshrl.u32 s26, $0x4;
	s3 =	simm.s32 @!p0 $0x0  }
0x17e: {  	s4 =	ssub.s32 s26, s3;
	s3 =	sadd.s32 $0x1, s1  }
0x17f: {  	p0 =	sne.s32 s30, s3  }
.Ltmp15:
0x180: {  	s11 =	sadd.s32 $0x80000000, s1;
	(pc) =	sbr.rel @!p0 .LBB2_18-.Ltmp15, $4  }
0x181: {  	s14 =	sshra.s32 s11, $0x1F  }
0x182: {  	s14 =	sshrl.u32 s14, $0x1C;
	s31 =	sshll.u32 s4, $0x6  }
0x183: {  	s26 =	sadd.s32 s14, s11;
	s1 =	sshra.s32 s31, $0x2  }
0x184: {  	p1 =	por $0x1, $0x1;
	s4 =	sand.u32 $0xFFFFFFF0, s26;
	v13 =	vld [tilespmem:s1+$0x100]  }
0x185: {  	p0 =	slt.s32 s11, $0x1;
	p2 =	sne.s32 s11, s4  }
0x186: {  	s1 =	sadd.s32 $0x80000000, s3;
	p0 =	por !p0, !p2  }
0x187: {  	s4 =	simm.s32 $0x1;
	s3 =	sadd.s32 $0x1, s3;
	p0 =	por !p0, !p0  }
0x188: {  	s4 =	simm.s32 @!p0 $0x0;
	p0 =	sne.s32 s30, s3  }
.Ltmp16:
0x189: {  	s0 =	sand.u32 $0xF, s0;
	s14 =	sshrl.u32 s26, $0x4;
	(pc) =	sbr.rel @!p0 .LBB2_20-.Ltmp16, $4  }
0x18a: {  	s15 =	sshra.s32 s1, $0x1F;
	v14 =	vmov s0;
	s26 =	ssub.s32 s14, s4  }
0x18b: {  	s31 =	sshrl.u32 s15, $0x1C;
	vm5 =	veq.s32 v14, v0;
	v13 =	vxor.u32 $0x80000000, v13;
	s0 =	sshll.u32 s26, $0x6  }
0x18c: {  	s26 =	sadd.s32 s31, s1;
	v13 =	vnsel vm5, $0x80000000, v13;
	s0 =	sshra.s32 s0, $0x2  }
0x18d: {  	p2 =	por $0x1, $0x1;
	(xrf0) =	vmax.scan.msk.u32 $0xffff, v13;
	s4 =	sand.u32 $0xFFFFFFF0, s26;
	v13 =	vld [tilespmem:s0+$0x100]  }
0x18e: {  	p0 =	slt.s32 s1, $0x1;
	p3 =	sne.s32 s1, s4  }
0x18f: {  	s0 =	sadd.s32 $0x80000000, s3;
	p0 =	por !p0, !p3  }
0x190: {  	s4 =	simm.s32 $0x1;
	s3 =	sadd.s32 $0x1, s3;
	p0 =	por !p0, !p0  }
0x191: {  	s11 =	sand.u32 $0xF, s11;
	s4 =	simm.s32 @!p0 $0x0;
	p0 =	sne.s32 s30, s3  }
.Ltmp17:
0x192: {  	s14 =	sshrl.u32 s26, $0x4;
	v14 =	vmov s11;
	(pc) =	sbr.rel @!p0 .LBB2_22-.Ltmp17, $4  }
0x193: {  	s15 =	sshra.s32 s0, $0x1F;
	s4 =	ssub.s32 s14, s4  }
0x194: {  	s26 =	sshrl.u32 s15, $0x1C;
	vm5 =	veq.s32 v14, v0;
	v13 =	vxor.u32 $0x80000000, v13;
	s4 =	sshll.u32 s4, $0x6  }
0x195: {  	s26 =	sadd.s32 s26, s0;
	v14, _, _ =	vpop (xrf0);
	v13 =	vnsel vm5, $0x80000000, v13;
	s31 =	sshra.s32 s4, $0x2  }
0x196: {  	p3 =	por $0x1, $0x1;
	(v2sf) =	vpush v14, $0xF;
	(xrf0) =	vmax.scan.msk.u32 $0xffff, v13;
	s4 =	sand.u32 $0xFFFFFFF0, s26;
	v13 =	vld [tilespmem:s31+$0x100]  }
0x197: {  	p0 =	slt.s32 s0, $0x1;
	p4 =	sne.s32 s0, s4  }
0x198: {  	s1 =	sand.u32 $0xF, s1;
	p0 =	por !p0, !p4  }
0x199: {  	s4 =	simm.s32 $0x1;
	v14 =	vmov s1;
	s1 =	sadd.s32 $0x1, s3;
	p0 =	por !p0, !p0  }
0x19a: {  	s4 =	simm.s32 @!p0 $0x0;
	p0 =	sne.s32 s30, s1  }
.Ltmp18:
0x19b: {  	s16 =	sadd.s32 $0x80000000, s3;
	s11 =	sshrl.u32 s26, $0x4;
	(pc) =	sbr.rel @!p0 .LBB2_24-.Ltmp18, $4  }
0x19c: {  	s14 =	sshra.s32 s16, $0x1F;
	s4 =	ssub.s32 s11, s4  }
0x19d: {  	s26 =	sshrl.u32 s14, $0x1C;
	vm5 =	veq.s32 v14, v0;
	v13 =	vxor.u32 $0x80000000, v13;
	s31 =	sshll.u32 s4, $0x6  }
0x19e: {  	s26 =	sadd.s32 s26, s16;
	v14, _, _ =	vpop (xrf0);
	v13 =	vnsel vm5, $0x80000000, v13;
	s3 =	sshra.s32 s31, $0x2  }
0x19f: {  	p4 =	por $0x1, $0x1;
	s4 =	sand.u32 $0xFFFFFFF0, s26;
	(v2sf) =	vpush v14, $0xF;
	(xrf0) =	vmax.scan.msk.u32 $0xffff, v13;
	v13 =	vld [tilespmem:s3+$0x100]  }
0x1a0: {  	_ = 	snop  }
0x1a1: {  	s19 =	sand.u32 $0xF, s0  }
0x1a2: {  	v14 =	vmov s19;
	_ =	sdelay $0x2  }
0x1a3: {  	vm5 =	veq.s32 v14, v0;
	v14, _, _ =	vpop (xrf0)  }
0x1a4: {  	p0 =	slt.s32 s16, $0x1;
	p5 =	sne.s32 s16, s4;
	s14 =	spop (v2sf);
	(v2sf) =	vpush v14, $0xF  }
0x1a5: {  	p0 =	por !p0, !p5  }
0x1a6: {  	s11 =	simm.s32 $0x1;
	s0 =	sadd.s32 $0x1, s1;
	p0 =	por !p0, !p0  }
0x1a7: {  	s15 =	sadd.s32 $0x80000000, s1;
	s11 =	simm.s32 @!p0 $0x0;
	p0 =	sne.s32 s30, s0  }
.Ltmp19:
0x1a8: {  	s31 =	sshrl.u32 s26, $0x4;
	s3 =	sshra.s32 s15, $0x1F;
	(pc) =	sbr.rel @!p0 .LBB2_26-.Ltmp19, $4  }
0x1a9: {  	s3 =	sshrl.u32 s3, $0x1C;
	s1 =	ssub.s32 s31, s11  }
0x1aa: {  	s26 =	sadd.s32 s3, s15;
	v13 =	vxor.u32 $0x80000000, v13;
	s1 =	sshll.u32 s1, $0x6;
	s19 =	sshll.u32 s14, $0x6  }
0x1ab: {  	v13 =	vnsel vm5, $0x80000000, v13;
	s1 =	sshra.s32 s1, $0x2;
	s31 =	sand.u32 $0x7F, s14;
	s3 =	sand.u32 $0x1E000, s19  }
0x1ac: {  	p5 =	por $0x1, $0x1;
	s4 =	sand.u32 $0xFFFFFFF0, s26;
	(xrf0) =	vmax.scan.msk.u32 $0xffff, v13;
	v13 =	vld [tilespmem:s1+$0x100];
	s1 =	sor.u32 s31, s3  }
0x1ad: {  	_ = 	snop  }
0x1ae: {  	s11 =	sand.u32 $0xF, s16  }
0x1af: {  	p0 =	slt.s32 s15, $0x1;
	p6 =	sne.s32 s15, s4;
	v16 =	vmov s11  }
0x1b0: {  	s3 =	sadd.s32 $0x80000000, s0;
	p0 =	por !p0, !p6  }
0x1b1: {  	v14 =	vor.u32 s1, v4;
	s14 =	simm.s32 $0x1;
	s0 =	sadd.s32 $0x1, s0;
	p0 =	por !p0, !p0  }
0x1b2: {  	v15 =	vor.u32 s1, v1;
	s26 =	sshrl.u32 s26, $0x4;
	s19 =	sshra.s32 s3, $0x1F;
	vm5 =	veq.s32 v16, v0;
	s14 =	simm.s32 @!p0 $0x0;
	v16, _, _ =	vpop (xrf0)  }
0x1b3: {  	p0 =	sne.s32 s30, s0;
	s31 =	ssub.s32 s26, s14;
	s14 =	spop (v2sf);
	(v2sf) =	vpush v16, $0xF  }
.Ltmp20:
0x1b4: {  	s4 =	sshrl.u32 s19, $0x1C;
	s19 =	sshll.u32 s14, $0x6;
	(pc) =	sbr.rel @!p0 .LBB2_28-.Ltmp20, $4  }
0x1b5: {  	p6 =	por $0x1, $0x1;
	s14 =	sand.u32 $0x7F, s14;
	s11 =	sand.u32 $0x1E000, s19  }
0x1b6: {  	v13 =	vxor.u32 $0x80000000, v13;
	s16 =	sshll.u32 s31, $0x6;
	v17 =	vld.idx.msk [tilespmem:v14+s18+$0x0], $0xffff;
	v14 =	vor.u32 s1, v2;
	s14 =	sor.u32 s14, s11;
	s11 =	simm.s32 @!p6 $0x0  }
0x1b7: {  	s26 =	sadd.s32 s4, s3;
	v13 =	vnsel vm5, $0x80000000, v13;
	v19 =	vld.idx.msk [tilespmem:v15+s18+$0x0], $0xffff;
	v15 =	vor.u32 s1, v3;
	s31 =	sshra.s32 s16, $0x2;
	s11 =	simm.s32 @p6 $0x1  }
0x1b8: {  	v18 =	vmovc v12;
	v20 =	vmov v11;
	v21 =	vmov v10;
	s4 =	sand.u32 $0xFFFFFFF0, s26;
	(xrf0) =	vmax.scan.msk.u32 $0xffff, v13;
	v16 =	vmov v9;
	v13 =	vld [tilespmem:s31+$0x100];
	[smem:$0x7FC] =	sst s11  }
.LBB2_29:
0x1b9: {  	p0 =	slt.s32 s3, $0x1  }
0x1ba: {  	p6 =	sne.s32 s3, s4;
	s11 =	smov.u32 s3;
	s3 =	sadd.s32 $0x80000000, s0  }
0x1bb: {  	v22 =	vor.u32 s14, v1;
	v23 =	vor.u32 s14, v4;
	v24 =	vld.idx.msk [tilespmem:v14+s18+$0x0], $0xffff;
	v14 =	vor.u32 s14, v2;
	s0 =	sadd.s32 $0x1, s0;
	s16 =	simm.s32 $0x1;
	p0 =	por !p0, !p6  }
0x1bc: {  	s4 =	sshra.s32 s3, $0x1F;
	v25 =	vld.idx.msk [tilespmem:v15+s18+$0x0], $0xffff;
	v15 =	vor.u32 s14, v3;
	s14 =	sand.u32 $0xF, s15;
	p0 =	por !p0, !p0  }
0x1bd: {  	s4 =	sshrl.u32 s4, $0x1C;
	s16 =	simm.s32 @!p0 $0x0;
	p0 =	sne.s32 s30, s0  }
.Ltmp21:
0x1be: {  	s15 =	sshrl.u32 s26, $0x4;
	v26 =	vmov s14;
	v16 =	vadd.f32 v17, v16;
	(pc) =	sbr.rel @p0 .LBB2_29-.Ltmp21, $4  }
0x1bf: {  	vm5 =	veq.s32 v26, v0;
	v18 =	vadd.f32 v19, v18;
	s14 =	ssub.s32 s15, s16;
	v13 =	vxor.u32 $0x80000000, v13;
	v17, _, _ =	vpop (xrf0);
	s15 =	spop (v2sf)  }
0x1c0: {  	s26 =	sadd.s32 s4, s3;
	s4 =	sshll.u32 s14, $0x6;
	v13 =	vnsel vm5, $0x80000000, v13;
	(v2sf) =	vpush v17, $0xF;
	s14 =	sshll.u32 s15, $0x6;
	v17 =	vld.idx.msk [tilespmem:v23+s18+$0x0], $0xffff  }
0x1c1: {  	s15 =	sand.u32 $0x7F, s15;
	v20 =	vadd.f32 v24, v20;
	s16 =	sshra.s32 s4, $0x2;
	(xrf0) =	vmax.scan.msk.u32 $0xffff, v13;
	s14 =	sand.u32 $0x1E000, s14;
	v19 =	vld.idx.msk [tilespmem:v22+s18+$0x0], $0xffff  }
0x1c2: {  	s4 =	sand.u32 $0xFFFFFFF0, s26;
	v21 =	vadd.f32 v25, v21;
	v13 =	vld [tilespmem:s16+$0x100];
	s14 =	sor.u32 s15, s14;
	s15 =	smov.u32 s11  }
0x1c3: {  	s0 =	smov.u32 s15  }
.LBB2_31:
0x1c4: {  	p0 =	slt.s32 s3, $0x1;
	p6 =	sne.s32 s3, s4  }
0x1c5: {  	p0 =	por !p0, !p6  }
0x1c6: {  	s4 =	simm.s32 $0x1;
	p0 =	por !p0, !p0  }
0x1c7: {  	s11 =	sshrl.u32 s26, $0x4;
	s4 =	simm.s32 @!p0 $0x0  }
0x1c8: {  	s4 =	ssub.s32 s11, s4  }
0x1c9: {  	s0 =	sand.u32 @p1 $0xF, s0;
	s4 =	sshll.u32 s4, $0x6  }
0x1ca: {  	v22 =	vmov @p1 s0;
	s11 =	sshra.s32 s4, $0x2  }
0x1cb: {  	vm5 =	veq.s32 @p1 v22, v0;
	v13 =	vxor.u32 @p1 $0x80000000, v13;
	v57 =	vld [tilespmem:s11+$0x100]  }
0x1cc: {  	v13 =	vnsel @p1 vm5, $0x80000000, v13;
	_ =	sdelay $0x1  }
0x1cd: {  	s15 =	sand.u32 $0xF, s3;
	(xrf0) =	vmax.scan.msk.u32 @p1 $0xffff, v13  }
0x1ce: {  	v23 =	vmov s15;
	v13, _, _ =	vpop @p2 (xrf0)  }
0x1cf: {  	vm5 =	veq.s32 v23, v0;
	(v2sf) =	vpush @p2 v13, $0xF;
	v13 =	vxor.u32 $0x80000000, v57  }
0x1d0: {  	v13 =	vnsel vm5, $0x80000000, v13  }
0x1d1: {  	s16 =	sld [smem:$0x7FC]  }
0x1d2: {  	(xrf0) =	vmax.scan.msk.u32 $0xffff, v13  }
0x1d3: {  	v24 =	vor.u32 @p5 s14, v3;
	v13, _, _ =	vpop @p1 (xrf0)  }
0x1d4: {  	v24 =	vpsel p5, v24, v0;
	p0 =	seq.s32 s16, $0x1;
	(v2sf) =	vpush @p1 v13, $0xF  }
0x1d5: {  	s0 =	spop @p4 (v2sf);
	v22 =	vor.u32 @p5 s14, v4;
	v23 =	vor.u32 @p5 s14, v2;
	v14 =	vld.idx.msk @p0 [tilespmem:v14+s18+$0x0], $0xffff  }
0x1d6: {  	s3 =	sshll.u32 @p4 s0, $0x6;
	v15 =	vld.idx.msk @p0 [tilespmem:v15+s18+$0x0], $0xffff;
	v23 =	vpsel p5, v23, v0  }
0x1d7: {  	s0 =	sand.u32 @p4 $0x7F, s0;
	s3 =	sand.u32 @p4 $0x1E000, s3;
	v13 =	vor.u32 @p5 s14, v1  }
0x1d8: {  	s0 =	sor.u32 @p4 s0, s3;
	v16 =	vadd.f32 @p0 v17, v16;
	v25, _, _ =	vpop (xrf0)  }
0x1d9: {  	v17 =	vadd.f32 @p0 v19, v18;
	s1 =	smov.u32 @p4 s0;
	v24 =	vld.idx.msk @p5 [tilespmem:v24+s18+$0x0], $0xffff;
	(v2sf) =	vpush v25, $0xF  }
0x1da: {  	v19 =	vor.u32 @p4 s1, v1;
	v22 =	vld.idx.msk @p5 [tilespmem:v22+s18+$0x0], $0xffff;
	v14 =	vadd.f32 @p0 v14, v20;
	v20 =	vor.u32 @p4 s1, v2  }
0x1db: {  	v15 =	vadd.f32 @p0 v15, v21;
	v21 =	vld.idx.msk @p5 [tilespmem:v23+s18+$0x0], $0xffff;
	v20 =	vpsel p4, v20, v0;
	s0 =	spop @p3 (v2sf)  }
0x1dc: {  	s3 =	sshll.u32 @p3 s0, $0x6;
	v13 =	vld.idx.msk @p5 [tilespmem:v13+s18+$0x0], $0xffff  }
0x1dd: {  	v18 =	vor.u32 @p4 s1, v4;
	v16 =	vpsel p0, v16, v9;
	v23 =	vor.u32 @p4 s1, v3;
	s0 =	sand.u32 @p3 $0x7F, s0;
	s1 =	sand.u32 @p3 $0x1E000, s3  }
0x1de: {  	v17 =	vpsel p0, v17, v12;
	v23 =	vpsel p4, v23, v0;
	v15 =	vpsel p0, v15, v10;
	s0 =	sor.u32 @p3 s0, s1  }
0x1df: {  	v14 =	vpsel p0, v14, v11;
	v19 =	vld.idx.msk @p4 [tilespmem:v19+s18+$0x0], $0xffff;
	v22 =	vpsel p5, v22, v0;
	v15 =	vadd.f32 @p5 v24, v15;
	s0 =	smov.u32 @p3 s0;
	s1 =	spop @p2 (v2sf)  }
0x1e0: {  	v14 =	vadd.f32 @p5 v21, v14;
	v20 =	vld.idx.msk @p4 [tilespmem:v20+s18+$0x0], $0xffff;
	v21 =	vor.u32 @p3 s0, v1;
	v24 =	vor.u32 @p3 s0, v3;
	s3 =	sshll.u32 @p2 s1, $0x6  }
0x1e1: {  	v16 =	vadd.f32 @p5 v22, v16;
	v24 =	vpsel p3, v24, v0;
	s1 =	sand.u32 @p2 $0x7F, s1;
	s3 =	sand.u32 @p2 $0x1E000, s3;
	v13 =	vpsel p5, v13, v0  }
0x1e2: {  	v22 =	vor.u32 @p3 s0, v2;
	v13 =	vadd.f32 @p5 v13, v17;
	v17 =	vld.idx.msk @p4 [tilespmem:v18+s18+$0x0], $0xffff;
	v18 =	vor.u32 @p3 s0, v4;
	s0 =	sor.u32 @p2 s1, s3  }
0x1e3: {  	v15 =	vpsel p5, v15, v10;
	v16 =	vpsel p5, v16, v9;
	v23 =	vld.idx.msk @p4 [tilespmem:v23+s18+$0x0], $0xffff;
	v22 =	vpsel p3, v22, v0;
	s0 =	smov.u32 @p2 s0;
	s1 =	spop @p1 (v2sf)  }
0x1e4: {  	v19 =	vpsel p4, v19, v0;
	v14 =	vpsel p5, v14, v11;
	v25 =	vor.u32 @p2 s0, v4;
	s3 =	sshll.u32 @p1 s1, $0x6  }
0x1e5: {  	v14 =	vadd.f32 @p4 v20, v14;
	v21 =	vld.idx.msk @p3 [tilespmem:v21+s18+$0x0], $0xffff;
	v26 =	vor.u32 @p2 s0, v1;
	v27 =	vor.u32 @p2 s0, v2;
	s1 =	sand.u32 @p1 $0x7F, s1;
	s3 =	sand.u32 @p1 $0x1E000, s3  }
0x1e6: {  	v20 =	vld.idx.msk @p3 [tilespmem:v24+s18+$0x0], $0xffff;
	v13 =	vpsel p5, v13, v12;
	v28 =	vor.u32 @p2 s0, v3;
	v27 =	vpsel p2, v27, v0;
	s0 =	sor.u32 @p1 s1, s3  }
0x1e7: {  	v13 =	vadd.f32 @p4 v19, v13;
	v19 =	vpsel p2, v28, v0;
	v17 =	vpsel p4, v17, v0;
	v18 =	vld.idx.msk @p3 [tilespmem:v18+s18+$0x0], $0xffff;
	s0 =	smov.u32 @p1 s0  }
0x1e8: {  	v15 =	vadd.f32 @p4 v23, v15;
	v16 =	vadd.f32 @p4 v17, v16;
	v17 =	vld.idx.msk @p3 [tilespmem:v22+s18+$0x0], $0xffff;
	s19 =	spop (v2sf);
	v22 =	vor.u32 @p1 s0, v4  }
0x1e9: {  	v14 =	vpsel p4, v14, v11;
	v23 =	vld.idx.msk @p2 [tilespmem:v25+s18+$0x0], $0xffff;
	v24 =	vor.u32 @p1 s0, v1;
	v25 =	vor.u32 @p1 s0, v2;
	s26 =	sshll.u32 s19, $0x6  }
0x1ea: {  	v15 =	vpsel p4, v15, v10;
	v26 =	vld.idx.msk @p2 [tilespmem:v26+s18+$0x0], $0xffff;
	v28 =	vor.u32 @p1 s0, v3;
	s30 =	sand.u32 $0x7F, s19;
	s31 =	sand.u32 $0x1E000, s26;
	v25 =	vpsel p1, v25, v0  }
0x1eb: {  	v21 =	vpsel p3, v21, v0;
	v15 =	vadd.f32 @p3 v20, v15;
	v27 =	vld.idx.msk @p2 [tilespmem:v27+s18+$0x0], $0xffff;
	v28 =	vpsel p1, v28, v0;
	s0 =	sor.u32 s30, s31  }
0x1ec: {  	v16 =	vpsel p4, v16, v9;
	v19 =	vld.idx.msk @p2 [tilespmem:v19+s18+$0x0], $0xffff;
	v18 =	vpsel p3, v18, v0;
	v29 =	vor.u32 s0, v4  }
0x1ed: {  	v15 =	vpsel p3, v15, v10;
	v16 =	vadd.f32 @p3 v18, v16;
	v58 =	vor.u32 s0, v1;
	v18 =	vld.idx.msk @p1 [tilespmem:v22+s18+$0x0], $0xffff  }
0x1ee: {  	v13 =	vpsel p4, v13, v12;
	v14 =	vadd.f32 @p3 v17, v14;
	v59 =	vor.u32 s0, v2;
	v17 =	vld.idx.msk @p1 [tilespmem:v24+s18+$0x0], $0xffff  }
0x1ef: {  	v13 =	vadd.f32 @p3 v21, v13;
	v60 =	vor.u32 s0, v3;
	v22 =	vpsel p2, v23, v0;
	v23 =	vld.idx.msk @p1 [tilespmem:v25+s18+$0x0], $0xffff  }
0x1f0: {  	v16 =	vpsel p3, v16, v9;
	v14 =	vpsel p3, v14, v11;
	v25 =	vpsel p2, v26, v0;
	v26 =	vld.idx.msk @p1 [tilespmem:v28+s18+$0x0], $0xffff  }
0x1f1: {  	v13 =	vpsel p3, v13, v12;
	v14 =	vadd.f32 @p2 v27, v14;
	v16 =	vadd.f32 @p2 v22, v16;
	v61 =	vld.idx.msk [tilespmem:v29+s18+$0x0], $0xffff  }
0x1f2: {  	v15 =	vadd.f32 @p2 v19, v15;
	v13 =	vadd.f32 @p2 v25, v13;
	v62 =	vld.idx.msk [tilespmem:v58+s18+$0x0], $0xffff  }
0x1f3: {  	v14 =	vpsel p2, v14, v11;
	v16 =	vpsel p2, v16, v9;
	v20 =	vld.idx.msk [tilespmem:v59+s18+$0x0], $0xffff;
	v18 =	vpsel p1, v18, v0  }
0x1f4: {  	v63 =	vld.idx.msk [tilespmem:v60+s18+$0x0], $0xffff;
	v13 =	vpsel p2, v13, v12;
	v17 =	vpsel p1, v17, v0;
	v16 =	vadd.f32 @p1 v18, v16  }
0x1f5: {  	v15 =	vpsel p2, v15, v10;
	v13 =	vadd.f32 @p1 v17, v13;
	v14 =	vadd.f32 @p1 v23, v14  }
0x1f6: {  	v15 =	vadd.f32 @p1 v26, v15  }
0x1f7: {  	v9 =	vpsel p1, v16, v9;
	v12 =	vpsel p1, v13, v12;
	v11 =	vpsel p1, v14, v11  }
0x1f8: {  	v10 =	vpsel p1, v15, v10;
	v9 =	vadd.f32 v61, v9;
	v12 =	vadd.f32 v62, v12  }
0x1f9: {  	v11 =	vadd.f32 v20, v11;
	v10 =	vadd.f32 v63, v10  }
.LBB2_32:
0x1fa: {  	s0 =	sadd.s32 $0x3, s25  }
0x1fb: {  	s3 =	sadd.s32 $0x4, s25;
	s1 =	sshll.u32 s0, $0x2  }
0x1fc: {  	s4 =	sshll.u32 s3, $0x2;
	s1 =	sand.u32 $0x3C0, s1  }
0x1fd: {  	s15 =	sand.u32 $0x3C0, s4;
	s26 =	sshrl.u32 s1, $0x2  }
0x1fe: {  	s30 =	sshrl.u32 s15, $0x2;
	v13 =	vld [tilespmem:s26+$0x200]  }
0x1ff: {  	v14 =	vld [tilespmem:s30+$0x200];
	_ =	sdelay $0x1  }
0x200: {  	s0 =	sand.u32 $0xF, s0  }
0x201: {  	s16 =	sand.u32 $0xF, s3;
	v15 =	vmov s0  }
0x202: {  	vm5 =	veq.s32 v15, v0;
	v15 =	vmov s16;
	v13 =	vxor.u32 $0x80000000, v13  }
0x203: {  	vm7 =	veq.s32 v15, v0;
	v14 =	vxor.u32 $0x80000000, v14;
	v13 =	vnsel vm5, $0x80000000, v13  }
0x204: {  	(xrf0) =	vmax.scan.msk.u32 $0xffff, v13;
	v13 =	vnsel vm7, $0x80000000, v14  }
0x205: {  	(xrf0) =	vmax.scan.msk.u32 $0xffff, v13;
	_ =	sdelay $0x4  }
0x206: {  	v13, _, _ =	vpop (xrf0)  }
0x207: {  	(v2sf) =	vpush v13, $0xF;
	v13, _, _ =	vpop (xrf0)  }
0x208: {  	(v2sf) =	vpush v13, $0xF;
	_ =	sdelay $0xd  }
0x209: {  	s1 =	spop (v2sf)  }
0x20a: {  	s0 =	spop (v2sf)  }
0x20b: {  	s19 =	sxor.u32 $0x80000000, s1;
	s31 =	sxor.u32 $0x80000000, s0  }
0x20c: {  	p0 =	sge.s32 s19, s31  }
.Ltmp22:
0x20d: {  	_ = 	snop;
	(pc) =	sbr.rel @p0 .LBB2_36-.Ltmp22, $1  }
0x20e: {  	_ =	sdelay $0x3  }
0x20f: {  	s3 =	sadd.s32 $0x80000000, s1  }
0x210: {  	s4 =	sshra.s32 s3, $0x1F  }
0x211: {  	s4 =	sshrl.u32 s4, $0x1C  }
0x212: {  	s4 =	sadd.s32 s4, s3  }
0x213: {  	s11 =	sand.u32 $0xFFFFFFF0, s4  }
0x214: {  	p0 =	slt.s32 s3, $0x1;
	p1 =	sne.s32 s3, s11  }
0x215: {  	p0 =	por !p0, !p1  }
0x216: {  	s11 =	simm.s32 $0x1;
	p0 =	por !p0, !p0  }
0x217: {  	s4 =	sshrl.u32 s4, $0x4;
	s11 =	simm.s32 @!p0 $0x0  }
0x218: {  	s4 =	ssub.s32 s4, s11  }
0x219: {  	s4 =	sshll.u32 s4, $0x4  }
0x21a: {  	v13 =	vld [tilespmem:s4+$0x100];
	_ =	sdelay $0x2  }
0x21b: {  	s3 =	sand.u32 $0xF, s3  }
0x21c: {  	v14 =	vmov s3  }
0x21d: {  	vm8 =	veq.s32 v14, v0;
	v13 =	vxor.u32 $0x80000000, v13  }
0x21e: {  	v13 =	vnsel vm8, $0x80000000, v13  }
0x21f: {  	(xrf0) =	vmax.scan.msk.u32 $0xffff, v13;
	_ =	sdelay $0x5  }
0x220: {  	v13, _, _ =	vpop (xrf0)  }
0x221: {  	(v2sf) =	vpush v13, $0xF;
	_ =	sdelay $0xe  }
0x222: {  	s3 =	spop (v2sf)  }
0x223: {  	p2 =	slt.u32 s3, $0x80000800  }
0x224: {  	v13 =	vld @!p2 [tilespmem:s4+$0x0];
	_ =	sdelay $0x3  }
0x225: {  	v15 =	vlaneseq.u32 @!p2  }
0x226: {  	vm8 =	veq.s32 @!p2 v14, v15;
	v13 =	vxor.u32 @!p2 $0x80000000, v13  }
0x227: {  	v13 =	vnsel @!p2 vm8, $0x80000000, v13  }
0x228: {  	(xrf0) =	vmax.scan.msk.u32 @!p2 $0xffff, v13  }
0x229: {  	s1 =	sadd.s32 $0x1, s1  }
0x22a: {  	p0 =	sne.s32 s0, s1  }
.Ltmp23:
0x22b: {  	_ = 	snop;
	(pc) =	sbr.rel @!p0 .LBB2_35-.Ltmp23, $3  }
0x22c: {  	_ =	sdelay $0x1  }
0x22d: {  	v13, _, _ =	vpop @!p2 (xrf0)  }
0x22e: {  	(v2sf) =	vpush @!p2 v13, $0xF  }
.LBB2_34:
0x22f: {  	_ =	sdelay $0x3  }
0x230: {  	s4 =	sadd.s32 $0x80000000, s1  }
0x231: {  	s11 =	sshra.s32 s4, $0x1F  }
0x232: {  	s11 =	sshrl.u32 s11, $0x1C  }
0x233: {  	s1 =	sadd.s32 $0x1, s1;
	s11 =	sadd.s32 s11, s4  }
0x234: {  	p1 =	sne.s32 s0, s1;
	s14 =	sand.u32 $0xFFFFFFF0, s11  }
0x235: {  	p0 =	slt.s32 s4, $0x1;
	p3 =	sne.s32 s4, s14  }
0x236: {  	p0 =	por !p0, !p3  }
0x237: {  	s14 =	simm.s32 $0x1;
	p0 =	por !p0, !p0  }
0x238: {  	s11 =	sshrl.u32 s11, $0x4;
	s14 =	simm.s32 @!p0 $0x0  }
0x239: {  	s11 =	ssub.s32 s11, s14  }
0x23a: {  	s3 =	sshll.u32 @!p2 s3, $0x6;
	s11 =	sshll.u32 s11, $0x4;
	s14 =	spop @!p2 (v2sf)  }
0x23b: {  	s15 =	simm.s32 @!p2 $0x400;
	s3 =	sand.u32 @!p2 $0x1E000, s3;
	s14 =	sand.u32 @!p2 $0x1FFFFF80, s14  }
0x23c: {  	s16 =	simm.s32 @!p2 $0x7A1400;
	s3 =	sor.u32 @!p2 $0x300, s3;
	s14 =	sadd.s32 @!p2 s2, s14  }
0x23d: {  	[tilespmem:s3], [sflag:$0x1] =	stream.strided.gather @!p2 [hbm4b:s14+s15], $0x2000, s16, s15, $0x38;
	[tilespmem:$0x1C400] =	vst v63  }
0x23e: {  	v13 =	vld [tilespmem:s11+$0x100];
	_ =	sdelay $0x2  }
0x23f: {  	s3 =	sand.u32 $0xF, s4  }
0x240: {  	v14 =	vmov s3  }
0x241: {  	vm8 =	veq.s32 v14, v0;
	v13 =	vxor.u32 $0x80000000, v13  }
0x242: {  	v13 =	vnsel vm8, $0x80000000, v13  }
0x243: {  	(xrf0) =	vmax.scan.msk.u32 $0xffff, v13;
	_ =	sdelay $0x5  }
0x244: {  	v13, _, _ =	vpop (xrf0)  }
0x245: {  	(v2sf) =	vpush v13, $0xF;
	_ =	sdelay $0xe  }
0x246: {  	s3 =	spop (v2sf)  }
0x247: {  	p2 =	slt.u32 s3, $0x80000800  }
0x248: {  	v13 =	vld @!p2 [tilespmem:s11+$0x0];
	_ =	sdelay $0x3  }
0x249: {  	v15 =	vlaneseq.u32 @!p2  }
0x24a: {  	vm8 =	veq.s32 @!p2 v14, v15;
	v13 =	vxor.u32 @!p2 $0x80000000, v13  }
0x24b: {  	v13 =	vnsel @!p2 vm8, $0x80000000, v13  }
0x24c: {  	(xrf0) =	vmax.scan.msk.u32 @!p2 $0xffff, v13;
	_ =	sdelay $0x2  }
.Ltmp24:
0x24d: {  	(pc) =	sbr.rel @p1 .LBB2_34-.Ltmp24, $3  }
0x24e: {  	_ =	sdelay $0x1  }
0x24f: {  	v13, _, _ =	vpop @!p2 (xrf0)  }
0x250: {  	(v2sf) =	vpush @!p2 v13, $0xF  }
.LBB2_35:
0x251: {  	_ =	sdelay $0xd  }
0x252: {  	s0 =	sshll.u32 @!p2 s3, $0x6;
	s1 =	spop @!p2 (v2sf)  }
0x253: {  	s3 =	simm.s32 @!p2 $0x400;
	s0 =	sand.u32 @!p2 $0x1E000, s0;
	s1 =	sand.u32 @!p2 $0x1FFFFF80, s1  }
0x254: {  	s4 =	simm.s32 @!p2 $0x7A1400;
	s0 =	sor.u32 @!p2 $0x300, s0;
	s1 =	sadd.s32 @!p2 s2, s1  }
0x255: {  	[tilespmem:s0], [sflag:$0x1] =	stream.strided.gather @!p2 [hbm4b:s1+s3], $0x2000, s4, s3, $0x38;
	[tilespmem:$0x1C400] =	vst v63  }
.LBB2_36:
0x256: {  	p0 =	sge.s32 s29, s23  }
0x257: {  	s0 =	simm.s32 @!p0 $0x2  }
0x258: {  	s1 =	sor.u32 $0x1, s29;
	_ =	swait.ge @!p0 [sflag:s0], $0x2000  }
0x259: {  	p1 =	sge.s32 s1, s23;
	[sflag:s0] =	ssyncset.done @!p0 $0x0  }
0x25a: {  	[sflag:s0] =	ssyncadd.s32 @!p0 $0xFFFFE000;
	s0 =	simm.s32 @!p1 $0x2  }
0x25b: {  	s11 =	sor.u32 $0x2, s29;
	_ =	swait.ge @!p1 [sflag:s0], $0x2000  }
0x25c: {  	p0 =	sge.s32 s11, s23;
	[sflag:s0] =	ssyncset.done @!p1 $0x0  }
0x25d: {  	[sflag:s0] =	ssyncadd.s32 @!p1 $0xFFFFE000;
	s0 =	simm.s32 @!p0 $0x2  }
0x25e: {  	s14 =	sor.u32 $0x3, s29;
	_ =	swait.ge @!p0 [sflag:s0], $0x2000  }
0x25f: {  	p1 =	sge.s32 s14, s23;
	[sflag:s0] =	ssyncset.done @!p0 $0x0  }
0x260: {  	[sflag:s0] =	ssyncadd.s32 @!p0 $0xFFFFE000;
	s0 =	simm.s32 @!p1 $0x2  }
0x261: {  	s15 =	sadd.s32 $0x2, s25;
	_ =	swait.ge @!p1 [sflag:s0], $0x2000  }
0x262: {  	s29 =	sshll.u32 s15, $0x2;
	[sflag:s0] =	ssyncset.done @!p1 $0x0  }
0x263: {  	s16 =	sand.u32 $0x3C0, s29;
	[sflag:s0] =	ssyncadd.s32 @!p1 $0xFFFFE000  }
0x264: {  	v13 =	vld [tilespmem:s28+$0x200];
	s28 =	sshrl.u32 s16, $0x2  }
0x265: {  	v14 =	vld [tilespmem:s28+$0x200];
	_ =	sdelay $0x2  }
0x266: {  	s19 =	sand.u32 $0xF, s15  }
0x267: {  	v15 =	vmov s19;
	v13 =	vxor.u32 $0x80000000, v13  }
0x268: {  	v13 =	vnsel vm6, $0x80000000, v13;
	vm6 =	veq.s32 v15, v0;
	v14 =	vxor.u32 $0x80000000, v14  }
0x269: {  	(xrf0) =	vmax.scan.msk.u32 $0xffff, v13;
	v13 =	vnsel vm6, $0x80000000, v14  }
0x26a: {  	(xrf0) =	vmax.scan.msk.u32 $0xffff, v13;
	_ =	sdelay $0x4  }
0x26b: {  	v13, _, _ =	vpop (xrf0)  }
0x26c: {  	(v2sf) =	vpush v13, $0xF;
	v13, _, _ =	vpop (xrf0)  }
0x26d: {  	(v2sf) =	vpush v13, $0xF;
	_ =	sdelay $0xd  }
0x26e: {  	s0 =	spop (v2sf)  }
0x26f: {  	s3 =	spop (v2sf)  }
0x270: {  	s31 =	sxor.u32 $0x80000000, s0;
	s4 =	sxor.u32 $0x80000000, s3  }
0x271: {  	p0 =	sge.s32 s31, s4  }
.Ltmp25:
0x272: {  	_ = 	snop;
	(pc) =	sbr.rel @p0 .LBB2_54-.Ltmp25, $1  }
0x273: {  	_ =	sdelay $0x3  }
0x274: {  	s16 =	sadd.s32 $0x80000000, s0;
	s0 =	sadd.s32 $0x1, s0  }
0x275: {  	p0 =	sne.s32 s3, s0  }
.Ltmp26:
0x276: {  	_ = 	snop;
	(pc) =	sbr.rel @!p0 .LBB2_38-.Ltmp26, $4  }
0x277: {  	s1 =	sshra.s32 s16, $0x1F  }
0x278: {  	p1 =	por $0x0, $0x0;
	s1 =	sshrl.u32 s1, $0x1C  }
0x279: {  	p2 =	por $0x0, $0x0;
	p3 =	por $0x0, $0x0;
	s31 =	sadd.s32 s1, s16  }
0x27a: {  	p4 =	por $0x0, $0x0;
	p5 =	por $0x0, $0x0;
	s14 =	sand.u32 $0xFFFFFFF0, s31  }
0x27b: {  	p0 =	slt.s32 s16, $0x1;
	p1 =	sne.s32 s16, s14  }
0x27c: {  	s1 =	simm.s32 $0x1;
	p0 =	por !p0, !p1  }
0x27d: {  	s11 =	sadd.s32 $0x80000000, s0;
	s0 =	sadd.s32 $0x1, s0;
	p0 =	por !p0, !p0  }
0x27e: {  	s1 =	simm.s32 @!p0 $0x0;
	p0 =	sne.s32 s3, s0  }
.Ltmp27:
0x27f: {  	s4 =	sshrl.u32 s31, $0x4;
	(pc) =	sbr.rel @!p0 .LBB2_40-.Ltmp27, $4  }
0x280: {  	s15 =	sshra.s32 s11, $0x1F;
	s1 =	ssub.s32 s4, s1  }
0x281: {  	s19 =	sshrl.u32 s15, $0x1C;
	s1 =	sshll.u32 s1, $0x6  }
0x282: {  	s31 =	sadd.s32 s19, s11;
	s1 =	sshra.s32 s1, $0x2  }
0x283: {  	p1 =	por $0x1, $0x1;
	s14 =	sand.u32 $0xFFFFFFF0, s31;
	v13 =	vld [tilespmem:s1+$0x100]  }
0x284: {  	p0 =	slt.s32 s11, $0x1;
	p2 =	sne.s32 s11, s14  }
0x285: {  	s1 =	sadd.s32 $0x80000000, s0;
	p0 =	por !p0, !p2  }
0x286: {  	s4 =	simm.s32 $0x1;
	s0 =	sadd.s32 $0x1, s0;
	p0 =	por !p0, !p0  }
0x287: {  	s4 =	simm.s32 @!p0 $0x0;
	p0 =	sne.s32 s3, s0  }
.Ltmp28:
0x288: {  	s16 =	sand.u32 $0xF, s16;
	s15 =	sshrl.u32 s31, $0x4;
	(pc) =	sbr.rel @!p0 .LBB2_42-.Ltmp28, $4  }
0x289: {  	s19 =	sshra.s32 s1, $0x1F;
	v14 =	vmov s16;
	s4 =	ssub.s32 s15, s4  }
0x28a: {  	s19 =	sshrl.u32 s19, $0x1C;
	vm8 =	veq.s32 v14, v0;
	v13 =	vxor.u32 $0x80000000, v13;
	s4 =	sshll.u32 s4, $0x6  }
0x28b: {  	s31 =	sadd.s32 s19, s1;
	v13 =	vnsel vm8, $0x80000000, v13;
	s4 =	sshra.s32 s4, $0x2  }
0x28c: {  	p2 =	por $0x1, $0x1;
	s14 =	sand.u32 $0xFFFFFFF0, s31;
	(xrf0) =	vmax.scan.msk.u32 $0xffff, v13;
	v13 =	vld [tilespmem:s4+$0x100]  }
0x28d: {  	p0 =	slt.s32 s1, $0x1;
	p3 =	sne.s32 s1, s14  }
0x28e: {  	s16 =	sadd.s32 $0x80000000, s0;
	p0 =	por !p0, !p3  }
0x28f: {  	s4 =	simm.s32 $0x1;
	s0 =	sadd.s32 $0x1, s0;
	p0 =	por !p0, !p0  }
0x290: {  	s11 =	sand.u32 $0xF, s11;
	s4 =	simm.s32 @!p0 $0x0;
	p0 =	sne.s32 s3, s0  }
.Ltmp29:
0x291: {  	s19 =	sshrl.u32 s31, $0x4;
	v14 =	vmov s11;
	(pc) =	sbr.rel @!p0 .LBB2_44-.Ltmp29, $4  }
0x292: {  	s15 =	sshra.s32 s16, $0x1F;
	s4 =	ssub.s32 s19, s4  }
0x293: {  	vm8 =	veq.s32 v14, v0;
	s19 =	sshrl.u32 s15, $0x1C;
	v13 =	vxor.u32 $0x80000000, v13;
	s4 =	sshll.u32 s4, $0x6  }
0x294: {  	v14, _, _ =	vpop (xrf0);
	s31 =	sadd.s32 s19, s16;
	v13 =	vnsel vm8, $0x80000000, v13;
	s4 =	sshra.s32 s4, $0x2  }
0x295: {  	p3 =	por $0x1, $0x1;
	(v2sf) =	vpush v14, $0xF;
	(xrf0) =	vmax.scan.msk.u32 $0xffff, v13;
	s14 =	sand.u32 $0xFFFFFFF0, s31;
	v13 =	vld [tilespmem:s4+$0x100]  }
0x296: {  	p0 =	slt.s32 s16, $0x1;
	p4 =	sne.s32 s16, s14  }
0x297: {  	s11 =	sadd.s32 $0x80000000, s0;
	p0 =	por !p0, !p4  }
0x298: {  	s4 =	simm.s32 $0x1;
	s0 =	sadd.s32 $0x1, s0;
	p0 =	por !p0, !p0  }
0x299: {  	s1 =	sand.u32 $0xF, s1;
	s4 =	simm.s32 @!p0 $0x0;
	p0 =	sne.s32 s3, s0  }
.Ltmp30:
0x29a: {  	s19 =	sshrl.u32 s31, $0x4;
	v14 =	vmov s1;
	(pc) =	sbr.rel @!p0 .LBB2_46-.Ltmp30, $4  }
0x29b: {  	s15 =	sshra.s32 s11, $0x1F;
	s14 =	ssub.s32 s19, s4  }
0x29c: {  	vm8 =	veq.s32 v14, v0;
	s19 =	sshrl.u32 s15, $0x1C;
	v13 =	vxor.u32 $0x80000000, v13;
	s1 =	sshll.u32 s14, $0x6  }
0x29d: {  	v14, _, _ =	vpop (xrf0);
	s31 =	sadd.s32 s19, s11;
	v13 =	vnsel vm8, $0x80000000, v13;
	s1 =	sshra.s32 s1, $0x2  }
0x29e: {  	p4 =	por $0x1, $0x1;
	(v2sf) =	vpush v14, $0xF;
	(xrf0) =	vmax.scan.msk.u32 $0xffff, v13;
	s14 =	sand.u32 $0xFFFFFFF0, s31;
	v13 =	vld [tilespmem:s1+$0x100]  }
0x29f: {  	_ = 	snop  }
0x2a0: {  	s15 =	sand.u32 $0xF, s16  }
0x2a1: {  	p0 =	slt.s32 s11, $0x1;
	p5 =	sne.s32 s11, s14;
	v14 =	vmov s15  }
0x2a2: {  	s1 =	sadd.s32 $0x80000000, s0;
	p0 =	por !p0, !p5  }
0x2a3: {  	s16 =	simm.s32 $0x1;
	s4 =	sshra.s32 s1, $0x1F;
	p0 =	por !p0, !p0  }
0x2a4: {  	s19 =	sshrl.u32 s31, $0x4;
	s14 =	sshrl.u32 s4, $0x1C;
	vm8 =	veq.s32 v14, v0;
	s16 =	simm.s32 @!p0 $0x0;
	v14, _, _ =	vpop (xrf0)  }
0x2a5: {  	s4 =	sadd.s32 $0x1, s0;
	s0 =	ssub.s32 s19, s16;
	s19 =	spop (v2sf);
	(v2sf) =	vpush v14, $0xF  }
0x2a6: {  	_ =	sdelay $0x1  }
0x2a7: {  	p0 =	sne.s32 s3, s4  }
.Ltmp31:
0x2a8: {  	_ = 	snop;
	(pc) =	sbr.rel @!p0 .LBB2_48-.Ltmp31, $4  }
0x2a9: {  	_ = 	snop  }
0x2aa: {  	s31 =	sadd.s32 s14, s1;
	v13 =	vxor.u32 $0x80000000, v13;
	s0 =	sshll.u32 s0, $0x6;
	s16 =	sshll.u32 s19, $0x6  }
0x2ab: {  	v13 =	vnsel vm8, $0x80000000, v13;
	s0 =	sshra.s32 s0, $0x2;
	s15 =	sand.u32 $0x7F, s19;
	s19 =	sand.u32 $0x1E000, s16  }
0x2ac: {  	p5 =	por $0x1, $0x1;
	s14 =	sand.u32 $0xFFFFFFF0, s31;
	(xrf0) =	vmax.scan.msk.u32 $0xffff, v13;
	v13 =	vld [tilespmem:s0+$0x100];
	s15 =	sor.u32 s15, s19  }
0x2ad: {  	_ = 	snop  }
0x2ae: {  	s11 =	sand.u32 $0xF, s11  }
0x2af: {  	s0 =	sadd.s32 $0x80000000, s4;
	p0 =	slt.s32 s1, $0x1;
	p6 =	sne.s32 s1, s14;
	v16 =	vmov s11  }
0x2b0: {  	v14 =	vor.u32 s15, v4;
	s19 =	simm.s32 $0x1;
	s16 =	sshra.s32 s0, $0x1F;
	p0 =	por !p0, !p6  }
0x2b1: {  	s11 =	spop (v2sf);
	s14 =	sshrl.u32 s16, $0x1C;
	p0 =	por !p0, !p0  }
0x2b2: {  	v15 =	vor.u32 s15, v1;
	s16 =	sadd.s32 $0x1, s4;
	s4 =	sshrl.u32 s31, $0x4;
	vm8 =	veq.s32 v16, v0;
	s19 =	simm.s32 @!p0 $0x0;
	v16, _, _ =	vpop (xrf0)  }
0x2b3: {  	p6 =	por $0x1, $0x1;
	p0 =	sne.s32 s3, s16;
	s4 =	ssub.s32 s4, s19;
	(v2sf) =	vpush v16, $0xF  }
.Ltmp32:
0x2b4: {  	v13 =	vxor.u32 $0x80000000, v13;
	s19 =	sshll.u32 s11, $0x6;
	s4 =	sshll.u32 s4, $0x6;
	(pc) =	sbr.rel @!p0 .LBB2_50-.Ltmp32, $4  }
0x2b5: {  	s11 =	sand.u32 $0x7F, s11;
	v17 =	vld.idx.msk [tilespmem:v14+s18+$0x0], $0xffff;
	v13 =	vnsel vm8, $0x80000000, v13;
	s19 =	sand.u32 $0x1E000, s19;
	s4 =	sshra.s32 s4, $0x2  }
0x2b6: {  	v14 =	vor.u32 s15, v2;
	(xrf0) =	vmax.scan.msk.u32 $0xffff, v13;
	v13 =	vld [tilespmem:s4+$0x100];
	s4 =	sor.u32 s11, s19;
	s11 =	simm.s32 @!p6 $0x0  }
0x2b7: {  	s31 =	sadd.s32 s14, s0;
	v19 =	vld.idx.msk [tilespmem:v15+s18+$0x0], $0xffff;
	v15 =	vor.u32 s15, v3;
	s11 =	simm.s32 @p6 $0x1  }
0x2b8: {  	v18 =	vmovc v12;
	v20 =	vmov v11;
	v21 =	vmov v10;
	s14 =	sand.u32 $0xFFFFFFF0, s31;
	v16 =	vmov v9;
	[smem:$0x7FB] =	sst s11  }
.LBB2_51:
0x2b9: {  	p0 =	slt.s32 s0, $0x1  }
0x2ba: {  	p6 =	sne.s32 s0, s14;
	s11 =	smov.u32 s0;
	s0 =	sadd.s32 $0x80000000, s16  }
0x2bb: {  	v22 =	vor.u32 s4, v1;
	v23 =	vor.u32 s4, v4;
	v24 =	vld.idx.msk [tilespmem:v14+s18+$0x0], $0xffff;
	v14 =	vor.u32 s4, v2;
	s1 =	sand.u32 $0xF, s1;
	s16 =	sadd.s32 $0x1, s16;
	p0 =	por !p0, !p6  }
0x2bc: {  	s19 =	simm.s32 $0x1;
	s14 =	sshra.s32 s0, $0x1F;
	v25 =	vld.idx.msk [tilespmem:v15+s18+$0x0], $0xffff;
	v15 =	vor.u32 s4, v3;
	p0 =	por !p0, !p0  }
0x2bd: {  	s4 =	sshrl.u32 s14, $0x1C;
	s19 =	simm.s32 @!p0 $0x0;
	p0 =	sne.s32 s3, s16  }
.Ltmp33:
0x2be: {  	v26 =	vmov s1;
	s14 =	sshrl.u32 s31, $0x4;
	v16 =	vadd.f32 v17, v16;
	(pc) =	sbr.rel @p0 .LBB2_51-.Ltmp33, $4  }
0x2bf: {  	vm8 =	veq.s32 v26, v0;
	v18 =	vadd.f32 v19, v18;
	s1 =	ssub.s32 s14, s19;
	v13 =	vxor.u32 $0x80000000, v13;
	v17, _, _ =	vpop (xrf0);
	s14 =	spop (v2sf)  }
0x2c0: {  	s31 =	sadd.s32 s4, s0;
	s1 =	sshll.u32 s1, $0x6;
	v13 =	vnsel vm8, $0x80000000, v13;
	(v2sf) =	vpush v17, $0xF;
	s4 =	sshll.u32 s14, $0x6;
	v17 =	vld.idx.msk [tilespmem:v23+s18+$0x0], $0xffff  }
0x2c1: {  	s19 =	sand.u32 $0x7F, s14;
	v20 =	vadd.f32 v24, v20;
	s1 =	sshra.s32 s1, $0x2;
	(xrf0) =	vmax.scan.msk.u32 $0xffff, v13;
	s4 =	sand.u32 $0x1E000, s4;
	v19 =	vld.idx.msk [tilespmem:v22+s18+$0x0], $0xffff  }
0x2c2: {  	s14 =	sand.u32 $0xFFFFFFF0, s31;
	v21 =	vadd.f32 v25, v21;
	v13 =	vld [tilespmem:s1+$0x100];
	s4 =	sor.u32 s19, s4;
	s1 =	smov.u32 s11  }
0x2c3: {  	s16 =	smov.u32 s1  }
.LBB2_53:
0x2c4: {  	p0 =	slt.s32 s0, $0x1;
	p6 =	sne.s32 s0, s14  }
0x2c5: {  	p0 =	por !p0, !p6  }
0x2c6: {  	s1 =	simm.s32 $0x1;
	p0 =	por !p0, !p0  }
0x2c7: {  	s3 =	sshrl.u32 s31, $0x4;
	s1 =	simm.s32 @!p0 $0x0  }
0x2c8: {  	s1 =	ssub.s32 s3, s1  }
0x2c9: {  	s3 =	sand.u32 @p1 $0xF, s16;
	s1 =	sshll.u32 s1, $0x6  }
0x2ca: {  	v22 =	vmov @p1 s3;
	s1 =	sshra.s32 s1, $0x2  }
0x2cb: {  	v13 =	vxor.u32 @p1 $0x80000000, v13;
	vm8 =	veq.s32 @p1 v22, v0;
	v57 =	vld [tilespmem:s1+$0x100]  }
0x2cc: {  	v13 =	vnsel @p1 vm8, $0x80000000, v13;
	_ =	sdelay $0x1  }
0x2cd: {  	s11 =	sand.u32 $0xF, s0;
	(xrf0) =	vmax.scan.msk.u32 @p1 $0xffff, v13  }
0x2ce: {  	v23 =	vmov s11;
	v13, _, _ =	vpop @p2 (xrf0)  }
0x2cf: {  	vm8 =	veq.s32 v23, v0;
	(v2sf) =	vpush @p2 v13, $0xF;
	v13 =	vxor.u32 $0x80000000, v57  }
0x2d0: {  	v13 =	vnsel vm8, $0x80000000, v13  }
0x2d1: {  	s14 =	sld [smem:$0x7FB]  }
0x2d2: {  	(xrf0) =	vmax.scan.msk.u32 $0xffff, v13  }
0x2d3: {  	v24 =	vor.u32 @p5 s4, v3;
	v13, _, _ =	vpop @p1 (xrf0)  }
0x2d4: {  	v24 =	vpsel p5, v24, v0;
	p0 =	seq.s32 s14, $0x1;
	(v2sf) =	vpush @p1 v13, $0xF  }
0x2d5: {  	s0 =	spop @p4 (v2sf);
	v14 =	vld.idx.msk @p0 [tilespmem:v14+s18+$0x0], $0xffff;
	v22 =	vor.u32 @p5 s4, v4;
	v23 =	vor.u32 @p5 s4, v2  }
0x2d6: {  	v15 =	vld.idx.msk @p0 [tilespmem:v15+s18+$0x0], $0xffff;
	s1 =	sshll.u32 @p4 s0, $0x6;
	v23 =	vpsel p5, v23, v0  }
0x2d7: {  	s0 =	sand.u32 @p4 $0x7F, s0;
	s1 =	sand.u32 @p4 $0x1E000, s1;
	v13 =	vor.u32 @p5 s4, v1  }
0x2d8: {  	v16 =	vadd.f32 @p0 v17, v16;
	s0 =	sor.u32 @p4 s0, s1;
	v25, _, _ =	vpop (xrf0)  }
0x2d9: {  	v17 =	vadd.f32 @p0 v19, v18;
	v24 =	vld.idx.msk @p5 [tilespmem:v24+s18+$0x0], $0xffff;
	s15 =	smov.u32 @p4 s0;
	(v2sf) =	vpush v25, $0xF  }
0x2da: {  	v14 =	vadd.f32 @p0 v14, v20;
	v22 =	vld.idx.msk @p5 [tilespmem:v22+s18+$0x0], $0xffff;
	s0 =	spop @p3 (v2sf);
	v19 =	vor.u32 @p4 s15, v1;
	v20 =	vor.u32 @p4 s15, v2  }
0x2db: {  	v15 =	vadd.f32 @p0 v15, v21;
	s1 =	sshll.u32 @p3 s0, $0x6;
	v20 =	vpsel p4, v20, v0;
	v21 =	vld.idx.msk @p5 [tilespmem:v23+s18+$0x0], $0xffff  }
0x2dc: {  	s0 =	sand.u32 @p3 $0x7F, s0;
	s1 =	sand.u32 @p3 $0x1E000, s1;
	v13 =	vld.idx.msk @p5 [tilespmem:v13+s18+$0x0], $0xffff  }
0x2dd: {  	v16 =	vpsel p0, v16, v9;
	v18 =	vor.u32 @p4 s15, v4;
	v23 =	vor.u32 @p4 s15, v3;
	s0 =	sor.u32 @p3 s0, s1  }
0x2de: {  	v17 =	vpsel p0, v17, v12;
	v15 =	vpsel p0, v15, v10;
	v23 =	vpsel p4, v23, v0;
	s0 =	smov.u32 @p3 s0  }
0x2df: {  	v15 =	vadd.f32 @p5 v24, v15;
	v22 =	vpsel p5, v22, v0;
	v19 =	vld.idx.msk @p4 [tilespmem:v19+s18+$0x0], $0xffff;
	v24 =	vor.u32 @p3 s0, v3;
	s1 =	spop @p2 (v2sf)  }
0x2e0: {  	v14 =	vpsel p0, v14, v11;
	v16 =	vadd.f32 @p5 v22, v16;
	v20 =	vld.idx.msk @p4 [tilespmem:v20+s18+$0x0], $0xffff;
	v24 =	vpsel p3, v24, v0;
	s3 =	sshll.u32 @p2 s1, $0x6  }
0x2e1: {  	v14 =	vadd.f32 @p5 v21, v14;
	v21 =	vor.u32 @p3 s0, v1;
	v13 =	vpsel p5, v13, v0;
	s1 =	sand.u32 @p2 $0x7F, s1;
	s3 =	sand.u32 @p2 $0x1E000, s3  }
0x2e2: {  	v22 =	vor.u32 @p3 s0, v2;
	v13 =	vadd.f32 @p5 v13, v17;
	v17 =	vld.idx.msk @p4 [tilespmem:v18+s18+$0x0], $0xffff;
	v18 =	vor.u32 @p3 s0, v4;
	s0 =	sor.u32 @p2 s1, s3  }
0x2e3: {  	v15 =	vpsel p5, v15, v10;
	v22 =	vpsel p3, v22, v0;
	v16 =	vpsel p5, v16, v9;
	v23 =	vld.idx.msk @p4 [tilespmem:v23+s18+$0x0], $0xffff;
	s0 =	smov.u32 @p2 s0;
	s1 =	spop @p1 (v2sf)  }
0x2e4: {  	v14 =	vpsel p5, v14, v11;
	v19 =	vpsel p4, v19, v0;
	v25 =	vor.u32 @p2 s0, v4;
	s3 =	sshll.u32 @p1 s1, $0x6  }
0x2e5: {  	v14 =	vadd.f32 @p4 v20, v14;
	v20 =	vld.idx.msk @p3 [tilespmem:v24+s18+$0x0], $0xffff;
	v26 =	vor.u32 @p2 s0, v1;
	v27 =	vor.u32 @p2 s0, v2;
	s1 =	sand.u32 @p1 $0x7F, s1;
	s3 =	sand.u32 @p1 $0x1E000, s3  }
0x2e6: {  	v21 =	vld.idx.msk @p3 [tilespmem:v21+s18+$0x0], $0xffff;
	v13 =	vpsel p5, v13, v12;
	v28 =	vor.u32 @p2 s0, v3;
	v27 =	vpsel p2, v27, v0;
	s0 =	sor.u32 @p1 s1, s3  }
0x2e7: {  	v13 =	vadd.f32 @p4 v19, v13;
	v19 =	vpsel p2, v28, v0;
	v17 =	vpsel p4, v17, v0;
	v18 =	vld.idx.msk @p3 [tilespmem:v18+s18+$0x0], $0xffff;
	s0 =	smov.u32 @p1 s0  }
0x2e8: {  	v15 =	vadd.f32 @p4 v23, v15;
	v16 =	vadd.f32 @p4 v17, v16;
	v17 =	vld.idx.msk @p3 [tilespmem:v22+s18+$0x0], $0xffff;
	s15 =	spop (v2sf);
	v22 =	vor.u32 @p1 s0, v4  }
0x2e9: {  	v14 =	vpsel p4, v14, v11;
	v23 =	vld.idx.msk @p2 [tilespmem:v25+s18+$0x0], $0xffff;
	v24 =	vor.u32 @p1 s0, v1;
	v25 =	vor.u32 @p1 s0, v2;
	s16 =	sshll.u32 s15, $0x6  }
0x2ea: {  	v15 =	vpsel p4, v15, v10;
	v26 =	vld.idx.msk @p2 [tilespmem:v26+s18+$0x0], $0xffff;
	v28 =	vor.u32 @p1 s0, v3;
	s19 =	sand.u32 $0x7F, s15;
	s31 =	sand.u32 $0x1E000, s16;
	v25 =	vpsel p1, v25, v0  }
0x2eb: {  	v15 =	vadd.f32 @p3 v20, v15;
	v21 =	vpsel p3, v21, v0;
	v27 =	vld.idx.msk @p2 [tilespmem:v27+s18+$0x0], $0xffff;
	v28 =	vpsel p1, v28, v0;
	s0 =	sor.u32 s19, s31  }
0x2ec: {  	v16 =	vpsel p4, v16, v9;
	v19 =	vld.idx.msk @p2 [tilespmem:v19+s18+$0x0], $0xffff;
	v18 =	vpsel p3, v18, v0;
	v29 =	vor.u32 s0, v4  }
0x2ed: {  	v15 =	vpsel p3, v15, v10;
	v16 =	vadd.f32 @p3 v18, v16;
	v58 =	vor.u32 s0, v1;
	v18 =	vld.idx.msk @p1 [tilespmem:v22+s18+$0x0], $0xffff  }
0x2ee: {  	v13 =	vpsel p4, v13, v12;
	v14 =	vadd.f32 @p3 v17, v14;
	v59 =	vor.u32 s0, v2;
	v17 =	vld.idx.msk @p1 [tilespmem:v24+s18+$0x0], $0xffff  }
0x2ef: {  	v13 =	vadd.f32 @p3 v21, v13;
	v60 =	vor.u32 s0, v3;
	v22 =	vpsel p2, v23, v0;
	v23 =	vld.idx.msk @p1 [tilespmem:v25+s18+$0x0], $0xffff  }
0x2f0: {  	v16 =	vpsel p3, v16, v9;
	v14 =	vpsel p3, v14, v11;
	v25 =	vpsel p2, v26, v0;
	v26 =	vld.idx.msk @p1 [tilespmem:v28+s18+$0x0], $0xffff  }
0x2f1: {  	v13 =	vpsel p3, v13, v12;
	v14 =	vadd.f32 @p2 v27, v14;
	v16 =	vadd.f32 @p2 v22, v16;
	v61 =	vld.idx.msk [tilespmem:v29+s18+$0x0], $0xffff  }
0x2f2: {  	v15 =	vadd.f32 @p2 v19, v15;
	v13 =	vadd.f32 @p2 v25, v13;
	v62 =	vld.idx.msk [tilespmem:v58+s18+$0x0], $0xffff  }
0x2f3: {  	v14 =	vpsel p2, v14, v11;
	v16 =	vpsel p2, v16, v9;
	v20 =	vld.idx.msk [tilespmem:v59+s18+$0x0], $0xffff;
	v18 =	vpsel p1, v18, v0  }
0x2f4: {  	v63 =	vld.idx.msk [tilespmem:v60+s18+$0x0], $0xffff;
	v13 =	vpsel p2, v13, v12;
	v17 =	vpsel p1, v17, v0;
	v16 =	vadd.f32 @p1 v18, v16  }
0x2f5: {  	v15 =	vpsel p2, v15, v10;
	v13 =	vadd.f32 @p1 v17, v13;
	v14 =	vadd.f32 @p1 v23, v14  }
0x2f6: {  	v15 =	vadd.f32 @p1 v26, v15  }
0x2f7: {  	v9 =	vpsel p1, v16, v9;
	v12 =	vpsel p1, v13, v12;
	v11 =	vpsel p1, v14, v11  }
0x2f8: {  	v10 =	vpsel p1, v15, v10;
	v9 =	vadd.f32 v61, v9;
	v12 =	vadd.f32 v62, v12  }
0x2f9: {  	v11 =	vadd.f32 v20, v11;
	v10 =	vadd.f32 v63, v10  }
.LBB2_54:
0x2fa: {  	s0 =	sadd.s32 $0x5, s25  }
0x2fb: {  	s1 =	sshll.u32 s0, $0x2  }
0x2fc: {  	s1 =	sand.u32 $0x3C0, s1  }
0x2fd: {  	v13 =	vld [tilespmem:s30+$0x200];
	s30 =	sshrl.u32 s1, $0x2  }
0x2fe: {  	v14 =	vld [tilespmem:s30+$0x200];
	_ =	sdelay $0x2  }
0x2ff: {  	s0 =	sand.u32 $0xF, s0  }
0x300: {  	v15 =	vmov s0;
	v13 =	vxor.u32 $0x80000000, v13  }
0x301: {  	v13 =	vnsel vm7, $0x80000000, v13;
	vm7 =	veq.s32 v15, v0;
	v14 =	vxor.u32 $0x80000000, v14  }
0x302: {  	(xrf0) =	vmax.scan.msk.u32 $0xffff, v13;
	v13 =	vnsel vm7, $0x80000000, v14  }
0x303: {  	(xrf0) =	vmax.scan.msk.u32 $0xffff, v13;
	_ =	sdelay $0x4  }
0x304: {  	v13, _, _ =	vpop (xrf0)  }
0x305: {  	(v2sf) =	vpush v13, $0xF;
	v13, _, _ =	vpop (xrf0)  }
0x306: {  	(v2sf) =	vpush v13, $0xF;
	_ =	sdelay $0xd  }
0x307: {  	s1 =	spop (v2sf)  }
0x308: {  	s0 =	spop (v2sf)  }
0x309: {  	s3 =	sxor.u32 $0x80000000, s1;
	s4 =	sxor.u32 $0x80000000, s0  }
0x30a: {  	p0 =	sge.s32 s3, s4  }
.Ltmp34:
0x30b: {  	_ = 	snop;
	(pc) =	sbr.rel @p0 .LBB2_58-.Ltmp34, $1  }
0x30c: {  	_ =	sdelay $0x3  }
0x30d: {  	s3 =	sadd.s32 $0x80000000, s1  }
0x30e: {  	s4 =	sshra.s32 s3, $0x1F  }
0x30f: {  	s4 =	sshrl.u32 s4, $0x1C  }
0x310: {  	s4 =	sadd.s32 s4, s3  }
0x311: {  	s11 =	sand.u32 $0xFFFFFFF0, s4  }
0x312: {  	p0 =	slt.s32 s3, $0x1;
	p1 =	sne.s32 s3, s11  }
0x313: {  	p0 =	por !p0, !p1  }
0x314: {  	s11 =	simm.s32 $0x1;
	p0 =	por !p0, !p0  }
0x315: {  	s4 =	sshrl.u32 s4, $0x4;
	s11 =	simm.s32 @!p0 $0x0  }
0x316: {  	s4 =	ssub.s32 s4, s11  }
0x317: {  	s4 =	sshll.u32 s4, $0x4  }
0x318: {  	v13 =	vld [tilespmem:s4+$0x100];
	_ =	sdelay $0x2  }
0x319: {  	s3 =	sand.u32 $0xF, s3  }
0x31a: {  	v14 =	vmov s3  }
0x31b: {  	vm8 =	veq.s32 v14, v0;
	v13 =	vxor.u32 $0x80000000, v13  }
0x31c: {  	v13 =	vnsel vm8, $0x80000000, v13  }
0x31d: {  	(xrf0) =	vmax.scan.msk.u32 $0xffff, v13;
	_ =	sdelay $0x5  }
0x31e: {  	v13, _, _ =	vpop (xrf0)  }
0x31f: {  	(v2sf) =	vpush v13, $0xF;
	_ =	sdelay $0xe  }
0x320: {  	s3 =	spop (v2sf)  }
0x321: {  	p2 =	slt.u32 s3, $0x80000800  }
0x322: {  	v13 =	vld @!p2 [tilespmem:s4+$0x0];
	_ =	sdelay $0x3  }
0x323: {  	v15 =	vlaneseq.u32 @!p2  }
0x324: {  	vm8 =	veq.s32 @!p2 v14, v15;
	v13 =	vxor.u32 @!p2 $0x80000000, v13  }
0x325: {  	v13 =	vnsel @!p2 vm8, $0x80000000, v13  }
0x326: {  	(xrf0) =	vmax.scan.msk.u32 @!p2 $0xffff, v13  }
0x327: {  	s1 =	sadd.s32 $0x1, s1  }
0x328: {  	p0 =	sne.s32 s0, s1  }
.Ltmp35:
0x329: {  	_ = 	snop;
	(pc) =	sbr.rel @!p0 .LBB2_57-.Ltmp35, $3  }
0x32a: {  	_ =	sdelay $0x1  }
0x32b: {  	v13, _, _ =	vpop @!p2 (xrf0)  }
0x32c: {  	(v2sf) =	vpush @!p2 v13, $0xF  }
.LBB2_56:
0x32d: {  	_ =	sdelay $0x3  }
0x32e: {  	s4 =	sadd.s32 $0x80000000, s1  }
0x32f: {  	s11 =	sshra.s32 s4, $0x1F  }
0x330: {  	s11 =	sshrl.u32 s11, $0x1C  }
0x331: {  	s1 =	sadd.s32 $0x1, s1;
	s11 =	sadd.s32 s11, s4  }
0x332: {  	p1 =	sne.s32 s0, s1;
	s14 =	sand.u32 $0xFFFFFFF0, s11  }
0x333: {  	p0 =	slt.s32 s4, $0x1;
	p3 =	sne.s32 s4, s14  }
0x334: {  	p0 =	por !p0, !p3  }
0x335: {  	s14 =	simm.s32 $0x1;
	p0 =	por !p0, !p0  }
0x336: {  	s11 =	sshrl.u32 s11, $0x4;
	s14 =	simm.s32 @!p0 $0x0  }
0x337: {  	s11 =	ssub.s32 s11, s14  }
0x338: {  	s3 =	sshll.u32 @!p2 s3, $0x6;
	s11 =	sshll.u32 s11, $0x4;
	s14 =	spop @!p2 (v2sf)  }
0x339: {  	s15 =	simm.s32 @!p2 $0x400;
	s3 =	sand.u32 @!p2 $0x1E000, s3;
	s14 =	sand.u32 @!p2 $0x1FFFFF80, s14  }
0x33a: {  	s16 =	simm.s32 @!p2 $0x7A1400;
	s3 =	sor.u32 @!p2 $0x300, s3;
	s14 =	sadd.s32 @!p2 s2, s14  }
0x33b: {  	[tilespmem:s3], [sflag:$0x2] =	stream.strided.gather @!p2 [hbm4b:s14+s15], $0x2000, s16, s15, $0x38;
	[tilespmem:$0x1C400] =	vst v63  }
0x33c: {  	v13 =	vld [tilespmem:s11+$0x100];
	_ =	sdelay $0x2  }
0x33d: {  	s3 =	sand.u32 $0xF, s4  }
0x33e: {  	v14 =	vmov s3  }
0x33f: {  	vm8 =	veq.s32 v14, v0;
	v13 =	vxor.u32 $0x80000000, v13  }
0x340: {  	v13 =	vnsel vm8, $0x80000000, v13  }
0x341: {  	(xrf0) =	vmax.scan.msk.u32 $0xffff, v13;
	_ =	sdelay $0x5  }
0x342: {  	v13, _, _ =	vpop (xrf0)  }
0x343: {  	(v2sf) =	vpush v13, $0xF;
	_ =	sdelay $0xe  }
0x344: {  	s3 =	spop (v2sf)  }
0x345: {  	p2 =	slt.u32 s3, $0x80000800  }
0x346: {  	v13 =	vld @!p2 [tilespmem:s11+$0x0];
	_ =	sdelay $0x3  }
0x347: {  	v15 =	vlaneseq.u32 @!p2  }
0x348: {  	vm8 =	veq.s32 @!p2 v14, v15;
	v13 =	vxor.u32 @!p2 $0x80000000, v13  }
0x349: {  	v13 =	vnsel @!p2 vm8, $0x80000000, v13  }
0x34a: {  	(xrf0) =	vmax.scan.msk.u32 @!p2 $0xffff, v13;
	_ =	sdelay $0x2  }
.Ltmp36:
0x34b: {  	(pc) =	sbr.rel @p1 .LBB2_56-.Ltmp36, $3  }
0x34c: {  	_ =	sdelay $0x1  }
0x34d: {  	v13, _, _ =	vpop @!p2 (xrf0)  }
0x34e: {  	(v2sf) =	vpush @!p2 v13, $0xF  }
.LBB2_57:
0x34f: {  	_ =	sdelay $0xd  }
0x350: {  	s0 =	sshll.u32 @!p2 s3, $0x6;
	s1 =	spop @!p2 (v2sf)  }
0x351: {  	s3 =	simm.s32 @!p2 $0x400;
	s0 =	sand.u32 @!p2 $0x1E000, s0;
	s1 =	sand.u32 @!p2 $0x1FFFFF80, s1  }
0x352: {  	s4 =	simm.s32 @!p2 $0x7A1400;
	s0 =	sor.u32 @!p2 $0x300, s0;
	s1 =	sadd.s32 @!p2 s2, s1  }
0x353: {  	[tilespmem:s0], [sflag:$0x2] =	stream.strided.gather @!p2 [hbm4b:s1+s3], $0x2000, s4, s3, $0x38;
	[tilespmem:$0x1C400] =	vst v63  }
.LBB2_58:
0x354: {  	p0 =	sge.s32 s29, s23  }
0x355: {  	s0 =	simm.s32 @!p0 $0x3  }
0x356: {  	s1 =	sor.u32 $0x1, s29;
	_ =	swait.ge @!p0 [sflag:s0], $0x2000  }
0x357: {  	p1 =	sge.s32 s1, s23;
	[sflag:s0] =	ssyncset.done @!p0 $0x0  }
0x358: {  	[sflag:s0] =	ssyncadd.s32 @!p0 $0xFFFFE000;
	s0 =	simm.s32 @!p1 $0x3  }
0x359: {  	s19 =	sor.u32 $0x2, s29;
	_ =	swait.ge @!p1 [sflag:s0], $0x2000  }
0x35a: {  	p0 =	sge.s32 s19, s23;
	[sflag:s0] =	ssyncset.done @!p1 $0x0  }
0x35b: {  	[sflag:s0] =	ssyncadd.s32 @!p1 $0xFFFFE000;
	s0 =	simm.s32 @!p0 $0x3  }
0x35c: {  	s29 =	sor.u32 $0x3, s29;
	_ =	swait.ge @!p0 [sflag:s0], $0x2000  }
0x35d: {  	p1 =	sge.s32 s29, s23;
	[sflag:s0] =	ssyncset.done @!p0 $0x0  }
0x35e: {  	[sflag:s0] =	ssyncadd.s32 @!p0 $0xFFFFE000;
	s0 =	simm.s32 @!p1 $0x3  }
0x35f: {  	_ =	swait.ge @!p1 [sflag:s0], $0x2000  }
0x360: {  	[sflag:s0] =	ssyncset.done @!p1 $0x0  }
0x361: {  	[sflag:s0] =	ssyncadd.s32 @!p1 $0xFFFFE000  }
0x362: {  	v13 =	vld [tilespmem:s28+$0x200]  }
0x363: {  	v14 =	vld [tilespmem:s26+$0x200];
	_ =	sdelay $0x3  }
0x364: {  	v13 =	vxor.u32 $0x80000000, v13  }
0x365: {  	v14 =	vxor.u32 $0x80000000, v14;
	v13 =	vnsel vm6, $0x80000000, v13  }
0x366: {  	(xrf0) =	vmax.scan.msk.u32 $0xffff, v13;
	v13 =	vnsel vm5, $0x80000000, v14  }
0x367: {  	(xrf0) =	vmax.scan.msk.u32 $0xffff, v13;
	_ =	sdelay $0x4  }
0x368: {  	v13, _, _ =	vpop (xrf0)  }
0x369: {  	(v2sf) =	vpush v13, $0xF;
	v13, _, _ =	vpop (xrf0)  }
0x36a: {  	(v2sf) =	vpush v13, $0xF;
	_ =	sdelay $0xd  }
0x36b: {  	s0 =	spop (v2sf)  }
0x36c: {  	s3 =	spop (v2sf)  }
0x36d: {  	s31 =	sxor.u32 $0x80000000, s0;
	s4 =	sxor.u32 $0x80000000, s3  }
0x36e: {  	p0 =	sge.s32 s31, s4  }
.Ltmp37:
0x36f: {  	_ = 	snop;
	(pc) =	sbr.rel @p0 .LBB2_76-.Ltmp37, $1  }
0x370: {  	_ =	sdelay $0x3  }
0x371: {  	s1 =	sadd.s32 $0x80000000, s0;
	s0 =	sadd.s32 $0x1, s0  }
0x372: {  	p0 =	sne.s32 s3, s0  }
.Ltmp38:
0x373: {  	_ = 	snop;
	(pc) =	sbr.rel @!p0 .LBB2_60-.Ltmp38, $4  }
0x374: {  	s4 =	sshra.s32 s1, $0x1F  }
0x375: {  	p1 =	por $0x0, $0x0;
	s4 =	sshrl.u32 s4, $0x1C  }
0x376: {  	p2 =	por $0x0, $0x0;
	p3 =	por $0x0, $0x0;
	s26 =	sadd.s32 s4, s1  }
0x377: {  	p4 =	por $0x0, $0x0;
	p5 =	por $0x0, $0x0;
	s14 =	sand.u32 $0xFFFFFFF0, s26  }
0x378: {  	p0 =	slt.s32 s1, $0x1;
	p1 =	sne.s32 s1, s14  }
0x379: {  	s4 =	simm.s32 $0x1;
	p0 =	por !p0, !p1  }
0x37a: {  	s11 =	sadd.s32 $0x80000000, s0;
	s0 =	sadd.s32 $0x1, s0;
	p0 =	por !p0, !p0  }
0x37b: {  	s4 =	simm.s32 @!p0 $0x0;
	p0 =	sne.s32 s3, s0  }
.Ltmp39:
0x37c: {  	s29 =	sshrl.u32 s26, $0x4;
	(pc) =	sbr.rel @!p0 .LBB2_62-.Ltmp39, $4  }
0x37d: {  	s15 =	sshra.s32 s11, $0x1F;
	s4 =	ssub.s32 s29, s4  }
0x37e: {  	s31 =	sshrl.u32 s15, $0x1C;
	s4 =	sshll.u32 s4, $0x6  }
0x37f: {  	s26 =	sadd.s32 s31, s11;
	s4 =	sshra.s32 s4, $0x2  }
0x380: {  	p1 =	por $0x1, $0x1;
	s14 =	sand.u32 $0xFFFFFFF0, s26;
	v13 =	vld [tilespmem:s4+$0x100]  }
0x381: {  	p0 =	slt.s32 s11, $0x1;
	p2 =	sne.s32 s11, s14  }
0x382: {  	s4 =	sadd.s32 $0x80000000, s0;
	p0 =	por !p0, !p2  }
0x383: {  	s14 =	simm.s32 $0x1;
	s0 =	sadd.s32 $0x1, s0;
	p0 =	por !p0, !p0  }
0x384: {  	s14 =	simm.s32 @!p0 $0x0;
	p0 =	sne.s32 s3, s0  }
.Ltmp40:
0x385: {  	s1 =	sand.u32 $0xF, s1;
	s15 =	sshrl.u32 s26, $0x4;
	(pc) =	sbr.rel @!p0 .LBB2_64-.Ltmp40, $4  }
0x386: {  	s16 =	sshra.s32 s4, $0x1F;
	v14 =	vmov s1;
	s29 =	ssub.s32 s15, s14  }
0x387: {  	s31 =	sshrl.u32 s16, $0x1C;
	vm5 =	veq.s32 v14, v0;
	v13 =	vxor.u32 $0x80000000, v13;
	s1 =	sshll.u32 s29, $0x6  }
0x388: {  	s26 =	sadd.s32 s31, s4;
	v13 =	vnsel vm5, $0x80000000, v13;
	s1 =	sshra.s32 s1, $0x2  }
0x389: {  	p2 =	por $0x1, $0x1;
	s14 =	sand.u32 $0xFFFFFFF0, s26;
	(xrf0) =	vmax.scan.msk.u32 $0xffff, v13;
	v13 =	vld [tilespmem:s1+$0x100]  }
0x38a: {  	p0 =	slt.s32 s4, $0x1;
	p3 =	sne.s32 s4, s14  }
0x38b: {  	s1 =	sadd.s32 $0x80000000, s0;
	p0 =	por !p0, !p3  }
0x38c: {  	s14 =	simm.s32 $0x1;
	s0 =	sadd.s32 $0x1, s0;
	p0 =	por !p0, !p0  }
0x38d: {  	s11 =	sand.u32 $0xF, s11;
	s14 =	simm.s32 @!p0 $0x0;
	p0 =	sne.s32 s3, s0  }
.Ltmp41:
0x38e: {  	s15 =	sshrl.u32 s26, $0x4;
	v14 =	vmov s11;
	(pc) =	sbr.rel @!p0 .LBB2_66-.Ltmp41, $4  }
0x38f: {  	s16 =	sshra.s32 s1, $0x1F;
	s29 =	ssub.s32 s15, s14  }
0x390: {  	s31 =	sshrl.u32 s16, $0x1C;
	vm5 =	veq.s32 v14, v0;
	v13 =	vxor.u32 $0x80000000, v13;
	s11 =	sshll.u32 s29, $0x6  }
0x391: {  	s26 =	sadd.s32 s31, s1;
	v14, _, _ =	vpop (xrf0);
	v13 =	vnsel vm5, $0x80000000, v13;
	s11 =	sshra.s32 s11, $0x2  }
0x392: {  	p3 =	por $0x1, $0x1;
	s14 =	sand.u32 $0xFFFFFFF0, s26;
	(v2sf) =	vpush v14, $0xF;
	(xrf0) =	vmax.scan.msk.u32 $0xffff, v13;
	v13 =	vld [tilespmem:s11+$0x100]  }
0x393: {  	p0 =	slt.s32 s1, $0x1;
	p4 =	sne.s32 s1, s14  }
0x394: {  	s11 =	sadd.s32 $0x80000000, s0;
	p0 =	por !p0, !p4  }
0x395: {  	s14 =	simm.s32 $0x1;
	s0 =	sadd.s32 $0x1, s0;
	p0 =	por !p0, !p0  }
0x396: {  	s4 =	sand.u32 $0xF, s4;
	s14 =	simm.s32 @!p0 $0x0;
	p0 =	sne.s32 s3, s0  }
.Ltmp42:
0x397: {  	s15 =	sshrl.u32 s26, $0x4;
	v14 =	vmov s4;
	(pc) =	sbr.rel @!p0 .LBB2_68-.Ltmp42, $4  }
0x398: {  	s16 =	sshra.s32 s11, $0x1F;
	s29 =	ssub.s32 s15, s14  }
0x399: {  	s31 =	sshrl.u32 s16, $0x1C;
	vm5 =	veq.s32 v14, v0;
	v13 =	vxor.u32 $0x80000000, v13;
	s4 =	sshll.u32 s29, $0x6  }
0x39a: {  	s26 =	sadd.s32 s31, s11;
	v14, _, _ =	vpop (xrf0);
	v13 =	vnsel vm5, $0x80000000, v13;
	s4 =	sshra.s32 s4, $0x2  }
0x39b: {  	p4 =	por $0x1, $0x1;
	s14 =	sand.u32 $0xFFFFFFF0, s26;
	(v2sf) =	vpush v14, $0xF;
	(xrf0) =	vmax.scan.msk.u32 $0xffff, v13;
	v13 =	vld [tilespmem:s4+$0x100]  }
0x39c: {  	_ = 	snop  }
0x39d: {  	s19 =	sand.u32 $0xF, s1  }
0x39e: {  	v14 =	vmov s19;
	_ =	sdelay $0x2  }
0x39f: {  	vm5 =	veq.s32 v14, v0;
	v14, _, _ =	vpop (xrf0)  }
0x3a0: {  	p0 =	slt.s32 s11, $0x1;
	p5 =	sne.s32 s11, s14;
	s28 =	spop (v2sf);
	(v2sf) =	vpush v14, $0xF  }
0x3a1: {  	p0 =	por !p0, !p5  }
0x3a2: {  	s15 =	simm.s32 $0x1;
	s1 =	sadd.s32 $0x1, s0;
	p0 =	por !p0, !p0  }
0x3a3: {  	s16 =	sadd.s32 $0x80000000, s0;
	s15 =	simm.s32 @!p0 $0x0;
	p0 =	sne.s32 s3, s1  }
.Ltmp43:
0x3a4: {  	s26 =	sshrl.u32 s26, $0x4;
	s4 =	sshra.s32 s16, $0x1F;
	(pc) =	sbr.rel @!p0 .LBB2_70-.Ltmp43, $4  }
0x3a5: {  	s4 =	sshrl.u32 s4, $0x1C;
	s0 =	ssub.s32 s26, s15  }
0x3a6: {  	v13 =	vxor.u32 $0x80000000, v13;
	s26 =	sadd.s32 s4, s16;
	s0 =	sshll.u32 s0, $0x6;
	s29 =	sshll.u32 s28, $0x6  }
0x3a7: {  	v13 =	vnsel vm5, $0x80000000, v13;
	s0 =	sshra.s32 s0, $0x2;
	s31 =	sand.u32 $0x7F, s28;
	s4 =	sand.u32 $0x1E000, s29  }
0x3a8: {  	p5 =	por $0x1, $0x1;
	s14 =	sand.u32 $0xFFFFFFF0, s26;
	(xrf0) =	vmax.scan.msk.u32 $0xffff, v13;
	v13 =	vld [tilespmem:s0+$0x100];
	s4 =	sor.u32 s31, s4  }
0x3a9: {  	_ = 	snop  }
0x3aa: {  	s11 =	sand.u32 $0xF, s11  }
0x3ab: {  	s0 =	sadd.s32 $0x80000000, s1;
	p0 =	slt.s32 s16, $0x1;
	p6 =	sne.s32 s16, s14;
	v16 =	vmov s11  }
0x3ac: {  	v14 =	vor.u32 s4, v4;
	s15 =	sshra.s32 s0, $0x1F;
	p0 =	por !p0, !p6  }
0x3ad: {  	s14 =	sshrl.u32 s15, $0x1C;
	p0 =	por !p0, !p0;
	s15 =	simm.s32 $0x1  }
0x3ae: {  	v15 =	vor.u32 s4, v1;
	s1 =	sadd.s32 $0x1, s1;
	s19 =	sshrl.u32 s26, $0x4;
	vm5 =	veq.s32 v16, v0;
	s15 =	simm.s32 @!p0 $0x0;
	v16, _, _ =	vpop (xrf0)  }
0x3af: {  	p0 =	sne.s32 s3, s1;
	s19 =	ssub.s32 s19, s15;
	(v2sf) =	vpush v16, $0xF  }
.Ltmp44:
0x3b0: {  	s28 =	spop (v2sf);
	v13 =	vxor.u32 $0x80000000, v13;
	s11 =	sshll.u32 s19, $0x6;
	(pc) =	sbr.rel @!p0 .LBB2_72-.Ltmp44, $4  }
0x3b1: {  	s29 =	sshll.u32 s28, $0x6;
	p6 =	por $0x1, $0x1;
	v17 =	vld.idx.msk [tilespmem:v14+s18+$0x0], $0xffff;
	v13 =	vnsel vm5, $0x80000000, v13;
	s11 =	sshra.s32 s11, $0x2  }
0x3b2: {  	s31 =	sand.u32 $0x1E000, s29;
	v14 =	vor.u32 s4, v2;
	(xrf0) =	vmax.scan.msk.u32 $0xffff, v13;
	v13 =	vld [tilespmem:s11+$0x100];
	s11 =	simm.s32 @!p6 $0x0  }
0x3b3: {  	s26 =	sadd.s32 s14, s0;
	s15 =	sand.u32 $0x7F, s28;
	v19 =	vld.idx.msk [tilespmem:v15+s18+$0x0], $0xffff;
	v15 =	vor.u32 s4, v3;
	s11 =	simm.s32 @p6 $0x1  }
0x3b4: {  	v18 =	vmovc v12;
	v20 =	vmov v11;
	v21 =	vmov v10;
	s14 =	sand.u32 $0xFFFFFFF0, s26;
	s15 =	sor.u32 s15, s31;
	v16 =	vmov v9;
	[smem:$0x7FA] =	sst s11  }
.LBB2_73:
0x3b5: {  	p0 =	slt.s32 s0, $0x1  }
0x3b6: {  	p6 =	sne.s32 s0, s14;
	s11 =	smov.u32 s0;
	s0 =	sadd.s32 $0x80000000, s1  }
0x3b7: {  	v22 =	vor.u32 s15, v1;
	v23 =	vor.u32 s15, v4;
	v24 =	vld.idx.msk [tilespmem:v14+s18+$0x0], $0xffff;
	v14 =	vor.u32 s15, v2;
	s1 =	sadd.s32 $0x1, s1;
	s19 =	simm.s32 $0x1;
	p0 =	por !p0, !p6  }
0x3b8: {  	s14 =	sshra.s32 s0, $0x1F;
	v25 =	vld.idx.msk [tilespmem:v15+s18+$0x0], $0xffff;
	v15 =	vor.u32 s15, v3;
	s15 =	sand.u32 $0xF, s16;
	p0 =	por !p0, !p0  }
0x3b9: {  	s14 =	sshrl.u32 s14, $0x1C;
	s19 =	simm.s32 @!p0 $0x0;
	p0 =	sne.s32 s3, s1  }
.Ltmp45:
0x3ba: {  	s16 =	sshrl.u32 s26, $0x4;
	v26 =	vmov s15;
	v16 =	vadd.f32 v17, v16;
	(pc) =	sbr.rel @p0 .LBB2_73-.Ltmp45, $4  }
0x3bb: {  	vm5 =	veq.s32 v26, v0;
	v18 =	vadd.f32 v19, v18;
	s15 =	ssub.s32 s16, s19;
	v13 =	vxor.u32 $0x80000000, v13;
	v17, _, _ =	vpop (xrf0);
	s16 =	spop (v2sf)  }
0x3bc: {  	s26 =	sadd.s32 s14, s0;
	s14 =	sshll.u32 s15, $0x6;
	v13 =	vnsel vm5, $0x80000000, v13;
	(v2sf) =	vpush v17, $0xF;
	s15 =	sshll.u32 s16, $0x6;
	v17 =	vld.idx.msk [tilespmem:v23+s18+$0x0], $0xffff  }
0x3bd: {  	s16 =	sand.u32 $0x7F, s16;
	v20 =	vadd.f32 v24, v20;
	s19 =	sshra.s32 s14, $0x2;
	(xrf0) =	vmax.scan.msk.u32 $0xffff, v13;
	s15 =	sand.u32 $0x1E000, s15;
	v19 =	vld.idx.msk [tilespmem:v22+s18+$0x0], $0xffff  }
0x3be: {  	s14 =	sand.u32 $0xFFFFFFF0, s26;
	v21 =	vadd.f32 v25, v21;
	v13 =	vld [tilespmem:s19+$0x100];
	s15 =	sor.u32 s16, s15;
	s16 =	smov.u32 s11  }
0x3bf: {  	s1 =	smov.u32 s16  }
.LBB2_75:
0x3c0: {  	p0 =	slt.s32 s0, $0x1;
	p6 =	sne.s32 s0, s14  }
0x3c1: {  	p0 =	por !p0, !p6  }
0x3c2: {  	s3 =	simm.s32 $0x1;
	p0 =	por !p0, !p0  }
0x3c3: {  	s11 =	sshrl.u32 s26, $0x4;
	s3 =	simm.s32 @!p0 $0x0  }
0x3c4: {  	s3 =	ssub.s32 s11, s3  }
0x3c5: {  	s1 =	sand.u32 @p1 $0xF, s1;
	s3 =	sshll.u32 s3, $0x6  }
0x3c6: {  	v22 =	vmov @p1 s1;
	s14 =	sshra.s32 s3, $0x2  }
0x3c7: {  	vm5 =	veq.s32 @p1 v22, v0;
	v13 =	vxor.u32 @p1 $0x80000000, v13;
	v57 =	vld [tilespmem:s14+$0x100]  }
0x3c8: {  	v13 =	vnsel @p1 vm5, $0x80000000, v13;
	_ =	sdelay $0x1  }
0x3c9: {  	s16 =	sand.u32 $0xF, s0;
	(xrf0) =	vmax.scan.msk.u32 @p1 $0xffff, v13  }
0x3ca: {  	v23 =	vmov s16;
	v13, _, _ =	vpop @p2 (xrf0)  }
0x3cb: {  	vm5 =	veq.s32 v23, v0;
	(v2sf) =	vpush @p2 v13, $0xF;
	v13 =	vxor.u32 $0x80000000, v57  }
0x3cc: {  	v13 =	vnsel vm5, $0x80000000, v13  }
0x3cd: {  	s19 =	sld [smem:$0x7FA]  }
0x3ce: {  	(xrf0) =	vmax.scan.msk.u32 $0xffff, v13  }
0x3cf: {  	v24 =	vor.u32 @p5 s15, v3;
	v13, _, _ =	vpop @p1 (xrf0)  }
0x3d0: {  	v24 =	vpsel p5, v24, v0;
	p0 =	seq.s32 s19, $0x1;
	(v2sf) =	vpush @p1 v13, $0xF  }
0x3d1: {  	s0 =	spop @p4 (v2sf);
	v22 =	vor.u32 @p5 s15, v4;
	v23 =	vor.u32 @p5 s15, v2;
	v14 =	vld.idx.msk @p0 [tilespmem:v14+s18+$0x0], $0xffff  }
0x3d2: {  	s1 =	sshll.u32 @p4 s0, $0x6;
	v15 =	vld.idx.msk @p0 [tilespmem:v15+s18+$0x0], $0xffff;
	v23 =	vpsel p5, v23, v0  }
0x3d3: {  	s0 =	sand.u32 @p4 $0x7F, s0;
	s1 =	sand.u32 @p4 $0x1E000, s1;
	v13 =	vor.u32 @p5 s15, v1  }
0x3d4: {  	s0 =	sor.u32 @p4 s0, s1;
	v16 =	vadd.f32 @p0 v17, v16;
	v25, _, _ =	vpop (xrf0)  }
0x3d5: {  	s4 =	smov.u32 @p4 s0;
	v17 =	vadd.f32 @p0 v19, v18;
	v24 =	vld.idx.msk @p5 [tilespmem:v24+s18+$0x0], $0xffff;
	(v2sf) =	vpush v25, $0xF  }
0x3d6: {  	v19 =	vor.u32 @p4 s4, v1;
	v22 =	vld.idx.msk @p5 [tilespmem:v22+s18+$0x0], $0xffff;
	v14 =	vadd.f32 @p0 v14, v20;
	v20 =	vor.u32 @p4 s4, v2  }
0x3d7: {  	v15 =	vadd.f32 @p0 v15, v21;
	v21 =	vld.idx.msk @p5 [tilespmem:v23+s18+$0x0], $0xffff;
	v20 =	vpsel p4, v20, v0;
	s0 =	spop @p3 (v2sf)  }
0x3d8: {  	s1 =	sshll.u32 @p3 s0, $0x6;
	v13 =	vld.idx.msk @p5 [tilespmem:v13+s18+$0x0], $0xffff  }
0x3d9: {  	v18 =	vor.u32 @p4 s4, v4;
	v16 =	vpsel p0, v16, v9;
	v23 =	vor.u32 @p4 s4, v3;
	s0 =	sand.u32 @p3 $0x7F, s0;
	s1 =	sand.u32 @p3 $0x1E000, s1  }
0x3da: {  	v17 =	vpsel p0, v17, v12;
	v23 =	vpsel p4, v23, v0;
	v15 =	vpsel p0, v15, v10;
	s0 =	sor.u32 @p3 s0, s1  }
0x3db: {  	v19 =	vld.idx.msk @p4 [tilespmem:v19+s18+$0x0], $0xffff;
	v14 =	vpsel p0, v14, v11;
	v22 =	vpsel p5, v22, v0;
	v15 =	vadd.f32 @p5 v24, v15;
	s0 =	smov.u32 @p3 s0;
	s1 =	spop @p2 (v2sf)  }
0x3dc: {  	v14 =	vadd.f32 @p5 v21, v14;
	v20 =	vld.idx.msk @p4 [tilespmem:v20+s18+$0x0], $0xffff;
	v21 =	vor.u32 @p3 s0, v1;
	v24 =	vor.u32 @p3 s0, v3;
	s3 =	sshll.u32 @p2 s1, $0x6  }
0x3dd: {  	v16 =	vadd.f32 @p5 v22, v16;
	v24 =	vpsel p3, v24, v0;
	s1 =	sand.u32 @p2 $0x7F, s1;
	s3 =	sand.u32 @p2 $0x1E000, s3;
	v13 =	vpsel p5, v13, v0  }
0x3de: {  	v22 =	vor.u32 @p3 s0, v2;
	v13 =	vadd.f32 @p5 v13, v17;
	v17 =	vld.idx.msk @p4 [tilespmem:v18+s18+$0x0], $0xffff;
	v18 =	vor.u32 @p3 s0, v4;
	s0 =	sor.u32 @p2 s1, s3  }
0x3df: {  	v15 =	vpsel p5, v15, v10;
	v16 =	vpsel p5, v16, v9;
	v23 =	vld.idx.msk @p4 [tilespmem:v23+s18+$0x0], $0xffff;
	v22 =	vpsel p3, v22, v0;
	s0 =	smov.u32 @p2 s0;
	s1 =	spop @p1 (v2sf)  }
0x3e0: {  	v19 =	vpsel p4, v19, v0;
	v14 =	vpsel p5, v14, v11;
	v25 =	vor.u32 @p2 s0, v4;
	s3 =	sshll.u32 @p1 s1, $0x6  }
0x3e1: {  	v14 =	vadd.f32 @p4 v20, v14;
	v21 =	vld.idx.msk @p3 [tilespmem:v21+s18+$0x0], $0xffff;
	v26 =	vor.u32 @p2 s0, v1;
	v27 =	vor.u32 @p2 s0, v2;
	s1 =	sand.u32 @p1 $0x7F, s1;
	s3 =	sand.u32 @p1 $0x1E000, s3  }
0x3e2: {  	v20 =	vld.idx.msk @p3 [tilespmem:v24+s18+$0x0], $0xffff;
	v13 =	vpsel p5, v13, v12;
	v28 =	vor.u32 @p2 s0, v3;
	v27 =	vpsel p2, v27, v0;
	s0 =	sor.u32 @p1 s1, s3  }
0x3e3: {  	v13 =	vadd.f32 @p4 v19, v13;
	v19 =	vpsel p2, v28, v0;
	v17 =	vpsel p4, v17, v0;
	v18 =	vld.idx.msk @p3 [tilespmem:v18+s18+$0x0], $0xffff;
	s0 =	smov.u32 @p1 s0  }
0x3e4: {  	v15 =	vadd.f32 @p4 v23, v15;
	v16 =	vadd.f32 @p4 v17, v16;
	v17 =	vld.idx.msk @p3 [tilespmem:v22+s18+$0x0], $0xffff;
	s26 =	spop (v2sf);
	v22 =	vor.u32 @p1 s0, v4  }
0x3e5: {  	v14 =	vpsel p4, v14, v11;
	v23 =	vld.idx.msk @p2 [tilespmem:v25+s18+$0x0], $0xffff;
	v24 =	vor.u32 @p1 s0, v1;
	v25 =	vor.u32 @p1 s0, v2;
	s28 =	sshll.u32 s26, $0x6  }
0x3e6: {  	v15 =	vpsel p4, v15, v10;
	v26 =	vld.idx.msk @p2 [tilespmem:v26+s18+$0x0], $0xffff;
	v28 =	vor.u32 @p1 s0, v3;
	s29 =	sand.u32 $0x7F, s26;
	s31 =	sand.u32 $0x1E000, s28;
	v25 =	vpsel p1, v25, v0  }
0x3e7: {  	v21 =	vpsel p3, v21, v0;
	v15 =	vadd.f32 @p3 v20, v15;
	v27 =	vld.idx.msk @p2 [tilespmem:v27+s18+$0x0], $0xffff;
	v28 =	vpsel p1, v28, v0;
	s0 =	sor.u32 s29, s31  }
0x3e8: {  	v16 =	vpsel p4, v16, v9;
	v19 =	vld.idx.msk @p2 [tilespmem:v19+s18+$0x0], $0xffff;
	v18 =	vpsel p3, v18, v0;
	v29 =	vor.u32 s0, v4  }
0x3e9: {  	v15 =	vpsel p3, v15, v10;
	v16 =	vadd.f32 @p3 v18, v16;
	v58 =	vor.u32 s0, v1;
	v18 =	vld.idx.msk @p1 [tilespmem:v22+s18+$0x0], $0xffff  }
0x3ea: {  	v13 =	vpsel p4, v13, v12;
	v14 =	vadd.f32 @p3 v17, v14;
	v59 =	vor.u32 s0, v2;
	v17 =	vld.idx.msk @p1 [tilespmem:v24+s18+$0x0], $0xffff  }
0x3eb: {  	v13 =	vadd.f32 @p3 v21, v13;
	v60 =	vor.u32 s0, v3;
	v22 =	vpsel p2, v23, v0;
	v23 =	vld.idx.msk @p1 [tilespmem:v25+s18+$0x0], $0xffff  }
0x3ec: {  	v16 =	vpsel p3, v16, v9;
	v14 =	vpsel p3, v14, v11;
	v25 =	vpsel p2, v26, v0;
	v26 =	vld.idx.msk @p1 [tilespmem:v28+s18+$0x0], $0xffff  }
0x3ed: {  	v13 =	vpsel p3, v13, v12;
	v14 =	vadd.f32 @p2 v27, v14;
	v16 =	vadd.f32 @p2 v22, v16;
	v61 =	vld.idx.msk [tilespmem:v29+s18+$0x0], $0xffff  }
0x3ee: {  	v15 =	vadd.f32 @p2 v19, v15;
	v13 =	vadd.f32 @p2 v25, v13;
	v62 =	vld.idx.msk [tilespmem:v58+s18+$0x0], $0xffff  }
0x3ef: {  	v14 =	vpsel p2, v14, v11;
	v16 =	vpsel p2, v16, v9;
	v20 =	vld.idx.msk [tilespmem:v59+s18+$0x0], $0xffff;
	v18 =	vpsel p1, v18, v0  }
0x3f0: {  	v63 =	vld.idx.msk [tilespmem:v60+s18+$0x0], $0xffff;
	v13 =	vpsel p2, v13, v12;
	v17 =	vpsel p1, v17, v0;
	v16 =	vadd.f32 @p1 v18, v16  }
0x3f1: {  	v15 =	vpsel p2, v15, v10;
	v13 =	vadd.f32 @p1 v17, v13;
	v14 =	vadd.f32 @p1 v23, v14  }
0x3f2: {  	v15 =	vadd.f32 @p1 v26, v15  }
0x3f3: {  	v9 =	vpsel p1, v16, v9;
	v12 =	vpsel p1, v13, v12;
	v11 =	vpsel p1, v14, v11  }
0x3f4: {  	v10 =	vpsel p1, v15, v10;
	v9 =	vadd.f32 v61, v9;
	v12 =	vadd.f32 v62, v12  }
0x3f5: {  	v11 =	vadd.f32 v20, v11;
	v10 =	vadd.f32 v63, v10  }
.LBB2_76:
0x3f6: {  	s0 =	sadd.s32 $0x6, s25  }
0x3f7: {  	v13 =	vld [tilespmem:s30+$0x200];
	s1 =	sand.u32 $0xF0, s0  }
0x3f8: {  	v14 =	vld [tilespmem:s1+$0x200];
	_ =	sdelay $0x2  }
0x3f9: {  	s0 =	sand.u32 $0xF, s0  }
0x3fa: {  	v15 =	vmov s0;
	v13 =	vxor.u32 $0x80000000, v13  }
0x3fb: {  	vm5 =	veq.s32 v15, v0;
	v13 =	vnsel vm7, $0x80000000, v13;
	v14 =	vxor.u32 $0x80000000, v14  }
0x3fc: {  	(xrf0) =	vmax.scan.msk.u32 $0xffff, v13;
	v13 =	vnsel vm5, $0x80000000, v14  }
0x3fd: {  	(xrf0) =	vmax.scan.msk.u32 $0xffff, v13;
	_ =	sdelay $0x4  }
0x3fe: {  	v13, _, _ =	vpop (xrf0)  }
0x3ff: {  	(v2sf) =	vpush v13, $0xF;
	v13, _, _ =	vpop (xrf0)  }
0x400: {  	(v2sf) =	vpush v13, $0xF;
	_ =	sdelay $0xd  }
0x401: {  	s1 =	spop (v2sf)  }
0x402: {  	s0 =	spop (v2sf)  }
0x403: {  	s3 =	sxor.u32 $0x80000000, s1;
	s4 =	sxor.u32 $0x80000000, s0  }
0x404: {  	p0 =	sge.s32 s3, s4  }
.Ltmp46:
0x405: {  	_ = 	snop;
	(pc) =	sbr.rel @p0 .LBB2_80-.Ltmp46, $1  }
0x406: {  	_ =	sdelay $0x3  }
0x407: {  	s3 =	sadd.s32 $0x80000000, s1  }
0x408: {  	s4 =	sshra.s32 s3, $0x1F  }
0x409: {  	s4 =	sshrl.u32 s4, $0x1C  }
0x40a: {  	s4 =	sadd.s32 s4, s3  }
0x40b: {  	s11 =	sand.u32 $0xFFFFFFF0, s4  }
0x40c: {  	p0 =	slt.s32 s3, $0x1;
	p1 =	sne.s32 s3, s11  }
0x40d: {  	p0 =	por !p0, !p1  }
0x40e: {  	s11 =	simm.s32 $0x1;
	p0 =	por !p0, !p0  }
0x40f: {  	s4 =	sshrl.u32 s4, $0x4;
	s11 =	simm.s32 @!p0 $0x0  }
0x410: {  	s4 =	ssub.s32 s4, s11  }
0x411: {  	s4 =	sshll.u32 s4, $0x4  }
0x412: {  	v13 =	vld [tilespmem:s4+$0x100];
	_ =	sdelay $0x2  }
0x413: {  	s3 =	sand.u32 $0xF, s3  }
0x414: {  	v14 =	vmov s3  }
0x415: {  	vm5 =	veq.s32 v14, v0;
	v13 =	vxor.u32 $0x80000000, v13  }
0x416: {  	v13 =	vnsel vm5, $0x80000000, v13  }
0x417: {  	(xrf0) =	vmax.scan.msk.u32 $0xffff, v13;
	_ =	sdelay $0x5  }
0x418: {  	v13, _, _ =	vpop (xrf0)  }
0x419: {  	(v2sf) =	vpush v13, $0xF;
	_ =	sdelay $0xe  }
0x41a: {  	s3 =	spop (v2sf)  }
0x41b: {  	p2 =	slt.u32 s3, $0x80000800  }
0x41c: {  	v13 =	vld @!p2 [tilespmem:s4+$0x0];
	_ =	sdelay $0x3  }
0x41d: {  	v15 =	vlaneseq.u32 @!p2  }
0x41e: {  	vm5 =	veq.s32 @!p2 v14, v15;
	v13 =	vxor.u32 @!p2 $0x80000000, v13  }
0x41f: {  	v13 =	vnsel @!p2 vm5, $0x80000000, v13  }
0x420: {  	(xrf0) =	vmax.scan.msk.u32 @!p2 $0xffff, v13;
	_ =	sdelay $0x5  }
0x421: {  	s1 =	sadd.s32 $0x1, s1;
	v13, _, _ =	vpop @!p2 (xrf0)  }
0x422: {  	p0 =	sne.s32 s0, s1;
	(v2sf) =	vpush @!p2 v13, $0xF  }
.Ltmp47:
0x423: {  	_ = 	snop;
	(pc) =	sbr.rel @!p0 .LBB2_79-.Ltmp47, $1  }
0x424: {  	_ =	sdelay $0x3  }
.LBB2_78:
0x425: {  	s4 =	sadd.s32 $0x80000000, s1  }
0x426: {  	s11 =	sshra.s32 s4, $0x1F  }
0x427: {  	s11 =	sshrl.u32 s11, $0x1C  }
0x428: {  	s1 =	sadd.s32 $0x1, s1;
	s11 =	sadd.s32 s11, s4  }
0x429: {  	p1 =	sne.s32 s0, s1;
	s14 =	sand.u32 $0xFFFFFFF0, s11  }
0x42a: {  	p0 =	slt.s32 s4, $0x1;
	p3 =	sne.s32 s4, s14  }
0x42b: {  	p0 =	por !p0, !p3  }
0x42c: {  	s14 =	simm.s32 $0x1;
	p0 =	por !p0, !p0  }
0x42d: {  	s11 =	sshrl.u32 s11, $0x4;
	s14 =	simm.s32 @!p0 $0x0  }
0x42e: {  	s11 =	ssub.s32 s11, s14  }
0x42f: {  	s3 =	sshll.u32 @!p2 s3, $0x6;
	s11 =	sshll.u32 s11, $0x4;
	s14 =	spop @!p2 (v2sf)  }
0x430: {  	s15 =	simm.s32 @!p2 $0x400;
	s3 =	sand.u32 @!p2 $0x1E000, s3;
	s14 =	sand.u32 @!p2 $0x1FFFFF80, s14  }
0x431: {  	s16 =	simm.s32 @!p2 $0x7A1400;
	s3 =	sor.u32 @!p2 $0x300, s3;
	s14 =	sadd.s32 @!p2 s2, s14  }
0x432: {  	[tilespmem:s3], [sflag:$0x3] =	stream.strided.gather @!p2 [hbm4b:s14+s15], $0x2000, s16, s15, $0x38;
	[tilespmem:$0x1C400] =	vst v63  }
0x433: {  	v13 =	vld [tilespmem:s11+$0x100];
	_ =	sdelay $0x2  }
0x434: {  	s3 =	sand.u32 $0xF, s4  }
0x435: {  	v14 =	vmov s3  }
0x436: {  	vm5 =	veq.s32 v14, v0;
	v13 =	vxor.u32 $0x80000000, v13  }
0x437: {  	v13 =	vnsel vm5, $0x80000000, v13  }
0x438: {  	(xrf0) =	vmax.scan.msk.u32 $0xffff, v13;
	_ =	sdelay $0x5  }
0x439: {  	v13, _, _ =	vpop (xrf0)  }
0x43a: {  	(v2sf) =	vpush v13, $0xF;
	_ =	sdelay $0xe  }
0x43b: {  	s3 =	spop (v2sf)  }
0x43c: {  	p2 =	slt.u32 s3, $0x80000800  }
0x43d: {  	v13 =	vld @!p2 [tilespmem:s11+$0x0];
	_ =	sdelay $0x3  }
0x43e: {  	v15 =	vlaneseq.u32 @!p2  }
0x43f: {  	vm5 =	veq.s32 @!p2 v14, v15;
	v13 =	vxor.u32 @!p2 $0x80000000, v13  }
0x440: {  	v13 =	vnsel @!p2 vm5, $0x80000000, v13  }
0x441: {  	(xrf0) =	vmax.scan.msk.u32 @!p2 $0xffff, v13;
	_ =	sdelay $0x2  }
.Ltmp48:
0x442: {  	(pc) =	sbr.rel @p1 .LBB2_78-.Ltmp48, $3  }
0x443: {  	_ =	sdelay $0x1  }
0x444: {  	v13, _, _ =	vpop @!p2 (xrf0)  }
0x445: {  	(v2sf) =	vpush @!p2 v13, $0xF  }
.Ltmp49:
0x446: {  	_ = 	snop;
	(pc) =	sbr.rel .LBB2_79-.Ltmp49, $1  }
0x447: {  	_ =	sdelay $0x3  }
.LBB2_16:
.Ltmp50:
0x448: {  	(pc) =	sbr.rel .LBB2_31-.Ltmp50, $4  }
0x449: {  	p0 =	por $0x0, $0x0  }
0x44a: {  	s1 =	simm.s32 @!p0 $0x0  }
0x44b: {  	s1 =	simm.s32 @p0 $0x1  }
0x44c: {  	s3 =	smov.u32 s0;
	v16 =	vmovc v9;
	v18 =	vmov v12;
	v20 =	vmov v11;
	v21 =	vmov v10;
	[smem:$0x7FC] =	sst s1  }
.LBB2_38:
.Ltmp51:
0x44d: {  	(pc) =	sbr.rel .LBB2_53-.Ltmp51, $4  }
0x44e: {  	p0 =	por $0x0, $0x0  }
0x44f: {  	s0 =	simm.s32 @!p0 $0x0  }
0x450: {  	s0 =	simm.s32 @p0 $0x1  }
0x451: {  	v16 =	vmovc v9;
	v18 =	vmov v12;
	v20 =	vmov v11;
	v21 =	vmov v10;
	[smem:$0x7FB] =	sst s0;
	s0 =	smov.u32 s16  }
.LBB2_60:
.Ltmp52:
0x452: {  	(pc) =	sbr.rel .LBB2_75-.Ltmp52, $4  }
0x453: {  	p0 =	por $0x0, $0x0  }
0x454: {  	s0 =	simm.s32 @!p0 $0x0  }
0x455: {  	s0 =	simm.s32 @p0 $0x1  }
0x456: {  	v16 =	vmovc v9;
	v18 =	vmov v12;
	v20 =	vmov v11;
	v21 =	vmov v10;
	[smem:$0x7FA] =	sst s0;
	s0 =	smov.u32 s1  }
.LBB2_18:
.Ltmp53:
0x457: {  	(pc) =	sbr.rel .LBB2_31-.Ltmp53, $4  }
0x458: {  	p0 =	por $0x0, $0x0  }
0x459: {  	s1 =	simm.s32 @!p0 $0x0  }
0x45a: {  	s1 =	simm.s32 @p0 $0x1  }
0x45b: {  	s3 =	smov.u32 s11;
	v16 =	vmovc v9;
	v18 =	vmov v12;
	v20 =	vmov v11;
	v21 =	vmov v10;
	[smem:$0x7FC] =	sst s1  }
.LBB2_40:
.Ltmp54:
0x45c: {  	(pc) =	sbr.rel .LBB2_53-.Ltmp54, $4  }
0x45d: {  	p0 =	por $0x0, $0x0  }
0x45e: {  	s0 =	simm.s32 @!p0 $0x0  }
0x45f: {  	s0 =	simm.s32 @p0 $0x1  }
0x460: {  	v16 =	vmovc v9;
	v18 =	vmov v12;
	v20 =	vmov v11;
	v21 =	vmov v10;
	[smem:$0x7FB] =	sst s0;
	s0 =	smov.u32 s11  }
.LBB2_62:
.Ltmp55:
0x461: {  	(pc) =	sbr.rel .LBB2_75-.Ltmp55, $4  }
0x462: {  	p0 =	por $0x0, $0x0  }
0x463: {  	s0 =	simm.s32 @!p0 $0x0  }
0x464: {  	s0 =	simm.s32 @p0 $0x1  }
0x465: {  	v16 =	vmovc v9;
	v18 =	vmov v12;
	v20 =	vmov v11;
	v21 =	vmov v10;
	[smem:$0x7FA] =	sst s0;
	s0 =	smov.u32 s11  }
.LBB2_20:
.Ltmp56:
0x466: {  	(pc) =	sbr.rel .LBB2_31-.Ltmp56, $4  }
0x467: {  	p0 =	por $0x0, $0x0  }
0x468: {  	s0 =	simm.s32 @!p0 $0x0  }
0x469: {  	s0 =	simm.s32 @p0 $0x1  }
0x46a: {  	s3 =	smov.u32 s1;
	v16 =	vmovc v9;
	v18 =	vmov v12;
	v20 =	vmov v11;
	v21 =	vmov v10;
	[smem:$0x7FC] =	sst s0;
	s0 =	smov.u32 s11  }
.LBB2_42:
.Ltmp57:
0x46b: {  	(pc) =	sbr.rel .LBB2_53-.Ltmp57, $4  }
0x46c: {  	p0 =	por $0x0, $0x0  }
0x46d: {  	s0 =	simm.s32 @!p0 $0x0  }
0x46e: {  	s0 =	simm.s32 @p0 $0x1  }
0x46f: {  	s16 =	smov.u32 s11;
	v16 =	vmovc v9;
	v18 =	vmov v12;
	v20 =	vmov v11;
	v21 =	vmov v10;
	[smem:$0x7FB] =	sst s0;
	s0 =	smov.u32 s1  }
.LBB2_64:
.Ltmp58:
0x470: {  	(pc) =	sbr.rel .LBB2_75-.Ltmp58, $4  }
0x471: {  	p0 =	por $0x0, $0x0  }
0x472: {  	s0 =	simm.s32 @!p0 $0x0  }
0x473: {  	s0 =	simm.s32 @p0 $0x1  }
0x474: {  	s1 =	smov.u32 s11;
	v16 =	vmovc v9;
	v18 =	vmov v12;
	v20 =	vmov v11;
	v21 =	vmov v10;
	[smem:$0x7FA] =	sst s0;
	s0 =	smov.u32 s4  }
.LBB2_22:
.Ltmp59:
0x475: {  	(pc) =	sbr.rel .LBB2_31-.Ltmp59, $4  }
0x476: {  	p0 =	por $0x0, $0x0  }
0x477: {  	s3 =	simm.s32 @!p0 $0x0  }
0x478: {  	s3 =	simm.s32 @p0 $0x1  }
0x479: {  	v16 =	vmovc v9;
	v18 =	vmov v12;
	v20 =	vmov v11;
	v21 =	vmov v10;
	[smem:$0x7FC] =	sst s3;
	s3 =	smov.u32 s0;
	s0 =	smov.u32 s1  }
.LBB2_44:
.Ltmp60:
0x47a: {  	(pc) =	sbr.rel .LBB2_53-.Ltmp60, $4  }
0x47b: {  	p0 =	por $0x0, $0x0  }
0x47c: {  	s0 =	simm.s32 @!p0 $0x0  }
0x47d: {  	s0 =	simm.s32 @p0 $0x1  }
0x47e: {  	v16 =	vmovc v9;
	v18 =	vmov v12;
	v20 =	vmov v11;
	v21 =	vmov v10;
	[smem:$0x7FB] =	sst s0;
	s0 =	smov.u32 s16;
	s16 =	smov.u32 s1  }
.LBB2_66:
.Ltmp61:
0x47f: {  	(pc) =	sbr.rel .LBB2_75-.Ltmp61, $4  }
0x480: {  	p0 =	por $0x0, $0x0  }
0x481: {  	s0 =	simm.s32 @!p0 $0x0  }
0x482: {  	s0 =	simm.s32 @p0 $0x1  }
0x483: {  	v16 =	vmovc v9;
	v18 =	vmov v12;
	v20 =	vmov v11;
	v21 =	vmov v10;
	[smem:$0x7FA] =	sst s0;
	s0 =	smov.u32 s1;
	s1 =	smov.u32 s4  }
.LBB2_24:
.Ltmp62:
0x484: {  	(pc) =	sbr.rel .LBB2_31-.Ltmp62, $4  }
0x485: {  	p0 =	por $0x0, $0x0  }
0x486: {  	s1 =	simm.s32 @!p0 $0x0  }
0x487: {  	s1 =	simm.s32 @p0 $0x1  }
0x488: {  	s3 =	smov.u32 s16;
	v16 =	vmovc v9;
	v18 =	vmov v12;
	v20 =	vmov v11;
	v21 =	vmov v10;
	[smem:$0x7FC] =	sst s1  }
.LBB2_46:
.Ltmp63:
0x489: {  	(pc) =	sbr.rel .LBB2_53-.Ltmp63, $4  }
0x48a: {  	p0 =	por $0x0, $0x0  }
0x48b: {  	s0 =	simm.s32 @!p0 $0x0  }
0x48c: {  	s0 =	simm.s32 @p0 $0x1  }
0x48d: {  	v16 =	vmovc v9;
	v18 =	vmov v12;
	v20 =	vmov v11;
	v21 =	vmov v10;
	[smem:$0x7FB] =	sst s0;
	s0 =	smov.u32 s11  }
.LBB2_68:
.Ltmp64:
0x48e: {  	(pc) =	sbr.rel .LBB2_75-.Ltmp64, $4  }
0x48f: {  	p0 =	por $0x0, $0x0  }
0x490: {  	s0 =	simm.s32 @!p0 $0x0  }
0x491: {  	s0 =	simm.s32 @p0 $0x1  }
0x492: {  	v16 =	vmovc v9;
	v18 =	vmov v12;
	v20 =	vmov v11;
	v21 =	vmov v10;
	[smem:$0x7FA] =	sst s0;
	s0 =	smov.u32 s11  }
.LBB2_26:
.Ltmp65:
0x493: {  	(pc) =	sbr.rel .LBB2_31-.Ltmp65, $4  }
0x494: {  	p0 =	por $0x0, $0x0  }
0x495: {  	s0 =	simm.s32 @!p0 $0x0  }
0x496: {  	s3 =	smov.u32 s15;
	s0 =	simm.s32 @p0 $0x1;
	_ =	sdelay $0x1  }
0x497: {  	s14 =	smov.u32 s1;
	v16 =	vmovc v9;
	v18 =	vmov v12;
	v20 =	vmov v11;
	v21 =	vmov v10;
	[smem:$0x7FC] =	sst s0;
	s0 =	smov.u32 s16  }
.LBB2_48:
.Ltmp66:
0x498: {  	(pc) =	sbr.rel .LBB2_53-.Ltmp66, $4  }
0x499: {  	p0 =	por $0x0, $0x0  }
0x49a: {  	s0 =	simm.s32 @!p0 $0x0  }
0x49b: {  	s4 =	smov.u32 s15;
	s0 =	simm.s32 @p0 $0x1;
	_ =	sdelay $0x1  }
0x49c: {  	s16 =	smov.u32 s11;
	v16 =	vmovc v9;
	v18 =	vmov v12;
	v20 =	vmov v11;
	v21 =	vmov v10;
	[smem:$0x7FB] =	sst s0;
	s0 =	smov.u32 s1  }
.LBB2_70:
.Ltmp67:
0x49d: {  	(pc) =	sbr.rel .LBB2_75-.Ltmp67, $4  }
0x49e: {  	p0 =	por $0x0, $0x0  }
0x49f: {  	s0 =	simm.s32 @!p0 $0x0  }
0x4a0: {  	s15 =	smov.u32 s4;
	s0 =	simm.s32 @p0 $0x1;
	_ =	sdelay $0x1  }
0x4a1: {  	s1 =	smov.u32 s11;
	v16 =	vmovc v9;
	v18 =	vmov v12;
	v20 =	vmov v11;
	v21 =	vmov v10;
	[smem:$0x7FA] =	sst s0;
	s0 =	smov.u32 s16  }
.LBB2_28:
.Ltmp68:
0x4a2: {  	(pc) =	sbr.rel .LBB2_31-.Ltmp68, $2  }
0x4a3: {  	_ =	sdelay $0x2  }
0x4a4: {  	s0 =	smov.u32 s15;
	v16 =	vmovc v9;
	v18 =	vmov v12;
	v20 =	vmov v11;
	v21 =	vmov v10  }
.LBB2_50:
.Ltmp69:
0x4a5: {  	(pc) =	sbr.rel .LBB2_53-.Ltmp69, $2  }
0x4a6: {  	_ =	sdelay $0x2  }
0x4a7: {  	s16 =	smov.u32 s1;
	v16 =	vmovc v9;
	v18 =	vmov v12;
	v20 =	vmov v11;
	v21 =	vmov v10  }
.LBB2_72:
.Ltmp70:
0x4a8: {  	(pc) =	sbr.rel .LBB2_75-.Ltmp70, $2  }
0x4a9: {  	_ =	sdelay $0x2  }
0x4aa: {  	s1 =	smov.u32 s16;
	v16 =	vmovc v9;
	v18 =	vmov v12;
	v20 =	vmov v11;
	v21 =	vmov v10  }
.LBB2_81:
0x4ab: {  	[tilespmem:$0x1C380] =	vst v12  }
0x4ac: {  	[tilespmem:$0x1C390] =	vst v11  }
0x4ad: {  	[tilespmem:$0x1C3A0] =	vst v10  }
0x4ae: {  	[tilespmem:$0x1C3B0] =	vst v9;
	s0 =	simm.s32 $0x1C380  }
0x4af: {  	[hbm4b:s10+s5] =	stream.linear.scatter [tilespmem:s0], [sflag:$0x5], $0x80, $0x38;
	[tilespmem:$0x1C400] =	vst v63  }
0x4b0: {  	_ =	swait.ge [sflag:s13], $0x80  }
0x4b1: {  	s31 =	sld [smem:$0x7FD];
	_ =	sdelay $0x2  }
0x4b2: {  	p0 =	seq.s32 s31, $0x1  }
.Ltmp71:
0x4b3: {  	_ = 	snop;
	(pc) =	sbr.rel @p0 .LBB2_83-.Ltmp71, $3  }
0x4b4: {  	_ =	sdelay $0x1  }
0x4b5: {  	[sflag:s13] =	ssyncset.done $0x0  }
0x4b6: {  	[sflag:s13] =	ssyncadd.s32 $0xFFFFFF80  }
0x4b7: {  	_ =	swait.ge [sflag:s20], $0x4000  }
0x4b8: {  	[sflag:s20] =	ssyncset.done $0x0  }
0x4b9: {  	[sflag:s20] =	ssyncadd.s32 $0xFFFFC000  }
0x4ba: {  	v9 =	vld [tilespmem:$0x18300];
	_ =	sdelay $0x4  }
0x4bb: {  	v10 =	vnsel vm1, $0x0, v9  }
0x4bc: {  	v10 =	vxor.u32 $0x80000000, v10  }
0x4bd: {  	(xrf0) =	vmax.scan.msk.u32 $0xffff, v10;
	_ =	sdelay $0x3  }
0x4be: {  	v10 =	vsel vm2, $0x0, v9  }
0x4bf: {  	v10 =	vxor.u32 $0x80000000, v10  }
0x4c0: {  	v11, _, _ =	vpop (xrf0);
	(xrf0) =	vmax.scan.msk.u32 $0xffff, v10  }
0x4c1: {  	v10 =	vbroadcast v11, $0xF;
	v11 =	vsel vm3, $0x0, v9  }
0x4c2: {  	v11 =	vxor.u32 $0x80000000, v11  }
0x4c3: {  	vm5 =	vcmask $0xF14;
	v13 =	vsel vm4, $0x0, v9;
	v12 =	vshll.u32 v10, $0x3;
	(xrf0) =	vmax.scan.msk.u32 $0xffff, v11  }
0x4c4: {  	v17 =	vsel vm5, $0x0, v9;
	v10 =	vand.u32 $0x7F, v10;
	v12 =	vand.u32 $0xFFFFFC00, v12  }
0x4c5: {  	vm5 =	vcmask $0x1318;
	v13 =	vxor.u32 $0x80000000, v13;
	v10 =	vor.u32 v10, v12  }
0x4c6: {  	v40 =	vxor.u32 $0x80000000, v17;
	v21 =	vsel vm5, $0x0, v9;
	v11 =	vadd.s32 v5, v10;
	v37, _, _ =	vpop (xrf0)  }
0x4c7: {  	vm5 =	vcmask $0x171C;
	v14 =	vadd.s32 v6, v10;
	v12 =	vbroadcast v37, $0xF  }
0x4c8: {  	v44 =	vxor.u32 $0x80000000, v21;
	v25 =	vsel vm5, $0x0, v9;
	(xrf0) =	vmax.scan.msk.u32 $0xffff, v13;
	v38 =	vadd.s32 v7, v10  }
0x4c9: {  	vm5 =	vcmask $0x1B20;
	v10 =	vadd.s32 v8, v10;
	v15 =	vshll.u32 v12, $0x3;
	v16, _, _ =	vpop (xrf0)  }
0x4ca: {  	v12 =	vand.u32 $0x7F, v12;
	v15 =	vand.u32 $0xFFFFFC00, v15;
	v39 =	vbroadcast v16, $0xF  }
0x4cb: {  	v48 =	vxor.u32 $0x80000000, v25;
	v60 =	vsel vm5, $0x0, v9;
	(xrf0) =	vmax.scan.msk.u32 $0xffff, v40;
	v11 =	vld.idx.msk [tilespmem:v11+s21+$0x0], $0xffff;
	v12 =	vor.u32 v12, v15  }
0x4cc: {  	vm5 =	vmmov $0x7fff;
	v14 =	vld.idx.msk [tilespmem:v14+s21+$0x0], $0xffff;
	v41 =	vadd.s32 v5, v12;
	v19 =	vshll.u32 v39, $0x3  }
0x4cd: {  	v13 =	vld.idx.msk [tilespmem:v38+s21+$0x0], $0xffff;
	v18 =	vadd.s32 v6, v12;
	v15 =	vand.u32 $0x7F, v39;
	v19 =	vand.u32 $0xFFFFFC00, v19  }
0x4ce: {  	v10 =	vld.idx.msk [tilespmem:v10+s21+$0x0], $0xffff;
	v38 =	vsel vm10, $0x0, v9;
	v42 =	vadd.s32 v7, v12;
	v20, _, _ =	vpop (xrf0);
	v15 =	vor.u32 v15, v19  }
0x4cf: {  	v12 =	vadd.s32 v8, v12;
	(xrf0) =	vmax.scan.msk.u32 $0xffff, v44;
	v43 =	vbroadcast v20, $0xF;
	v45 =	vadd.s32 v5, v15  }
0x4d0: {  	v22 =	vadd.s32 v6, v15;
	v46 =	vadd.s32 v7, v15;
	v15 =	vadd.s32 v8, v15  }
0x4d1: {  	v23 =	vshll.u32 v43, $0x3;
	v19 =	vand.u32 $0x7F, v43;
	v24, _, _ =	vpop (xrf0);
	v11 =	vadd.f32 $0.0e+00, v11;
	v17 =	vld.idx.msk [tilespmem:v41+s21+$0x0], $0xffff  }
0x4d2: {  	v23 =	vand.u32 $0xFFFFFC00, v23;
	v47 =	vbroadcast v24, $0xF;
	v14 =	vadd.f32 $0.0e+00, v14;
	v18 =	vld.idx.msk [tilespmem:v18+s21+$0x0], $0xffff  }
0x4d3: {  	(xrf0) =	vmax.scan.msk.u32 $0xffff, v48;
	v13 =	vadd.f32 $0.0e+00, v13;
	v10 =	vadd.f32 $0.0e+00, v10;
	v16 =	vld.idx.msk [tilespmem:v42+s21+$0x0], $0xffff;
	v19 =	vor.u32 v19, v23  }
0x4d4: {  	v12 =	vld.idx.msk [tilespmem:v12+s21+$0x0], $0xffff;
	v49 =	vadd.s32 v5, v19;
	v50 =	vadd.s32 v6, v19;
	v26 =	vshll.u32 v47, $0x3  }
0x4d5: {  	v27 =	vadd.s32 v7, v19;
	v23 =	vand.u32 $0x7F, v47;
	v28, _, _ =	vpop (xrf0);
	v26 =	vand.u32 $0xFFFFFC00, v26;
	v21 =	vld.idx.msk [tilespmem:v45+s21+$0x0], $0xffff  }
0x4d6: {  	v19 =	vadd.s32 v8, v19;
	v51 =	vbroadcast v28, $0xF;
	v22 =	vld.idx.msk [tilespmem:v22+s21+$0x0], $0xffff;
	v23 =	vor.u32 v23, v26  }
0x4d7: {  	v20 =	vld.idx.msk [tilespmem:v46+s21+$0x0], $0xffff;
	v46 =	vsel vm11, $0x0, v9;
	v52 =	vadd.s32 v5, v23;
	v54 =	vadd.s32 v6, v23  }
0x4d8: {  	v15 =	vld.idx.msk [tilespmem:v15+s21+$0x0], $0xffff;
	v55 =	vshll.u32 v51, $0x3;
	v56 =	vadd.s32 v7, v23;
	v26 =	vand.u32 $0x7F, v51  }
0x4d9: {  	v29, _, _ =	vpop (xrf0);
	v23 =	vadd.s32 v8, v23;
	v11 =	vadd.f32 v17, v11;
	v14 =	vadd.f32 v18, v14;
	v53 =	vld.idx.msk [tilespmem:v49+s21+$0x0], $0xffff  }
0x4da: {  	v13 =	vadd.f32 v16, v13;
	v25 =	vand.u32 $0xFFFFFC00, v55;
	v57 =	vbroadcast v29, $0xF;
	v24 =	vld.idx.msk [tilespmem:v50+s21+$0x0], $0xffff  }
0x4db: {  	v10 =	vadd.f32 v12, v10;
	v29 =	vxor.u32 $0x80000000, v60;
	v27 =	vld.idx.msk [tilespmem:v27+s21+$0x0], $0xffff;
	v25 =	vor.u32 v26, v25  }
0x4dc: {  	v58 =	vld.idx.msk [tilespmem:v19+s21+$0x0], $0xffff;
	v59 =	vadd.s32 v5, v25;
	v30 =	vadd.s32 v6, v25;
	v31 =	vshll.u32 v57, $0x3  }
0x4dd: {  	(xrf0) =	vmax.scan.msk.u32 $0xffff, v29;
	v32 =	vadd.s32 v7, v25;
	v26 =	vand.u32 $0x7F, v57;
	v25 =	vadd.s32 v8, v25;
	v17 =	vld.idx.msk [tilespmem:v52+s21+$0x0], $0xffff  }
0x4de: {  	v31 =	vand.u32 $0xFFFFFC00, v31;
	v11 =	vadd.f32 v21, v11;
	v14 =	vadd.f32 v22, v14;
	v18 =	vld.idx.msk [tilespmem:v54+s21+$0x0], $0xffff  }
0x4df: {  	v13 =	vadd.f32 v20, v13;
	v61 =	vld.idx.msk [tilespmem:v56+s21+$0x0], $0xffff;
	v26 =	vor.u32 v26, v31;
	v31 =	vsel vm9, $0x0, v9  }
0x4e0: {  	v10 =	vadd.f32 v15, v10;
	v62 =	vld.idx.msk [tilespmem:v23+s21+$0x0], $0xffff;
	v54 =	vsel vm12, $0x0, v9;
	v23 =	vxor.u32 $0x80000000, v31  }
0x4e1: {  	v63 =	vadd.s32 v5, v26;
	v29 =	vadd.s32 v6, v26;
	v37 =	vadd.s32 v7, v26;
	(xrf0) =	vmax.scan.msk.u32 $0xffff, v23  }
0x4e2: {  	v39 =	vadd.s32 v8, v26;
	v11 =	vadd.f32 v53, v11;
	v14 =	vadd.f32 v24, v14;
	v28 =	vld.idx.msk [tilespmem:v59+s21+$0x0], $0xffff  }
0x4e3: {  	v13 =	vadd.f32 v27, v13;
	v10 =	vadd.f32 v58, v10;
	v24 =	vxor.u32 $0x80000000, v38;
	v33 =	vld.idx.msk [tilespmem:v30+s21+$0x0], $0xffff;
	v36, _, _ =	vpop (xrf0)  }
0x4e4: {  	v34 =	vld.idx.msk [tilespmem:v32+s21+$0x0], $0xffff;
	(xrf0) =	vmax.scan.msk.u32 $0xffff, v24;
	v11 =	vadd.f32 v17, v11;
	v14 =	vadd.f32 v18, v14;
	v18 =	vbroadcast v36, $0xF  }
0x4e5: {  	v35 =	vld.idx.msk [tilespmem:v25+s21+$0x0], $0xffff;
	v13 =	vadd.f32 v61, v13;
	v10 =	vadd.f32 v62, v10;
	v61 =	vsel vm13, $0x0, v9  }
0x4e6: {  	v22 =	vld.idx.msk [tilespmem:v63+s21+$0x0], $0xffff;
	v24 =	vxor.u32 $0x80000000, v61;
	v40 =	vshll.u32 v18, $0x3;
	v41 =	vand.u32 $0x7F, v18  }
0x4e7: {  	v19 =	vld.idx.msk [tilespmem:v29+s21+$0x0], $0xffff;
	v18 =	vxor.u32 $0x80000000, v46;
	v11 =	vadd.f32 v28, v11;
	v15 =	vand.u32 $0xFFFFFC00, v40;
	v43, _, _ =	vpop (xrf0)  }
0x4e8: {  	v44 =	vld.idx.msk [tilespmem:v37+s21+$0x0], $0xffff;
	v14 =	vadd.f32 v33, v14;
	v42 =	vor.u32 v41, v15;
	v15 =	vbroadcast v43, $0xF  }
0x4e9: {  	v12 =	vadd.f32 v34, v13;
	(xrf0) =	vmax.scan.msk.u32 $0xffff, v18;
	v45 =	vadd.s32 v5, v42;
	v48 =	vadd.s32 v6, v42  }
0x4ea: {  	v52, _, _ =	vpop (xrf0);
	v49 =	vadd.s32 v7, v42;
	v13 =	vadd.s32 v8, v42;
	v50 =	vshll.u32 v15, $0x3  }
0x4eb: {  	v53 =	vbroadcast v52, $0xF;
	v15 =	vand.u32 $0x7F, v15;
	v51 =	vand.u32 $0xFFFFFC00, v50  }
0x4ec: {  	v47 =	vld.idx.msk [tilespmem:v39+s21+$0x0], $0xffff;
	v11 =	vadd.f32 v22, v11;
	v22 =	vxor.u32 $0x80000000, v54;
	v15 =	vor.u32 v15, v51  }
0x4ed: {  	v10 =	vadd.f32 v35, v10;
	v14 =	vadd.f32 v19, v14;
	(xrf0) =	vmax.scan.msk.u32 $0xffff, v22;
	v56 =	vadd.s32 v5, v15  }
0x4ee: {  	v12 =	vadd.f32 v44, v12;
	v58 =	vshll.u32 v53, $0x3;
	v57 =	vadd.s32 v6, v15;
	v55 =	vld.idx.msk [tilespmem:v45+s21+$0x0], $0xffff  }
0x4ef: {  	v18 =	vand.u32 $0x7F, v53;
	v23 =	vand.u32 $0xFFFFFC00, v58;
	v59 =	vadd.s32 v7, v15;
	v60, _, _ =	vpop (xrf0);
	v20 =	vld.idx.msk [tilespmem:v48+s21+$0x0], $0xffff  }
0x4f0: {  	v15 =	vadd.s32 v8, v15;
	v18 =	vor.u32 v18, v23;
	v21 =	vld.idx.msk [tilespmem:v49+s21+$0x0], $0xffff;
	v23 =	vbroadcast v60, $0xF  }
0x4f1: {  	v42 =	vsel vm14, $0x0, v9;
	v10 =	vadd.f32 v47, v10;
	(xrf0) =	vmax.scan.msk.u32 $0xffff, v24;
	v13 =	vld.idx.msk [tilespmem:v13+s21+$0x0], $0xffff;
	v62 =	vadd.s32 v5, v18  }
0x4f2: {  	v44 =	vxor.u32 $0x80000000, v42;
	v38 =	vadd.s32 v6, v18;
	v40 =	vshll.u32 v23, $0x3;
	v63 =	vld.idx.msk [tilespmem:v56+s21+$0x0], $0xffff  }
0x4f3: {  	v39 =	vadd.s32 v7, v18;
	v23 =	vand.u32 $0x7F, v23;
	v26 =	vand.u32 $0xFFFFFC00, v40;
	v41, _, _ =	vpop (xrf0);
	v19 =	vld.idx.msk [tilespmem:v57+s21+$0x0], $0xffff  }
0x4f4: {  	v18 =	vadd.s32 v8, v18;
	v22 =	vld.idx.msk [tilespmem:v59+s21+$0x0], $0xffff;
	v23 =	vor.u32 v23, v26;
	v43 =	vbroadcast v41, $0xF  }
0x4f5: {  	v50 =	vsel vm15, $0x0, v9;
	v9 =	vsel vm5, $0x0, v9;
	(xrf0) =	vmax.scan.msk.u32 $0xffff, v44;
	v15 =	vld.idx.msk [tilespmem:v15+s21+$0x0], $0xffff;
	v45 =	vadd.s32 v5, v23  }
0x4f6: {  	v52 =	vxor.u32 $0x80000000, v50;
	v25 =	vld.idx.msk [tilespmem:v62+s21+$0x0], $0xffff;
	v46 =	vadd.s32 v6, v23;
	v48 =	vshll.u32 v43, $0x3  }
0x4f7: {  	v17 =	vld.idx.msk [tilespmem:v38+s21+$0x0], $0xffff;
	v47 =	vadd.s32 v7, v23;
	v49, _, _ =	vpop (xrf0);
	v26 =	vand.u32 $0x7F, v43;
	v30 =	vand.u32 $0xFFFFFC00, v48  }
0x4f8: {  	v23 =	vadd.s32 v8, v23;
	v24 =	vld.idx.msk [tilespmem:v39+s21+$0x0], $0xffff;
	v51 =	vbroadcast v49, $0xF;
	v26 =	vor.u32 v26, v30  }
0x4f9: {  	v9 =	vxor.u32 $0x80000000, v9;
	v18 =	vld.idx.msk [tilespmem:v18+s21+$0x0], $0xffff;
	(xrf0) =	vmax.scan.msk.u32 $0xffff, v52;
	v53 =	vadd.s32 v5, v26  }
0x4fa: {  	v11 =	vadd.f32 v55, v11;
	v54 =	vshll.u32 v51, $0x3;
	v33 =	vadd.s32 v6, v26;
	v28 =	vld.idx.msk [tilespmem:v45+s21+$0x0], $0xffff  }
0x4fb: {  	v30 =	vand.u32 $0x7F, v51;
	v34 =	vadd.s32 v7, v26;
	v31 =	vand.u32 $0xFFFFFC00, v54;
	v35, _, _ =	vpop (xrf0);
	v29 =	vld.idx.msk [tilespmem:v46+s21+$0x0], $0xffff  }
0x4fc: {  	v26 =	vadd.s32 v8, v26;
	v27 =	vld.idx.msk [tilespmem:v47+s21+$0x0], $0xffff;
	v30 =	vor.u32 v30, v31;
	v55 =	vbroadcast v35, $0xF  }
0x4fd: {  	v14 =	vadd.f32 v20, v14;
	(xrf0) =	vmax.scan.msk.u32 $0xffff, v9;
	v20 =	vld.idx.msk [tilespmem:v23+s21+$0x0], $0xffff;
	v56 =	vadd.s32 v5, v30  }
0x4fe: {  	v10 =	vadd.f32 v13, v10;
	v58 =	vadd.s32 v6, v30;
	v59 =	vshll.u32 v55, $0x3;
	v57 =	vld.idx.msk [tilespmem:v53+s21+$0x0], $0xffff  }
0x4ff: {  	v60, _, _ =	vpop (xrf0);
	v36 =	vadd.s32 v7, v30;
	v31 =	vand.u32 $0x7F, v55;
	v32 =	vand.u32 $0xFFFFFC00, v59;
	v33 =	vld.idx.msk [tilespmem:v33+s21+$0x0], $0xffff  }
0x500: {  	v30 =	vadd.s32 v8, v30;
	v61 =	vbroadcast v60, $0xF;
	v34 =	vld.idx.msk [tilespmem:v34+s21+$0x0], $0xffff;
	v31 =	vor.u32 v31, v32  }
0x501: {  	v9 =	vadd.f32 v21, v12;
	v11 =	vadd.f32 v63, v11;
	v62 =	vld.idx.msk [tilespmem:v26+s21+$0x0], $0xffff;
	v63 =	vadd.s32 v5, v31  }
0x502: {  	v14 =	vadd.f32 v19, v14;
	v42 =	vshll.u32 v61, $0x3;
	v41 =	vadd.s32 v6, v31;
	v40 =	vld.idx.msk [tilespmem:v56+s21+$0x0], $0xffff  }
0x503: {  	v32 =	vand.u32 $0x7F, v61;
	v43 =	vadd.s32 v7, v31;
	v26 =	vand.u32 $0xFFFFFC00, v42;
	v37, _, _ =	vpop (xrf0);
	v21 =	vld.idx.msk [tilespmem:v58+s21+$0x0], $0xffff  }
0x504: {  	v31 =	vadd.s32 v8, v31;
	v36 =	vld.idx.msk [tilespmem:v36+s21+$0x0], $0xffff;
	v26 =	vor.u32 v32, v26;
	v44 =	vbroadcast v37, $0xF  }
0x505: {  	v10 =	vadd.f32 v15, v10;
	v9 =	vadd.f32 v22, v9;
	v45 =	vld.idx.msk [tilespmem:v30+s21+$0x0], $0xffff;
	v46 =	vadd.s32 v5, v26  }
0x506: {  	v11 =	vadd.f32 v25, v11;
	v47 =	vadd.s32 v6, v26;
	v48 =	vshll.u32 v44, $0x3;
	v16 =	vld.idx.msk [tilespmem:v63+s21+$0x0], $0xffff  }
0x507: {  	v49 =	vadd.s32 v7, v26;
	v32 =	vand.u32 $0x7F, v44;
	v30 =	vand.u32 $0xFFFFFC00, v48;
	v23 =	vld.idx.msk [tilespmem:v41+s21+$0x0], $0xffff  }
0x508: {  	v14 =	vadd.f32 v17, v14;
	v26 =	vadd.s32 v8, v26;
	v50 =	vor.u32 v32, v30;
	v51 =	vld.idx.msk [tilespmem:v43+s21+$0x0], $0xffff  }
0x509: {  	v9 =	vadd.f32 v24, v9;
	v11 =	vadd.f32 v28, v11;
	v52 =	vld.idx.msk [tilespmem:v31+s21+$0x0], $0xffff;
	v53 =	vadd.s32 v5, v50  }
0x50a: {  	v10 =	vadd.f32 v18, v10;
	v14 =	vadd.f32 v29, v14;
	v55 =	vadd.s32 v6, v50;
	v54 =	vld.idx.msk [tilespmem:v46+s21+$0x0], $0xffff  }
0x50b: {  	v9 =	vadd.f32 v27, v9;
	v11 =	vadd.f32 v57, v11;
	v57 =	vadd.s32 v7, v50;
	v56 =	vld.idx.msk [tilespmem:v47+s21+$0x0], $0xffff  }
0x50c: {  	v10 =	vadd.f32 v20, v10;
	v14 =	vadd.f32 v33, v14;
	v17 =	vadd.s32 v8, v50;
	v58 =	vld.idx.msk [tilespmem:v49+s21+$0x0], $0xffff  }
0x50d: {  	v9 =	vadd.f32 v34, v9;
	v11 =	vadd.f32 v40, v11;
	v59 =	vld.idx.msk [tilespmem:v26+s21+$0x0], $0xffff  }
0x50e: {  	v10 =	vadd.f32 v62, v10;
	v60 =	vadd.f32 v21, v14;
	v61 =	vld.idx.msk [tilespmem:v53+s21+$0x0], $0xffff  }
0x50f: {  	v9 =	vadd.f32 v36, v9;
	v11 =	vadd.f32 v16, v11;
	v62 =	vld.idx.msk [tilespmem:v55+s21+$0x0], $0xffff  }
0x510: {  	v10 =	vadd.f32 v45, v10;
	v13 =	vadd.f32 v23, v60;
	v63 =	vld.idx.msk [tilespmem:v57+s21+$0x0], $0xffff  }
0x511: {  	v9 =	vadd.f32 v51, v9;
	v17 =	vld.idx.msk [tilespmem:v17+s21+$0x0], $0xffff;
	v11 =	vadd.f32 v54, v11  }
0x512: {  	v10 =	vadd.f32 v52, v10;
	v12 =	vadd.f32 v56, v13  }
0x513: {  	v9 =	vadd.f32 v58, v9;
	v11 =	vadd.f32 v61, v11  }
0x514: {  	v10 =	vadd.f32 v59, v10;
	v12 =	vadd.f32 v62, v12  }
0x515: {  	v9 =	vadd.f32 v63, v9;
	[tilespmem:$0x1C380] =	vst v11  }
0x516: {  	v10 =	vadd.f32 v17, v10;
	[tilespmem:$0x1C390] =	vst v12  }
0x517: {  	[tilespmem:$0x1C3A0] =	vst v9  }
.Ltmp72:
0x518: {  	s1 =	simm.s32 $0x1C380;
	s0 =	rddreg [dreg:$0x6];
	[tilespmem:$0x1C3B0] =	vst v10;
	(pc) =	sbr.rel .LBB2_83-.Ltmp72, $4  }
0x519: {  	[hbm4b:s0+s5] =	stream.linear.scatter [tilespmem:s1], [sflag:$0x5], $0x80, $0x38;
	[tilespmem:$0x1C400] =	vst v63  }
0x51a: {  	_ =	swait.ge [sflag:s13], $0x80  }
0x51b: {  	[sflag:s13] =	ssyncset.done $0x0  }
0x51c: {  	[sflag:s13] =	ssyncadd.s32 $0xFFFFFF80  }
.LBB2_84:
0x51d: {  	_ =	sfence.sel $0x180000  }
0x51e: {  	[bflag:$0x0] =	sbarrier.arrive $0xFFFF  }
0x51f: {  	_ =	strace $0x90000047  }
0x520: {  	s0 =	stileid.u32;
	[bflag:$0x2] =	sbarrier.arrive $0xFFFF  }
0x521: {  	p0 =	sne.s32 s0, $0x0;
	s0 =	rddreg [dreg:$0x5]  }
0x522: {  	s0 =	sadd.s32 @!p0 $0x100000, s0  }
0x523: {  	[sflag:s0] =	ssyncadd.tile.s32 @!p0 $0x1;
	_ =	shalt  }
.Lfunc_end2:
_tile_overlayer_lowered:
.L_overlay_start_2:
0x524: {  	(tag) =	ssettag $0x2  }
0x525: {  	s0 =	rddreg [dreg:$0x0];
	s2 =	stileid.u32  }
0x526: {  	s1 =	rddreg [dreg:$0x1];
	p0 =	sne.s32 s2, $0x0  }
0x527: {  	s3 =	rddreg [dreg:$0x2];
	[bflag:$0x3] =	sbarrier.arrive $0xFFFF;
	s2 =	simm.s32 @!p0 $0x1C05  }
0x528: {  	[timem:s3], [sflag:s2] =	dma.local @!p0 [hbm:s0], s1  }
0x529: {  	s0 =	simm.s32 @!p0 $0x5  }
0x52a: {  	_ =	swait.ge @!p0 [sflag:s0], s1  }
0x52b: {  	s1 =	ssub.s32 @!p0 $0x0, s1;
	[sflag:s0] =	ssyncset.done @!p0 $0x0  }
0x52c: {  	[sflag:s0] =	ssyncadd.s32 @!p0 s1  }
0x52d: {  	[bflag:$0x3] =	sbarrier.arrive $0xFFFF  }
0x52e: {  	_ =	shalt  }

</sc_bundles>
